<compile_context>
chip_gen: v7x
topology: tpu7x:2x2x1
jax: 0.10.2.dev20260603
libtpu: 0.0.44.dev20260713+nightly
codegen_flags: <defaults>
</compile_context>

<pallas_src>
import functools

import jax
import jax.numpy as jnp
from jax import lax
from jax.experimental import pallas as pl
from jax.experimental.pallas import tpu as pltpu
from jax.experimental.pallas import tpu_sc as plsc

NC = 2
NS = 16
NW = NC * NS
LANES = 16

N = 10000
NODES_PER_W = 320
N_PAD = NW * NODES_PER_W
NODE_CHUNK = 64
N_CHUNKS = NODES_PER_W // NODE_CHUNK

E = 320000
EDGE_CHUNK = 128
E_CHUNKS = 79
EDGES_PER_W = E_CHUNKS * EDGE_CHUNK
E_PAD = NW * EDGES_PER_W

D = 128
NB = D // LANES
G = 64

def _worker_id():
    return lax.axis_index("s") * NC + lax.axis_index("c")



def _atom_encode(idx_hbm, tab_hbm, out_hbm, idxv, g9, acc, sem):
    base = _worker_id() * NODES_PER_W

    def chunk(k, _):
        nb = base + k * NODE_CHUNK
        for j in range(9):
            pltpu.sync_copy(idx_hbm.at[pl.ds(j * N_PAD + nb, NODE_CHUNK)],
                            idxv.at[j])
        descs = [
            pltpu.async_copy(tab_hbm.at[idxv.at[j]],
                             g9.at[pl.ds(j * NODE_CHUNK, NODE_CHUNK)], sem)
            for j in range(9)
        ]
        for dsc in descs:
            dsc.wait()

        def row(i, _):
            for j in range(NB):
                s = pl.ds(j * LANES, LANES)
                v = g9[i, s]
                for col in range(1, 9):
                    v = v + g9[col * NODE_CHUNK + i, s]
                acc[i, s] = v
            return 0

        lax.fori_loop(0, NODE_CHUNK, row, 0)
        pltpu.sync_copy(acc, out_hbm.at[pl.ds(nb, NODE_CHUNK)])
        return 0

    lax.fori_loop(0, N_CHUNKS, chunk, 0)



def _msg_aggr(h_hbm, comb_hbm, src_hbm, cmb_hbm, dst_hbm, out_hbm,
              srcv, cmbv, dstv, hbuf, bbuf, sem, aggr_sh):
    cid = lax.axis_index("c")
    sid = lax.axis_index("s")
    wid = sid * NC + cid
    slab = sid * (N_PAD // NS)

    def zrow(i, _):
        for j in range(NB):
            hbuf[i, pl.ds(j * LANES, LANES)] = jnp.zeros((LANES,), jnp.float32)
        return 0

    lax.fori_loop(0, EDGE_CHUNK, zrow, 0)
    for k in range(N_PAD // NS // EDGE_CHUNK):
        pltpu.sync_copy(hbuf, aggr_sh.at[pl.ds(slab + k * EDGE_CHUNK,
                                               EDGE_CHUNK)])
    plsc.subcore_barrier()

    ebase = wid * EDGES_PER_W

    def chunk(k, _):
        eb = ebase + k * EDGE_CHUNK
        pltpu.sync_copy(src_hbm.at[pl.ds(eb, EDGE_CHUNK)], srcv)
        pltpu.sync_copy(cmb_hbm.at[pl.ds(eb, EDGE_CHUNK)], cmbv)
        pltpu.sync_copy(dst_hbm.at[pl.ds(eb, EDGE_CHUNK)], dstv)
        d1 = pltpu.async_copy(h_hbm.at[srcv], hbuf, sem)
        d2 = pltpu.async_copy(comb_hbm.at[cmbv], bbuf, sem)
        d1.wait()
        d2.wait()

        def row(i, _):
            for j in range(NB):
                s = pl.ds(j * LANES, LANES)
                hbuf[i, s] = jnp.maximum(hbuf[i, s] + bbuf[i, s], 0.0)
            return 0

        lax.fori_loop(0, EDGE_CHUNK, row, 0)
        pltpu.sync_copy(hbuf, aggr_sh.at[dstv], add=True)
        return 0

    lax.fori_loop(0, E_CHUNKS, chunk, 0)
    plsc.subcore_barrier()
    pltpu.sync_copy(aggr_sh.at[pl.ds(slab, N_PAD // NS)],
                    out_hbm.at[cid, pl.ds(slab, N_PAD // NS)])


@functools.lru_cache(maxsize=None)
def _sc_kernels():
    mesh = plsc.VectorSubcoreMesh(core_axis_name="c", subcore_axis_name="s",
                                  num_cores=NC, num_subcores=NS)
    atom = pl.kernel(
        _atom_encode,
        out_type=jax.ShapeDtypeStruct((N_PAD, D), jnp.float32),
        mesh=mesh,
        scratch_types=[
            pltpu.VMEM((9, NODE_CHUNK), jnp.int32),
            pltpu.VMEM((9 * NODE_CHUNK, D), jnp.float32),
            pltpu.VMEM((NODE_CHUNK, D), jnp.float32),
            pltpu.SemaphoreType.DMA,
        ],
    )
    msg = pl.kernel(
        _msg_aggr,
        out_type=jax.ShapeDtypeStruct((NC, N_PAD, D), jnp.float32),
        mesh=mesh,
        scratch_types=[
            pltpu.VMEM((EDGE_CHUNK,), jnp.int32),
            pltpu.VMEM((EDGE_CHUNK,), jnp.int32),
            pltpu.VMEM((EDGE_CHUNK,), jnp.int32),
            pltpu.VMEM((EDGE_CHUNK, D), jnp.float32),
            pltpu.VMEM((EDGE_CHUNK, D), jnp.float32),
            pltpu.SemaphoreType.DMA,
            pltpu.VMEM_SHARED((N_PAD, D), jnp.float32),
        ],
    )
    return atom, msg



def _mlp_body(last, h_ref, p_ref, batch_ref, w1_ref, b1_ref, g1_ref, e1_ref,
              w2_ref, b2_ref, g2_ref, e2_ref, eps_ref, hout_ref, fp_ref):
    h = h_ref[0:N, :]
    z = eps_ref[0, 0] * h + p_ref[0, 0:N, :] + p_ref[1, 0:N, :]
    z1 = jnp.dot(z, w1_ref[:, :], preferred_element_type=jnp.float32) + b1_ref[0, :]
    m = jnp.mean(z1, axis=0, keepdims=True)
    v = jnp.mean((z1 - m) ** 2, axis=0, keepdims=True)
    z1 = jnp.maximum((z1 - m) / jnp.sqrt(v + 1e-5) * g1_ref[0, :] + e1_ref[0, :], 0.0)
    z2 = jnp.dot(z1, w2_ref[:, :], preferred_element_type=jnp.float32) + b2_ref[0, :]
    m = jnp.mean(z2, axis=0, keepdims=True)
    v = jnp.mean((z2 - m) ** 2, axis=0, keepdims=True)
    h2 = (z2 - m) / jnp.sqrt(v + 1e-5) * g2_ref[0, :] + e2_ref[0, :]
    hn = h2 if last else jnp.maximum(h2, 0.0)
    hout_ref[0:N, :] = hn
    hout_ref[N:N_PAD, :] = jnp.zeros((N_PAD - N, D), jnp.float32)
    bm = (batch_ref[0:1, :] == lax.broadcasted_iota(jnp.int32, (G, N), 0)
          ).astype(jnp.float32)
    fp_ref[:, :] = jnp.dot(bm, hn, preferred_element_type=jnp.float32,
                           precision=lax.Precision.HIGHEST)


def _mlp_call(last, h_pad, parts, batch2d, w1, b1, g1, e1, w2, b2, g2, e2, eps1):
    return pl.pallas_call(
        functools.partial(_mlp_body, last),
        out_shape=(jax.ShapeDtypeStruct((N_PAD, D), jnp.float32),
                   jax.ShapeDtypeStruct((G, D), jnp.float32)),
        in_specs=[
            pl.BlockSpec((N_PAD, D), lambda: (0, 0)),
            pl.BlockSpec((NC, N_PAD, D), lambda: (0, 0, 0)),
            pl.BlockSpec((1, N), lambda: (0, 0)),
            pl.BlockSpec((D, D), lambda: (0, 0)),
            pl.BlockSpec((1, D), lambda: (0, 0)),
            pl.BlockSpec((1, D), lambda: (0, 0)),
            pl.BlockSpec((1, D), lambda: (0, 0)),
            pl.BlockSpec((D, D), lambda: (0, 0)),
            pl.BlockSpec((1, D), lambda: (0, 0)),
            pl.BlockSpec((1, D), lambda: (0, 0)),
            pl.BlockSpec((1, D), lambda: (0, 0)),
            pl.BlockSpec(memory_space=pltpu.SMEM),
        ],
        out_specs=(pl.BlockSpec((N_PAD, D), lambda: (0, 0)),
                   pl.BlockSpec((G, D), lambda: (0, 0))),
    )(h_pad, parts, batch2d, w1, b1[None], g1[None], e1[None],
      w2, b2[None], g2[None], e2[None], eps1)



def kernel(x, edge_index, edge_attr, batch, atom_emb, bond_emb, eps,
           W1, b1, bn1_g, bn1_b, W2, b2, bn2_g, bn2_b):
    L = W1.shape[0]

    x32 = x.astype(jnp.int32)
    aidx = (x32 + (jnp.arange(9, dtype=jnp.int32) * 128)[None, :]).T
    aidx_pad = jnp.pad(aidx, ((0, 0), (0, N_PAD - N))).reshape(-1)
    atab = atom_emb.reshape(9 * 128, D)

    ea = edge_attr.astype(jnp.int32)
    cmb_idx = ea[:, 0] + 16 * ea[:, 1] + 256 * ea[:, 2]
    comb = (bond_emb[:, 2][:, :, None, None, :]
            + bond_emb[:, 1][:, None, :, None, :]
            + bond_emb[:, 0][:, None, None, :, :]).reshape(L, 4096, D)
    src_p = jnp.pad(edge_index[0].astype(jnp.int32), (0, E_PAD - E))
    cmb_p = jnp.pad(cmb_idx, (0, E_PAD - E))
    dst_p = jnp.pad(edge_index[1].astype(jnp.int32), (0, E_PAD - E),
                    constant_values=N)
    batch2d = batch.astype(jnp.int32)[None, :]

    atom_k, msg_k = _sc_kernels()
    h_pad = atom_k(aidx_pad, atab)

    fps = []
    for l in range(L):
        parts = msg_k(h_pad, comb[l], src_p, cmb_p, dst_p)
        h_pad, fp = _mlp_call(l == L - 1, h_pad, parts, batch2d,
                              W1[l], b1[l], bn1_g[l], bn1_b[l],
                              W2[l], b2[l], bn2_g[l], bn2_b[l],
                              (1.0 + eps[l]).reshape(1, 1))
        fps.append(fp)

    return h_pad[:N], jnp.stack(fps, axis=1)

# --- scband reference (transcript-rebuilt; emitter-appended) ---
"""Pipeline reference for scband-gnn-node-16578573763066 (READ-ONLY COPY).

The authoritative reference and input builder live on the scoring server;
editing this copy changes nothing except your own understanding.
"""

import jax, jax.numpy as jnp
import numpy as np

N = 10000
E = 320000
D = 128
L = 3
G = 64


def setup_inputs(seed: int = 0) -> dict:
    key = jax.random.key(seed)
    ks = jax.random.split(key, 10)
    scale = 0.05
    inp = {}
    inp['x'] = jax.random.randint(ks[0], (N, 9), 0, 119)
    inp['edge_index'] = jax.random.randint(ks[1], (2, E), 0, N)
    inp['edge_attr'] = jax.random.randint(ks[2], (E, 3), 0, 5)
    inp['batch'] = jnp.sort(jax.random.randint(ks[3], (N,), 0, G))
    # AtomEncoder: one embedding table per atom feature column (9 columns, vocab 128)
    inp['atom_emb'] = jax.random.normal(ks[4], (9, 128, D), dtype=jnp.float32) * scale
    # BondEncoder per layer: 3 bond feature columns, vocab 16
    inp['bond_emb'] = jax.random.normal(ks[5], (L, 3, 16, D), dtype=jnp.float32) * scale
    inp['eps'] = jnp.zeros((L,), dtype=jnp.float32)
    inp['W1'] = jax.random.normal(ks[6], (L, D, D), dtype=jnp.float32) * scale
    inp['b1'] = jnp.zeros((L, D), dtype=jnp.float32)
    inp['bn1_g'] = jnp.ones((L, D), dtype=jnp.float32)
    inp['bn1_b'] = jnp.zeros((L, D), dtype=jnp.float32)
    inp['W2'] = jax.random.normal(ks[7], (L, D, D), dtype=jnp.float32) * scale
    inp['b2'] = jnp.zeros((L, D), dtype=jnp.float32)
    inp['bn2_g'] = jnp.ones((L, D), dtype=jnp.float32)
    inp['bn2_b'] = jnp.zeros((L, D), dtype=jnp.float32)
    return inp


def _bn(x, g, b):
    m = x.mean(axis=0)
    v = x.var(axis=0)
    return (x - m) / jnp.sqrt(v + 1e-5) * g + b


def reference(x, edge_index, edge_attr, batch, atom_emb, bond_emb, eps, W1, b1, bn1_g, bn1_b, W2, b2, bn2_g, bn2_b):
    n = x.shape[0]
    d = atom_emb.shape[2]
    # AtomEncoder: sum of per-column embedding lookups
    h = jnp.zeros((n, d), dtype=jnp.float32)
    for i in range(atom_emb.shape[0]):
        h = h + atom_emb[i][x[:, i]]
    src = edge_index[0]
    dst = edge_index[1]
    num_layers = W1.shape[0]
    fp = []
    for l in range(num_layers):
        # BondEncoder: sum of per-column embedding lookups
        e = bond_emb[l, 0][edge_attr[:, 0]] + bond_emb[l, 1][edge_attr[:, 1]] + bond_emb[l, 2][edge_attr[:, 2]]
        # GINConv message: relu(x_j + edge_emb), aggr='add' at target nodes
        msg = jax.nn.relu(h[src] + e)
        aggr = jax.ops.segment_sum(msg, dst, num_segments=n)
        z = (1.0 + eps[l]) * h + aggr
        # MLP: Linear -> BatchNorm -> ReLU -> Linear
        z = z @ W1[l] + b1[l]
        z = jax.nn.relu(_bn(z, bn1_g[l], bn1_b[l]))
        z = z @ W2[l] + b2[l]
        # outer batch_norms[layer]
        h2 = _bn(z, bn2_g[l], bn2_b[l])
        # dropout with drop_ratio=0.0 is identity; relu except last layer
        if l == num_layers - 1:
            h = h2
        else:
            h = jax.nn.relu(h2)
        # global_add_pool per layer
        fp.append(jax.ops.segment_sum(h, batch, num_segments=G))
    # JK='last'
    return h, jnp.stack(fp, axis=1)

if __name__ == "__main__":
    import jax
    _d = setup_inputs()
    print(jax.jit(kernel)(*tuple(_d.values())))

</pallas_src>

<mosaic_0001>
#map = affine_map<(d0, d1) -> (0, 0)>
#map1 = affine_map<(d0, d1) -> (0)>
#map2 = affine_map<(d0, d1) -> (0, 0, 0)>
module attributes {stable_mosaic.version = 14 : i64} {
  func.func @_msg_aggr(%arg0: i32, %arg1: i32, %arg2: memref<10240x128xf32, #tpu.memory_space<hbm>>, %arg3: memref<4096x128xf32, #tpu.memory_space<hbm>>, %arg4: memref<323584xi32, #tpu.memory_space<hbm>>, %arg5: memref<323584xi32, #tpu.memory_space<hbm>>, %arg6: memref<323584xi32, #tpu.memory_space<hbm>>, %arg7: memref<2x10240x128xf32, #tpu.memory_space<hbm>>, %arg8: memref<128xi32, #tpu.memory_space<vmem>>, %arg9: memref<128xi32, #tpu.memory_space<vmem>>, %arg10: memref<128xi32, #tpu.memory_space<vmem>>, %arg11: memref<128x128xf32, #tpu.memory_space<vmem>>, %arg12: memref<128x128xf32, #tpu.memory_space<vmem>>, %arg13: memref<!tpu.dma_semaphore, #tpu.memory_space<semaphore_mem>>, %arg14: memref<10240x128xf32, #tpu.memory_space<vmem_shared>>) attributes {dimension_semantics = [#tpu.dimension_semantics<core_parallel>, #tpu.dimension_semantics<subcore_parallel>], iteration_bounds = array<i64: 2, 16>, scalar_prefetch = 0 : i64, scratch_operands = 7 : i64, tpu.core_type = #tpu.core_type<sc_vector_subcore>, window_params = [{transform_indices = #map}, {transform_indices = #map}, {transform_indices = #map1}, {transform_indices = #map1}, {transform_indices = #map1}, {transform_indices = #map2}]} {
    %mul3A = arith.constant 2 : i32
    %mul3A_0 = arith.muli %arg1, %mul3A : i32
    %add3A = arith.addi %mul3A_0, %arg0 : i32
    %mul3A_1 = arith.constant 640 : i32
    %mul3A_2 = arith.muli %arg1, %mul3A_1 : i32
    %scan3A = arith.constant 0 : i32
    %scan3A_3 = arith.constant 0 : i32
    %scan3A_4 = arith.constant 128 : i32
    %scan3A_5 = arith.addi %scan3A_3, %scan3A_4 : i32
    %scan3A_6 = arith.constant 1 : i32
    %scan3A_7 = scf.for %scan3A_29 = %scan3A_3 to %scan3A_5 step %scan3A_6 iter_args(%scan3A_30 = %scan3A) -> (i32)  : i32 {
      %broadcast_in_dim3A = arith.constant 0.000000e+00 : f32
      %broadcast_in_dim3A_31 = vector.broadcast %broadcast_in_dim3A : f32 to vector<16xf32>
      %swap3A = arith.index_cast %scan3A_29 : i32 to index
      %swap3A_32 = arith.constant 0 : index
      %swap3A_33 = tpu.vector_load %arg11[%swap3A, %swap3A_32] {strides = array<i32>} : memref<128x128xf32, #tpu.memory_space<vmem>>, vector<1x16xf32>,
      %swap3A_34 = vector.shape_cast %swap3A_33 : vector<1x16xf32> to vector<16xf32>
      %swap3A_35 = vector.shape_cast %broadcast_in_dim3A_31 : vector<16xf32> to vector<1x16xf32>
      tpu.vector_store %arg11[%swap3A, %swap3A_32], %swap3A_35 {strides = array<i32>} : memref<128x128xf32, #tpu.memory_space<vmem>>, vector<1x16xf32>,
      %broadcast_in_dim3A_36 = arith.constant 0.000000e+00 : f32
      %broadcast_in_dim3A_37 = vector.broadcast %broadcast_in_dim3A_36 : f32 to vector<16xf32>
      %swap3A_38 = arith.index_cast %scan3A_29 : i32 to index
      %swap3A_39 = arith.constant 16 : index
      %swap3A_40 = tpu.vector_load %arg11[%swap3A_38, %swap3A_39] {strides = array<i32>} : memref<128x128xf32, #tpu.memory_space<vmem>>, vector<1x16xf32>,
      %swap3A_41 = vector.shape_cast %swap3A_40 : vector<1x16xf32> to vector<16xf32>
      %swap3A_42 = vector.shape_cast %broadcast_in_dim3A_37 : vector<16xf32> to vector<1x16xf32>
      tpu.vector_store %arg11[%swap3A_38, %swap3A_39], %swap3A_42 {strides = array<i32>} : memref<128x128xf32, #tpu.memory_space<vmem>>, vector<1x16xf32>,
      %broadcast_in_dim3A_43 = arith.constant 0.000000e+00 : f32
      %broadcast_in_dim3A_44 = vector.broadcast %broadcast_in_dim3A_43 : f32 to vector<16xf32>
      %swap3A_45 = arith.index_cast %scan3A_29 : i32 to index
      %swap3A_46 = arith.constant 32 : index
      %swap3A_47 = tpu.vector_load %arg11[%swap3A_45, %swap3A_46] {strides = array<i32>} : memref<128x128xf32, #tpu.memory_space<vmem>>, vector<1x16xf32>,
      %swap3A_48 = vector.shape_cast %swap3A_47 : vector<1x16xf32> to vector<16xf32>
      %swap3A_49 = vector.shape_cast %broadcast_in_dim3A_44 : vector<16xf32> to vector<1x16xf32>
      tpu.vector_store %arg11[%swap3A_45, %swap3A_46], %swap3A_49 {strides = array<i32>} : memref<128x128xf32, #tpu.memory_space<vmem>>, vector<1x16xf32>,
      %broadcast_in_dim3A_50 = arith.constant 0.000000e+00 : f32
      %broadcast_in_dim3A_51 = vector.broadcast %broadcast_in_dim3A_50 : f32 to vector<16xf32>
      %swap3A_52 = arith.index_cast %scan3A_29 : i32 to index
      %swap3A_53 = arith.constant 48 : index
      %swap3A_54 = tpu.vector_load %arg11[%swap3A_52, %swap3A_53] {strides = array<i32>} : memref<128x128xf32, #tpu.memory_space<vmem>>, vector<1x16xf32>,
      %swap3A_55 = vector.shape_cast %swap3A_54 : vector<1x16xf32> to vector<16xf32>
      %swap3A_56 = vector.shape_cast %broadcast_in_dim3A_51 : vector<16xf32> to vector<1x16xf32>
      tpu.vector_store %arg11[%swap3A_52, %swap3A_53], %swap3A_56 {strides = array<i32>} : memref<128x128xf32, #tpu.memory_space<vmem>>, vector<1x16xf32>,
      %broadcast_in_dim3A_57 = arith.constant 0.000000e+00 : f32
      %broadcast_in_dim3A_58 = vector.broadcast %broadcast_in_dim3A_57 : f32 to vector<16xf32>
      %swap3A_59 = arith.index_cast %scan3A_29 : i32 to index
      %swap3A_60 = arith.constant 64 : index
      %swap3A_61 = tpu.vector_load %arg11[%swap3A_59, %swap3A_60] {strides = array<i32>} : memref<128x128xf32, #tpu.memory_space<vmem>>, vector<1x16xf32>,
      %swap3A_62 = vector.shape_cast %swap3A_61 : vector<1x16xf32> to vector<16xf32>
      %swap3A_63 = vector.shape_cast %broadcast_in_dim3A_58 : vector<16xf32> to vector<1x16xf32>
      tpu.vector_store %arg11[%swap3A_59, %swap3A_60], %swap3A_63 {strides = array<i32>} : memref<128x128xf32, #tpu.memory_space<vmem>>, vector<1x16xf32>,
      %broadcast_in_dim3A_64 = arith.constant 0.000000e+00 : f32
      %broadcast_in_dim3A_65 = vector.broadcast %broadcast_in_dim3A_64 : f32 to vector<16xf32>
      %swap3A_66 = arith.index_cast %scan3A_29 : i32 to index
      %swap3A_67 = arith.constant 80 : index
      %swap3A_68 = tpu.vector_load %arg11[%swap3A_66, %swap3A_67] {strides = array<i32>} : memref<128x128xf32, #tpu.memory_space<vmem>>, vector<1x16xf32>,
      %swap3A_69 = vector.shape_cast %swap3A_68 : vector<1x16xf32> to vector<16xf32>
      %swap3A_70 = vector.shape_cast %broadcast_in_dim3A_65 : vector<16xf32> to vector<1x16xf32>
      tpu.vector_store %arg11[%swap3A_66, %swap3A_67], %swap3A_70 {strides = array<i32>} : memref<128x128xf32, #tpu.memory_space<vmem>>, vector<1x16xf32>,
      %broadcast_in_dim3A_71 = arith.constant 0.000000e+00 : f32
      %broadcast_in_dim3A_72 = vector.broadcast %broadcast_in_dim3A_71 : f32 to vector<16xf32>
      %swap3A_73 = arith.index_cast %scan3A_29 : i32 to index
      %swap3A_74 = arith.constant 96 : index
      %swap3A_75 = tpu.vector_load %arg11[%swap3A_73, %swap3A_74] {strides = array<i32>} : memref<128x128xf32, #tpu.memory_space<vmem>>, vector<1x16xf32>,
      %swap3A_76 = vector.shape_cast %swap3A_75 : vector<1x16xf32> to vector<16xf32>
      %swap3A_77 = vector.shape_cast %broadcast_in_dim3A_72 : vector<16xf32> to vector<1x16xf32>
      tpu.vector_store %arg11[%swap3A_73, %swap3A_74], %swap3A_77 {strides = array<i32>} : memref<128x128xf32, #tpu.memory_space<vmem>>, vector<1x16xf32>,
      %broadcast_in_dim3A_78 = arith.constant 0.000000e+00 : f32
      %broadcast_in_dim3A_79 = vector.broadcast %broadcast_in_dim3A_78 : f32 to vector<16xf32>
      %swap3A_80 = arith.index_cast %scan3A_29 : i32 to index
      %swap3A_81 = arith.constant 112 : index
      %swap3A_82 = tpu.vector_load %arg11[%swap3A_80, %swap3A_81] {strides = array<i32>} : memref<128x128xf32, #tpu.memory_space<vmem>>, vector<1x16xf32>,
      %swap3A_83 = vector.shape_cast %swap3A_82 : vector<1x16xf32> to vector<16xf32>
      %swap3A_84 = vector.shape_cast %broadcast_in_dim3A_79 : vector<16xf32> to vector<1x16xf32>
      tpu.vector_store %arg11[%swap3A_80, %swap3A_81], %swap3A_84 {strides = array<i32>} : memref<128x128xf32, #tpu.memory_space<vmem>>, vector<1x16xf32>,
      %scan3A_85 = arith.constant 0 : i32
      scf.yield %scan3A_85 : i32
    }
    %scan3A_8 = arith.constant 128 : i32
    %add3A_9 = arith.constant 0 : i32
    %add3A_10 = arith.addi %mul3A_2, %add3A_9 : i32
    "tpu.region"() ({
      %run_scoped3A = tpu.sem_alloc : memref<!tpu.dma_semaphore, #tpu.memory_space<semaphore_mem>>
      %dma_start3A = arith.constant 0 : i32
      %dma_start3A_29 = tpu.memref_slice %arg14[%add3A_10, %dma_start3A] : memref<10240x128xf32, #tpu.memory_space<vmem_shared>> -> memref<128x128xf32, #tpu.memory_space<vmem_shared>>
      %dma_start3A_30 = arith.constant 0 : i32
      %dma_start3A_31 = tpu.memref_slice %arg14[%add3A_10, %dma_start3A_30] : memref<10240x128xf32, #tpu.memory_space<vmem_shared>> -> memref<128x128xf32, #tpu.memory_space<vmem_shared>>
      tpu.enqueue_dma source(%arg11 : memref<128x128xf32, #tpu.memory_space<vmem>>) target(%dma_start3A_31 : memref<128x128xf32, #tpu.memory_space<vmem_shared>>) target_semaphore(%run_scoped3A : memref<!tpu.dma_semaphore, #tpu.memory_space<semaphore_mem>>)
      %dma_wait3A = arith.constant 0 : i32
      %dma_wait3A_32 = tpu.memref_slice %arg14[%add3A_10, %dma_wait3A] : memref<10240x128xf32, #tpu.memory_space<vmem_shared>> -> memref<128x128xf32, #tpu.memory_space<vmem_shared>>
      %dma_wait3A_33 = arith.constant 0 : i32
      %dma_wait3A_34 = tpu.memref_slice %arg14[%add3A_10, %dma_wait3A_33] : memref<10240x128xf32, #tpu.memory_space<vmem_shared>> -> memref<128x128xf32, #tpu.memory_space<vmem_shared>>
      tpu.wait_dma2 semaphore(%run_scoped3A : memref<!tpu.dma_semaphore, #tpu.memory_space<semaphore_mem>>) src(%arg11 : memref<128x128xf32, #tpu.memory_space<vmem>>) dst(%dma_wait3A_34 : memref<128x128xf32, #tpu.memory_space<vmem_shared>>)
      tpu.yield
    }) : () -> ()
    %add3A_11 = arith.constant 128 : i32
    %add3A_12 = arith.addi %mul3A_2, %add3A_11 : i32
    "tpu.region"() ({
      %run_scoped3A = tpu.sem_alloc : memref<!tpu.dma_semaphore, #tpu.memory_space<semaphore_mem>>
      %dma_start3A = arith.constant 0 : i32
      %dma_start3A_29 = tpu.memref_slice %arg14[%add3A_12, %dma_start3A] : memref<10240x128xf32, #tpu.memory_space<vmem_shared>> -> memref<128x128xf32, #tpu.memory_space<vmem_shared>>
      %dma_start3A_30 = arith.constant 0 : i32
      %dma_start3A_31 = tpu.memref_slice %arg14[%add3A_12, %dma_start3A_30] : memref<10240x128xf32, #tpu.memory_space<vmem_shared>> -> memref<128x128xf32, #tpu.memory_space<vmem_shared>>
      tpu.enqueue_dma source(%arg11 : memref<128x128xf32, #tpu.memory_space<vmem>>) target(%dma_start3A_31 : memref<128x128xf32, #tpu.memory_space<vmem_shared>>) target_semaphore(%run_scoped3A : memref<!tpu.dma_semaphore, #tpu.memory_space<semaphore_mem>>)
      %dma_wait3A = arith.constant 0 : i32
      %dma_wait3A_32 = tpu.memref_slice %arg14[%add3A_12, %dma_wait3A] : memref<10240x128xf32, #tpu.memory_space<vmem_shared>> -> memref<128x128xf32, #tpu.memory_space<vmem_shared>>
      %dma_wait3A_33 = arith.constant 0 : i32
      %dma_wait3A_34 = tpu.memref_slice %arg14[%add3A_12, %dma_wait3A_33] : memref<10240x128xf32, #tpu.memory_space<vmem_shared>> -> memref<128x128xf32, #tpu.memory_space<vmem_shared>>
      tpu.wait_dma2 semaphore(%run_scoped3A : memref<!tpu.dma_semaphore, #tpu.memory_space<semaphore_mem>>) src(%arg11 : memref<128x128xf32, #tpu.memory_space<vmem>>) dst(%dma_wait3A_34 : memref<128x128xf32, #tpu.memory_space<vmem_shared>>)
      tpu.yield
    }) : () -> ()
    %add3A_13 = arith.constant 256 : i32
    %add3A_14 = arith.addi %mul3A_2, %add3A_13 : i32
    "tpu.region"() ({
      %run_scoped3A = tpu.sem_alloc : memref<!tpu.dma_semaphore, #tpu.memory_space<semaphore_mem>>
      %dma_start3A = arith.constant 0 : i32
      %dma_start3A_29 = tpu.memref_slice %arg14[%add3A_14, %dma_start3A] : memref<10240x128xf32, #tpu.memory_space<vmem_shared>> -> memref<128x128xf32, #tpu.memory_space<vmem_shared>>
      %dma_start3A_30 = arith.constant 0 : i32
      %dma_start3A_31 = tpu.memref_slice %arg14[%add3A_14, %dma_start3A_30] : memref<10240x128xf32, #tpu.memory_space<vmem_shared>> -> memref<128x128xf32, #tpu.memory_space<vmem_shared>>
      tpu.enqueue_dma source(%arg11 : memref<128x128xf32, #tpu.memory_space<vmem>>) target(%dma_start3A_31 : memref<128x128xf32, #tpu.memory_space<vmem_shared>>) target_semaphore(%run_scoped3A : memref<!tpu.dma_semaphore, #tpu.memory_space<semaphore_mem>>)
      %dma_wait3A = arith.constant 0 : i32
      %dma_wait3A_32 = tpu.memref_slice %arg14[%add3A_14, %dma_wait3A] : memref<10240x128xf32, #tpu.memory_space<vmem_shared>> -> memref<128x128xf32, #tpu.memory_space<vmem_shared>>
      %dma_wait3A_33 = arith.constant 0 : i32
      %dma_wait3A_34 = tpu.memref_slice %arg14[%add3A_14, %dma_wait3A_33] : memref<10240x128xf32, #tpu.memory_space<vmem_shared>> -> memref<128x128xf32, #tpu.memory_space<vmem_shared>>
      tpu.wait_dma2 semaphore(%run_scoped3A : memref<!tpu.dma_semaphore, #tpu.memory_space<semaphore_mem>>) src(%arg11 : memref<128x128xf32, #tpu.memory_space<vmem>>) dst(%dma_wait3A_34 : memref<128x128xf32, #tpu.memory_space<vmem_shared>>)
      tpu.yield
    }) : () -> ()
    %add3A_15 = arith.constant 384 : i32
    %add3A_16 = arith.addi %mul3A_2, %add3A_15 : i32
    "tpu.region"() ({
      %run_scoped3A = tpu.sem_alloc : memref<!tpu.dma_semaphore, #tpu.memory_space<semaphore_mem>>
      %dma_start3A = arith.constant 0 : i32
      %dma_start3A_29 = tpu.memref_slice %arg14[%add3A_16, %dma_start3A] : memref<10240x128xf32, #tpu.memory_space<vmem_shared>> -> memref<128x128xf32, #tpu.memory_space<vmem_shared>>
      %dma_start3A_30 = arith.constant 0 : i32
      %dma_start3A_31 = tpu.memref_slice %arg14[%add3A_16, %dma_start3A_30] : memref<10240x128xf32, #tpu.memory_space<vmem_shared>> -> memref<128x128xf32, #tpu.memory_space<vmem_shared>>
      tpu.enqueue_dma source(%arg11 : memref<128x128xf32, #tpu.memory_space<vmem>>) target(%dma_start3A_31 : memref<128x128xf32, #tpu.memory_space<vmem_shared>>) target_semaphore(%run_scoped3A : memref<!tpu.dma_semaphore, #tpu.memory_space<semaphore_mem>>)
      %dma_wait3A = arith.constant 0 : i32
      %dma_wait3A_32 = tpu.memref_slice %arg14[%add3A_16, %dma_wait3A] : memref<10240x128xf32, #tpu.memory_space<vmem_shared>> -> memref<128x128xf32, #tpu.memory_space<vmem_shared>>
      %dma_wait3A_33 = arith.constant 0 : i32
      %dma_wait3A_34 = tpu.memref_slice %arg14[%add3A_16, %dma_wait3A_33] : memref<10240x128xf32, #tpu.memory_space<vmem_shared>> -> memref<128x128xf32, #tpu.memory_space<vmem_shared>>
      tpu.wait_dma2 semaphore(%run_scoped3A : memref<!tpu.dma_semaphore, #tpu.memory_space<semaphore_mem>>) src(%arg11 : memref<128x128xf32, #tpu.memory_space<vmem>>) dst(%dma_wait3A_34 : memref<128x128xf32, #tpu.memory_space<vmem_shared>>)
      tpu.yield
    }) : () -> ()
    %add3A_17 = arith.constant 512 : i32
    %add3A_18 = arith.addi %mul3A_2, %add3A_17 : i32
    "tpu.region"() ({
      %run_scoped3A = tpu.sem_alloc : memref<!tpu.dma_semaphore, #tpu.memory_space<semaphore_mem>>
      %dma_start3A = arith.constant 0 : i32
      %dma_start3A_29 = tpu.memref_slice %arg14[%add3A_18, %dma_start3A] : memref<10240x128xf32, #tpu.memory_space<vmem_shared>> -> memref<128x128xf32, #tpu.memory_space<vmem_shared>>
      %dma_start3A_30 = arith.constant 0 : i32
      %dma_start3A_31 = tpu.memref_slice %arg14[%add3A_18, %dma_start3A_30] : memref<10240x128xf32, #tpu.memory_space<vmem_shared>> -> memref<128x128xf32, #tpu.memory_space<vmem_shared>>
      tpu.enqueue_dma source(%arg11 : memref<128x128xf32, #tpu.memory_space<vmem>>) target(%dma_start3A_31 : memref<128x128xf32, #tpu.memory_space<vmem_shared>>) target_semaphore(%run_scoped3A : memref<!tpu.dma_semaphore, #tpu.memory_space<semaphore_mem>>)
      %dma_wait3A = arith.constant 0 : i32
      %dma_wait3A_32 = tpu.memref_slice %arg14[%add3A_18, %dma_wait3A] : memref<10240x128xf32, #tpu.memory_space<vmem_shared>> -> memref<128x128xf32, #tpu.memory_space<vmem_shared>>
      %dma_wait3A_33 = arith.constant 0 : i32
      %dma_wait3A_34 = tpu.memref_slice %arg14[%add3A_18, %dma_wait3A_33] : memref<10240x128xf32, #tpu.memory_space<vmem_shared>> -> memref<128x128xf32, #tpu.memory_space<vmem_shared>>
      tpu.wait_dma2 semaphore(%run_scoped3A : memref<!tpu.dma_semaphore, #tpu.memory_space<semaphore_mem>>) src(%arg11 : memref<128x128xf32, #tpu.memory_space<vmem>>) dst(%dma_wait3A_34 : memref<128x128xf32, #tpu.memory_space<vmem_shared>>)
      tpu.yield
    }) : () -> ()
    %barrier3A = arith.constant 0 : index
    tpu.barrier barrier_id(%barrier3A)
    %mul3A_19 = arith.constant 10112 : i32
    %mul3A_20 = arith.muli %add3A, %mul3A_19 : i32
    %scan3A_21 = arith.constant 0 : i32
    %scan3A_22 = arith.constant 0 : i32
    %scan3A_23 = arith.constant 79 : i32
    %scan3A_24 = arith.addi %scan3A_22, %scan3A_23 : i32
    %scan3A_25 = arith.constant 1 : i32
    %scan3A_26 = scf.for %scan3A_29 = %scan3A_22 to %scan3A_24 step %scan3A_25 iter_args(%scan3A_30 = %scan3A_21) -> (i32)  : i32 {
      %mul3A_31 = arith.constant 128 : i32
      %mul3A_32 = arith.muli %scan3A_29, %mul3A_31 : i32
      %add3A_33 = arith.addi %mul3A_20, %mul3A_32 : i32
      "tpu.region"() ({
        %run_scoped3A = tpu.sem_alloc : memref<!tpu.dma_semaphore, #tpu.memory_space<semaphore_mem>>
        %dma_start3A_52 = tpu.memref_slice %arg4[%add3A_33] : memref<323584xi32, #tpu.memory_space<hbm>> -> memref<128xi32, #tpu.memory_space<hbm>>
        %dma_start3A_53 = tpu.memref_slice %arg4[%add3A_33] : memref<323584xi32, #tpu.memory_space<hbm>> -> memref<128xi32, #tpu.memory_space<hbm>>
        tpu.enqueue_dma source(%dma_start3A_53 : memref<128xi32, #tpu.memory_space<hbm>>) target(%arg8 : memref<128xi32, #tpu.memory_space<vmem>>) target_semaphore(%run_scoped3A : memref<!tpu.dma_semaphore, #tpu.memory_space<semaphore_mem>>)
        %dma_wait3A_54 = tpu.memref_slice %arg4[%add3A_33] : memref<323584xi32, #tpu.memory_space<hbm>> -> memref<128xi32, #tpu.memory_space<hbm>>
        %dma_wait3A_55 = tpu.memref_slice %arg4[%add3A_33] : memref<323584xi32, #tpu.memory_space<hbm>> -> memref<128xi32, #tpu.memory_space<hbm>>
        tpu.wait_dma2 semaphore(%run_scoped3A : memref<!tpu.dma_semaphore, #tpu.memory_space<semaphore_mem>>) src(%dma_wait3A_55 : memref<128xi32, #tpu.memory_space<hbm>>) dst(%arg8 : memref<128xi32, #tpu.memory_space<vmem>>)
        tpu.yield
      }) : () -> ()
      "tpu.region"() ({
        %run_scoped3A = tpu.sem_alloc : memref<!tpu.dma_semaphore, #tpu.memory_space<semaphore_mem>>
        %dma_start3A_52 = tpu.memref_slice %arg5[%add3A_33] : memref<323584xi32, #tpu.memory_space<hbm>> -> memref<128xi32, #tpu.memory_space<hbm>>
        %dma_start3A_53 = tpu.memref_slice %arg5[%add3A_33] : memref<323584xi32, #tpu.memory_space<hbm>> -> memref<128xi32, #tpu.memory_space<hbm>>
        tpu.enqueue_dma source(%dma_start3A_53 : memref<128xi32, #tpu.memory_space<hbm>>) target(%arg9 : memref<128xi32, #tpu.memory_space<vmem>>) target_semaphore(%run_scoped3A : memref<!tpu.dma_semaphore, #tpu.memory_space<semaphore_mem>>)
        %dma_wait3A_54 = tpu.memref_slice %arg5[%add3A_33] : memref<323584xi32, #tpu.memory_space<hbm>> -> memref<128xi32, #tpu.memory_space<hbm>>
        %dma_wait3A_55 = tpu.memref_slice %arg5[%add3A_33] : memref<323584xi32, #tpu.memory_space<hbm>> -> memref<128xi32, #tpu.memory_space<hbm>>
        tpu.wait_dma2 semaphore(%run_scoped3A : memref<!tpu.dma_semaphore, #tpu.memory_space<semaphore_mem>>) src(%dma_wait3A_55 : memref<128xi32, #tpu.memory_space<hbm>>) dst(%arg9 : memref<128xi32, #tpu.memory_space<vmem>>)
        tpu.yield
      }) : () -> ()
      "tpu.region"() ({
        %run_scoped3A = tpu.sem_alloc : memref<!tpu.dma_semaphore, #tpu.memory_space<semaphore_mem>>
        %dma_start3A_52 = tpu.memref_slice %arg6[%add3A_33] : memref<323584xi32, #tpu.memory_space<hbm>> -> memref<128xi32, #tpu.memory_space<hbm>>
        %dma_start3A_53 = tpu.memref_slice %arg6[%add3A_33] : memref<323584xi32, #tpu.memory_space<hbm>> -> memref<128xi32, #tpu.memory_space<hbm>>
        tpu.enqueue_dma source(%dma_start3A_53 : memref<128xi32, #tpu.memory_space<hbm>>) target(%arg10 : memref<128xi32, #tpu.memory_space<vmem>>) target_semaphore(%run_scoped3A : memref<!tpu.dma_semaphore, #tpu.memory_space<semaphore_mem>>)
        %dma_wait3A_54 = tpu.memref_slice %arg6[%add3A_33] : memref<323584xi32, #tpu.memory_space<hbm>> -> memref<128xi32, #tpu.memory_space<hbm>>
        %dma_wait3A_55 = tpu.memref_slice %arg6[%add3A_33] : memref<323584xi32, #tpu.memory_space<hbm>> -> memref<128xi32, #tpu.memory_space<hbm>>
        tpu.wait_dma2 semaphore(%run_scoped3A : memref<!tpu.dma_semaphore, #tpu.memory_space<semaphore_mem>>) src(%dma_wait3A_55 : memref<128xi32, #tpu.memory_space<hbm>>) dst(%arg10 : memref<128xi32, #tpu.memory_space<vmem>>)
        tpu.yield
      }) : () -> ()
      %dma_start3A = arith.constant 0 : i32
      %dma_start3A_34 = arith.constant 0 : i32
      %dma_start3A_35 = tpu.memref_slice %arg2[%dma_start3A, %dma_start3A_34] : memref<10240x128xf32, #tpu.memory_space<hbm>> -> memref<10240x128xf32, #tpu.memory_space<hbm>>
      tpu.enqueue_indirect_dma source(%dma_start3A_35 : memref<10240x128xf32, #tpu.memory_space<hbm>>) target(%arg11 : memref<128x128xf32, #tpu.memory_space<vmem>>) offsets(%arg8 : memref<128xi32, #tpu.memory_space<vmem>>) semaphore(%arg13 : memref<!tpu.dma_semaphore, #tpu.memory_space<semaphore_mem>>)
      %dma_start3A_36 = arith.constant 0 : i32
      %dma_start3A_37 = arith.constant 0 : i32
      %dma_start3A_38 = tpu.memref_slice %arg3[%dma_start3A_36, %dma_start3A_37] : memref<4096x128xf32, #tpu.memory_space<hbm>> -> memref<4096x128xf32, #tpu.memory_space<hbm>>
      tpu.enqueue_indirect_dma source(%dma_start3A_38 : memref<4096x128xf32, #tpu.memory_space<hbm>>) target(%arg12 : memref<128x128xf32, #tpu.memory_space<vmem>>) offsets(%arg9 : memref<128xi32, #tpu.memory_space<vmem>>) semaphore(%arg13 : memref<!tpu.dma_semaphore, #tpu.memory_space<semaphore_mem>>)
      %dma_wait3A = arith.constant 0 : i32
      %dma_wait3A_39 = arith.constant 0 : i32
      %dma_wait3A_40 = tpu.memref_slice %arg2[%dma_wait3A, %dma_wait3A_39] : memref<10240x128xf32, #tpu.memory_space<hbm>> -> memref<10240x128xf32, #tpu.memory_space<hbm>>
      tpu.wait_indirect_dma semaphore(%arg13 : memref<!tpu.dma_semaphore, #tpu.memory_space<semaphore_mem>>) src(%dma_wait3A_40 : memref<10240x128xf32, #tpu.memory_space<hbm>>) dst(%arg11 : memref<128x128xf32, #tpu.memory_space<vmem>>)
      %dma_wait3A_41 = arith.constant 0 : i32
      %dma_wait3A_42 = arith.constant 0 : i32
      %dma_wait3A_43 = tpu.memref_slice %arg3[%dma_wait3A_41, %dma_wait3A_42] : memref<4096x128xf32, #tpu.memory_space<hbm>> -> memref<4096x128xf32, #tpu.memory_space<hbm>>
      tpu.wait_indirect_dma semaphore(%arg13 : memref<!tpu.dma_semaphore, #tpu.memory_space<semaphore_mem>>) src(%dma_wait3A_43 : memref<4096x128xf32, #tpu.memory_space<hbm>>) dst(%arg12 : memref<128x128xf32, #tpu.memory_space<vmem>>)
      %scan3A_44 = arith.constant 0 : i32
      %scan3A_45 = arith.constant 0 : i32
      %scan3A_46 = arith.constant 128 : i32
      %scan3A_47 = arith.addi %scan3A_45, %scan3A_46 : i32
      %scan3A_48 = arith.constant 1 : i32
      %scan3A_49 = scf.for %scan3A_52 = %scan3A_45 to %scan3A_47 step %scan3A_48 iter_args(%scan3A_53 = %scan3A_44) -> (i32)  : i32 {
        %get3A = arith.index_cast %scan3A_52 : i32 to index
        %get3A_54 = arith.constant 0 : index
        %get3A_55 = tpu.vector_load %arg11[%get3A, %get3A_54] {strides = array<i32>} : memref<128x128xf32, #tpu.memory_space<vmem>>, vector<1x16xf32>,
        %get3A_56 = vector.shape_cast %get3A_55 : vector<1x16xf32> to vector<16xf32>
        %get3A_57 = arith.index_cast %scan3A_52 : i32 to index
        %get3A_58 = arith.constant 0 : index
        %get3A_59 = tpu.vector_load %arg12[%get3A_57, %get3A_58] {strides = array<i32>} : memref<128x128xf32, #tpu.memory_space<vmem>>, vector<1x16xf32>,
        %get3A_60 = vector.shape_cast %get3A_59 : vector<1x16xf32> to vector<16xf32>
        %add3A_61 = arith.addf %get3A_56, %get3A_60 : vector<16xf32>
        %max3A = arith.constant 0.000000e+00 : f32
        %max3A_62 = vector.broadcast %max3A : f32 to vector<16xf32>
        %max3A_63 = arith.maximumf %add3A_61, %max3A_62 : vector<16xf32>
        %swap3A = arith.index_cast %scan3A_52 : i32 to index
        %swap3A_64 = arith.constant 0 : index
        %swap3A_65 = tpu.vector_load %arg11[%swap3A, %swap3A_64] {strides = array<i32>} : memref<128x128xf32, #tpu.memory_space<vmem>>, vector<1x16xf32>,
        %swap3A_66 = vector.shape_cast %swap3A_65 : vector<1x16xf32> to vector<16xf32>
        %swap3A_67 = vector.shape_cast %max3A_63 : vector<16xf32> to vector<1x16xf32>
        tpu.vector_store %arg11[%swap3A, %swap3A_64], %swap3A_67 {strides = array<i32>} : memref<128x128xf32, #tpu.memory_space<vmem>>, vector<1x16xf32>,
        %get3A_68 = arith.index_cast %scan3A_52 : i32 to index
        %get3A_69 = arith.constant 16 : index
        %get3A_70 = tpu.vector_load %arg11[%get3A_68, %get3A_69] {strides = array<i32>} : memref<128x128xf32, #tpu.memory_space<vmem>>, vector<1x16xf32>,
        %get3A_71 = vector.shape_cast %get3A_70 : vector<1x16xf32> to vector<16xf32>
        %get3A_72 = arith.index_cast %scan3A_52 : i32 to index
        %get3A_73 = arith.constant 16 : index
        %get3A_74 = tpu.vector_load %arg12[%get3A_72, %get3A_73] {strides = array<i32>} : memref<128x128xf32, #tpu.memory_space<vmem>>, vector<1x16xf32>,
        %get3A_75 = vector.shape_cast %get3A_74 : vector<1x16xf32> to vector<16xf32>
        %add3A_76 = arith.addf %get3A_71, %get3A_75 : vector<16xf32>
        %max3A_77 = arith.constant 0.000000e+00 : f32
        %max3A_78 = vector.broadcast %max3A_77 : f32 to vector<16xf32>
        %max3A_79 = arith.maximumf %add3A_76, %max3A_78 : vector<16xf32>
        %swap3A_80 = arith.index_cast %scan3A_52 : i32 to index
        %swap3A_81 = arith.constant 16 : index
        %swap3A_82 = tpu.vector_load %arg11[%swap3A_80, %swap3A_81] {strides = array<i32>} : memref<128x128xf32, #tpu.memory_space<vmem>>, vector<1x16xf32>,
        %swap3A_83 = vector.shape_cast %swap3A_82 : vector<1x16xf32> to vector<16xf32>
        %swap3A_84 = vector.shape_cast %max3A_79 : vector<16xf32> to vector<1x16xf32>
        tpu.vector_store %arg11[%swap3A_80, %swap3A_81], %swap3A_84 {strides = array<i32>} : memref<128x128xf32, #tpu.memory_space<vmem>>, vector<1x16xf32>,
        %get3A_85 = arith.index_cast %scan3A_52 : i32 to index
        %get3A_86 = arith.constant 32 : index
        %get3A_87 = tpu.vector_load %arg11[%get3A_85, %get3A_86] {strides = array<i32>} : memref<128x128xf32, #tpu.memory_space<vmem>>, vector<1x16xf32>,
        %get3A_88 = vector.shape_cast %get3A_87 : vector<1x16xf32> to vector<16xf32>
        %get3A_89 = arith.index_cast %scan3A_52 : i32 to index
        %get3A_90 = arith.constant 32 : index
        %get3A_91 = tpu.vector_load %arg12[%get3A_89, %get3A_90] {strides = array<i32>} : memref<128x128xf32, #tpu.memory_space<vmem>>, vector<1x16xf32>,
        %get3A_92 = vector.shape_cast %get3A_91 : vector<1x16xf32> to vector<16xf32>
        %add3A_93 = arith.addf %get3A_88, %get3A_92 : vector<16xf32>
        %max3A_94 = arith.constant 0.000000e+00 : f32
        %max3A_95 = vector.broadcast %max3A_94 : f32 to vector<16xf32>
        %max3A_96 = arith.maximumf %add3A_93, %max3A_95 : vector<16xf32>
        %swap3A_97 = arith.index_cast %scan3A_52 : i32 to index
        %swap3A_98 = arith.constant 32 : index
        %swap3A_99 = tpu.vector_load %arg11[%swap3A_97, %swap3A_98] {strides = array<i32>} : memref<128x128xf32, #tpu.memory_space<vmem>>, vector<1x16xf32>,
        %swap3A_100 = vector.shape_cast %swap3A_99 : vector<1x16xf32> to vector<16xf32>
        %swap3A_101 = vector.shape_cast %max3A_96 : vector<16xf32> to vector<1x16xf32>
        tpu.vector_store %arg11[%swap3A_97, %swap3A_98], %swap3A_101 {strides = array<i32>} : memref<128x128xf32, #tpu.memory_space<vmem>>, vector<1x16xf32>,
        %get3A_102 = arith.index_cast %scan3A_52 : i32 to index
        %get3A_103 = arith.constant 48 : index
        %get3A_104 = tpu.vector_load %arg11[%get3A_102, %get3A_103] {strides = array<i32>} : memref<128x128xf32, #tpu.memory_space<vmem>>, vector<1x16xf32>,
        %get3A_105 = vector.shape_cast %get3A_104 : vector<1x16xf32> to vector<16xf32>
        %get3A_106 = arith.index_cast %scan3A_52 : i32 to index
        %get3A_107 = arith.constant 48 : index
        %get3A_108 = tpu.vector_load %arg12[%get3A_106, %get3A_107] {strides = array<i32>} : memref<128x128xf32, #tpu.memory_space<vmem>>, vector<1x16xf32>,
        %get3A_109 = vector.shape_cast %get3A_108 : vector<1x16xf32> to vector<16xf32>
        %add3A_110 = arith.addf %get3A_105, %get3A_109 : vector<16xf32>
        %max3A_111 = arith.constant 0.000000e+00 : f32
        %max3A_112 = vector.broadcast %max3A_111 : f32 to vector<16xf32>
        %max3A_113 = arith.maximumf %add3A_110, %max3A_112 : vector<16xf32>
        %swap3A_114 = arith.index_cast %scan3A_52 : i32 to index
        %swap3A_115 = arith.constant 48 : index
        %swap3A_116 = tpu.vector_load %arg11[%swap3A_114, %swap3A_115] {strides = array<i32>} : memref<128x128xf32, #tpu.memory_space<vmem>>, vector<1x16xf32>,
        %swap3A_117 = vector.shape_cast %swap3A_116 : vector<1x16xf32> to vector<16xf32>
        %swap3A_118 = vector.shape_cast %max3A_113 : vector<16xf32> to vector<1x16xf32>
        tpu.vector_store %arg11[%swap3A_114, %swap3A_115], %swap3A_118 {strides = array<i32>} : memref<128x128xf32, #tpu.memory_space<vmem>>, vector<1x16xf32>,
        %get3A_119 = arith.index_cast %scan3A_52 : i32 to index
        %get3A_120 = arith.constant 64 : index
        %get3A_121 = tpu.vector_load %arg11[%get3A_119, %get3A_120] {strides = array<i32>} : memref<128x128xf32, #tpu.memory_space<vmem>>, vector<1x16xf32>,
        %get3A_122 = vector.shape_cast %get3A_121 : vector<1x16xf32> to vector<16xf32>
        %get3A_123 = arith.index_cast %scan3A_52 : i32 to index
        %get3A_124 = arith.constant 64 : index
        %get3A_125 = tpu.vector_load %arg12[%get3A_123, %get3A_124] {strides = array<i32>} : memref<128x128xf32, #tpu.memory_space<vmem>>, vector<1x16xf32>,
        %get3A_126 = vector.shape_cast %get3A_125 : vector<1x16xf32> to vector<16xf32>
        %add3A_127 = arith.addf %get3A_122, %get3A_126 : vector<16xf32>
        %max3A_128 = arith.constant 0.000000e+00 : f32
        %max3A_129 = vector.broadcast %max3A_128 : f32 to vector<16xf32>
        %max3A_130 = arith.maximumf %add3A_127, %max3A_129 : vector<16xf32>
        %swap3A_131 = arith.index_cast %scan3A_52 : i32 to index
        %swap3A_132 = arith.constant 64 : index
        %swap3A_133 = tpu.vector_load %arg11[%swap3A_131, %swap3A_132] {strides = array<i32>} : memref<128x128xf32, #tpu.memory_space<vmem>>, vector<1x16xf32>,
        %swap3A_134 = vector.shape_cast %swap3A_133 : vector<1x16xf32> to vector<16xf32>
        %swap3A_135 = vector.shape_cast %max3A_130 : vector<16xf32> to vector<1x16xf32>
        tpu.vector_store %arg11[%swap3A_131, %swap3A_132], %swap3A_135 {strides = array<i32>} : memref<128x128xf32, #tpu.memory_space<vmem>>, vector<1x16xf32>,
        %get3A_136 = arith.index_cast %scan3A_52 : i32 to index
        %get3A_137 = arith.constant 80 : index
        %get3A_138 = tpu.vector_load %arg11[%get3A_136, %get3A_137] {strides = array<i32>} : memref<128x128xf32, #tpu.memory_space<vmem>>, vector<1x16xf32>,
        %get3A_139 = vector.shape_cast %get3A_138 : vector<1x16xf32> to vector<16xf32>
        %get3A_140 = arith.index_cast %scan3A_52 : i32 to index
        %get3A_141 = arith.constant 80 : index
        %get3A_142 = tpu.vector_load %arg12[%get3A_140, %get3A_141] {strides = array<i32>} : memref<128x128xf32, #tpu.memory_space<vmem>>, vector<1x16xf32>,
        %get3A_143 = vector.shape_cast %get3A_142 : vector<1x16xf32> to vector<16xf32>
        %add3A_144 = arith.addf %get3A_139, %get3A_143 : vector<16xf32>
        %max3A_145 = arith.constant 0.000000e+00 : f32
        %max3A_146 = vector.broadcast %max3A_145 : f32 to vector<16xf32>
        %max3A_147 = arith.maximumf %add3A_144, %max3A_146 : vector<16xf32>
        %swap3A_148 = arith.index_cast %scan3A_52 : i32 to index
        %swap3A_149 = arith.constant 80 : index
        %swap3A_150 = tpu.vector_load %arg11[%swap3A_148, %swap3A_149] {strides = array<i32>} : memref<128x128xf32, #tpu.memory_space<vmem>>, vector<1x16xf32>,
        %swap3A_151 = vector.shape_cast %swap3A_150 : vector<1x16xf32> to vector<16xf32>
        %swap3A_152 = vector.shape_cast %max3A_147 : vector<16xf32> to vector<1x16xf32>
        tpu.vector_store %arg11[%swap3A_148, %swap3A_149], %swap3A_152 {strides = array<i32>} : memref<128x128xf32, #tpu.memory_space<vmem>>, vector<1x16xf32>,
        %get3A_153 = arith.index_cast %scan3A_52 : i32 to index
        %get3A_154 = arith.constant 96 : index
        %get3A_155 = tpu.vector_load %arg11[%get3A_153, %get3A_154] {strides = array<i32>} : memref<128x128xf32, #tpu.memory_space<vmem>>, vector<1x16xf32>,
        %get3A_156 = vector.shape_cast %get3A_155 : vector<1x16xf32> to vector<16xf32>
        %get3A_157 = arith.index_cast %scan3A_52 : i32 to index
        %get3A_158 = arith.constant 96 : index
        %get3A_159 = tpu.vector_load %arg12[%get3A_157, %get3A_158] {strides = array<i32>} : memref<128x128xf32, #tpu.memory_space<vmem>>, vector<1x16xf32>,
        %get3A_160 = vector.shape_cast %get3A_159 : vector<1x16xf32> to vector<16xf32>
        %add3A_161 = arith.addf %get3A_156, %get3A_160 : vector<16xf32>
        %max3A_162 = arith.constant 0.000000e+00 : f32
        %max3A_163 = vector.broadcast %max3A_162 : f32 to vector<16xf32>
        %max3A_164 = arith.maximumf %add3A_161, %max3A_163 : vector<16xf32>
        %swap3A_165 = arith.index_cast %scan3A_52 : i32 to index
        %swap3A_166 = arith.constant 96 : index
        %swap3A_167 = tpu.vector_load %arg11[%swap3A_165, %swap3A_166] {strides = array<i32>} : memref<128x128xf32, #tpu.memory_space<vmem>>, vector<1x16xf32>,
        %swap3A_168 = vector.shape_cast %swap3A_167 : vector<1x16xf32> to vector<16xf32>
        %swap3A_169 = vector.shape_cast %max3A_164 : vector<16xf32> to vector<1x16xf32>
        tpu.vector_store %arg11[%swap3A_165, %swap3A_166], %swap3A_169 {strides = array<i32>} : memref<128x128xf32, #tpu.memory_space<vmem>>, vector<1x16xf32>,
        %get3A_170 = arith.index_cast %scan3A_52 : i32 to index
        %get3A_171 = arith.constant 112 : index
        %get3A_172 = tpu.vector_load %arg11[%get3A_170, %get3A_171] {strides = array<i32>} : memref<128x128xf32, #tpu.memory_space<vmem>>, vector<1x16xf32>,
        %get3A_173 = vector.shape_cast %get3A_172 : vector<1x16xf32> to vector<16xf32>
        %get3A_174 = arith.index_cast %scan3A_52 : i32 to index
        %get3A_175 = arith.constant 112 : index
        %get3A_176 = tpu.vector_load %arg12[%get3A_174, %get3A_175] {strides = array<i32>} : memref<128x128xf32, #tpu.memory_space<vmem>>, vector<1x16xf32>,
        %get3A_177 = vector.shape_cast %get3A_176 : vector<1x16xf32> to vector<16xf32>
        %add3A_178 = arith.addf %get3A_173, %get3A_177 : vector<16xf32>
        %max3A_179 = arith.constant 0.000000e+00 : f32
        %max3A_180 = vector.broadcast %max3A_179 : f32 to vector<16xf32>
        %max3A_181 = arith.maximumf %add3A_178, %max3A_180 : vector<16xf32>
        %swap3A_182 = arith.index_cast %scan3A_52 : i32 to index
        %swap3A_183 = arith.constant 112 : index
        %swap3A_184 = tpu.vector_load %arg11[%swap3A_182, %swap3A_183] {strides = array<i32>} : memref<128x128xf32, #tpu.memory_space<vmem>>, vector<1x16xf32>,
        %swap3A_185 = vector.shape_cast %swap3A_184 : vector<1x16xf32> to vector<16xf32>
        %swap3A_186 = vector.shape_cast %max3A_181 : vector<16xf32> to vector<1x16xf32>
        tpu.vector_store %arg11[%swap3A_182, %swap3A_183], %swap3A_186 {strides = array<i32>} : memref<128x128xf32, #tpu.memory_space<vmem>>, vector<1x16xf32>,
        %scan3A_187 = arith.constant 0 : i32
        scf.yield %scan3A_187 : i32
      }
      %scan3A_50 = arith.constant 128 : i32
      "tpu.region"() ({
        %run_scoped3A = tpu.sem_alloc : memref<!tpu.dma_semaphore, #tpu.memory_space<semaphore_mem>>
        %dma_start3A_52 = arith.constant 0 : i32
        %dma_start3A_53 = arith.constant 0 : i32
        %dma_start3A_54 = tpu.memref_slice %arg14[%dma_start3A_52, %dma_start3A_53] : memref<10240x128xf32, #tpu.memory_space<vmem_shared>> -> memref<10240x128xf32, #tpu.memory_space<vmem_shared>>
        tpu.enqueue_indirect_dma source(%arg11 : memref<128x128xf32, #tpu.memory_space<vmem>>) target(%dma_start3A_54 : memref<10240x128xf32, #tpu.memory_space<vmem_shared>>) offsets(%arg10 : memref<128xi32, #tpu.memory_space<vmem>>) semaphore(%run_scoped3A : memref<!tpu.dma_semaphore, #tpu.memory_space<semaphore_mem>>) {add = true}
        %dma_wait3A_55 = arith.constant 0 : i32
        %dma_wait3A_56 = arith.constant 0 : i32
        %dma_wait3A_57 = tpu.memref_slice %arg14[%dma_wait3A_55, %dma_wait3A_56] : memref<10240x128xf32, #tpu.memory_space<vmem_shared>> -> memref<10240x128xf32, #tpu.memory_space<vmem_shared>>
        tpu.wait_indirect_dma semaphore(%run_scoped3A : memref<!tpu.dma_semaphore, #tpu.memory_space<semaphore_mem>>) src(%arg11 : memref<128x128xf32, #tpu.memory_space<vmem>>) dst(%dma_wait3A_57 : memref<10240x128xf32, #tpu.memory_space<vmem_shared>>)
        tpu.yield
      }) : () -> ()
      %scan3A_51 = arith.constant 0 : i32
      scf.yield %scan3A_51 : i32
    }
    %scan3A_27 = arith.constant 79 : i32
    %barrier3A_28 = arith.constant 0 : index
    tpu.barrier barrier_id(%barrier3A_28)
    "tpu.region"() ({
      %run_scoped3A = tpu.sem_alloc : memref<!tpu.dma_semaphore, #tpu.memory_space<semaphore_mem>>
      %dma_start3A = arith.constant 0 : i32
      %dma_start3A_29 = tpu.memref_slice %arg7[%arg0, %mul3A_2, %dma_start3A] : memref<2x10240x128xf32, #tpu.memory_space<hbm>> -> memref<1x640x128xf32, #tpu.memory_space<hbm>>
      %dma_start3A_30 = tpu.memref_squeeze %dma_start3A_29 : memref<1x640x128xf32, #tpu.memory_space<hbm>> -> memref<640x128xf32, #tpu.memory_space<hbm>>
      %dma_start3A_31 = arith.constant 0 : i32
      %dma_start3A_32 = tpu.memref_slice %arg14[%mul3A_2, %dma_start3A_31] : memref<10240x128xf32, #tpu.memory_space<vmem_shared>> -> memref<640x128xf32, #tpu.memory_space<vmem_shared>>
      tpu.enqueue_dma source(%dma_start3A_32 : memref<640x128xf32, #tpu.memory_space<vmem_shared>>) target(%dma_start3A_30 : memref<640x128xf32, #tpu.memory_space<hbm>>) target_semaphore(%run_scoped3A : memref<!tpu.dma_semaphore, #tpu.memory_space<semaphore_mem>>)
      %dma_wait3A = arith.constant 0 : i32
      %dma_wait3A_33 = tpu.memref_slice %arg7[%arg0, %mul3A_2, %dma_wait3A] : memref<2x10240x128xf32, #tpu.memory_space<hbm>> -> memref<1x640x128xf32, #tpu.memory_space<hbm>>
      %dma_wait3A_34 = tpu.memref_squeeze %dma_wait3A_33 : memref<1x640x128xf32, #tpu.memory_space<hbm>> -> memref<640x128xf32, #tpu.memory_space<hbm>>
      %dma_wait3A_35 = arith.constant 0 : i32
      %dma_wait3A_36 = tpu.memref_slice %arg14[%mul3A_2, %dma_wait3A_35] : memref<10240x128xf32, #tpu.memory_space<vmem_shared>> -> memref<640x128xf32, #tpu.memory_space<vmem_shared>>
      tpu.wait_dma2 semaphore(%run_scoped3A : memref<!tpu.dma_semaphore, #tpu.memory_space<semaphore_mem>>) src(%dma_wait3A_36 : memref<640x128xf32, #tpu.memory_space<vmem_shared>>) dst(%dma_wait3A_34 : memref<640x128xf32, #tpu.memory_space<hbm>>)
      tpu.yield
    }) : () -> ()
    return
  }
}

#map = affine_map<(d0, d1) -> (0, 0)>
#map1 = affine_map<(d0, d1) -> (0)>
#map2 = affine_map<(d0, d1) -> (0, 0, 0)>
module attributes {stable_mosaic.version = 14 : i64} {
  func.func @_msg_aggr(%arg0: i32, %arg1: i32, %arg2: memref<10240x128xf32, #tpu.memory_space<hbm>>, %arg3: memref<4096x128xf32, #tpu.memory_space<hbm>>, %arg4: memref<323584xi32, #tpu.memory_space<hbm>>, %arg5: memref<323584xi32, #tpu.memory_space<hbm>>, %arg6: memref<323584xi32, #tpu.memory_space<hbm>>, %arg7: memref<2x10240x128xf32, #tpu.memory_space<hbm>>, %arg8: memref<128xi32, #tpu.memory_space<vmem>>, %arg9: memref<128xi32, #tpu.memory_space<vmem>>, %arg10: memref<128xi32, #tpu.memory_space<vmem>>, %arg11: memref<128x128xf32, #tpu.memory_space<vmem>>, %arg12: memref<128x128xf32, #tpu.memory_space<vmem>>, %arg13: memref<!tpu.dma_semaphore, #tpu.memory_space<semaphore_mem>>, %arg14: memref<10240x128xf32, #tpu.memory_space<vmem_shared>>) attributes {dimension_semantics = [#tpu.dimension_semantics<core_parallel>, #tpu.dimension_semantics<subcore_parallel>], iteration_bounds = array<i64: 2, 16>, scalar_prefetch = 0 : i64, scratch_operands = 7 : i64, tpu.core_type = #tpu.core_type<sc_vector_subcore>, window_params = [{transform_indices = #map}, {transform_indices = #map}, {transform_indices = #map1}, {transform_indices = #map1}, {transform_indices = #map1}, {transform_indices = #map2}]} {
    %mul3A = arith.constant 2 : i32
    %mul3A_0 = arith.muli %arg1, %mul3A : i32
    %add3A = arith.addi %mul3A_0, %arg0 : i32
    %mul3A_1 = arith.constant 640 : i32
    %mul3A_2 = arith.muli %arg1, %mul3A_1 : i32
    %scan3A = arith.constant 0 : i32
    %scan3A_3 = arith.constant 0 : i32
    %scan3A_4 = arith.constant 128 : i32
    %scan3A_5 = arith.addi %scan3A_3, %scan3A_4 : i32
    %scan3A_6 = arith.constant 1 : i32
    %scan3A_7 = scf.for %scan3A_29 = %scan3A_3 to %scan3A_5 step %scan3A_6 iter_args(%scan3A_30 = %scan3A) -> (i32)  : i32 {
      %broadcast_in_dim3A = arith.constant 0.000000e+00 : f32
      %broadcast_in_dim3A_31 = vector.broadcast %broadcast_in_dim3A : f32 to vector<16xf32>
      %swap3A = arith.index_cast %scan3A_29 : i32 to index
      %swap3A_32 = arith.constant 0 : index
      %swap3A_33 = tpu.vector_load %arg11[%swap3A, %swap3A_32] {strides = array<i32>} : memref<128x128xf32, #tpu.memory_space<vmem>>, vector<1x16xf32>,
      %swap3A_34 = vector.shape_cast %swap3A_33 : vector<1x16xf32> to vector<16xf32>
      %swap3A_35 = vector.shape_cast %broadcast_in_dim3A_31 : vector<16xf32> to vector<1x16xf32>
      tpu.vector_store %arg11[%swap3A, %swap3A_32], %swap3A_35 {strides = array<i32>} : memref<128x128xf32, #tpu.memory_space<vmem>>, vector<1x16xf32>,
      %broadcast_in_dim3A_36 = arith.constant 0.000000e+00 : f32
      %broadcast_in_dim3A_37 = vector.broadcast %broadcast_in_dim3A_36 : f32 to vector<16xf32>
      %swap3A_38 = arith.index_cast %scan3A_29 : i32 to index
      %swap3A_39 = arith.constant 16 : index
      %swap3A_40 = tpu.vector_load %arg11[%swap3A_38, %swap3A_39] {strides = array<i32>} : memref<128x128xf32, #tpu.memory_space<vmem>>, vector<1x16xf32>,
      %swap3A_41 = vector.shape_cast %swap3A_40 : vector<1x16xf32> to vector<16xf32>
      %swap3A_42 = vector.shape_cast %broadcast_in_dim3A_37 : vector<16xf32> to vector<1x16xf32>
      tpu.vector_store %arg11[%swap3A_38, %swap3A_39], %swap3A_42 {strides = array<i32>} : memref<128x128xf32, #tpu.memory_space<vmem>>, vector<1x16xf32>,
      %broadcast_in_dim3A_43 = arith.constant 0.000000e+00 : f32
      %broadcast_in_dim3A_44 = vector.broadcast %broadcast_in_dim3A_43 : f32 to vector<16xf32>
      %swap3A_45 = arith.index_cast %scan3A_29 : i32 to index
      %swap3A_46 = arith.constant 32 : index
      %swap3A_47 = tpu.vector_load %arg11[%swap3A_45, %swap3A_46] {strides = array<i32>} : memref<128x128xf32, #tpu.memory_space<vmem>>, vector<1x16xf32>,
      %swap3A_48 = vector.shape_cast %swap3A_47 : vector<1x16xf32> to vector<16xf32>
      %swap3A_49 = vector.shape_cast %broadcast_in_dim3A_44 : vector<16xf32> to vector<1x16xf32>
      tpu.vector_store %arg11[%swap3A_45, %swap3A_46], %swap3A_49 {strides = array<i32>} : memref<128x128xf32, #tpu.memory_space<vmem>>, vector<1x16xf32>,
      %broadcast_in_dim3A_50 = arith.constant 0.000000e+00 : f32
      %broadcast_in_dim3A_51 = vector.broadcast %broadcast_in_dim3A_50 : f32 to vector<16xf32>
      %swap3A_52 = arith.index_cast %scan3A_29 : i32 to index
      %swap3A_53 = arith.constant 48 : index
      %swap3A_54 = tpu.vector_load %arg11[%swap3A_52, %swap3A_53] {strides = array<i32>} : memref<128x128xf32, #tpu.memory_space<vmem>>, vector<1x16xf32>,
      %swap3A_55 = vector.shape_cast %swap3A_54 : vector<1x16xf32> to vector<16xf32>
      %swap3A_56 = vector.shape_cast %broadcast_in_dim3A_51 : vector<16xf32> to vector<1x16xf32>
      tpu.vector_store %arg11[%swap3A_52, %swap3A_53], %swap3A_56 {strides = array<i32>} : memref<128x128xf32, #tpu.memory_space<vmem>>, vector<1x16xf32>,
      %broadcast_in_dim3A_57 = arith.constant 0.000000e+00 : f32
      %broadcast_in_dim3A_58 = vector.broadcast %broadcast_in_dim3A_57 : f32 to vector<16xf32>
      %swap3A_59 = arith.index_cast %scan3A_29 : i32 to index
      %swap3A_60 = arith.constant 64 : index
      %swap3A_61 = tpu.vector_load %arg11[%swap3A_59, %swap3A_60] {strides = array<i32>} : memref<128x128xf32, #tpu.memory_space<vmem>>, vector<1x16xf32>,
      %swap3A_62 = vector.shape_cast %swap3A_61 : vector<1x16xf32> to vector<16xf32>
      %swap3A_63 = vector.shape_cast %broadcast_in_dim3A_58 : vector<16xf32> to vector<1x16xf32>
      tpu.vector_store %arg11[%swap3A_59, %swap3A_60], %swap3A_63 {strides = array<i32>} : memref<128x128xf32, #tpu.memory_space<vmem>>, vector<1x16xf32>,
      %broadcast_in_dim3A_64 = arith.constant 0.000000e+00 : f32
      %broadcast_in_dim3A_65 = vector.broadcast %broadcast_in_dim3A_64 : f32 to vector<16xf32>
      %swap3A_66 = arith.index_cast %scan3A_29 : i32 to index
      %swap3A_67 = arith.constant 80 : index
      %swap3A_68 = tpu.vector_load %arg11[%swap3A_66, %swap3A_67] {strides = array<i32>} : memref<128x128xf32, #tpu.memory_space<vmem>>, vector<1x16xf32>,
      %swap3A_69 = vector.shape_cast %swap3A_68 : vector<1x16xf32> to vector<16xf32>
      %swap3A_70 = vector.shape_cast %broadcast_in_dim3A_65 : vector<16xf32> to vector<1x16xf32>
      tpu.vector_store %arg11[%swap3A_66, %swap3A_67], %swap3A_70 {strides = array<i32>} : memref<128x128xf32, #tpu.memory_space<vmem>>, vector<1x16xf32>,
      %broadcast_in_dim3A_71 = arith.constant 0.000000e+00 : f32
      %broadcast_in_dim3A_72 = vector.broadcast %broadcast_in_dim3A_71 : f32 to vector<16xf32>
      %swap3A_73 = arith.index_cast %scan3A_29 : i32 to index
      %swap3A_74 = arith.constant 96 : index
      %swap3A_75 = tpu.vector_load %arg11[%swap3A_73, %swap3A_74] {strides = array<i32>} : memref<128x128xf32, #tpu.memory_space<vmem>>, vector<1x16xf32>,
      %swap3A_76 = vector.shape_cast %swap3A_75 : vector<1x16xf32> to vector<16xf32>
      %swap3A_77 = vector.shape_cast %broadcast_in_dim3A_72 : vector<16xf32> to vector<1x16xf32>
      tpu.vector_store %arg11[%swap3A_73, %swap3A_74], %swap3A_77 {strides = array<i32>} : memref<128x128xf32, #tpu.memory_space<vmem>>, vector<1x16xf32>,
      %broadcast_in_dim3A_78 = arith.constant 0.000000e+00 : f32
      %broadcast_in_dim3A_79 = vector.broadcast %broadcast_in_dim3A_78 : f32 to vector<16xf32>
      %swap3A_80 = arith.index_cast %scan3A_29 : i32 to index
      %swap3A_81 = arith.constant 112 : index
      %swap3A_82 = tpu.vector_load %arg11[%swap3A_80, %swap3A_81] {strides = array<i32>} : memref<128x128xf32, #tpu.memory_space<vmem>>, vector<1x16xf32>,
      %swap3A_83 = vector.shape_cast %swap3A_82 : vector<1x16xf32> to vector<16xf32>
      %swap3A_84 = vector.shape_cast %broadcast_in_dim3A_79 : vector<16xf32> to vector<1x16xf32>
      tpu.vector_store %arg11[%swap3A_80, %swap3A_81], %swap3A_84 {strides = array<i32>} : memref<128x128xf32, #tpu.memory_space<vmem>>, vector<1x16xf32>,
      %scan3A_85 = arith.constant 0 : i32
      scf.yield %scan3A_85 : i32
    }
    %scan3A_8 = arith.constant 128 : i32
    %add3A_9 = arith.constant 0 : i32
    %add3A_10 = arith.addi %mul3A_2, %add3A_9 : i32
    "tpu.region"() ({
      %run_scoped3A = tpu.sem_alloc : memref<!tpu.dma_semaphore, #tpu.memory_space<semaphore_mem>>
      %dma_start3A = arith.constant 0 : i32
      %dma_start3A_29 = tpu.memref_slice %arg14[%add3A_10, %dma_start3A] : memref<10240x128xf32, #tpu.memory_space<vmem_shared>> -> memref<128x128xf32, #tpu.memory_space<vmem_shared>>
      %dma_start3A_30 = arith.constant 0 : i32
      %dma_start3A_31 = tpu.memref_slice %arg14[%add3A_10, %dma_start3A_30] : memref<10240x128xf32, #tpu.memory_space<vmem_shared>> -> memref<128x128xf32, #tpu.memory_space<vmem_shared>>
      tpu.enqueue_dma source(%arg11 : memref<128x128xf32, #tpu.memory_space<vmem>>) target(%dma_start3A_31 : memref<128x128xf32, #tpu.memory_space<vmem_shared>>) target_semaphore(%run_scoped3A : memref<!tpu.dma_semaphore, #tpu.memory_space<semaphore_mem>>)
      %dma_wait3A = arith.constant 0 : i32
      %dma_wait3A_32 = tpu.memref_slice %arg14[%add3A_10, %dma_wait3A] : memref<10240x128xf32, #tpu.memory_space<vmem_shared>> -> memref<128x128xf32, #tpu.memory_space<vmem_shared>>
      %dma_wait3A_33 = arith.constant 0 : i32
      %dma_wait3A_34 = tpu.memref_slice %arg14[%add3A_10, %dma_wait3A_33] : memref<10240x128xf32, #tpu.memory_space<vmem_shared>> -> memref<128x128xf32, #tpu.memory_space<vmem_shared>>
      tpu.wait_dma2 semaphore(%run_scoped3A : memref<!tpu.dma_semaphore, #tpu.memory_space<semaphore_mem>>) src(%arg11 : memref<128x128xf32, #tpu.memory_space<vmem>>) dst(%dma_wait3A_34 : memref<128x128xf32, #tpu.memory_space<vmem_shared>>)
      tpu.yield
    }) : () -> ()
    %add3A_11 = arith.constant 128 : i32
    %add3A_12 = arith.addi %mul3A_2, %add3A_11 : i32
    "tpu.region"() ({
      %run_scoped3A = tpu.sem_alloc : memref<!tpu.dma_semaphore, #tpu.memory_space<semaphore_mem>>
      %dma_start3A = arith.constant 0 : i32
      %dma_start3A_29 = tpu.memref_slice %arg14[%add3A_12, %dma_start3A] : memref<10240x128xf32, #tpu.memory_space<vmem_shared>> -> memref<128x128xf32, #tpu.memory_space<vmem_shared>>
      %dma_start3A_30 = arith.constant 0 : i32
      %dma_start3A_31 = tpu.memref_slice %arg14[%add3A_12, %dma_start3A_30] : memref<10240x128xf32, #tpu.memory_space<vmem_shared>> -> memref<128x128xf32, #tpu.memory_space<vmem_shared>>
      tpu.enqueue_dma source(%arg11 : memref<128x128xf32, #tpu.memory_space<vmem>>) target(%dma_start3A_31 : memref<128x128xf32, #tpu.memory_space<vmem_shared>>) target_semaphore(%run_scoped3A : memref<!tpu.dma_semaphore, #tpu.memory_space<semaphore_mem>>)
      %dma_wait3A = arith.constant 0 : i32
      %dma_wait3A_32 = tpu.memref_slice %arg14[%add3A_12, %dma_wait3A] : memref<10240x128xf32, #tpu.memory_space<vmem_shared>> -> memref<128x128xf32, #tpu.memory_space<vmem_shared>>
      %dma_wait3A_33 = arith.constant 0 : i32
      %dma_wait3A_34 = tpu.memref_slice %arg14[%add3A_12, %dma_wait3A_33] : memref<10240x128xf32, #tpu.memory_space<vmem_shared>> -> memref<128x128xf32, #tpu.memory_space<vmem_shared>>
      tpu.wait_dma2 semaphore(%run_scoped3A : memref<!tpu.dma_semaphore, #tpu.memory_space<semaphore_mem>>) src(%arg11 : memref<128x128xf32, #tpu.memory_space<vmem>>) dst(%dma_wait3A_34 : memref<128x128xf32, #tpu.memory_space<vmem_shared>>)
      tpu.yield
    }) : () -> ()
    %add3A_13 = arith.constant 256 : i32
    %add3A_14 = arith.addi %mul3A_2, %add3A_13 : i32
    "tpu.region"() ({
      %run_scoped3A = tpu.sem_alloc : memref<!tpu.dma_semaphore, #tpu.memory_space<semaphore_mem>>
      %dma_start3A = arith.constant 0 : i32
      %dma_start3A_29 = tpu.memref_slice %arg14[%add3A_14, %dma_start3A] : memref<10240x128xf32, #tpu.memory_space<vmem_shared>> -> memref<128x128xf32, #tpu.memory_space<vmem_shared>>
      %dma_start3A_30 = arith.constant 0 : i32
      %dma_start3A_31 = tpu.memref_slice %arg14[%add3A_14, %dma_start3A_30] : memref<10240x128xf32, #tpu.memory_space<vmem_shared>> -> memref<128x128xf32, #tpu.memory_space<vmem_shared>>
      tpu.enqueue_dma source(%arg11 : memref<128x128xf32, #tpu.memory_space<vmem>>) target(%dma_start3A_31 : memref<128x128xf32, #tpu.memory_space<vmem_shared>>) target_semaphore(%run_scoped3A : memref<!tpu.dma_semaphore, #tpu.memory_space<semaphore_mem>>)
      %dma_wait3A = arith.constant 0 : i32
      %dma_wait3A_32 = tpu.memref_slice %arg14[%add3A_14, %dma_wait3A] : memref<10240x128xf32, #tpu.memory_space<vmem_shared>> -> memref<128x128xf32, #tpu.memory_space<vmem_shared>>
      %dma_wait3A_33 = arith.constant 0 : i32
      %dma_wait3A_34 = tpu.memref_slice %arg14[%add3A_14, %dma_wait3A_33] : memref<10240x128xf32, #tpu.memory_space<vmem_shared>> -> memref<128x128xf32, #tpu.memory_space<vmem_shared>>
      tpu.wait_dma2 semaphore(%run_scoped3A : memref<!tpu.dma_semaphore, #tpu.memory_space<semaphore_mem>>) src(%arg11 : memref<128x128xf32, #tpu.memory_space<vmem>>) dst(%dma_wait3A_34 : memref<128x128xf32, #tpu.memory_space<vmem_shared>>)
      tpu.yield
    }) : () -> ()
    %add3A_15 = arith.constant 384 : i32
    %add3A_16 = arith.addi %mul3A_2, %add3A_15 : i32
    "tpu.region"() ({
      %run_scoped3A = tpu.sem_alloc : memref<!tpu.dma_semaphore, #tpu.memory_space<semaphore_mem>>
      %dma_start3A = arith.constant 0 : i32
      %dma_start3A_29 = tpu.memref_slice %arg14[%add3A_16, %dma_start3A] : memref<10240x128xf32, #tpu.memory_space<vmem_shared>> -> memref<128x128xf32, #tpu.memory_space<vmem_shared>>
      %dma_start3A_30 = arith.constant 0 : i32
      %dma_start3A_31 = tpu.memref_slice %arg14[%add3A_16, %dma_start3A_30] : memref<10240x128xf32, #tpu.memory_space<vmem_shared>> -> memref<128x128xf32, #tpu.memory_space<vmem_shared>>
      tpu.enqueue_dma source(%arg11 : memref<128x128xf32, #tpu.memory_space<vmem>>) target(%dma_start3A_31 : memref<128x128xf32, #tpu.memory_space<vmem_shared>>) target_semaphore(%run_scoped3A : memref<!tpu.dma_semaphore, #tpu.memory_space<semaphore_mem>>)
      %dma_wait3A = arith.constant 0 : i32
      %dma_wait3A_32 = tpu.memref_slice %arg14[%add3A_16, %dma_wait3A] : memref<10240x128xf32, #tpu.memory_space<vmem_shared>> -> memref<128x128xf32, #tpu.memory_space<vmem_shared>>
      %dma_wait3A_33 = arith.constant 0 : i32
      %dma_wait3A_34 = tpu.memref_slice %arg14[%add3A_16, %dma_wait3A_33] : memref<10240x128xf32, #tpu.memory_space<vmem_shared>> -> memref<128x128xf32, #tpu.memory_space<vmem_shared>>
      tpu.wait_dma2 semaphore(%run_scoped3A : memref<!tpu.dma_semaphore, #tpu.memory_space<semaphore_mem>>) src(%arg11 : memref<128x128xf32, #tpu.memory_space<vmem>>) dst(%dma_wait3A_34 : memref<128x128xf32, #tpu.memory_space<vmem_shared>>)
      tpu.yield
    }) : () -> ()
    %add3A_17 = arith.constant 512 : i32
    %add3A_18 = arith.addi %mul3A_2, %add3A_17 : i32
    "tpu.region"() ({
      %run_scoped3A = tpu.sem_alloc : memref<!tpu.dma_semaphore, #tpu.memory_space<semaphore_mem>>
      %dma_start3A = arith.constant 0 : i32
      %dma_start3A_29 = tpu.memref_slice %arg14[%add3A_18, %dma_start3A] : memref<10240x128xf32, #tpu.memory_space<vmem_shared>> -> memref<128x128xf32, #tpu.memory_space<vmem_shared>>
      %dma_start3A_30 = arith.constant 0 : i32
      %dma_start3A_31 = tpu.memref_slice %arg14[%add3A_18, %dma_start3A_30] : memref<10240x128xf32, #tpu.memory_space<vmem_shared>> -> memref<128x128xf32, #tpu.memory_space<vmem_shared>>
      tpu.enqueue_dma source(%arg11 : memref<128x128xf32, #tpu.memory_space<vmem>>) target(%dma_start3A_31 : memref<128x128xf32, #tpu.memory_space<vmem_shared>>) target_semaphore(%run_scoped3A : memref<!tpu.dma_semaphore, #tpu.memory_space<semaphore_mem>>)
      %dma_wait3A = arith.constant 0 : i32
      %dma_wait3A_32 = tpu.memref_slice %arg14[%add3A_18, %dma_wait3A] : memref<10240x128xf32, #tpu.memory_space<vmem_shared>> -> memref<128x128xf32, #tpu.memory_space<vmem_shared>>
      %dma_wait3A_33 = arith.constant 0 : i32
      %dma_wait3A_34 = tpu.memref_slice %arg14[%add3A_18, %dma_wait3A_33] : memref<10240x128xf32, #tpu.memory_space<vmem_shared>> -> memref<128x128xf32, #tpu.memory_space<vmem_shared>>
      tpu.wait_dma2 semaphore(%run_scoped3A : memref<!tpu.dma_semaphore, #tpu.memory_space<semaphore_mem>>) src(%arg11 : memref<128x128xf32, #tpu.memory_space<vmem>>) dst(%dma_wait3A_34 : memref<128x128xf32, #tpu.memory_space<vmem_shared>>)
      tpu.yield
    }) : () -> ()
    %barrier3A = arith.constant 0 : index
    tpu.barrier barrier_id(%barrier3A)
    %mul3A_19 = arith.constant 10112 : i32
    %mul3A_20 = arith.muli %add3A, %mul3A_19 : i32
    %scan3A_21 = arith.constant 0 : i32
    %scan3A_22 = arith.constant 0 : i32
    %scan3A_23 = arith.constant 79 : i32
    %scan3A_24 = arith.addi %scan3A_22, %scan3A_23 : i32
    %scan3A_25 = arith.constant 1 : i32
    %scan3A_26 = scf.for %scan3A_29 = %scan3A_22 to %scan3A_24 step %scan3A_25 iter_args(%scan3A_30 = %scan3A_21) -> (i32)  : i32 {
      %mul3A_31 = arith.constant 128 : i32
      %mul3A_32 = arith.muli %scan3A_29, %mul3A_31 : i32
      %add3A_33 = arith.addi %mul3A_20, %mul3A_32 : i32
      "tpu.region"() ({
        %run_scoped3A = tpu.sem_alloc : memref<!tpu.dma_semaphore, #tpu.memory_space<semaphore_mem>>
        %dma_start3A_52 = tpu.memref_slice %arg4[%add3A_33] : memref<323584xi32, #tpu.memory_space<hbm>> -> memref<128xi32, #tpu.memory_space<hbm>>
        %dma_start3A_53 = tpu.memref_slice %arg4[%add3A_33] : memref<323584xi32, #tpu.memory_space<hbm>> -> memref<128xi32, #tpu.memory_space<hbm>>
        tpu.enqueue_dma source(%dma_start3A_53 : memref<128xi32, #tpu.memory_space<hbm>>) target(%arg8 : memref<128xi32, #tpu.memory_space<vmem>>) target_semaphore(%run_scoped3A : memref<!tpu.dma_semaphore, #tpu.memory_space<semaphore_mem>>)
        %dma_wait3A_54 = tpu.memref_slice %arg4[%add3A_33] : memref<323584xi32, #tpu.memory_space<hbm>> -> memref<128xi32, #tpu.memory_space<hbm>>
        %dma_wait3A_55 = tpu.memref_slice %arg4[%add3A_33] : memref<323584xi32, #tpu.memory_space<hbm>> -> memref<128xi32, #tpu.memory_space<hbm>>
        tpu.wait_dma2 semaphore(%run_scoped3A : memref<!tpu.dma_semaphore, #tpu.memory_space<semaphore_mem>>) src(%dma_wait3A_55 : memref<128xi32, #tpu.memory_space<hbm>>) dst(%arg8 : memref<128xi32, #tpu.memory_space<vmem>>)
        tpu.yield
      }) : () -> ()
      "tpu.region"() ({
        %run_scoped3A = tpu.sem_alloc : memref<!tpu.dma_semaphore, #tpu.memory_space<semaphore_mem>>
        %dma_start3A_52 = tpu.memref_slice %arg5[%add3A_33] : memref<323584xi32, #tpu.memory_space<hbm>> -> memref<128xi32, #tpu.memory_space<hbm>>
        %dma_start3A_53 = tpu.memref_slice %arg5[%add3A_33] : memref<323584xi32, #tpu.memory_space<hbm>> -> memref<128xi32, #tpu.memory_space<hbm>>
        tpu.enqueue_dma source(%dma_start3A_53 : memref<128xi32, #tpu.memory_space<hbm>>) target(%arg9 : memref<128xi32, #tpu.memory_space<vmem>>) target_semaphore(%run_scoped3A : memref<!tpu.dma_semaphore, #tpu.memory_space<semaphore_mem>>)
        %dma_wait3A_54 = tpu.memref_slice %arg5[%add3A_33] : memref<323584xi32, #tpu.memory_space<hbm>> -> memref<128xi32, #tpu.memory_space<hbm>>
        %dma_wait3A_55 = tpu.memref_slice %arg5[%add3A_33] : memref<323584xi32, #tpu.memory_space<hbm>> -> memref<128xi32, #tpu.memory_space<hbm>>
        tpu.wait_dma2 semaphore(%run_scoped3A : memref<!tpu.dma_semaphore, #tpu.memory_space<semaphore_mem>>) src(%dma_wait3A_55 : memref<128xi32, #tpu.memory_space<hbm>>) dst(%arg9 : memref<128xi32, #tpu.memory_space<vmem>>)
        tpu.yield
      }) : () -> ()
      "tpu.region"() ({
        %run_scoped3A = tpu.sem_alloc : memref<!tpu.dma_semaphore, #tpu.memory_space<semaphore_mem>>
        %dma_start3A_52 = tpu.memref_slice %arg6[%add3A_33] : memref<323584xi32, #tpu.memory_space<hbm>> -> memref<128xi32, #tpu.memory_space<hbm>>
        %dma_start3A_53 = tpu.memref_slice %arg6[%add3A_33] : memref<323584xi32, #tpu.memory_space<hbm>> -> memref<128xi32, #tpu.memory_space<hbm>>
        tpu.enqueue_dma source(%dma_start3A_53 : memref<128xi32, #tpu.memory_space<hbm>>) target(%arg10 : memref<128xi32, #tpu.memory_space<vmem>>) target_semaphore(%run_scoped3A : memref<!tpu.dma_semaphore, #tpu.memory_space<semaphore_mem>>)
        %dma_wait3A_54 = tpu.memref_slice %arg6[%add3A_33] : memref<323584xi32, #tpu.memory_space<hbm>> -> memref<128xi32, #tpu.memory_space<hbm>>
        %dma_wait3A_55 = tpu.memref_slice %arg6[%add3A_33] : memref<323584xi32, #tpu.memory_space<hbm>> -> memref<128xi32, #tpu.memory_space<hbm>>
        tpu.wait_dma2 semaphore(%run_scoped3A : memref<!tpu.dma_semaphore, #tpu.memory_space<semaphore_mem>>) src(%dma_wait3A_55 : memref<128xi32, #tpu.memory_space<hbm>>) dst(%arg10 : memref<128xi32, #tpu.memory_space<vmem>>)
        tpu.yield
      }) : () -> ()
      %dma_start3A = arith.constant 0 : i32
      %dma_start3A_34 = arith.constant 0 : i32
      %dma_start3A_35 = tpu.memref_slice %arg2[%dma_start3A, %dma_start3A_34] : memref<10240x128xf32, #tpu.memory_space<hbm>> -> memref<10240x128xf32, #tpu.memory_space<hbm>>
      tpu.enqueue_indirect_dma source(%dma_start3A_35 : memref<10240x128xf32, #tpu.memory_space<hbm>>) target(%arg11 : memref<128x128xf32, #tpu.memory_space<vmem>>) offsets(%arg8 : memref<128xi32, #tpu.memory_space<vmem>>) semaphore(%arg13 : memref<!tpu.dma_semaphore, #tpu.memory_space<semaphore_mem>>)
      %dma_start3A_36 = arith.constant 0 : i32
      %dma_start3A_37 = arith.constant 0 : i32
      %dma_start3A_38 = tpu.memref_slice %arg3[%dma_start3A_36, %dma_start3A_37] : memref<4096x128xf32, #tpu.memory_space<hbm>> -> memref<4096x128xf32, #tpu.memory_space<hbm>>
      tpu.enqueue_indirect_dma source(%dma_start3A_38 : memref<4096x128xf32, #tpu.memory_space<hbm>>) target(%arg12 : memref<128x128xf32, #tpu.memory_space<vmem>>) offsets(%arg9 : memref<128xi32, #tpu.memory_space<vmem>>) semaphore(%arg13 : memref<!tpu.dma_semaphore, #tpu.memory_space<semaphore_mem>>)
      %dma_wait3A = arith.constant 0 : i32
      %dma_wait3A_39 = arith.constant 0 : i32
      %dma_wait3A_40 = tpu.memref_slice %arg2[%dma_wait3A, %dma_wait3A_39] : memref<10240x128xf32, #tpu.memory_space<hbm>> -> memref<10240x128xf32, #tpu.memory_space<hbm>>
      tpu.wait_indirect_dma semaphore(%arg13 : memref<!tpu.dma_semaphore, #tpu.memory_space<semaphore_mem>>) src(%dma_wait3A_40 : memref<10240x128xf32, #tpu.memory_space<hbm>>) dst(%arg11 : memref<128x128xf32, #tpu.memory_space<vmem>>)
      %dma_wait3A_41 = arith.constant 0 : i32
      %dma_wait3A_42 = arith.constant 0 : i32
      %dma_wait3A_43 = tpu.memref_slice %arg3[%dma_wait3A_41, %dma_wait3A_42] : memref<4096x128xf32, #tpu.memory_space<hbm>> -> memref<4096x128xf32, #tpu.memory_space<hbm>>
      tpu.wait_indirect_dma semaphore(%arg13 : memref<!tpu.dma_semaphore, #tpu.memory_space<semaphore_mem>>) src(%dma_wait3A_43 : memref<4096x128xf32, #tpu.memory_space<hbm>>) dst(%arg12 : memref<128x128xf32, #tpu.memory_space<vmem>>)
      %scan3A_44 = arith.constant 0 : i32
      %scan3A_45 = arith.constant 0 : i32
      %scan3A_46 = arith.constant 128 : i32
      %scan3A_47 = arith.addi %scan3A_45, %scan3A_46 : i32
      %scan3A_48 = arith.constant 1 : i32
      %scan3A_49 = scf.for %scan3A_52 = %scan3A_45 to %scan3A_47 step %scan3A_48 iter_args(%scan3A_53 = %scan3A_44) -> (i32)  : i32 {
        %get3A = arith.index_cast %scan3A_52 : i32 to index
        %get3A_54 = arith.constant 0 : index
        %get3A_55 = tpu.vector_load %arg11[%get3A, %get3A_54] {strides = array<i32>} : memref<128x128xf32, #tpu.memory_space<vmem>>, vector<1x16xf32>,
        %get3A_56 = vector.shape_cast %get3A_55 : vector<1x16xf32> to vector<16xf32>
        %get3A_57 = arith.index_cast %scan3A_52 : i32 to index
        %get3A_58 = arith.constant 0 : index
        %get3A_59 = tpu.vector_load %arg12[%get3A_57, %get3A_58] {strides = array<i32>} : memref<128x128xf32, #tpu.memory_space<vmem>>, vector<1x16xf32>,
        %get3A_60 = vector.shape_cast %get3A_59 : vector<1x16xf32> to vector<16xf32>
        %add3A_61 = arith.addf %get3A_56, %get3A_60 : vector<16xf32>
        %max3A = arith.constant 0.000000e+00 : f32
        %max3A_62 = vector.broadcast %max3A : f32 to vector<16xf32>
        %max3A_63 = arith.maximumf %add3A_61, %max3A_62 : vector<16xf32>
        %swap3A = arith.index_cast %scan3A_52 : i32 to index
        %swap3A_64 = arith.constant 0 : index
        %swap3A_65 = tpu.vector_load %arg11[%swap3A, %swap3A_64] {strides = array<i32>} : memref<128x128xf32, #tpu.memory_space<vmem>>, vector<1x16xf32>,
        %swap3A_66 = vector.shape_cast %swap3A_65 : vector<1x16xf32> to vector<16xf32>
        %swap3A_67 = vector.shape_cast %max3A_63 : vector<16xf32> to vector<1x16xf32>
        tpu.vector_store %arg11[%swap3A, %swap3A_64], %swap3A_67 {strides = array<i32>} : memref<128x128xf32, #tpu.memory_space<vmem>>, vector<1x16xf32>,
        %get3A_68 = arith.index_cast %scan3A_52 : i32 to index
        %get3A_69 = arith.constant 16 : index
        %get3A_70 = tpu.vector_load %arg11[%get3A_68, %get3A_69] {strides = array<i32>} : memref<128x128xf32, #tpu.memory_space<vmem>>, vector<1x16xf32>,
        %get3A_71 = vector.shape_cast %get3A_70 : vector<1x16xf32> to vector<16xf32>
        %get3A_72 = arith.index_cast %scan3A_52 : i32 to index
        %get3A_73 = arith.constant 16 : index
        %get3A_74 = tpu.vector_load %arg12[%get3A_72, %get3A_73] {strides = array<i32>} : memref<128x128xf32, #tpu.memory_space<vmem>>, vector<1x16xf32>,
        %get3A_75 = vector.shape_cast %get3A_74 : vector<1x16xf32> to vector<16xf32>
        %add3A_76 = arith.addf %get3A_71, %get3A_75 : vector<16xf32>
        %max3A_77 = arith.constant 0.000000e+00 : f32
        %max3A_78 = vector.broadcast %max3A_77 : f32 to vector<16xf32>
        %max3A_79 = arith.maximumf %add3A_76, %max3A_78 : vector<16xf32>
        %swap3A_80 = arith.index_cast %scan3A_52 : i32 to index
        %swap3A_81 = arith.constant 16 : index
        %swap3A_82 = tpu.vector_load %arg11[%swap3A_80, %swap3A_81] {strides = array<i32>} : memref<128x128xf32, #tpu.memory_space<vmem>>, vector<1x16xf32>,
        %swap3A_83 = vector.shape_cast %swap3A_82 : vector<1x16xf32> to vector<16xf32>
        %swap3A_84 = vector.shape_cast %max3A_79 : vector<16xf32> to vector<1x16xf32>
        tpu.vector_store %arg11[%swap3A_80, %swap3A_81], %swap3A_84 {strides = array<i32>} : memref<128x128xf32, #tpu.memory_space<vmem>>, vector<1x16xf32>,
        %get3A_85 = arith.index_cast %scan3A_52 : i32 to index
        %get3A_86 = arith.constant 32 : index
        %get3A_87 = tpu.vector_load %arg11[%get3A_85, %get3A_86] {strides = array<i32>} : memref<128x128xf32, #tpu.memory_space<vmem>>, vector<1x16xf32>,
        %get3A_88 = vector.shape_cast %get3A_87 : vector<1x16xf32> to vector<16xf32>
        %get3A_89 = arith.index_cast %scan3A_52 : i32 to index
        %get3A_90 = arith.constant 32 : index
        %get3A_91 = tpu.vector_load %arg12[%get3A_89, %get3A_90] {strides = array<i32>} : memref<128x128xf32, #tpu.memory_space<vmem>>, vector<1x16xf32>,
        %get3A_92 = vector.shape_cast %get3A_91 : vector<1x16xf32> to vector<16xf32>
        %add3A_93 = arith.addf %get3A_88, %get3A_92 : vector<16xf32>
        %max3A_94 = arith.constant 0.000000e+00 : f32
        %max3A_95 = vector.broadcast %max3A_94 : f32 to vector<16xf32>
        %max3A_96 = arith.maximumf %add3A_93, %max3A_95 : vector<16xf32>
        %swap3A_97 = arith.index_cast %scan3A_52 : i32 to index
        %swap3A_98 = arith.constant 32 : index
        %swap3A_99 = tpu.vector_load %arg11[%swap3A_97, %swap3A_98] {strides = array<i32>} : memref<128x128xf32, #tpu.memory_space<vmem>>, vector<1x16xf32>,
        %swap3A_100 = vector.shape_cast %swap3A_99 : vector<1x16xf32> to vector<16xf32>
        %swap3A_101 = vector.shape_cast %max3A_96 : vector<16xf32> to vector<1x16xf32>
        tpu.vector_store %arg11[%swap3A_97, %swap3A_98], %swap3A_101 {strides = array<i32>} : memref<128x128xf32, #tpu.memory_space<vmem>>, vector<1x16xf32>,
        %get3A_102 = arith.index_cast %scan3A_52 : i32 to index
        %get3A_103 = arith.constant 48 : index
        %get3A_104 = tpu.vector_load %arg11[%get3A_102, %get3A_103] {strides = array<i32>} : memref<128x128xf32, #tpu.memory_space<vmem>>, vector<1x16xf32>,
        %get3A_105 = vector.shape_cast %get3A_104 : vector<1x16xf32> to vector<16xf32>
        %get3A_106 = arith.index_cast %scan3A_52 : i32 to index
        %get3A_107 = arith.constant 48 : index
        %get3A_108 = tpu.vector_load %arg12[%get3A_106, %get3A_107] {strides = array<i32>} : memref<128x128xf32, #tpu.memory_space<vmem>>, vector<1x16xf32>,
        %get3A_109 = vector.shape_cast %get3A_108 : vector<1x16xf32> to vector<16xf32>
        %add3A_110 = arith.addf %get3A_105, %get3A_109 : vector<16xf32>
        %max3A_111 = arith.constant 0.000000e+00 : f32
        %max3A_112 = vector.broadcast %max3A_111 : f32 to vector<16xf32>
        %max3A_113 = arith.maximumf %add3A_110, %max3A_112 : vector<16xf32>
        %swap3A_114 = arith.index_cast %scan3A_52 : i32 to index
        %swap3A_115 = arith.constant 48 : index
        %swap3A_116 = tpu.vector_load %arg11[%swap3A_114, %swap3A_115] {strides = array<i32>} : memref<128x128xf32, #tpu.memory_space<vmem>>, vector<1x16xf32>,
        %swap3A_117 = vector.shape_cast %swap3A_116 : vector<1x16xf32> to vector<16xf32>
        %swap3A_118 = vector.shape_cast %max3A_113 : vector<16xf32> to vector<1x16xf32>
        tpu.vector_store %arg11[%swap3A_114, %swap3A_115], %swap3A_118 {strides = array<i32>} : memref<128x128xf32, #tpu.memory_space<vmem>>, vector<1x16xf32>,
        %get3A_119 = arith.index_cast %scan3A_52 : i32 to index
        %get3A_120 = arith.constant 64 : index
        %get3A_121 = tpu.vector_load %arg11[%get3A_119, %get3A_120] {strides = array<i32>} : memref<128x128xf32, #tpu.memory_space<vmem>>, vector<1x16xf32>,
        %get3A_122 = vector.shape_cast %get3A_121 : vector<1x16xf32> to vector<16xf32>
        %get3A_123 = arith.index_cast %scan3A_52 : i32 to index
        %get3A_124 = arith.constant 64 : index
        %get3A_125 = tpu.vector_load %arg12[%get3A_123, %get3A_124] {strides = array<i32>} : memref<128x128xf32, #tpu.memory_space<vmem>>, vector<1x16xf32>,
        %get3A_126 = vector.shape_cast %get3A_125 : vector<1x16xf32> to vector<16xf32>
        %add3A_127 = arith.addf %get3A_122, %get3A_126 : vector<16xf32>
        %max3A_128 = arith.constant 0.000000e+00 : f32
        %max3A_129 = vector.broadcast %max3A_128 : f32 to vector<16xf32>
        %max3A_130 = arith.maximumf %add3A_127, %max3A_129 : vector<16xf32>
        %swap3A_131 = arith.index_cast %scan3A_52 : i32 to index
        %swap3A_132 = arith.constant 64 : index
        %swap3A_133 = tpu.vector_load %arg11[%swap3A_131, %swap3A_132] {strides = array<i32>} : memref<128x128xf32, #tpu.memory_space<vmem>>, vector<1x16xf32>,
        %swap3A_134 = vector.shape_cast %swap3A_133 : vector<1x16xf32> to vector<16xf32>
        %swap3A_135 = vector.shape_cast %max3A_130 : vector<16xf32> to vector<1x16xf32>
        tpu.vector_store %arg11[%swap3A_131, %swap3A_132], %swap3A_135 {strides = array<i32>} : memref<128x128xf32, #tpu.memory_space<vmem>>, vector<1x16xf32>,
        %get3A_136 = arith.index_cast %scan3A_52 : i32 to index
        %get3A_137 = arith.constant 80 : index
        %get3A_138 = tpu.vector_load %arg11[%get3A_136, %get3A_137] {strides = array<i32>} : memref<128x128xf32, #tpu.memory_space<vmem>>, vector<1x16xf32>,
        %get3A_139 = vector.shape_cast %get3A_138 : vector<1x16xf32> to vector<16xf32>
        %get3A_140 = arith.index_cast %scan3A_52 : i32 to index
        %get3A_141 = arith.constant 80 : index
        %get3A_142 = tpu.vector_load %arg12[%get3A_140, %get3A_141] {strides = array<i32>} : memref<128x128xf32, #tpu.memory_space<vmem>>, vector<1x16xf32>,
        %get3A_143 = vector.shape_cast %get3A_142 : vector<1x16xf32> to vector<16xf32>
        %add3A_144 = arith.addf %get3A_139, %get3A_143 : vector<16xf32>
        %max3A_145 = arith.constant 0.000000e+00 : f32
        %max3A_146 = vector.broadcast %max3A_145 : f32 to vector<16xf32>
        %max3A_147 = arith.maximumf %add3A_144, %max3A_146 : vector<16xf32>
        %swap3A_148 = arith.index_cast %scan3A_52 : i32 to index
        %swap3A_149 = arith.constant 80 : index
        %swap3A_150 = tpu.vector_load %arg11[%swap3A_148, %swap3A_149] {strides = array<i32>} : memref<128x128xf32, #tpu.memory_space<vmem>>, vector<1x16xf32>,
        %swap3A_151 = vector.shape_cast %swap3A_150 : vector<1x16xf32> to vector<16xf32>
        %swap3A_152 = vector.shape_cast %max3A_147 : vector<16xf32> to vector<1x16xf32>
        tpu.vector_store %arg11[%swap3A_148, %swap3A_149], %swap3A_152 {strides = array<i32>} : memref<128x128xf32, #tpu.memory_space<vmem>>, vector<1x16xf32>,
        %get3A_153 = arith.index_cast %scan3A_52 : i32 to index
        %get3A_154 = arith.constant 96 : index
        %get3A_155 = tpu.vector_load %arg11[%get3A_153, %get3A_154] {strides = array<i32>} : memref<128x128xf32, #tpu.memory_space<vmem>>, vector<1x16xf32>,
        %get3A_156 = vector.shape_cast %get3A_155 : vector<1x16xf32> to vector<16xf32>
        %get3A_157 = arith.index_cast %scan3A_52 : i32 to index
        %get3A_158 = arith.constant 96 : index
        %get3A_159 = tpu.vector_load %arg12[%get3A_157, %get3A_158] {strides = array<i32>} : memref<128x128xf32, #tpu.memory_space<vmem>>, vector<1x16xf32>,
        %get3A_160 = vector.shape_cast %get3A_159 : vector<1x16xf32> to vector<16xf32>
        %add3A_161 = arith.addf %get3A_156, %get3A_160 : vector<16xf32>
        %max3A_162 = arith.constant 0.000000e+00 : f32
        %max3A_163 = vector.broadcast %max3A_162 : f32 to vector<16xf32>
        %max3A_164 = arith.maximumf %add3A_161, %max3A_163 : vector<16xf32>
        %swap3A_165 = arith.index_cast %scan3A_52 : i32 to index
        %swap3A_166 = arith.constant 96 : index
        %swap3A_167 = tpu.vector_load %arg11[%swap3A_165, %swap3A_166] {strides = array<i32>} : memref<128x128xf32, #tpu.memory_space<vmem>>, vector<1x16xf32>,
        %swap3A_168 = vector.shape_cast %swap3A_167 : vector<1x16xf32> to vector<16xf32>
        %swap3A_169 = vector.shape_cast %max3A_164 : vector<16xf32> to vector<1x16xf32>
        tpu.vector_store %arg11[%swap3A_165, %swap3A_166], %swap3A_169 {strides = array<i32>} : memref<128x128xf32, #tpu.memory_space<vmem>>, vector<1x16xf32>,
        %get3A_170 = arith.index_cast %scan3A_52 : i32 to index
        %get3A_171 = arith.constant 112 : index
        %get3A_172 = tpu.vector_load %arg11[%get3A_170, %get3A_171] {strides = array<i32>} : memref<128x128xf32, #tpu.memory_space<vmem>>, vector<1x16xf32>,
        %get3A_173 = vector.shape_cast %get3A_172 : vector<1x16xf32> to vector<16xf32>
        %get3A_174 = arith.index_cast %scan3A_52 : i32 to index
        %get3A_175 = arith.constant 112 : index
        %get3A_176 = tpu.vector_load %arg12[%get3A_174, %get3A_175] {strides = array<i32>} : memref<128x128xf32, #tpu.memory_space<vmem>>, vector<1x16xf32>,
        %get3A_177 = vector.shape_cast %get3A_176 : vector<1x16xf32> to vector<16xf32>
        %add3A_178 = arith.addf %get3A_173, %get3A_177 : vector<16xf32>
        %max3A_179 = arith.constant 0.000000e+00 : f32
        %max3A_180 = vector.broadcast %max3A_179 : f32 to vector<16xf32>
        %max3A_181 = arith.maximumf %add3A_178, %max3A_180 : vector<16xf32>
        %swap3A_182 = arith.index_cast %scan3A_52 : i32 to index
        %swap3A_183 = arith.constant 112 : index
        %swap3A_184 = tpu.vector_load %arg11[%swap3A_182, %swap3A_183] {strides = array<i32>} : memref<128x128xf32, #tpu.memory_space<vmem>>, vector<1x16xf32>,
        %swap3A_185 = vector.shape_cast %swap3A_184 : vector<1x16xf32> to vector<16xf32>
        %swap3A_186 = vector.shape_cast %max3A_181 : vector<16xf32> to vector<1x16xf32>
        tpu.vector_store %arg11[%swap3A_182, %swap3A_183], %swap3A_186 {strides = array<i32>} : memref<128x128xf32, #tpu.memory_space<vmem>>, vector<1x16xf32>,
        %scan3A_187 = arith.constant 0 : i32
        scf.yield %scan3A_187 : i32
      }
      %scan3A_50 = arith.constant 128 : i32
      "tpu.region"() ({
        %run_scoped3A = tpu.sem_alloc : memref<!tpu.dma_semaphore, #tpu.memory_space<semaphore_mem>>
        %dma_start3A_52 = arith.constant 0 : i32
        %dma_start3A_53 = arith.constant 0 : i32
        %dma_start3A_54 = tpu.memref_slice %arg14[%dma_start3A_52, %dma_start3A_53] : memref<10240x128xf32, #tpu.memory_space<vmem_shared>> -> memref<10240x128xf32, #tpu.memory_space<vmem_shared>>
        tpu.enqueue_indirect_dma source(%arg11 : memref<128x128xf32, #tpu.memory_space<vmem>>) target(%dma_start3A_54 : memref<10240x128xf32, #tpu.memory_space<vmem_shared>>) offsets(%arg10 : memref<128xi32, #tpu.memory_space<vmem>>) semaphore(%run_scoped3A : memref<!tpu.dma_semaphore, #tpu.memory_space<semaphore_mem>>) {add = true}
        %dma_wait3A_55 = arith.constant 0 : i32
        %dma_wait3A_56 = arith.constant 0 : i32
        %dma_wait3A_57 = tpu.memref_slice %arg14[%dma_wait3A_55, %dma_wait3A_56] : memref<10240x128xf32, #tpu.memory_space<vmem_shared>> -> memref<10240x128xf32, #tpu.memory_space<vmem_shared>>
        tpu.wait_indirect_dma semaphore(%run_scoped3A : memref<!tpu.dma_semaphore, #tpu.memory_space<semaphore_mem>>) src(%arg11 : memref<128x128xf32, #tpu.memory_space<vmem>>) dst(%dma_wait3A_57 : memref<10240x128xf32, #tpu.memory_space<vmem_shared>>)
        tpu.yield
      }) : () -> ()
      %scan3A_51 = arith.constant 0 : i32
      scf.yield %scan3A_51 : i32
    }
    %scan3A_27 = arith.constant 79 : i32
    %barrier3A_28 = arith.constant 0 : index
    tpu.barrier barrier_id(%barrier3A_28)
    "tpu.region"() ({
      %run_scoped3A = tpu.sem_alloc : memref<!tpu.dma_semaphore, #tpu.memory_space<semaphore_mem>>
      %dma_start3A = arith.constant 0 : i32
      %dma_start3A_29 = tpu.memref_slice %arg7[%arg0, %mul3A_2, %dma_start3A] : memref<2x10240x128xf32, #tpu.memory_space<hbm>> -> memref<1x640x128xf32, #tpu.memory_space<hbm>>
      %dma_start3A_30 = tpu.memref_squeeze %dma_start3A_29 : memref<1x640x128xf32, #tpu.memory_space<hbm>> -> memref<640x128xf32, #tpu.memory_space<hbm>>
      %dma_start3A_31 = arith.constant 0 : i32
      %dma_start3A_32 = tpu.memref_slice %arg14[%mul3A_2, %dma_start3A_31] : memref<10240x128xf32, #tpu.memory_space<vmem_shared>> -> memref<640x128xf32, #tpu.memory_space<vmem_shared>>
      tpu.enqueue_dma source(%dma_start3A_32 : memref<640x128xf32, #tpu.memory_space<vmem_shared>>) target(%dma_start3A_30 : memref<640x128xf32, #tpu.memory_space<hbm>>) target_semaphore(%run_scoped3A : memref<!tpu.dma_semaphore, #tpu.memory_space<semaphore_mem>>)
      %dma_wait3A = arith.constant 0 : i32
      %dma_wait3A_33 = tpu.memref_slice %arg7[%arg0, %mul3A_2, %dma_wait3A] : memref<2x10240x128xf32, #tpu.memory_space<hbm>> -> memref<1x640x128xf32, #tpu.memory_space<hbm>>
      %dma_wait3A_34 = tpu.memref_squeeze %dma_wait3A_33 : memref<1x640x128xf32, #tpu.memory_space<hbm>> -> memref<640x128xf32, #tpu.memory_space<hbm>>
      %dma_wait3A_35 = arith.constant 0 : i32
      %dma_wait3A_36 = tpu.memref_slice %arg14[%mul3A_2, %dma_wait3A_35] : memref<10240x128xf32, #tpu.memory_space<vmem_shared>> -> memref<640x128xf32, #tpu.memory_space<vmem_shared>>
      tpu.wait_dma2 semaphore(%run_scoped3A : memref<!tpu.dma_semaphore, #tpu.memory_space<semaphore_mem>>) src(%dma_wait3A_36 : memref<640x128xf32, #tpu.memory_space<vmem_shared>>) dst(%dma_wait3A_34 : memref<640x128xf32, #tpu.memory_space<hbm>>)
      tpu.yield
    }) : () -> ()
    return
  }
}

#map = affine_map<(d0, d1) -> (0)>
#map1 = affine_map<(d0, d1) -> (0, 0)>
module attributes {stable_mosaic.version = 14 : i64} {
  func.func @_atom_encode(%arg0: i32, %arg1: i32, %arg2: memref<92160xi32, #tpu.memory_space<hbm>>, %arg3: memref<1152x128xf32, #tpu.memory_space<hbm>>, %arg4: memref<10240x128xf32, #tpu.memory_space<hbm>>, %arg5: memref<9x64xi32, #tpu.memory_space<vmem>>, %arg6: memref<576x128xf32, #tpu.memory_space<vmem>>, %arg7: memref<64x128xf32, #tpu.memory_space<vmem>>, %arg8: memref<!tpu.dma_semaphore, #tpu.memory_space<semaphore_mem>>) attributes {dimension_semantics = [#tpu.dimension_semantics<core_parallel>, #tpu.dimension_semantics<subcore_parallel>], iteration_bounds = array<i64: 2, 16>, scalar_prefetch = 0 : i64, scratch_operands = 4 : i64, tpu.core_type = #tpu.core_type<sc_vector_subcore>, window_params = [{transform_indices = #map}, {transform_indices = #map1}, {transform_indices = #map1}]} {
    %mul3A = arith.constant 2 : i32
    %mul3A_0 = arith.muli %arg1, %mul3A : i32
    %add3A = arith.addi %mul3A_0, %arg0 : i32
    %mul3A_1 = arith.constant 320 : i32
    %mul3A_2 = arith.muli %add3A, %mul3A_1 : i32
    %scan3A = arith.constant 0 : i32
    %scan3A_3 = arith.constant 0 : i32
    %scan3A_4 = arith.constant 5 : i32
    %scan3A_5 = arith.addi %scan3A_3, %scan3A_4 : i32
    %scan3A_6 = arith.constant 1 : i32
    %scan3A_7 = scf.for %scan3A_9 = %scan3A_3 to %scan3A_5 step %scan3A_6 iter_args(%scan3A_10 = %scan3A) -> (i32)  : i32 {
      %mul3A_11 = arith.constant 64 : i32
      %mul3A_12 = arith.muli %scan3A_9, %mul3A_11 : i32
      %add3A_13 = arith.addi %mul3A_2, %mul3A_12 : i32
      %add3A_14 = arith.constant 0 : i32
      %add3A_15 = arith.addi %add3A_14, %add3A_13 : i32
      %run_scoped3A = arith.constant 0 : i32
      "tpu.region"() ({
        %run_scoped3A_226 = tpu.sem_alloc : memref<!tpu.dma_semaphore, #tpu.memory_space<semaphore_mem>>
        %dma_start3A_227 = arith.constant 0 : i32
        %dma_start3A_228 = tpu.memref_slice %arg5[%run_scoped3A, %dma_start3A_227] : memref<9x64xi32, #tpu.memory_space<vmem>> -> memref<1x64xi32, #tpu.memory_space<vmem>>
        %dma_start3A_229 = tpu.memref_squeeze %dma_start3A_228 : memref<1x64xi32, #tpu.memory_space<vmem>> -> memref<64xi32, #tpu.memory_space<vmem>>
        %dma_start3A_230 = tpu.memref_slice %arg2[%add3A_15] : memref<92160xi32, #tpu.memory_space<hbm>> -> memref<64xi32, #tpu.memory_space<hbm>>
        %dma_start3A_231 = arith.constant 0 : i32
        %dma_start3A_232 = tpu.memref_slice %arg5[%run_scoped3A, %dma_start3A_231] : memref<9x64xi32, #tpu.memory_space<vmem>> -> memref<1x64xi32, #tpu.memory_space<vmem>>
        %dma_start3A_233 = tpu.memref_squeeze %dma_start3A_232 : memref<1x64xi32, #tpu.memory_space<vmem>> -> memref<64xi32, #tpu.memory_space<vmem>>
        %dma_start3A_234 = tpu.memref_slice %arg2[%add3A_15] : memref<92160xi32, #tpu.memory_space<hbm>> -> memref<64xi32, #tpu.memory_space<hbm>>
        tpu.enqueue_dma source(%dma_start3A_234 : memref<64xi32, #tpu.memory_space<hbm>>) target(%dma_start3A_233 : memref<64xi32, #tpu.memory_space<vmem>>) target_semaphore(%run_scoped3A_226 : memref<!tpu.dma_semaphore, #tpu.memory_space<semaphore_mem>>)
        %dma_wait3A_235 = arith.constant 0 : i32
        %dma_wait3A_236 = tpu.memref_slice %arg5[%run_scoped3A, %dma_wait3A_235] : memref<9x64xi32, #tpu.memory_space<vmem>> -> memref<1x64xi32, #tpu.memory_space<vmem>>
        %dma_wait3A_237 = tpu.memref_squeeze %dma_wait3A_236 : memref<1x64xi32, #tpu.memory_space<vmem>> -> memref<64xi32, #tpu.memory_space<vmem>>
        %dma_wait3A_238 = tpu.memref_slice %arg2[%add3A_15] : memref<92160xi32, #tpu.memory_space<hbm>> -> memref<64xi32, #tpu.memory_space<hbm>>
        %dma_wait3A_239 = arith.constant 0 : i32
        %dma_wait3A_240 = tpu.memref_slice %arg5[%run_scoped3A, %dma_wait3A_239] : memref<9x64xi32, #tpu.memory_space<vmem>> -> memref<1x64xi32, #tpu.memory_space<vmem>>
        %dma_wait3A_241 = tpu.memref_squeeze %dma_wait3A_240 : memref<1x64xi32, #tpu.memory_space<vmem>> -> memref<64xi32, #tpu.memory_space<vmem>>
        %dma_wait3A_242 = tpu.memref_slice %arg2[%add3A_15] : memref<92160xi32, #tpu.memory_space<hbm>> -> memref<64xi32, #tpu.memory_space<hbm>>
        tpu.wait_dma2 semaphore(%run_scoped3A_226 : memref<!tpu.dma_semaphore, #tpu.memory_space<semaphore_mem>>) src(%dma_wait3A_242 : memref<64xi32, #tpu.memory_space<hbm>>) dst(%dma_wait3A_241 : memref<64xi32, #tpu.memory_space<vmem>>)
        tpu.yield
      }) : () -> ()
      %add3A_16 = arith.constant 10240 : i32
      %add3A_17 = arith.addi %add3A_16, %add3A_13 : i32
      %run_scoped3A_18 = arith.constant 1 : i32
      "tpu.region"() ({
        %run_scoped3A_226 = tpu.sem_alloc : memref<!tpu.dma_semaphore, #tpu.memory_space<semaphore_mem>>
        %dma_start3A_227 = arith.constant 0 : i32
        %dma_start3A_228 = tpu.memref_slice %arg5[%run_scoped3A_18, %dma_start3A_227] : memref<9x64xi32, #tpu.memory_space<vmem>> -> memref<1x64xi32, #tpu.memory_space<vmem>>
        %dma_start3A_229 = tpu.memref_squeeze %dma_start3A_228 : memref<1x64xi32, #tpu.memory_space<vmem>> -> memref<64xi32, #tpu.memory_space<vmem>>
        %dma_start3A_230 = tpu.memref_slice %arg2[%add3A_17] : memref<92160xi32, #tpu.memory_space<hbm>> -> memref<64xi32, #tpu.memory_space<hbm>>
        %dma_start3A_231 = arith.constant 0 : i32
        %dma_start3A_232 = tpu.memref_slice %arg5[%run_scoped3A_18, %dma_start3A_231] : memref<9x64xi32, #tpu.memory_space<vmem>> -> memref<1x64xi32, #tpu.memory_space<vmem>>
        %dma_start3A_233 = tpu.memref_squeeze %dma_start3A_232 : memref<1x64xi32, #tpu.memory_space<vmem>> -> memref<64xi32, #tpu.memory_space<vmem>>
        %dma_start3A_234 = tpu.memref_slice %arg2[%add3A_17] : memref<92160xi32, #tpu.memory_space<hbm>> -> memref<64xi32, #tpu.memory_space<hbm>>
        tpu.enqueue_dma source(%dma_start3A_234 : memref<64xi32, #tpu.memory_space<hbm>>) target(%dma_start3A_233 : memref<64xi32, #tpu.memory_space<vmem>>) target_semaphore(%run_scoped3A_226 : memref<!tpu.dma_semaphore, #tpu.memory_space<semaphore_mem>>)
        %dma_wait3A_235 = arith.constant 0 : i32
        %dma_wait3A_236 = tpu.memref_slice %arg5[%run_scoped3A_18, %dma_wait3A_235] : memref<9x64xi32, #tpu.memory_space<vmem>> -> memref<1x64xi32, #tpu.memory_space<vmem>>
        %dma_wait3A_237 = tpu.memref_squeeze %dma_wait3A_236 : memref<1x64xi32, #tpu.memory_space<vmem>> -> memref<64xi32, #tpu.memory_space<vmem>>
        %dma_wait3A_238 = tpu.memref_slice %arg2[%add3A_17] : memref<92160xi32, #tpu.memory_space<hbm>> -> memref<64xi32, #tpu.memory_space<hbm>>
        %dma_wait3A_239 = arith.constant 0 : i32
        %dma_wait3A_240 = tpu.memref_slice %arg5[%run_scoped3A_18, %dma_wait3A_239] : memref<9x64xi32, #tpu.memory_space<vmem>> -> memref<1x64xi32, #tpu.memory_space<vmem>>
        %dma_wait3A_241 = tpu.memref_squeeze %dma_wait3A_240 : memref<1x64xi32, #tpu.memory_space<vmem>> -> memref<64xi32, #tpu.memory_space<vmem>>
        %dma_wait3A_242 = tpu.memref_slice %arg2[%add3A_17] : memref<92160xi32, #tpu.memory_space<hbm>> -> memref<64xi32, #tpu.memory_space<hbm>>
        tpu.wait_dma2 semaphore(%run_scoped3A_226 : memref<!tpu.dma_semaphore, #tpu.memory_space<semaphore_mem>>) src(%dma_wait3A_242 : memref<64xi32, #tpu.memory_space<hbm>>) dst(%dma_wait3A_241 : memref<64xi32, #tpu.memory_space<vmem>>)
        tpu.yield
      }) : () -> ()
      %add3A_19 = arith.constant 20480 : i32
      %add3A_20 = arith.addi %add3A_19, %add3A_13 : i32
      %run_scoped3A_21 = arith.constant 2 : i32
      "tpu.region"() ({
        %run_scoped3A_226 = tpu.sem_alloc : memref<!tpu.dma_semaphore, #tpu.memory_space<semaphore_mem>>
        %dma_start3A_227 = arith.constant 0 : i32
        %dma_start3A_228 = tpu.memref_slice %arg5[%run_scoped3A_21, %dma_start3A_227] : memref<9x64xi32, #tpu.memory_space<vmem>> -> memref<1x64xi32, #tpu.memory_space<vmem>>
        %dma_start3A_229 = tpu.memref_squeeze %dma_start3A_228 : memref<1x64xi32, #tpu.memory_space<vmem>> -> memref<64xi32, #tpu.memory_space<vmem>>
        %dma_start3A_230 = tpu.memref_slice %arg2[%add3A_20] : memref<92160xi32, #tpu.memory_space<hbm>> -> memref<64xi32, #tpu.memory_space<hbm>>
        %dma_start3A_231 = arith.constant 0 : i32
        %dma_start3A_232 = tpu.memref_slice %arg5[%run_scoped3A_21, %dma_start3A_231] : memref<9x64xi32, #tpu.memory_space<vmem>> -> memref<1x64xi32, #tpu.memory_space<vmem>>
        %dma_start3A_233 = tpu.memref_squeeze %dma_start3A_232 : memref<1x64xi32, #tpu.memory_space<vmem>> -> memref<64xi32, #tpu.memory_space<vmem>>
        %dma_start3A_234 = tpu.memref_slice %arg2[%add3A_20] : memref<92160xi32, #tpu.memory_space<hbm>> -> memref<64xi32, #tpu.memory_space<hbm>>
        tpu.enqueue_dma source(%dma_start3A_234 : memref<64xi32, #tpu.memory_space<hbm>>) target(%dma_start3A_233 : memref<64xi32, #tpu.memory_space<vmem>>) target_semaphore(%run_scoped3A_226 : memref<!tpu.dma_semaphore, #tpu.memory_space<semaphore_mem>>)
        %dma_wait3A_235 = arith.constant 0 : i32
        %dma_wait3A_236 = tpu.memref_slice %arg5[%run_scoped3A_21, %dma_wait3A_235] : memref<9x64xi32, #tpu.memory_space<vmem>> -> memref<1x64xi32, #tpu.memory_space<vmem>>
        %dma_wait3A_237 = tpu.memref_squeeze %dma_wait3A_236 : memref<1x64xi32, #tpu.memory_space<vmem>> -> memref<64xi32, #tpu.memory_space<vmem>>
        %dma_wait3A_238 = tpu.memref_slice %arg2[%add3A_20] : memref<92160xi32, #tpu.memory_space<hbm>> -> memref<64xi32, #tpu.memory_space<hbm>>
        %dma_wait3A_239 = arith.constant 0 : i32
        %dma_wait3A_240 = tpu.memref_slice %arg5[%run_scoped3A_21, %dma_wait3A_239] : memref<9x64xi32, #tpu.memory_space<vmem>> -> memref<1x64xi32, #tpu.memory_space<vmem>>
        %dma_wait3A_241 = tpu.memref_squeeze %dma_wait3A_240 : memref<1x64xi32, #tpu.memory_space<vmem>> -> memref<64xi32, #tpu.memory_space<vmem>>
        %dma_wait3A_242 = tpu.memref_slice %arg2[%add3A_20] : memref<92160xi32, #tpu.memory_space<hbm>> -> memref<64xi32, #tpu.memory_space<hbm>>
        tpu.wait_dma2 semaphore(%run_scoped3A_226 : memref<!tpu.dma_semaphore, #tpu.memory_space<semaphore_mem>>) src(%dma_wait3A_242 : memref<64xi32, #tpu.memory_space<hbm>>) dst(%dma_wait3A_241 : memref<64xi32, #tpu.memory_space<vmem>>)
        tpu.yield
      }) : () -> ()
      %add3A_22 = arith.constant 30720 : i32
      %add3A_23 = arith.addi %add3A_22, %add3A_13 : i32
      %run_scoped3A_24 = arith.constant 3 : i32
      "tpu.region"() ({
        %run_scoped3A_226 = tpu.sem_alloc : memref<!tpu.dma_semaphore, #tpu.memory_space<semaphore_mem>>
        %dma_start3A_227 = arith.constant 0 : i32
        %dma_start3A_228 = tpu.memref_slice %arg5[%run_scoped3A_24, %dma_start3A_227] : memref<9x64xi32, #tpu.memory_space<vmem>> -> memref<1x64xi32, #tpu.memory_space<vmem>>
        %dma_start3A_229 = tpu.memref_squeeze %dma_start3A_228 : memref<1x64xi32, #tpu.memory_space<vmem>> -> memref<64xi32, #tpu.memory_space<vmem>>
        %dma_start3A_230 = tpu.memref_slice %arg2[%add3A_23] : memref<92160xi32, #tpu.memory_space<hbm>> -> memref<64xi32, #tpu.memory_space<hbm>>
        %dma_start3A_231 = arith.constant 0 : i32
        %dma_start3A_232 = tpu.memref_slice %arg5[%run_scoped3A_24, %dma_start3A_231] : memref<9x64xi32, #tpu.memory_space<vmem>> -> memref<1x64xi32, #tpu.memory_space<vmem>>
        %dma_start3A_233 = tpu.memref_squeeze %dma_start3A_232 : memref<1x64xi32, #tpu.memory_space<vmem>> -> memref<64xi32, #tpu.memory_space<vmem>>
        %dma_start3A_234 = tpu.memref_slice %arg2[%add3A_23] : memref<92160xi32, #tpu.memory_space<hbm>> -> memref<64xi32, #tpu.memory_space<hbm>>
        tpu.enqueue_dma source(%dma_start3A_234 : memref<64xi32, #tpu.memory_space<hbm>>) target(%dma_start3A_233 : memref<64xi32, #tpu.memory_space<vmem>>) target_semaphore(%run_scoped3A_226 : memref<!tpu.dma_semaphore, #tpu.memory_space<semaphore_mem>>)
        %dma_wait3A_235 = arith.constant 0 : i32
        %dma_wait3A_236 = tpu.memref_slice %arg5[%run_scoped3A_24, %dma_wait3A_235] : memref<9x64xi32, #tpu.memory_space<vmem>> -> memref<1x64xi32, #tpu.memory_space<vmem>>
        %dma_wait3A_237 = tpu.memref_squeeze %dma_wait3A_236 : memref<1x64xi32, #tpu.memory_space<vmem>> -> memref<64xi32, #tpu.memory_space<vmem>>
        %dma_wait3A_238 = tpu.memref_slice %arg2[%add3A_23] : memref<92160xi32, #tpu.memory_space<hbm>> -> memref<64xi32, #tpu.memory_space<hbm>>
        %dma_wait3A_239 = arith.constant 0 : i32
        %dma_wait3A_240 = tpu.memref_slice %arg5[%run_scoped3A_24, %dma_wait3A_239] : memref<9x64xi32, #tpu.memory_space<vmem>> -> memref<1x64xi32, #tpu.memory_space<vmem>>
        %dma_wait3A_241 = tpu.memref_squeeze %dma_wait3A_240 : memref<1x64xi32, #tpu.memory_space<vmem>> -> memref<64xi32, #tpu.memory_space<vmem>>
        %dma_wait3A_242 = tpu.memref_slice %arg2[%add3A_23] : memref<92160xi32, #tpu.memory_space<hbm>> -> memref<64xi32, #tpu.memory_space<hbm>>
        tpu.wait_dma2 semaphore(%run_scoped3A_226 : memref<!tpu.dma_semaphore, #tpu.memory_space<semaphore_mem>>) src(%dma_wait3A_242 : memref<64xi32, #tpu.memory_space<hbm>>) dst(%dma_wait3A_241 : memref<64xi32, #tpu.memory_space<vmem>>)
        tpu.yield
      }) : () -> ()
      %add3A_25 = arith.constant 40960 : i32
      %add3A_26 = arith.addi %add3A_25, %add3A_13 : i32
      %run_scoped3A_27 = arith.constant 4 : i32
      "tpu.region"() ({
        %run_scoped3A_226 = tpu.sem_alloc : memref<!tpu.dma_semaphore, #tpu.memory_space<semaphore_mem>>
        %dma_start3A_227 = arith.constant 0 : i32
        %dma_start3A_228 = tpu.memref_slice %arg5[%run_scoped3A_27, %dma_start3A_227] : memref<9x64xi32, #tpu.memory_space<vmem>> -> memref<1x64xi32, #tpu.memory_space<vmem>>
        %dma_start3A_229 = tpu.memref_squeeze %dma_start3A_228 : memref<1x64xi32, #tpu.memory_space<vmem>> -> memref<64xi32, #tpu.memory_space<vmem>>
        %dma_start3A_230 = tpu.memref_slice %arg2[%add3A_26] : memref<92160xi32, #tpu.memory_space<hbm>> -> memref<64xi32, #tpu.memory_space<hbm>>
        %dma_start3A_231 = arith.constant 0 : i32
        %dma_start3A_232 = tpu.memref_slice %arg5[%run_scoped3A_27, %dma_start3A_231] : memref<9x64xi32, #tpu.memory_space<vmem>> -> memref<1x64xi32, #tpu.memory_space<vmem>>
        %dma_start3A_233 = tpu.memref_squeeze %dma_start3A_232 : memref<1x64xi32, #tpu.memory_space<vmem>> -> memref<64xi32, #tpu.memory_space<vmem>>
        %dma_start3A_234 = tpu.memref_slice %arg2[%add3A_26] : memref<92160xi32, #tpu.memory_space<hbm>> -> memref<64xi32, #tpu.memory_space<hbm>>
        tpu.enqueue_dma source(%dma_start3A_234 : memref<64xi32, #tpu.memory_space<hbm>>) target(%dma_start3A_233 : memref<64xi32, #tpu.memory_space<vmem>>) target_semaphore(%run_scoped3A_226 : memref<!tpu.dma_semaphore, #tpu.memory_space<semaphore_mem>>)
        %dma_wait3A_235 = arith.constant 0 : i32
        %dma_wait3A_236 = tpu.memref_slice %arg5[%run_scoped3A_27, %dma_wait3A_235] : memref<9x64xi32, #tpu.memory_space<vmem>> -> memref<1x64xi32, #tpu.memory_space<vmem>>
        %dma_wait3A_237 = tpu.memref_squeeze %dma_wait3A_236 : memref<1x64xi32, #tpu.memory_space<vmem>> -> memref<64xi32, #tpu.memory_space<vmem>>
        %dma_wait3A_238 = tpu.memref_slice %arg2[%add3A_26] : memref<92160xi32, #tpu.memory_space<hbm>> -> memref<64xi32, #tpu.memory_space<hbm>>
        %dma_wait3A_239 = arith.constant 0 : i32
        %dma_wait3A_240 = tpu.memref_slice %arg5[%run_scoped3A_27, %dma_wait3A_239] : memref<9x64xi32, #tpu.memory_space<vmem>> -> memref<1x64xi32, #tpu.memory_space<vmem>>
        %dma_wait3A_241 = tpu.memref_squeeze %dma_wait3A_240 : memref<1x64xi32, #tpu.memory_space<vmem>> -> memref<64xi32, #tpu.memory_space<vmem>>
        %dma_wait3A_242 = tpu.memref_slice %arg2[%add3A_26] : memref<92160xi32, #tpu.memory_space<hbm>> -> memref<64xi32, #tpu.memory_space<hbm>>
        tpu.wait_dma2 semaphore(%run_scoped3A_226 : memref<!tpu.dma_semaphore, #tpu.memory_space<semaphore_mem>>) src(%dma_wait3A_242 : memref<64xi32, #tpu.memory_space<hbm>>) dst(%dma_wait3A_241 : memref<64xi32, #tpu.memory_space<vmem>>)
        tpu.yield
      }) : () -> ()
      %add3A_28 = arith.constant 51200 : i32
      %add3A_29 = arith.addi %add3A_28, %add3A_13 : i32
      %run_scoped3A_30 = arith.constant 5 : i32
      "tpu.region"() ({
        %run_scoped3A_226 = tpu.sem_alloc : memref<!tpu.dma_semaphore, #tpu.memory_space<semaphore_mem>>
        %dma_start3A_227 = arith.constant 0 : i32
        %dma_start3A_228 = tpu.memref_slice %arg5[%run_scoped3A_30, %dma_start3A_227] : memref<9x64xi32, #tpu.memory_space<vmem>> -> memref<1x64xi32, #tpu.memory_space<vmem>>
        %dma_start3A_229 = tpu.memref_squeeze %dma_start3A_228 : memref<1x64xi32, #tpu.memory_space<vmem>> -> memref<64xi32, #tpu.memory_space<vmem>>
        %dma_start3A_230 = tpu.memref_slice %arg2[%add3A_29] : memref<92160xi32, #tpu.memory_space<hbm>> -> memref<64xi32, #tpu.memory_space<hbm>>
        %dma_start3A_231 = arith.constant 0 : i32
        %dma_start3A_232 = tpu.memref_slice %arg5[%run_scoped3A_30, %dma_start3A_231] : memref<9x64xi32, #tpu.memory_space<vmem>> -> memref<1x64xi32, #tpu.memory_space<vmem>>
        %dma_start3A_233 = tpu.memref_squeeze %dma_start3A_232 : memref<1x64xi32, #tpu.memory_space<vmem>> -> memref<64xi32, #tpu.memory_space<vmem>>
        %dma_start3A_234 = tpu.memref_slice %arg2[%add3A_29] : memref<92160xi32, #tpu.memory_space<hbm>> -> memref<64xi32, #tpu.memory_space<hbm>>
        tpu.enqueue_dma source(%dma_start3A_234 : memref<64xi32, #tpu.memory_space<hbm>>) target(%dma_start3A_233 : memref<64xi32, #tpu.memory_space<vmem>>) target_semaphore(%run_scoped3A_226 : memref<!tpu.dma_semaphore, #tpu.memory_space<semaphore_mem>>)
        %dma_wait3A_235 = arith.constant 0 : i32
        %dma_wait3A_236 = tpu.memref_slice %arg5[%run_scoped3A_30, %dma_wait3A_235] : memref<9x64xi32, #tpu.memory_space<vmem>> -> memref<1x64xi32, #tpu.memory_space<vmem>>
        %dma_wait3A_237 = tpu.memref_squeeze %dma_wait3A_236 : memref<1x64xi32, #tpu.memory_space<vmem>> -> memref<64xi32, #tpu.memory_space<vmem>>
        %dma_wait3A_238 = tpu.memref_slice %arg2[%add3A_29] : memref<92160xi32, #tpu.memory_space<hbm>> -> memref<64xi32, #tpu.memory_space<hbm>>
        %dma_wait3A_239 = arith.constant 0 : i32
        %dma_wait3A_240 = tpu.memref_slice %arg5[%run_scoped3A_30, %dma_wait3A_239] : memref<9x64xi32, #tpu.memory_space<vmem>> -> memref<1x64xi32, #tpu.memory_space<vmem>>
        %dma_wait3A_241 = tpu.memref_squeeze %dma_wait3A_240 : memref<1x64xi32, #tpu.memory_space<vmem>> -> memref<64xi32, #tpu.memory_space<vmem>>
        %dma_wait3A_242 = tpu.memref_slice %arg2[%add3A_29] : memref<92160xi32, #tpu.memory_space<hbm>> -> memref<64xi32, #tpu.memory_space<hbm>>
        tpu.wait_dma2 semaphore(%run_scoped3A_226 : memref<!tpu.dma_semaphore, #tpu.memory_space<semaphore_mem>>) src(%dma_wait3A_242 : memref<64xi32, #tpu.memory_space<hbm>>) dst(%dma_wait3A_241 : memref<64xi32, #tpu.memory_space<vmem>>)
        tpu.yield
      }) : () -> ()
      %add3A_31 = arith.constant 61440 : i32
      %add3A_32 = arith.addi %add3A_31, %add3A_13 : i32
      %run_scoped3A_33 = arith.constant 6 : i32
      "tpu.region"() ({
        %run_scoped3A_226 = tpu.sem_alloc : memref<!tpu.dma_semaphore, #tpu.memory_space<semaphore_mem>>
        %dma_start3A_227 = arith.constant 0 : i32
        %dma_start3A_228 = tpu.memref_slice %arg5[%run_scoped3A_33, %dma_start3A_227] : memref<9x64xi32, #tpu.memory_space<vmem>> -> memref<1x64xi32, #tpu.memory_space<vmem>>
        %dma_start3A_229 = tpu.memref_squeeze %dma_start3A_228 : memref<1x64xi32, #tpu.memory_space<vmem>> -> memref<64xi32, #tpu.memory_space<vmem>>
        %dma_start3A_230 = tpu.memref_slice %arg2[%add3A_32] : memref<92160xi32, #tpu.memory_space<hbm>> -> memref<64xi32, #tpu.memory_space<hbm>>
        %dma_start3A_231 = arith.constant 0 : i32
        %dma_start3A_232 = tpu.memref_slice %arg5[%run_scoped3A_33, %dma_start3A_231] : memref<9x64xi32, #tpu.memory_space<vmem>> -> memref<1x64xi32, #tpu.memory_space<vmem>>
        %dma_start3A_233 = tpu.memref_squeeze %dma_start3A_232 : memref<1x64xi32, #tpu.memory_space<vmem>> -> memref<64xi32, #tpu.memory_space<vmem>>
        %dma_start3A_234 = tpu.memref_slice %arg2[%add3A_32] : memref<92160xi32, #tpu.memory_space<hbm>> -> memref<64xi32, #tpu.memory_space<hbm>>
        tpu.enqueue_dma source(%dma_start3A_234 : memref<64xi32, #tpu.memory_space<hbm>>) target(%dma_start3A_233 : memref<64xi32, #tpu.memory_space<vmem>>) target_semaphore(%run_scoped3A_226 : memref<!tpu.dma_semaphore, #tpu.memory_space<semaphore_mem>>)
        %dma_wait3A_235 = arith.constant 0 : i32
        %dma_wait3A_236 = tpu.memref_slice %arg5[%run_scoped3A_33, %dma_wait3A_235] : memref<9x64xi32, #tpu.memory_space<vmem>> -> memref<1x64xi32, #tpu.memory_space<vmem>>
        %dma_wait3A_237 = tpu.memref_squeeze %dma_wait3A_236 : memref<1x64xi32, #tpu.memory_space<vmem>> -> memref<64xi32, #tpu.memory_space<vmem>>
        %dma_wait3A_238 = tpu.memref_slice %arg2[%add3A_32] : memref<92160xi32, #tpu.memory_space<hbm>> -> memref<64xi32, #tpu.memory_space<hbm>>
        %dma_wait3A_239 = arith.constant 0 : i32
        %dma_wait3A_240 = tpu.memref_slice %arg5[%run_scoped3A_33, %dma_wait3A_239] : memref<9x64xi32, #tpu.memory_space<vmem>> -> memref<1x64xi32, #tpu.memory_space<vmem>>
        %dma_wait3A_241 = tpu.memref_squeeze %dma_wait3A_240 : memref<1x64xi32, #tpu.memory_space<vmem>> -> memref<64xi32, #tpu.memory_space<vmem>>
        %dma_wait3A_242 = tpu.memref_slice %arg2[%add3A_32] : memref<92160xi32, #tpu.memory_space<hbm>> -> memref<64xi32, #tpu.memory_space<hbm>>
        tpu.wait_dma2 semaphore(%run_scoped3A_226 : memref<!tpu.dma_semaphore, #tpu.memory_space<semaphore_mem>>) src(%dma_wait3A_242 : memref<64xi32, #tpu.memory_space<hbm>>) dst(%dma_wait3A_241 : memref<64xi32, #tpu.memory_space<vmem>>)
        tpu.yield
      }) : () -> ()
      %add3A_34 = arith.constant 71680 : i32
      %add3A_35 = arith.addi %add3A_34, %add3A_13 : i32
      %run_scoped3A_36 = arith.constant 7 : i32
      "tpu.region"() ({
        %run_scoped3A_226 = tpu.sem_alloc : memref<!tpu.dma_semaphore, #tpu.memory_space<semaphore_mem>>
        %dma_start3A_227 = arith.constant 0 : i32
        %dma_start3A_228 = tpu.memref_slice %arg5[%run_scoped3A_36, %dma_start3A_227] : memref<9x64xi32, #tpu.memory_space<vmem>> -> memref<1x64xi32, #tpu.memory_space<vmem>>
        %dma_start3A_229 = tpu.memref_squeeze %dma_start3A_228 : memref<1x64xi32, #tpu.memory_space<vmem>> -> memref<64xi32, #tpu.memory_space<vmem>>
        %dma_start3A_230 = tpu.memref_slice %arg2[%add3A_35] : memref<92160xi32, #tpu.memory_space<hbm>> -> memref<64xi32, #tpu.memory_space<hbm>>
        %dma_start3A_231 = arith.constant 0 : i32
        %dma_start3A_232 = tpu.memref_slice %arg5[%run_scoped3A_36, %dma_start3A_231] : memref<9x64xi32, #tpu.memory_space<vmem>> -> memref<1x64xi32, #tpu.memory_space<vmem>>
        %dma_start3A_233 = tpu.memref_squeeze %dma_start3A_232 : memref<1x64xi32, #tpu.memory_space<vmem>> -> memref<64xi32, #tpu.memory_space<vmem>>
        %dma_start3A_234 = tpu.memref_slice %arg2[%add3A_35] : memref<92160xi32, #tpu.memory_space<hbm>> -> memref<64xi32, #tpu.memory_space<hbm>>
        tpu.enqueue_dma source(%dma_start3A_234 : memref<64xi32, #tpu.memory_space<hbm>>) target(%dma_start3A_233 : memref<64xi32, #tpu.memory_space<vmem>>) target_semaphore(%run_scoped3A_226 : memref<!tpu.dma_semaphore, #tpu.memory_space<semaphore_mem>>)
        %dma_wait3A_235 = arith.constant 0 : i32
        %dma_wait3A_236 = tpu.memref_slice %arg5[%run_scoped3A_36, %dma_wait3A_235] : memref<9x64xi32, #tpu.memory_space<vmem>> -> memref<1x64xi32, #tpu.memory_space<vmem>>
        %dma_wait3A_237 = tpu.memref_squeeze %dma_wait3A_236 : memref<1x64xi32, #tpu.memory_space<vmem>> -> memref<64xi32, #tpu.memory_space<vmem>>
        %dma_wait3A_238 = tpu.memref_slice %arg2[%add3A_35] : memref<92160xi32, #tpu.memory_space<hbm>> -> memref<64xi32, #tpu.memory_space<hbm>>
        %dma_wait3A_239 = arith.constant 0 : i32
        %dma_wait3A_240 = tpu.memref_slice %arg5[%run_scoped3A_36, %dma_wait3A_239] : memref<9x64xi32, #tpu.memory_space<vmem>> -> memref<1x64xi32, #tpu.memory_space<vmem>>
        %dma_wait3A_241 = tpu.memref_squeeze %dma_wait3A_240 : memref<1x64xi32, #tpu.memory_space<vmem>> -> memref<64xi32, #tpu.memory_space<vmem>>
        %dma_wait3A_242 = tpu.memref_slice %arg2[%add3A_35] : memref<92160xi32, #tpu.memory_space<hbm>> -> memref<64xi32, #tpu.memory_space<hbm>>
        tpu.wait_dma2 semaphore(%run_scoped3A_226 : memref<!tpu.dma_semaphore, #tpu.memory_space<semaphore_mem>>) src(%dma_wait3A_242 : memref<64xi32, #tpu.memory_space<hbm>>) dst(%dma_wait3A_241 : memref<64xi32, #tpu.memory_space<vmem>>)
        tpu.yield
      }) : () -> ()
      %add3A_37 = arith.constant 81920 : i32
      %add3A_38 = arith.addi %add3A_37, %add3A_13 : i32
      %run_scoped3A_39 = arith.constant 8 : i32
      "tpu.region"() ({
        %run_scoped3A_226 = tpu.sem_alloc : memref<!tpu.dma_semaphore, #tpu.memory_space<semaphore_mem>>
        %dma_start3A_227 = arith.constant 0 : i32
        %dma_start3A_228 = tpu.memref_slice %arg5[%run_scoped3A_39, %dma_start3A_227] : memref<9x64xi32, #tpu.memory_space<vmem>> -> memref<1x64xi32, #tpu.memory_space<vmem>>
        %dma_start3A_229 = tpu.memref_squeeze %dma_start3A_228 : memref<1x64xi32, #tpu.memory_space<vmem>> -> memref<64xi32, #tpu.memory_space<vmem>>
        %dma_start3A_230 = tpu.memref_slice %arg2[%add3A_38] : memref<92160xi32, #tpu.memory_space<hbm>> -> memref<64xi32, #tpu.memory_space<hbm>>
        %dma_start3A_231 = arith.constant 0 : i32
        %dma_start3A_232 = tpu.memref_slice %arg5[%run_scoped3A_39, %dma_start3A_231] : memref<9x64xi32, #tpu.memory_space<vmem>> -> memref<1x64xi32, #tpu.memory_space<vmem>>
        %dma_start3A_233 = tpu.memref_squeeze %dma_start3A_232 : memref<1x64xi32, #tpu.memory_space<vmem>> -> memref<64xi32, #tpu.memory_space<vmem>>
        %dma_start3A_234 = tpu.memref_slice %arg2[%add3A_38] : memref<92160xi32, #tpu.memory_space<hbm>> -> memref<64xi32, #tpu.memory_space<hbm>>
        tpu.enqueue_dma source(%dma_start3A_234 : memref<64xi32, #tpu.memory_space<hbm>>) target(%dma_start3A_233 : memref<64xi32, #tpu.memory_space<vmem>>) target_semaphore(%run_scoped3A_226 : memref<!tpu.dma_semaphore, #tpu.memory_space<semaphore_mem>>)
        %dma_wait3A_235 = arith.constant 0 : i32
        %dma_wait3A_236 = tpu.memref_slice %arg5[%run_scoped3A_39, %dma_wait3A_235] : memref<9x64xi32, #tpu.memory_space<vmem>> -> memref<1x64xi32, #tpu.memory_space<vmem>>
        %dma_wait3A_237 = tpu.memref_squeeze %dma_wait3A_236 : memref<1x64xi32, #tpu.memory_space<vmem>> -> memref<64xi32, #tpu.memory_space<vmem>>
        %dma_wait3A_238 = tpu.memref_slice %arg2[%add3A_38] : memref<92160xi32, #tpu.memory_space<hbm>> -> memref<64xi32, #tpu.memory_space<hbm>>
        %dma_wait3A_239 = arith.constant 0 : i32
        %dma_wait3A_240 = tpu.memref_slice %arg5[%run_scoped3A_39, %dma_wait3A_239] : memref<9x64xi32, #tpu.memory_space<vmem>> -> memref<1x64xi32, #tpu.memory_space<vmem>>
        %dma_wait3A_241 = tpu.memref_squeeze %dma_wait3A_240 : memref<1x64xi32, #tpu.memory_space<vmem>> -> memref<64xi32, #tpu.memory_space<vmem>>
        %dma_wait3A_242 = tpu.memref_slice %arg2[%add3A_38] : memref<92160xi32, #tpu.memory_space<hbm>> -> memref<64xi32, #tpu.memory_space<hbm>>
        tpu.wait_dma2 semaphore(%run_scoped3A_226 : memref<!tpu.dma_semaphore, #tpu.memory_space<semaphore_mem>>) src(%dma_wait3A_242 : memref<64xi32, #tpu.memory_space<hbm>>) dst(%dma_wait3A_241 : memref<64xi32, #tpu.memory_space<vmem>>)
        tpu.yield
      }) : () -> ()
      %dma_start3A = arith.constant 0 : i32
      %dma_start3A_40 = arith.constant 0 : i32
      %dma_start3A_41 = arith.constant 0 : i32
      %dma_start3A_42 = tpu.memref_slice %arg6[%dma_start3A_40, %dma_start3A_41] : memref<576x128xf32, #tpu.memory_space<vmem>> -> memref<64x128xf32, #tpu.memory_space<vmem>>
      %dma_start3A_43 = arith.constant 0 : i32
      %dma_start3A_44 = tpu.memref_slice %arg5[%dma_start3A, %dma_start3A_43] : memref<9x64xi32, #tpu.memory_space<vmem>> -> memref<1x64xi32, #tpu.memory_space<vmem>>
      %dma_start3A_45 = tpu.memref_squeeze %dma_start3A_44 : memref<1x64xi32, #tpu.memory_space<vmem>> -> memref<64xi32, #tpu.memory_space<vmem>>
      %dma_start3A_46 = arith.constant 0 : i32
      %dma_start3A_47 = arith.constant 0 : i32
      %dma_start3A_48 = tpu.memref_slice %arg3[%dma_start3A_46, %dma_start3A_47] : memref<1152x128xf32, #tpu.memory_space<hbm>> -> memref<1152x128xf32, #tpu.memory_space<hbm>>
      tpu.enqueue_indirect_dma source(%dma_start3A_48 : memref<1152x128xf32, #tpu.memory_space<hbm>>) target(%dma_start3A_42 : memref<64x128xf32, #tpu.memory_space<vmem>>) offsets(%dma_start3A_45 : memref<64xi32, #tpu.memory_space<vmem>>) semaphore(%arg8 : memref<!tpu.dma_semaphore, #tpu.memory_space<semaphore_mem>>)
      %dma_start3A_49 = arith.constant 1 : i32
      %dma_start3A_50 = arith.constant 64 : i32
      %dma_start3A_51 = arith.constant 0 : i32
      %dma_start3A_52 = tpu.memref_slice %arg6[%dma_start3A_50, %dma_start3A_51] : memref<576x128xf32, #tpu.memory_space<vmem>> -> memref<64x128xf32, #tpu.memory_space<vmem>>
      %dma_start3A_53 = arith.constant 0 : i32
      %dma_start3A_54 = tpu.memref_slice %arg5[%dma_start3A_49, %dma_start3A_53] : memref<9x64xi32, #tpu.memory_space<vmem>> -> memref<1x64xi32, #tpu.memory_space<vmem>>
      %dma_start3A_55 = tpu.memref_squeeze %dma_start3A_54 : memref<1x64xi32, #tpu.memory_space<vmem>> -> memref<64xi32, #tpu.memory_space<vmem>>
      %dma_start3A_56 = arith.constant 0 : i32
      %dma_start3A_57 = arith.constant 0 : i32
      %dma_start3A_58 = tpu.memref_slice %arg3[%dma_start3A_56, %dma_start3A_57] : memref<1152x128xf32, #tpu.memory_space<hbm>> -> memref<1152x128xf32, #tpu.memory_space<hbm>>
      tpu.enqueue_indirect_dma source(%dma_start3A_58 : memref<1152x128xf32, #tpu.memory_space<hbm>>) target(%dma_start3A_52 : memref<64x128xf32, #tpu.memory_space<vmem>>) offsets(%dma_start3A_55 : memref<64xi32, #tpu.memory_space<vmem>>) semaphore(%arg8 : memref<!tpu.dma_semaphore, #tpu.memory_space<semaphore_mem>>)
      %dma_start3A_59 = arith.constant 2 : i32
      %dma_start3A_60 = arith.constant 128 : i32
      %dma_start3A_61 = arith.constant 0 : i32
      %dma_start3A_62 = tpu.memref_slice %arg6[%dma_start3A_60, %dma_start3A_61] : memref<576x128xf32, #tpu.memory_space<vmem>> -> memref<64x128xf32, #tpu.memory_space<vmem>>
      %dma_start3A_63 = arith.constant 0 : i32
      %dma_start3A_64 = tpu.memref_slice %arg5[%dma_start3A_59, %dma_start3A_63] : memref<9x64xi32, #tpu.memory_space<vmem>> -> memref<1x64xi32, #tpu.memory_space<vmem>>
      %dma_start3A_65 = tpu.memref_squeeze %dma_start3A_64 : memref<1x64xi32, #tpu.memory_space<vmem>> -> memref<64xi32, #tpu.memory_space<vmem>>
      %dma_start3A_66 = arith.constant 0 : i32
      %dma_start3A_67 = arith.constant 0 : i32
      %dma_start3A_68 = tpu.memref_slice %arg3[%dma_start3A_66, %dma_start3A_67] : memref<1152x128xf32, #tpu.memory_space<hbm>> -> memref<1152x128xf32, #tpu.memory_space<hbm>>
      tpu.enqueue_indirect_dma source(%dma_start3A_68 : memref<1152x128xf32, #tpu.memory_space<hbm>>) target(%dma_start3A_62 : memref<64x128xf32, #tpu.memory_space<vmem>>) offsets(%dma_start3A_65 : memref<64xi32, #tpu.memory_space<vmem>>) semaphore(%arg8 : memref<!tpu.dma_semaphore, #tpu.memory_space<semaphore_mem>>)
      %dma_start3A_69 = arith.constant 3 : i32
      %dma_start3A_70 = arith.constant 192 : i32
      %dma_start3A_71 = arith.constant 0 : i32
      %dma_start3A_72 = tpu.memref_slice %arg6[%dma_start3A_70, %dma_start3A_71] : memref<576x128xf32, #tpu.memory_space<vmem>> -> memref<64x128xf32, #tpu.memory_space<vmem>>
      %dma_start3A_73 = arith.constant 0 : i32
      %dma_start3A_74 = tpu.memref_slice %arg5[%dma_start3A_69, %dma_start3A_73] : memref<9x64xi32, #tpu.memory_space<vmem>> -> memref<1x64xi32, #tpu.memory_space<vmem>>
      %dma_start3A_75 = tpu.memref_squeeze %dma_start3A_74 : memref<1x64xi32, #tpu.memory_space<vmem>> -> memref<64xi32, #tpu.memory_space<vmem>>
      %dma_start3A_76 = arith.constant 0 : i32
      %dma_start3A_77 = arith.constant 0 : i32
      %dma_start3A_78 = tpu.memref_slice %arg3[%dma_start3A_76, %dma_start3A_77] : memref<1152x128xf32, #tpu.memory_space<hbm>> -> memref<1152x128xf32, #tpu.memory_space<hbm>>
      tpu.enqueue_indirect_dma source(%dma_start3A_78 : memref<1152x128xf32, #tpu.memory_space<hbm>>) target(%dma_start3A_72 : memref<64x128xf32, #tpu.memory_space<vmem>>) offsets(%dma_start3A_75 : memref<64xi32, #tpu.memory_space<vmem>>) semaphore(%arg8 : memref<!tpu.dma_semaphore, #tpu.memory_space<semaphore_mem>>)
      %dma_start3A_79 = arith.constant 4 : i32
      %dma_start3A_80 = arith.constant 256 : i32
      %dma_start3A_81 = arith.constant 0 : i32
      %dma_start3A_82 = tpu.memref_slice %arg6[%dma_start3A_80, %dma_start3A_81] : memref<576x128xf32, #tpu.memory_space<vmem>> -> memref<64x128xf32, #tpu.memory_space<vmem>>
      %dma_start3A_83 = arith.constant 0 : i32
      %dma_start3A_84 = tpu.memref_slice %arg5[%dma_start3A_79, %dma_start3A_83] : memref<9x64xi32, #tpu.memory_space<vmem>> -> memref<1x64xi32, #tpu.memory_space<vmem>>
      %dma_start3A_85 = tpu.memref_squeeze %dma_start3A_84 : memref<1x64xi32, #tpu.memory_space<vmem>> -> memref<64xi32, #tpu.memory_space<vmem>>
      %dma_start3A_86 = arith.constant 0 : i32
      %dma_start3A_87 = arith.constant 0 : i32
      %dma_start3A_88 = tpu.memref_slice %arg3[%dma_start3A_86, %dma_start3A_87] : memref<1152x128xf32, #tpu.memory_space<hbm>> -> memref<1152x128xf32, #tpu.memory_space<hbm>>
      tpu.enqueue_indirect_dma source(%dma_start3A_88 : memref<1152x128xf32, #tpu.memory_space<hbm>>) target(%dma_start3A_82 : memref<64x128xf32, #tpu.memory_space<vmem>>) offsets(%dma_start3A_85 : memref<64xi32, #tpu.memory_space<vmem>>) semaphore(%arg8 : memref<!tpu.dma_semaphore, #tpu.memory_space<semaphore_mem>>)
      %dma_start3A_89 = arith.constant 5 : i32
      %dma_start3A_90 = arith.constant 320 : i32
      %dma_start3A_91 = arith.constant 0 : i32
      %dma_start3A_92 = tpu.memref_slice %arg6[%dma_start3A_90, %dma_start3A_91] : memref<576x128xf32, #tpu.memory_space<vmem>> -> memref<64x128xf32, #tpu.memory_space<vmem>>
      %dma_start3A_93 = arith.constant 0 : i32
      %dma_start3A_94 = tpu.memref_slice %arg5[%dma_start3A_89, %dma_start3A_93] : memref<9x64xi32, #tpu.memory_space<vmem>> -> memref<1x64xi32, #tpu.memory_space<vmem>>
      %dma_start3A_95 = tpu.memref_squeeze %dma_start3A_94 : memref<1x64xi32, #tpu.memory_space<vmem>> -> memref<64xi32, #tpu.memory_space<vmem>>
      %dma_start3A_96 = arith.constant 0 : i32
      %dma_start3A_97 = arith.constant 0 : i32
      %dma_start3A_98 = tpu.memref_slice %arg3[%dma_start3A_96, %dma_start3A_97] : memref<1152x128xf32, #tpu.memory_space<hbm>> -> memref<1152x128xf32, #tpu.memory_space<hbm>>
      tpu.enqueue_indirect_dma source(%dma_start3A_98 : memref<1152x128xf32, #tpu.memory_space<hbm>>) target(%dma_start3A_92 : memref<64x128xf32, #tpu.memory_space<vmem>>) offsets(%dma_start3A_95 : memref<64xi32, #tpu.memory_space<vmem>>) semaphore(%arg8 : memref<!tpu.dma_semaphore, #tpu.memory_space<semaphore_mem>>)
      %dma_start3A_99 = arith.constant 6 : i32
      %dma_start3A_100 = arith.constant 384 : i32
      %dma_start3A_101 = arith.constant 0 : i32
      %dma_start3A_102 = tpu.memref_slice %arg6[%dma_start3A_100, %dma_start3A_101] : memref<576x128xf32, #tpu.memory_space<vmem>> -> memref<64x128xf32, #tpu.memory_space<vmem>>
      %dma_start3A_103 = arith.constant 0 : i32
      %dma_start3A_104 = tpu.memref_slice %arg5[%dma_start3A_99, %dma_start3A_103] : memref<9x64xi32, #tpu.memory_space<vmem>> -> memref<1x64xi32, #tpu.memory_space<vmem>>
      %dma_start3A_105 = tpu.memref_squeeze %dma_start3A_104 : memref<1x64xi32, #tpu.memory_space<vmem>> -> memref<64xi32, #tpu.memory_space<vmem>>
      %dma_start3A_106 = arith.constant 0 : i32
      %dma_start3A_107 = arith.constant 0 : i32
      %dma_start3A_108 = tpu.memref_slice %arg3[%dma_start3A_106, %dma_start3A_107] : memref<1152x128xf32, #tpu.memory_space<hbm>> -> memref<1152x128xf32, #tpu.memory_space<hbm>>
      tpu.enqueue_indirect_dma source(%dma_start3A_108 : memref<1152x128xf32, #tpu.memory_space<hbm>>) target(%dma_start3A_102 : memref<64x128xf32, #tpu.memory_space<vmem>>) offsets(%dma_start3A_105 : memref<64xi32, #tpu.memory_space<vmem>>) semaphore(%arg8 : memref<!tpu.dma_semaphore, #tpu.memory_space<semaphore_mem>>)
      %dma_start3A_109 = arith.constant 7 : i32
      %dma_start3A_110 = arith.constant 448 : i32
      %dma_start3A_111 = arith.constant 0 : i32
      %dma_start3A_112 = tpu.memref_slice %arg6[%dma_start3A_110, %dma_start3A_111] : memref<576x128xf32, #tpu.memory_space<vmem>> -> memref<64x128xf32, #tpu.memory_space<vmem>>
      %dma_start3A_113 = arith.constant 0 : i32
      %dma_start3A_114 = tpu.memref_slice %arg5[%dma_start3A_109, %dma_start3A_113] : memref<9x64xi32, #tpu.memory_space<vmem>> -> memref<1x64xi32, #tpu.memory_space<vmem>>
      %dma_start3A_115 = tpu.memref_squeeze %dma_start3A_114 : memref<1x64xi32, #tpu.memory_space<vmem>> -> memref<64xi32, #tpu.memory_space<vmem>>
      %dma_start3A_116 = arith.constant 0 : i32
      %dma_start3A_117 = arith.constant 0 : i32
      %dma_start3A_118 = tpu.memref_slice %arg3[%dma_start3A_116, %dma_start3A_117] : memref<1152x128xf32, #tpu.memory_space<hbm>> -> memref<1152x128xf32, #tpu.memory_space<hbm>>
      tpu.enqueue_indirect_dma source(%dma_start3A_118 : memref<1152x128xf32, #tpu.memory_space<hbm>>) target(%dma_start3A_112 : memref<64x128xf32, #tpu.memory_space<vmem>>) offsets(%dma_start3A_115 : memref<64xi32, #tpu.memory_space<vmem>>) semaphore(%arg8 : memref<!tpu.dma_semaphore, #tpu.memory_space<semaphore_mem>>)
      %dma_start3A_119 = arith.constant 8 : i32
      %dma_start3A_120 = arith.constant 512 : i32
      %dma_start3A_121 = arith.constant 0 : i32
      %dma_start3A_122 = tpu.memref_slice %arg6[%dma_start3A_120, %dma_start3A_121] : memref<576x128xf32, #tpu.memory_space<vmem>> -> memref<64x128xf32, #tpu.memory_space<vmem>>
      %dma_start3A_123 = arith.constant 0 : i32
      %dma_start3A_124 = tpu.memref_slice %arg5[%dma_start3A_119, %dma_start3A_123] : memref<9x64xi32, #tpu.memory_space<vmem>> -> memref<1x64xi32, #tpu.memory_space<vmem>>
      %dma_start3A_125 = tpu.memref_squeeze %dma_start3A_124 : memref<1x64xi32, #tpu.memory_space<vmem>> -> memref<64xi32, #tpu.memory_space<vmem>>
      %dma_start3A_126 = arith.constant 0 : i32
      %dma_start3A_127 = arith.constant 0 : i32
      %dma_start3A_128 = tpu.memref_slice %arg3[%dma_start3A_126, %dma_start3A_127] : memref<1152x128xf32, #tpu.memory_space<hbm>> -> memref<1152x128xf32, #tpu.memory_space<hbm>>
      tpu.enqueue_indirect_dma source(%dma_start3A_128 : memref<1152x128xf32, #tpu.memory_space<hbm>>) target(%dma_start3A_122 : memref<64x128xf32, #tpu.memory_space<vmem>>) offsets(%dma_start3A_125 : memref<64xi32, #tpu.memory_space<vmem>>) semaphore(%arg8 : memref<!tpu.dma_semaphore, #tpu.memory_space<semaphore_mem>>)
      %dma_wait3A = arith.constant 0 : i32
      %dma_wait3A_129 = arith.constant 0 : i32
      %dma_wait3A_130 = arith.constant 0 : i32
      %dma_wait3A_131 = tpu.memref_slice %arg6[%dma_wait3A_129, %dma_wait3A_130] : memref<576x128xf32, #tpu.memory_space<vmem>> -> memref<64x128xf32, #tpu.memory_space<vmem>>
      %dma_wait3A_132 = arith.constant 0 : i32
      %dma_wait3A_133 = tpu.memref_slice %arg5[%dma_wait3A, %dma_wait3A_132] : memref<9x64xi32, #tpu.memory_space<vmem>> -> memref<1x64xi32, #tpu.memory_space<vmem>>
      %dma_wait3A_134 = tpu.memref_squeeze %dma_wait3A_133 : memref<1x64xi32, #tpu.memory_space<vmem>> -> memref<64xi32, #tpu.memory_space<vmem>>
      %dma_wait3A_135 = arith.constant 0 : i32
      %dma_wait3A_136 = arith.constant 0 : i32
      %dma_wait3A_137 = tpu.memref_slice %arg3[%dma_wait3A_135, %dma_wait3A_136] : memref<1152x128xf32, #tpu.memory_space<hbm>> -> memref<1152x128xf32, #tpu.memory_space<hbm>>
      tpu.wait_indirect_dma semaphore(%arg8 : memref<!tpu.dma_semaphore, #tpu.memory_space<semaphore_mem>>) src(%dma_wait3A_137 : memref<1152x128xf32, #tpu.memory_space<hbm>>) dst(%dma_wait3A_131 : memref<64x128xf32, #tpu.memory_space<vmem>>)
      %dma_wait3A_138 = arith.constant 1 : i32
      %dma_wait3A_139 = arith.constant 64 : i32
      %dma_wait3A_140 = arith.constant 0 : i32
      %dma_wait3A_141 = tpu.memref_slice %arg6[%dma_wait3A_139, %dma_wait3A_140] : memref<576x128xf32, #tpu.memory_space<vmem>> -> memref<64x128xf32, #tpu.memory_space<vmem>>
      %dma_wait3A_142 = arith.constant 0 : i32
      %dma_wait3A_143 = tpu.memref_slice %arg5[%dma_wait3A_138, %dma_wait3A_142] : memref<9x64xi32, #tpu.memory_space<vmem>> -> memref<1x64xi32, #tpu.memory_space<vmem>>
      %dma_wait3A_144 = tpu.memref_squeeze %dma_wait3A_143 : memref<1x64xi32, #tpu.memory_space<vmem>> -> memref<64xi32, #tpu.memory_space<vmem>>
      %dma_wait3A_145 = arith.constant 0 : i32
      %dma_wait3A_146 = arith.constant 0 : i32
      %dma_wait3A_147 = tpu.memref_slice %arg3[%dma_wait3A_145, %dma_wait3A_146] : memref<1152x128xf32, #tpu.memory_space<hbm>> -> memref<1152x128xf32, #tpu.memory_space<hbm>>
      tpu.wait_indirect_dma semaphore(%arg8 : memref<!tpu.dma_semaphore, #tpu.memory_space<semaphore_mem>>) src(%dma_wait3A_147 : memref<1152x128xf32, #tpu.memory_space<hbm>>) dst(%dma_wait3A_141 : memref<64x128xf32, #tpu.memory_space<vmem>>)
      %dma_wait3A_148 = arith.constant 2 : i32
      %dma_wait3A_149 = arith.constant 128 : i32
      %dma_wait3A_150 = arith.constant 0 : i32
      %dma_wait3A_151 = tpu.memref_slice %arg6[%dma_wait3A_149, %dma_wait3A_150] : memref<576x128xf32, #tpu.memory_space<vmem>> -> memref<64x128xf32, #tpu.memory_space<vmem>>
      %dma_wait3A_152 = arith.constant 0 : i32
      %dma_wait3A_153 = tpu.memref_slice %arg5[%dma_wait3A_148, %dma_wait3A_152] : memref<9x64xi32, #tpu.memory_space<vmem>> -> memref<1x64xi32, #tpu.memory_space<vmem>>
      %dma_wait3A_154 = tpu.memref_squeeze %dma_wait3A_153 : memref<1x64xi32, #tpu.memory_space<vmem>> -> memref<64xi32, #tpu.memory_space<vmem>>
      %dma_wait3A_155 = arith.constant 0 : i32
      %dma_wait3A_156 = arith.constant 0 : i32
      %dma_wait3A_157 = tpu.memref_slice %arg3[%dma_wait3A_155, %dma_wait3A_156] : memref<1152x128xf32, #tpu.memory_space<hbm>> -> memref<1152x128xf32, #tpu.memory_space<hbm>>
      tpu.wait_indirect_dma semaphore(%arg8 : memref<!tpu.dma_semaphore, #tpu.memory_space<semaphore_mem>>) src(%dma_wait3A_157 : memref<1152x128xf32, #tpu.memory_space<hbm>>) dst(%dma_wait3A_151 : memref<64x128xf32, #tpu.memory_space<vmem>>)
      %dma_wait3A_158 = arith.constant 3 : i32
      %dma_wait3A_159 = arith.constant 192 : i32
      %dma_wait3A_160 = arith.constant 0 : i32
      %dma_wait3A_161 = tpu.memref_slice %arg6[%dma_wait3A_159, %dma_wait3A_160] : memref<576x128xf32, #tpu.memory_space<vmem>> -> memref<64x128xf32, #tpu.memory_space<vmem>>
      %dma_wait3A_162 = arith.constant 0 : i32
      %dma_wait3A_163 = tpu.memref_slice %arg5[%dma_wait3A_158, %dma_wait3A_162] : memref<9x64xi32, #tpu.memory_space<vmem>> -> memref<1x64xi32, #tpu.memory_space<vmem>>
      %dma_wait3A_164 = tpu.memref_squeeze %dma_wait3A_163 : memref<1x64xi32, #tpu.memory_space<vmem>> -> memref<64xi32, #tpu.memory_space<vmem>>
      %dma_wait3A_165 = arith.constant 0 : i32
      %dma_wait3A_166 = arith.constant 0 : i32
      %dma_wait3A_167 = tpu.memref_slice %arg3[%dma_wait3A_165, %dma_wait3A_166] : memref<1152x128xf32, #tpu.memory_space<hbm>> -> memref<1152x128xf32, #tpu.memory_space<hbm>>
      tpu.wait_indirect_dma semaphore(%arg8 : memref<!tpu.dma_semaphore, #tpu.memory_space<semaphore_mem>>) src(%dma_wait3A_167 : memref<1152x128xf32, #tpu.memory_space<hbm>>) dst(%dma_wait3A_161 : memref<64x128xf32, #tpu.memory_space<vmem>>)
      %dma_wait3A_168 = arith.constant 4 : i32
      %dma_wait3A_169 = arith.constant 256 : i32
      %dma_wait3A_170 = arith.constant 0 : i32
      %dma_wait3A_171 = tpu.memref_slice %arg6[%dma_wait3A_169, %dma_wait3A_170] : memref<576x128xf32, #tpu.memory_space<vmem>> -> memref<64x128xf32, #tpu.memory_space<vmem>>
      %dma_wait3A_172 = arith.constant 0 : i32
      %dma_wait3A_173 = tpu.memref_slice %arg5[%dma_wait3A_168, %dma_wait3A_172] : memref<9x64xi32, #tpu.memory_space<vmem>> -> memref<1x64xi32, #tpu.memory_space<vmem>>
      %dma_wait3A_174 = tpu.memref_squeeze %dma_wait3A_173 : memref<1x64xi32, #tpu.memory_space<vmem>> -> memref<64xi32, #tpu.memory_space<vmem>>
      %dma_wait3A_175 = arith.constant 0 : i32
      %dma_wait3A_176 = arith.constant 0 : i32
      %dma_wait3A_177 = tpu.memref_slice %arg3[%dma_wait3A_175, %dma_wait3A_176] : memref<1152x128xf32, #tpu.memory_space<hbm>> -> memref<1152x128xf32, #tpu.memory_space<hbm>>
      tpu.wait_indirect_dma semaphore(%arg8 : memref<!tpu.dma_semaphore, #tpu.memory_space<semaphore_mem>>) src(%dma_wait3A_177 : memref<1152x128xf32, #tpu.memory_space<hbm>>) dst(%dma_wait3A_171 : memref<64x128xf32, #tpu.memory_space<vmem>>)
      %dma_wait3A_178 = arith.constant 5 : i32
      %dma_wait3A_179 = arith.constant 320 : i32
      %dma_wait3A_180 = arith.constant 0 : i32
      %dma_wait3A_181 = tpu.memref_slice %arg6[%dma_wait3A_179, %dma_wait3A_180] : memref<576x128xf32, #tpu.memory_space<vmem>> -> memref<64x128xf32, #tpu.memory_space<vmem>>
      %dma_wait3A_182 = arith.constant 0 : i32
      %dma_wait3A_183 = tpu.memref_slice %arg5[%dma_wait3A_178, %dma_wait3A_182] : memref<9x64xi32, #tpu.memory_space<vmem>> -> memref<1x64xi32, #tpu.memory_space<vmem>>
      %dma_wait3A_184 = tpu.memref_squeeze %dma_wait3A_183 : memref<1x64xi32, #tpu.memory_space<vmem>> -> memref<64xi32, #tpu.memory_space<vmem>>
      %dma_wait3A_185 = arith.constant 0 : i32
      %dma_wait3A_186 = arith.constant 0 : i32
      %dma_wait3A_187 = tpu.memref_slice %arg3[%dma_wait3A_185, %dma_wait3A_186] : memref<1152x128xf32, #tpu.memory_space<hbm>> -> memref<1152x128xf32, #tpu.memory_space<hbm>>
      tpu.wait_indirect_dma semaphore(%arg8 : memref<!tpu.dma_semaphore, #tpu.memory_space<semaphore_mem>>) src(%dma_wait3A_187 : memref<1152x128xf32, #tpu.memory_space<hbm>>) dst(%dma_wait3A_181 : memref<64x128xf32, #tpu.memory_space<vmem>>)
      %dma_wait3A_188 = arith.constant 6 : i32
      %dma_wait3A_189 = arith.constant 384 : i32
      %dma_wait3A_190 = arith.constant 0 : i32
      %dma_wait3A_191 = tpu.memref_slice %arg6[%dma_wait3A_189, %dma_wait3A_190] : memref<576x128xf32, #tpu.memory_space<vmem>> -> memref<64x128xf32, #tpu.memory_space<vmem>>
      %dma_wait3A_192 = arith.constant 0 : i32
      %dma_wait3A_193 = tpu.memref_slice %arg5[%dma_wait3A_188, %dma_wait3A_192] : memref<9x64xi32, #tpu.memory_space<vmem>> -> memref<1x64xi32, #tpu.memory_space<vmem>>
      %dma_wait3A_194 = tpu.memref_squeeze %dma_wait3A_193 : memref<1x64xi32, #tpu.memory_space<vmem>> -> memref<64xi32, #tpu.memory_space<vmem>>
      %dma_wait3A_195 = arith.constant 0 : i32
      %dma_wait3A_196 = arith.constant 0 : i32
      %dma_wait3A_197 = tpu.memref_slice %arg3[%dma_wait3A_195, %dma_wait3A_196] : memref<1152x128xf32, #tpu.memory_space<hbm>> -> memref<1152x128xf32, #tpu.memory_space<hbm>>
      tpu.wait_indirect_dma semaphore(%arg8 : memref<!tpu.dma_semaphore, #tpu.memory_space<semaphore_mem>>) src(%dma_wait3A_197 : memref<1152x128xf32, #tpu.memory_space<hbm>>) dst(%dma_wait3A_191 : memref<64x128xf32, #tpu.memory_space<vmem>>)
      %dma_wait3A_198 = arith.constant 7 : i32
      %dma_wait3A_199 = arith.constant 448 : i32
      %dma_wait3A_200 = arith.constant 0 : i32
      %dma_wait3A_201 = tpu.memref_slice %arg6[%dma_wait3A_199, %dma_wait3A_200] : memref<576x128xf32, #tpu.memory_space<vmem>> -> memref<64x128xf32, #tpu.memory_space<vmem>>
      %dma_wait3A_202 = arith.constant 0 : i32
      %dma_wait3A_203 = tpu.memref_slice %arg5[%dma_wait3A_198, %dma_wait3A_202] : memref<9x64xi32, #tpu.memory_space<vmem>> -> memref<1x64xi32, #tpu.memory_space<vmem>>
      %dma_wait3A_204 = tpu.memref_squeeze %dma_wait3A_203 : memref<1x64xi32, #tpu.memory_space<vmem>> -> memref<64xi32, #tpu.memory_space<vmem>>
      %dma_wait3A_205 = arith.constant 0 : i32
      %dma_wait3A_206 = arith.constant 0 : i32
      %dma_wait3A_207 = tpu.memref_slice %arg3[%dma_wait3A_205, %dma_wait3A_206] : memref<1152x128xf32, #tpu.memory_space<hbm>> -> memref<1152x128xf32, #tpu.memory_space<hbm>>
      tpu.wait_indirect_dma semaphore(%arg8 : memref<!tpu.dma_semaphore, #tpu.memory_space<semaphore_mem>>) src(%dma_wait3A_207 : memref<1152x128xf32, #tpu.memory_space<hbm>>) dst(%dma_wait3A_201 : memref<64x128xf32, #tpu.memory_space<vmem>>)
      %dma_wait3A_208 = arith.constant 8 : i32
      %dma_wait3A_209 = arith.constant 512 : i32
      %dma_wait3A_210 = arith.constant 0 : i32
      %dma_wait3A_211 = tpu.memref_slice %arg6[%dma_wait3A_209, %dma_wait3A_210] : memref<576x128xf32, #tpu.memory_space<vmem>> -> memref<64x128xf32, #tpu.memory_space<vmem>>
      %dma_wait3A_212 = arith.constant 0 : i32
      %dma_wait3A_213 = tpu.memref_slice %arg5[%dma_wait3A_208, %dma_wait3A_212] : memref<9x64xi32, #tpu.memory_space<vmem>> -> memref<1x64xi32, #tpu.memory_space<vmem>>
      %dma_wait3A_214 = tpu.memref_squeeze %dma_wait3A_213 : memref<1x64xi32, #tpu.memory_space<vmem>> -> memref<64xi32, #tpu.memory_space<vmem>>
      %dma_wait3A_215 = arith.constant 0 : i32
      %dma_wait3A_216 = arith.constant 0 : i32
      %dma_wait3A_217 = tpu.memref_slice %arg3[%dma_wait3A_215, %dma_wait3A_216] : memref<1152x128xf32, #tpu.memory_space<hbm>> -> memref<1152x128xf32, #tpu.memory_space<hbm>>
      tpu.wait_indirect_dma semaphore(%arg8 : memref<!tpu.dma_semaphore, #tpu.memory_space<semaphore_mem>>) src(%dma_wait3A_217 : memref<1152x128xf32, #tpu.memory_space<hbm>>) dst(%dma_wait3A_211 : memref<64x128xf32, #tpu.memory_space<vmem>>)
      %scan3A_218 = arith.constant 0 : i32
      %scan3A_219 = arith.constant 0 : i32
      %scan3A_220 = arith.constant 64 : i32
      %scan3A_221 = arith.addi %scan3A_219, %scan3A_220 : i32
      %scan3A_222 = arith.constant 1 : i32
      %scan3A_223 = scf.for %scan3A_226 = %scan3A_219 to %scan3A_221 step %scan3A_222 iter_args(%scan3A_227 = %scan3A_218) -> (i32)  : i32 {
        %get3A = arith.index_cast %scan3A_226 : i32 to index
        %get3A_228 = arith.constant 0 : index
        %get3A_229 = tpu.vector_load %arg6[%get3A, %get3A_228] {strides = array<i32>} : memref<576x128xf32, #tpu.memory_space<vmem>>, vector<1x16xf32>,
        %get3A_230 = vector.shape_cast %get3A_229 : vector<1x16xf32> to vector<16xf32>
        %add3A_231 = arith.constant 64 : i32
        %add3A_232 = arith.addi %add3A_231, %scan3A_226 : i32
        %get3A_233 = arith.index_cast %add3A_232 : i32 to index
        %get3A_234 = arith.constant 0 : index
        %get3A_235 = tpu.vector_load %arg6[%get3A_233, %get3A_234] {strides = array<i32>} : memref<576x128xf32, #tpu.memory_space<vmem>>, vector<1x16xf32>,
        %get3A_236 = vector.shape_cast %get3A_235 : vector<1x16xf32> to vector<16xf32>
        %add3A_237 = arith.addf %get3A_230, %get3A_236 : vector<16xf32>
        %add3A_238 = arith.constant 128 : i32
        %add3A_239 = arith.addi %add3A_238, %scan3A_226 : i32
        %get3A_240 = arith.index_cast %add3A_239 : i32 to index
        %get3A_241 = arith.constant 0 : index
        %get3A_242 = tpu.vector_load %arg6[%get3A_240, %get3A_241] {strides = array<i32>} : memref<576x128xf32, #tpu.memory_space<vmem>>, vector<1x16xf32>,
        %get3A_243 = vector.shape_cast %get3A_242 : vector<1x16xf32> to vector<16xf32>
        %add3A_244 = arith.addf %add3A_237, %get3A_243 : vector<16xf32>
        %add3A_245 = arith.constant 192 : i32
        %add3A_246 = arith.addi %add3A_245, %scan3A_226 : i32
        %get3A_247 = arith.index_cast %add3A_246 : i32 to index
        %get3A_248 = arith.constant 0 : index
        %get3A_249 = tpu.vector_load %arg6[%get3A_247, %get3A_248] {strides = array<i32>} : memref<576x128xf32, #tpu.memory_space<vmem>>, vector<1x16xf32>,
        %get3A_250 = vector.shape_cast %get3A_249 : vector<1x16xf32> to vector<16xf32>
        %add3A_251 = arith.addf %add3A_244, %get3A_250 : vector<16xf32>
        %add3A_252 = arith.constant 256 : i32
        %add3A_253 = arith.addi %add3A_252, %scan3A_226 : i32
        %get3A_254 = arith.index_cast %add3A_253 : i32 to index
        %get3A_255 = arith.constant 0 : index
        %get3A_256 = tpu.vector_load %arg6[%get3A_254, %get3A_255] {strides = array<i32>} : memref<576x128xf32, #tpu.memory_space<vmem>>, vector<1x16xf32>,
        %get3A_257 = vector.shape_cast %get3A_256 : vector<1x16xf32> to vector<16xf32>
        %add3A_258 = arith.addf %add3A_251, %get3A_257 : vector<16xf32>
        %add3A_259 = arith.constant 320 : i32
        %add3A_260 = arith.addi %add3A_259, %scan3A_226 : i32
        %get3A_261 = arith.index_cast %add3A_260 : i32 to index
        %get3A_262 = arith.constant 0 : index
        %get3A_263 = tpu.vector_load %arg6[%get3A_261, %get3A_262] {strides = array<i32>} : memref<576x128xf32, #tpu.memory_space<vmem>>, vector<1x16xf32>,
        %get3A_264 = vector.shape_cast %get3A_263 : vector<1x16xf32> to vector<16xf32>
        %add3A_265 = arith.addf %add3A_258, %get3A_264 : vector<16xf32>
        %add3A_266 = arith.constant 384 : i32
        %add3A_267 = arith.addi %add3A_266, %scan3A_226 : i32
        %get3A_268 = arith.index_cast %add3A_267 : i32 to index
        %get3A_269 = arith.constant 0 : index
        %get3A_270 = tpu.vector_load %arg6[%get3A_268, %get3A_269] {strides = array<i32>} : memref<576x128xf32, #tpu.memory_space<vmem>>, vector<1x16xf32>,
        %get3A_271 = vector.shape_cast %get3A_270 : vector<1x16xf32> to vector<16xf32>
        %add3A_272 = arith.addf %add3A_265, %get3A_271 : vector<16xf32>
        %add3A_273 = arith.constant 448 : i32
        %add3A_274 = arith.addi %add3A_273, %scan3A_226 : i32
        %get3A_275 = arith.index_cast %add3A_274 : i32 to index
        %get3A_276 = arith.constant 0 : index
        %get3A_277 = tpu.vector_load %arg6[%get3A_275, %get3A_276] {strides = array<i32>} : memref<576x128xf32, #tpu.memory_space<vmem>>, vector<1x16xf32>,
        %get3A_278 = vector.shape_cast %get3A_277 : vector<1x16xf32> to vector<16xf32>
        %add3A_279 = arith.addf %add3A_272, %get3A_278 : vector<16xf32>
        %add3A_280 = arith.constant 512 : i32
        %add3A_281 = arith.addi %add3A_280, %scan3A_226 : i32
        %get3A_282 = arith.index_cast %add3A_281 : i32 to index
        %get3A_283 = arith.constant 0 : index
        %get3A_284 = tpu.vector_load %arg6[%get3A_282, %get3A_283] {strides = array<i32>} : memref<576x128xf32, #tpu.memory_space<vmem>>, vector<1x16xf32>,
        %get3A_285 = vector.shape_cast %get3A_284 : vector<1x16xf32> to vector<16xf32>
        %add3A_286 = arith.addf %add3A_279, %get3A_285 : vector<16xf32>
        %swap3A = arith.index_cast %scan3A_226 : i32 to index
        %swap3A_287 = arith.constant 0 : index
        %swap3A_288 = tpu.vector_load %arg7[%swap3A, %swap3A_287] {strides = array<i32>} : memref<64x128xf32, #tpu.memory_space<vmem>>, vector<1x16xf32>,
        %swap3A_289 = vector.shape_cast %swap3A_288 : vector<1x16xf32> to vector<16xf32>
        %swap3A_290 = vector.shape_cast %add3A_286 : vector<16xf32> to vector<1x16xf32>
        tpu.vector_store %arg7[%swap3A, %swap3A_287], %swap3A_290 {strides = array<i32>} : memref<64x128xf32, #tpu.memory_space<vmem>>, vector<1x16xf32>,
        %get3A_291 = arith.index_cast %scan3A_226 : i32 to index
        %get3A_292 = arith.constant 16 : index
        %get3A_293 = tpu.vector_load %arg6[%get3A_291, %get3A_292] {strides = array<i32>} : memref<576x128xf32, #tpu.memory_space<vmem>>, vector<1x16xf32>,
        %get3A_294 = vector.shape_cast %get3A_293 : vector<1x16xf32> to vector<16xf32>
        %add3A_295 = arith.constant 64 : i32
        %add3A_296 = arith.addi %add3A_295, %scan3A_226 : i32
        %get3A_297 = arith.index_cast %add3A_296 : i32 to index
        %get3A_298 = arith.constant 16 : index
        %get3A_299 = tpu.vector_load %arg6[%get3A_297, %get3A_298] {strides = array<i32>} : memref<576x128xf32, #tpu.memory_space<vmem>>, vector<1x16xf32>,
        %get3A_300 = vector.shape_cast %get3A_299 : vector<1x16xf32> to vector<16xf32>
        %add3A_301 = arith.addf %get3A_294, %get3A_300 : vector<16xf32>
        %add3A_302 = arith.constant 128 : i32
        %add3A_303 = arith.addi %add3A_302, %scan3A_226 : i32
        %get3A_304 = arith.index_cast %add3A_303 : i32 to index
        %get3A_305 = arith.constant 16 : index
        %get3A_306 = tpu.vector_load %arg6[%get3A_304, %get3A_305] {strides = array<i32>} : memref<576x128xf32, #tpu.memory_space<vmem>>, vector<1x16xf32>,
        %get3A_307 = vector.shape_cast %get3A_306 : vector<1x16xf32> to vector<16xf32>
        %add3A_308 = arith.addf %add3A_301, %get3A_307 : vector<16xf32>
        %add3A_309 = arith.constant 192 : i32
        %add3A_310 = arith.addi %add3A_309, %scan3A_226 : i32
        %get3A_311 = arith.index_cast %add3A_310 : i32 to index
        %get3A_312 = arith.constant 16 : index
        %get3A_313 = tpu.vector_load %arg6[%get3A_311, %get3A_312] {strides = array<i32>} : memref<576x128xf32, #tpu.memory_space<vmem>>, vector<1x16xf32>,
        %get3A_314 = vector.shape_cast %get3A_313 : vector<1x16xf32> to vector<16xf32>
        %add3A_315 = arith.addf %add3A_308, %get3A_314 : vector<16xf32>
        %add3A_316 = arith.constant 256 : i32
        %add3A_317 = arith.addi %add3A_316, %scan3A_226 : i32
        %get3A_318 = arith.index_cast %add3A_317 : i32 to index
        %get3A_319 = arith.constant 16 : index
        %get3A_320 = tpu.vector_load %arg6[%get3A_318, %get3A_319] {strides = array<i32>} : memref<576x128xf32, #tpu.memory_space<vmem>>, vector<1x16xf32>,
        %get3A_321 = vector.shape_cast %get3A_320 : vector<1x16xf32> to vector<16xf32>
        %add3A_322 = arith.addf %add3A_315, %get3A_321 : vector<16xf32>
        %add3A_323 = arith.constant 320 : i32
        %add3A_324 = arith.addi %add3A_323, %scan3A_226 : i32
        %get3A_325 = arith.index_cast %add3A_324 : i32 to index
        %get3A_326 = arith.constant 16 : index
        %get3A_327 = tpu.vector_load %arg6[%get3A_325, %get3A_326] {strides = array<i32>} : memref<576x128xf32, #tpu.memory_space<vmem>>, vector<1x16xf32>,
        %get3A_328 = vector.shape_cast %get3A_327 : vector<1x16xf32> to vector<16xf32>
        %add3A_329 = arith.addf %add3A_322, %get3A_328 : vector<16xf32>
        %add3A_330 = arith.constant 384 : i32
        %add3A_331 = arith.addi %add3A_330, %scan3A_226 : i32
        %get3A_332 = arith.index_cast %add3A_331 : i32 to index
        %get3A_333 = arith.constant 16 : index
        %get3A_334 = tpu.vector_load %arg6[%get3A_332, %get3A_333] {strides = array<i32>} : memref<576x128xf32, #tpu.memory_space<vmem>>, vector<1x16xf32>,
        %get3A_335 = vector.shape_cast %get3A_334 : vector<1x16xf32> to vector<16xf32>
        %add3A_336 = arith.addf %add3A_329, %get3A_335 : vector<16xf32>
        %add3A_337 = arith.constant 448 : i32
        %add3A_338 = arith.addi %add3A_337, %scan3A_226 : i32
        %get3A_339 = arith.index_cast %add3A_338 : i32 to index
        %get3A_340 = arith.constant 16 : index
        %get3A_341 = tpu.vector_load %arg6[%get3A_339, %get3A_340] {strides = array<i32>} : memref<576x128xf32, #tpu.memory_space<vmem>>, vector<1x16xf32>,
        %get3A_342 = vector.shape_cast %get3A_341 : vector<1x16xf32> to vector<16xf32>
        %add3A_343 = arith.addf %add3A_336, %get3A_342 : vector<16xf32>
        %add3A_344 = arith.constant 512 : i32
        %add3A_345 = arith.addi %add3A_344, %scan3A_226 : i32
        %get3A_346 = arith.index_cast %add3A_345 : i32 to index
        %get3A_347 = arith.constant 16 : index
        %get3A_348 = tpu.vector_load %arg6[%get3A_346, %get3A_347] {strides = array<i32>} : memref<576x128xf32, #tpu.memory_space<vmem>>, vector<1x16xf32>,
        %get3A_349 = vector.shape_cast %get3A_348 : vector<1x16xf32> to vector<16xf32>
        %add3A_350 = arith.addf %add3A_343, %get3A_349 : vector<16xf32>
        %swap3A_351 = arith.index_cast %scan3A_226 : i32 to index
        %swap3A_352 = arith.constant 16 : index
        %swap3A_353 = tpu.vector_load %arg7[%swap3A_351, %swap3A_352] {strides = array<i32>} : memref<64x128xf32, #tpu.memory_space<vmem>>, vector<1x16xf32>,
        %swap3A_354 = vector.shape_cast %swap3A_353 : vector<1x16xf32> to vector<16xf32>
        %swap3A_355 = vector.shape_cast %add3A_350 : vector<16xf32> to vector<1x16xf32>
        tpu.vector_store %arg7[%swap3A_351, %swap3A_352], %swap3A_355 {strides = array<i32>} : memref<64x128xf32, #tpu.memory_space<vmem>>, vector<1x16xf32>,
        %get3A_356 = arith.index_cast %scan3A_226 : i32 to index
        %get3A_357 = arith.constant 32 : index
        %get3A_358 = tpu.vector_load %arg6[%get3A_356, %get3A_357] {strides = array<i32>} : memref<576x128xf32, #tpu.memory_space<vmem>>, vector<1x16xf32>,
        %get3A_359 = vector.shape_cast %get3A_358 : vector<1x16xf32> to vector<16xf32>
        %add3A_360 = arith.constant 64 : i32
        %add3A_361 = arith.addi %add3A_360, %scan3A_226 : i32
        %get3A_362 = arith.index_cast %add3A_361 : i32 to index
        %get3A_363 = arith.constant 32 : index
        %get3A_364 = tpu.vector_load %arg6[%get3A_362, %get3A_363] {strides = array<i32>} : memref<576x128xf32, #tpu.memory_space<vmem>>, vector<1x16xf32>,
        %get3A_365 = vector.shape_cast %get3A_364 : vector<1x16xf32> to vector<16xf32>
        %add3A_366 = arith.addf %get3A_359, %get3A_365 : vector<16xf32>
        %add3A_367 = arith.constant 128 : i32
        %add3A_368 = arith.addi %add3A_367, %scan3A_226 : i32
        %get3A_369 = arith.index_cast %add3A_368 : i32 to index
        %get3A_370 = arith.constant 32 : index
        %get3A_371 = tpu.vector_load %arg6[%get3A_369, %get3A_370] {strides = array<i32>} : memref<576x128xf32, #tpu.memory_space<vmem>>, vector<1x16xf32>,
        %get3A_372 = vector.shape_cast %get3A_371 : vector<1x16xf32> to vector<16xf32>
        %add3A_373 = arith.addf %add3A_366, %get3A_372 : vector<16xf32>
        %add3A_374 = arith.constant 192 : i32
        %add3A_375 = arith.addi %add3A_374, %scan3A_226 : i32
        %get3A_376 = arith.index_cast %add3A_375 : i32 to index
        %get3A_377 = arith.constant 32 : index
        %get3A_378 = tpu.vector_load %arg6[%get3A_376, %get3A_377] {strides = array<i32>} : memref<576x128xf32, #tpu.memory_space<vmem>>, vector<1x16xf32>,
        %get3A_379 = vector.shape_cast %get3A_378 : vector<1x16xf32> to vector<16xf32>
        %add3A_380 = arith.addf %add3A_373, %get3A_379 : vector<16xf32>
        %add3A_381 = arith.constant 256 : i32
        %add3A_382 = arith.addi %add3A_381, %scan3A_226 : i32
        %get3A_383 = arith.index_cast %add3A_382 : i32 to index
        %get3A_384 = arith.constant 32 : index
        %get3A_385 = tpu.vector_load %arg6[%get3A_383, %get3A_384] {strides = array<i32>} : memref<576x128xf32, #tpu.memory_space<vmem>>, vector<1x16xf32>,
        %get3A_386 = vector.shape_cast %get3A_385 : vector<1x16xf32> to vector<16xf32>
        %add3A_387 = arith.addf %add3A_380, %get3A_386 : vector<16xf32>
        %add3A_388 = arith.constant 320 : i32
        %add3A_389 = arith.addi %add3A_388, %scan3A_226 : i32
        %get3A_390 = arith.index_cast %add3A_389 : i32 to index
        %get3A_391 = arith.constant 32 : index
        %get3A_392 = tpu.vector_load %arg6[%get3A_390, %get3A_391] {strides = array<i32>} : memref<576x128xf32, #tpu.memory_space<vmem>>, vector<1x16xf32>,
        %get3A_393 = vector.shape_cast %get3A_392 : vector<1x16xf32> to vector<16xf32>
        %add3A_394 = arith.addf %add3A_387, %get3A_393 : vector<16xf32>
        %add3A_395 = arith.constant 384 : i32
        %add3A_396 = arith.addi %add3A_395, %scan3A_226 : i32
        %get3A_397 = arith.index_cast %add3A_396 : i32 to index
        %get3A_398 = arith.constant 32 : index
        %get3A_399 = tpu.vector_load %arg6[%get3A_397, %get3A_398] {strides = array<i32>} : memref<576x128xf32, #tpu.memory_space<vmem>>, vector<1x16xf32>,
        %get3A_400 = vector.shape_cast %get3A_399 : vector<1x16xf32> to vector<16xf32>
        %add3A_401 = arith.addf %add3A_394, %get3A_400 : vector<16xf32>
        %add3A_402 = arith.constant 448 : i32
        %add3A_403 = arith.addi %add3A_402, %scan3A_226 : i32
        %get3A_404 = arith.index_cast %add3A_403 : i32 to index
        %get3A_405 = arith.constant 32 : index
        %get3A_406 = tpu.vector_load %arg6[%get3A_404, %get3A_405] {strides = array<i32>} : memref<576x128xf32, #tpu.memory_space<vmem>>, vector<1x16xf32>,
        %get3A_407 = vector.shape_cast %get3A_406 : vector<1x16xf32> to vector<16xf32>
        %add3A_408 = arith.addf %add3A_401, %get3A_407 : vector<16xf32>
        %add3A_409 = arith.constant 512 : i32
        %add3A_410 = arith.addi %add3A_409, %scan3A_226 : i32
        %get3A_411 = arith.index_cast %add3A_410 : i32 to index
        %get3A_412 = arith.constant 32 : index
        %get3A_413 = tpu.vector_load %arg6[%get3A_411, %get3A_412] {strides = array<i32>} : memref<576x128xf32, #tpu.memory_space<vmem>>, vector<1x16xf32>,
        %get3A_414 = vector.shape_cast %get3A_413 : vector<1x16xf32> to vector<16xf32>
        %add3A_415 = arith.addf %add3A_408, %get3A_414 : vector<16xf32>
        %swap3A_416 = arith.index_cast %scan3A_226 : i32 to index
        %swap3A_417 = arith.constant 32 : index
        %swap3A_418 = tpu.vector_load %arg7[%swap3A_416, %swap3A_417] {strides = array<i32>} : memref<64x128xf32, #tpu.memory_space<vmem>>, vector<1x16xf32>,
        %swap3A_419 = vector.shape_cast %swap3A_418 : vector<1x16xf32> to vector<16xf32>
        %swap3A_420 = vector.shape_cast %add3A_415 : vector<16xf32> to vector<1x16xf32>
        tpu.vector_store %arg7[%swap3A_416, %swap3A_417], %swap3A_420 {strides = array<i32>} : memref<64x128xf32, #tpu.memory_space<vmem>>, vector<1x16xf32>,
        %get3A_421 = arith.index_cast %scan3A_226 : i32 to index
        %get3A_422 = arith.constant 48 : index
        %get3A_423 = tpu.vector_load %arg6[%get3A_421, %get3A_422] {strides = array<i32>} : memref<576x128xf32, #tpu.memory_space<vmem>>, vector<1x16xf32>,
        %get3A_424 = vector.shape_cast %get3A_423 : vector<1x16xf32> to vector<16xf32>
        %add3A_425 = arith.constant 64 : i32
        %add3A_426 = arith.addi %add3A_425, %scan3A_226 : i32
        %get3A_427 = arith.index_cast %add3A_426 : i32 to index
        %get3A_428 = arith.constant 48 : index
        %get3A_429 = tpu.vector_load %arg6[%get3A_427, %get3A_428] {strides = array<i32>} : memref<576x128xf32, #tpu.memory_space<vmem>>, vector<1x16xf32>,
        %get3A_430 = vector.shape_cast %get3A_429 : vector<1x16xf32> to vector<16xf32>
        %add3A_431 = arith.addf %get3A_424, %get3A_430 : vector<16xf32>
        %add3A_432 = arith.constant 128 : i32
        %add3A_433 = arith.addi %add3A_432, %scan3A_226 : i32
        %get3A_434 = arith.index_cast %add3A_433 : i32 to index
        %get3A_435 = arith.constant 48 : index
        %get3A_436 = tpu.vector_load %arg6[%get3A_434, %get3A_435] {strides = array<i32>} : memref<576x128xf32, #tpu.memory_space<vmem>>, vector<1x16xf32>,
        %get3A_437 = vector.shape_cast %get3A_436 : vector<1x16xf32> to vector<16xf32>
        %add3A_438 = arith.addf %add3A_431, %get3A_437 : vector<16xf32>
        %add3A_439 = arith.constant 192 : i32
        %add3A_440 = arith.addi %add3A_439, %scan3A_226 : i32
        %get3A_441 = arith.index_cast %add3A_440 : i32 to index
        %get3A_442 = arith.constant 48 : index
        %get3A_443 = tpu.vector_load %arg6[%get3A_441, %get3A_442] {strides = array<i32>} : memref<576x128xf32, #tpu.memory_space<vmem>>, vector<1x16xf32>,
        %get3A_444 = vector.shape_cast %get3A_443 : vector<1x16xf32> to vector<16xf32>
        %add3A_445 = arith.addf %add3A_438, %get3A_444 : vector<16xf32>
        %add3A_446 = arith.constant 256 : i32
        %add3A_447 = arith.addi %add3A_446, %scan3A_226 : i32
        %get3A_448 = arith.index_cast %add3A_447 : i32 to index
        %get3A_449 = arith.constant 48 : index
        %get3A_450 = tpu.vector_load %arg6[%get3A_448, %get3A_449] {strides = array<i32>} : memref<576x128xf32, #tpu.memory_space<vmem>>, vector<1x16xf32>,
        %get3A_451 = vector.shape_cast %get3A_450 : vector<1x16xf32> to vector<16xf32>
        %add3A_452 = arith.addf %add3A_445, %get3A_451 : vector<16xf32>
        %add3A_453 = arith.constant 320 : i32
        %add3A_454 = arith.addi %add3A_453, %scan3A_226 : i32
        %get3A_455 = arith.index_cast %add3A_454 : i32 to index
        %get3A_456 = arith.constant 48 : index
        %get3A_457 = tpu.vector_load %arg6[%get3A_455, %get3A_456] {strides = array<i32>} : memref<576x128xf32, #tpu.memory_space<vmem>>, vector<1x16xf32>,
        %get3A_458 = vector.shape_cast %get3A_457 : vector<1x16xf32> to vector<16xf32>
        %add3A_459 = arith.addf %add3A_452, %get3A_458 : vector<16xf32>
        %add3A_460 = arith.constant 384 : i32
        %add3A_461 = arith.addi %add3A_460, %scan3A_226 : i32
        %get3A_462 = arith.index_cast %add3A_461 : i32 to index
        %get3A_463 = arith.constant 48 : index
        %get3A_464 = tpu.vector_load %arg6[%get3A_462, %get3A_463] {strides = array<i32>} : memref<576x128xf32, #tpu.memory_space<vmem>>, vector<1x16xf32>,
        %get3A_465 = vector.shape_cast %get3A_464 : vector<1x16xf32> to vector<16xf32>
        %add3A_466 = arith.addf %add3A_459, %get3A_465 : vector<16xf32>
        %add3A_467 = arith.constant 448 : i32
        %add3A_468 = arith.addi %add3A_467, %scan3A_226 : i32
        %get3A_469 = arith.index_cast %add3A_468 : i32 to index
        %get3A_470 = arith.constant 48 : index
        %get3A_471 = tpu.vector_load %arg6[%get3A_469, %get3A_470] {strides = array<i32>} : memref<576x128xf32, #tpu.memory_space<vmem>>, vector<1x16xf32>,
        %get3A_472 = vector.shape_cast %get3A_471 : vector<1x16xf32> to vector<16xf32>
        %add3A_473 = arith.addf %add3A_466, %get3A_472 : vector<16xf32>
        %add3A_474 = arith.constant 512 : i32
        %add3A_475 = arith.addi %add3A_474, %scan3A_226 : i32
        %get3A_476 = arith.index_cast %add3A_475 : i32 to index
        %get3A_477 = arith.constant 48 : index
        %get3A_478 = tpu.vector_load %arg6[%get3A_476, %get3A_477] {strides = array<i32>} : memref<576x128xf32, #tpu.memory_space<vmem>>, vector<1x16xf32>,
        %get3A_479 = vector.shape_cast %get3A_478 : vector<1x16xf32> to vector<16xf32>
        %add3A_480 = arith.addf %add3A_473, %get3A_479 : vector<16xf32>
        %swap3A_481 = arith.index_cast %scan3A_226 : i32 to index
        %swap3A_482 = arith.constant 48 : index
        %swap3A_483 = tpu.vector_load %arg7[%swap3A_481, %swap3A_482] {strides = array<i32>} : memref<64x128xf32, #tpu.memory_space<vmem>>, vector<1x16xf32>,
        %swap3A_484 = vector.shape_cast %swap3A_483 : vector<1x16xf32> to vector<16xf32>
        %swap3A_485 = vector.shape_cast %add3A_480 : vector<16xf32> to vector<1x16xf32>
        tpu.vector_store %arg7[%swap3A_481, %swap3A_482], %swap3A_485 {strides = array<i32>} : memref<64x128xf32, #tpu.memory_space<vmem>>, vector<1x16xf32>,
        %get3A_486 = arith.index_cast %scan3A_226 : i32 to index
        %get3A_487 = arith.constant 64 : index
        %get3A_488 = tpu.vector_load %arg6[%get3A_486, %get3A_487] {strides = array<i32>} : memref<576x128xf32, #tpu.memory_space<vmem>>, vector<1x16xf32>,
        %get3A_489 = vector.shape_cast %get3A_488 : vector<1x16xf32> to vector<16xf32>
        %add3A_490 = arith.constant 64 : i32
        %add3A_491 = arith.addi %add3A_490, %scan3A_226 : i32
        %get3A_492 = arith.index_cast %add3A_491 : i32 to index
        %get3A_493 = arith.constant 64 : index
        %get3A_494 = tpu.vector_load %arg6[%get3A_492, %get3A_493] {strides = array<i32>} : memref<576x128xf32, #tpu.memory_space<vmem>>, vector<1x16xf32>,
        %get3A_495 = vector.shape_cast %get3A_494 : vector<1x16xf32> to vector<16xf32>
        %add3A_496 = arith.addf %get3A_489, %get3A_495 : vector<16xf32>
        %add3A_497 = arith.constant 128 : i32
        %add3A_498 = arith.addi %add3A_497, %scan3A_226 : i32
        %get3A_499 = arith.index_cast %add3A_498 : i32 to index
        %get3A_500 = arith.constant 64 : index
        %get3A_501 = tpu.vector_load %arg6[%get3A_499, %get3A_500] {strides = array<i32>} : memref<576x128xf32, #tpu.memory_space<vmem>>, vector<1x16xf32>,
        %get3A_502 = vector.shape_cast %get3A_501 : vector<1x16xf32> to vector<16xf32>
        %add3A_503 = arith.addf %add3A_496, %get3A_502 : vector<16xf32>
        %add3A_504 = arith.constant 192 : i32
        %add3A_505 = arith.addi %add3A_504, %scan3A_226 : i32
        %get3A_506 = arith.index_cast %add3A_505 : i32 to index
        %get3A_507 = arith.constant 64 : index
        %get3A_508 = tpu.vector_load %arg6[%get3A_506, %get3A_507] {strides = array<i32>} : memref<576x128xf32, #tpu.memory_space<vmem>>, vector<1x16xf32>,
        %get3A_509 = vector.shape_cast %get3A_508 : vector<1x16xf32> to vector<16xf32>
        %add3A_510 = arith.addf %add3A_503, %get3A_509 : vector<16xf32>
        %add3A_511 = arith.constant 256 : i32
        %add3A_512 = arith.addi %add3A_511, %scan3A_226 : i32
        %get3A_513 = arith.index_cast %add3A_512 : i32 to index
        %get3A_514 = arith.constant 64 : index
        %get3A_515 = tpu.vector_load %arg6[%get3A_513, %get3A_514] {strides = array<i32>} : memref<576x128xf32, #tpu.memory_space<vmem>>, vector<1x16xf32>,
        %get3A_516 = vector.shape_cast %get3A_515 : vector<1x16xf32> to vector<16xf32>
        %add3A_517 = arith.addf %add3A_510, %get3A_516 : vector<16xf32>
        %add3A_518 = arith.constant 320 : i32
        %add3A_519 = arith.addi %add3A_518, %scan3A_226 : i32
        %get3A_520 = arith.index_cast %add3A_519 : i32 to index
        %get3A_521 = arith.constant 64 : index
        %get3A_522 = tpu.vector_load %arg6[%get3A_520, %get3A_521] {strides = array<i32>} : memref<576x128xf32, #tpu.memory_space<vmem>>, vector<1x16xf32>,
        %get3A_523 = vector.shape_cast %get3A_522 : vector<1x16xf32> to vector<16xf32>
        %add3A_524 = arith.addf %add3A_517, %get3A_523 : vector<16xf32>
        %add3A_525 = arith.constant 384 : i32
        %add3A_526 = arith.addi %add3A_525, %scan3A_226 : i32
        %get3A_527 = arith.index_cast %add3A_526 : i32 to index
        %get3A_528 = arith.constant 64 : index
        %get3A_529 = tpu.vector_load %arg6[%get3A_527, %get3A_528] {strides = array<i32>} : memref<576x128xf32, #tpu.memory_space<vmem>>, vector<1x16xf32>,
        %get3A_530 = vector.shape_cast %get3A_529 : vector<1x16xf32> to vector<16xf32>
        %add3A_531 = arith.addf %add3A_524, %get3A_530 : vector<16xf32>
        %add3A_532 = arith.constant 448 : i32
        %add3A_533 = arith.addi %add3A_532, %scan3A_226 : i32
        %get3A_534 = arith.index_cast %add3A_533 : i32 to index
        %get3A_535 = arith.constant 64 : index
        %get3A_536 = tpu.vector_load %arg6[%get3A_534, %get3A_535] {strides = array<i32>} : memref<576x128xf32, #tpu.memory_space<vmem>>, vector<1x16xf32>,
        %get3A_537 = vector.shape_cast %get3A_536 : vector<1x16xf32> to vector<16xf32>
        %add3A_538 = arith.addf %add3A_531, %get3A_537 : vector<16xf32>
        %add3A_539 = arith.constant 512 : i32
        %add3A_540 = arith.addi %add3A_539, %scan3A_226 : i32
        %get3A_541 = arith.index_cast %add3A_540 : i32 to index
        %get3A_542 = arith.constant 64 : index
        %get3A_543 = tpu.vector_load %arg6[%get3A_541, %get3A_542] {strides = array<i32>} : memref<576x128xf32, #tpu.memory_space<vmem>>, vector<1x16xf32>,
        %get3A_544 = vector.shape_cast %get3A_543 : vector<1x16xf32> to vector<16xf32>
        %add3A_545 = arith.addf %add3A_538, %get3A_544 : vector<16xf32>
        %swap3A_546 = arith.index_cast %scan3A_226 : i32 to index
        %swap3A_547 = arith.constant 64 : index
        %swap3A_548 = tpu.vector_load %arg7[%swap3A_546, %swap3A_547] {strides = array<i32>} : memref<64x128xf32, #tpu.memory_space<vmem>>, vector<1x16xf32>,
        %swap3A_549 = vector.shape_cast %swap3A_548 : vector<1x16xf32> to vector<16xf32>
        %swap3A_550 = vector.shape_cast %add3A_545 : vector<16xf32> to vector<1x16xf32>
        tpu.vector_store %arg7[%swap3A_546, %swap3A_547], %swap3A_550 {strides = array<i32>} : memref<64x128xf32, #tpu.memory_space<vmem>>, vector<1x16xf32>,
        %get3A_551 = arith.index_cast %scan3A_226 : i32 to index
        %get3A_552 = arith.constant 80 : index
        %get3A_553 = tpu.vector_load %arg6[%get3A_551, %get3A_552] {strides = array<i32>} : memref<576x128xf32, #tpu.memory_space<vmem>>, vector<1x16xf32>,
        %get3A_554 = vector.shape_cast %get3A_553 : vector<1x16xf32> to vector<16xf32>
        %add3A_555 = arith.constant 64 : i32
        %add3A_556 = arith.addi %add3A_555, %scan3A_226 : i32
        %get3A_557 = arith.index_cast %add3A_556 : i32 to index
        %get3A_558 = arith.constant 80 : index
        %get3A_559 = tpu.vector_load %arg6[%get3A_557, %get3A_558] {strides = array<i32>} : memref<576x128xf32, #tpu.memory_space<vmem>>, vector<1x16xf32>,
        %get3A_560 = vector.shape_cast %get3A_559 : vector<1x16xf32> to vector<16xf32>
        %add3A_561 = arith.addf %get3A_554, %get3A_560 : vector<16xf32>
        %add3A_562 = arith.constant 128 : i32
        %add3A_563 = arith.addi %add3A_562, %scan3A_226 : i32
        %get3A_564 = arith.index_cast %add3A_563 : i32 to index
        %get3A_565 = arith.constant 80 : index
        %get3A_566 = tpu.vector_load %arg6[%get3A_564, %get3A_565] {strides = array<i32>} : memref<576x128xf32, #tpu.memory_space<vmem>>, vector<1x16xf32>,
        %get3A_567 = vector.shape_cast %get3A_566 : vector<1x16xf32> to vector<16xf32>
        %add3A_568 = arith.addf %add3A_561, %get3A_567 : vector<16xf32>
        %add3A_569 = arith.constant 192 : i32
        %add3A_570 = arith.addi %add3A_569, %scan3A_226 : i32
        %get3A_571 = arith.index_cast %add3A_570 : i32 to index
        %get3A_572 = arith.constant 80 : index
        %get3A_573 = tpu.vector_load %arg6[%get3A_571, %get3A_572] {strides = array<i32>} : memref<576x128xf32, #tpu.memory_space<vmem>>, vector<1x16xf32>,
        %get3A_574 = vector.shape_cast %get3A_573 : vector<1x16xf32> to vector<16xf32>
        %add3A_575 = arith.addf %add3A_568, %get3A_574 : vector<16xf32>
        %add3A_576 = arith.constant 256 : i32
        %add3A_577 = arith.addi %add3A_576, %scan3A_226 : i32
        %get3A_578 = arith.index_cast %add3A_577 : i32 to index
        %get3A_579 = arith.constant 80 : index
        %get3A_580 = tpu.vector_load %arg6[%get3A_578, %get3A_579] {strides = array<i32>} : memref<576x128xf32, #tpu.memory_space<vmem>>, vector<1x16xf32>,
        %get3A_581 = vector.shape_cast %get3A_580 : vector<1x16xf32> to vector<16xf32>
        %add3A_582 = arith.addf %add3A_575, %get3A_581 : vector<16xf32>
        %add3A_583 = arith.constant 320 : i32
        %add3A_584 = arith.addi %add3A_583, %scan3A_226 : i32
        %get3A_585 = arith.index_cast %add3A_584 : i32 to index
        %get3A_586 = arith.constant 80 : index
        %get3A_587 = tpu.vector_load %arg6[%get3A_585, %get3A_586] {strides = array<i32>} : memref<576x128xf32, #tpu.memory_space<vmem>>, vector<1x16xf32>,
        %get3A_588 = vector.shape_cast %get3A_587 : vector<1x16xf32> to vector<16xf32>
        %add3A_589 = arith.addf %add3A_582, %get3A_588 : vector<16xf32>
        %add3A_590 = arith.constant 384 : i32
        %add3A_591 = arith.addi %add3A_590, %scan3A_226 : i32
        %get3A_592 = arith.index_cast %add3A_591 : i32 to index
        %get3A_593 = arith.constant 80 : index
        %get3A_594 = tpu.vector_load %arg6[%get3A_592, %get3A_593] {strides = array<i32>} : memref<576x128xf32, #tpu.memory_space<vmem>>, vector<1x16xf32>,
        %get3A_595 = vector.shape_cast %get3A_594 : vector<1x16xf32> to vector<16xf32>
        %add3A_596 = arith.addf %add3A_589, %get3A_595 : vector<16xf32>
        %add3A_597 = arith.constant 448 : i32
        %add3A_598 = arith.addi %add3A_597, %scan3A_226 : i32
        %get3A_599 = arith.index_cast %add3A_598 : i32 to index
        %get3A_600 = arith.constant 80 : index
        %get3A_601 = tpu.vector_load %arg6[%get3A_599, %get3A_600] {strides = array<i32>} : memref<576x128xf32, #tpu.memory_space<vmem>>, vector<1x16xf32>,
        %get3A_602 = vector.shape_cast %get3A_601 : vector<1x16xf32> to vector<16xf32>
        %add3A_603 = arith.addf %add3A_596, %get3A_602 : vector<16xf32>
        %add3A_604 = arith.constant 512 : i32
        %add3A_605 = arith.addi %add3A_604, %scan3A_226 : i32
        %get3A_606 = arith.index_cast %add3A_605 : i32 to index
        %get3A_607 = arith.constant 80 : index
        %get3A_608 = tpu.vector_load %arg6[%get3A_606, %get3A_607] {strides = array<i32>} : memref<576x128xf32, #tpu.memory_space<vmem>>, vector<1x16xf32>,
        %get3A_609 = vector.shape_cast %get3A_608 : vector<1x16xf32> to vector<16xf32>
        %add3A_610 = arith.addf %add3A_603, %get3A_609 : vector<16xf32>
        %swap3A_611 = arith.index_cast %scan3A_226 : i32 to index
        %swap3A_612 = arith.constant 80 : index
        %swap3A_613 = tpu.vector_load %arg7[%swap3A_611, %swap3A_612] {strides = array<i32>} : memref<64x128xf32, #tpu.memory_space<vmem>>, vector<1x16xf32>,
        %swap3A_614 = vector.shape_cast %swap3A_613 : vector<1x16xf32> to vector<16xf32>
        %swap3A_615 = vector.shape_cast %add3A_610 : vector<16xf32> to vector<1x16xf32>
        tpu.vector_store %arg7[%swap3A_611, %swap3A_612], %swap3A_615 {strides = array<i32>} : memref<64x128xf32, #tpu.memory_space<vmem>>, vector<1x16xf32>,
        %get3A_616 = arith.index_cast %scan3A_226 : i32 to index
        %get3A_617 = arith.constant 96 : index
        %get3A_618 = tpu.vector_load %arg6[%get3A_616, %get3A_617] {strides = array<i32>} : memref<576x128xf32, #tpu.memory_space<vmem>>, vector<1x16xf32>,
        %get3A_619 = vector.shape_cast %get3A_618 : vector<1x16xf32> to vector<16xf32>
        %add3A_620 = arith.constant 64 : i32
        %add3A_621 = arith.addi %add3A_620, %scan3A_226 : i32
        %get3A_622 = arith.index_cast %add3A_621 : i32 to index
        %get3A_623 = arith.constant 96 : index
        %get3A_624 = tpu.vector_load %arg6[%get3A_622, %get3A_623] {strides = array<i32>} : memref<576x128xf32, #tpu.memory_space<vmem>>, vector<1x16xf32>,
        %get3A_625 = vector.shape_cast %get3A_624 : vector<1x16xf32> to vector<16xf32>
        %add3A_626 = arith.addf %get3A_619, %get3A_625 : vector<16xf32>
        %add3A_627 = arith.constant 128 : i32
        %add3A_628 = arith.addi %add3A_627, %scan3A_226 : i32
        %get3A_629 = arith.index_cast %add3A_628 : i32 to index
        %get3A_630 = arith.constant 96 : index
        %get3A_631 = tpu.vector_load %arg6[%get3A_629, %get3A_630] {strides = array<i32>} : memref<576x128xf32, #tpu.memory_space<vmem>>, vector<1x16xf32>,
        %get3A_632 = vector.shape_cast %get3A_631 : vector<1x16xf32> to vector<16xf32>
        %add3A_633 = arith.addf %add3A_626, %get3A_632 : vector<16xf32>
        %add3A_634 = arith.constant 192 : i32
        %add3A_635 = arith.addi %add3A_634, %scan3A_226 : i32
        %get3A_636 = arith.index_cast %add3A_635 : i32 to index
        %get3A_637 = arith.constant 96 : index
        %get3A_638 = tpu.vector_load %arg6[%get3A_636, %get3A_637] {strides = array<i32>} : memref<576x128xf32, #tpu.memory_space<vmem>>, vector<1x16xf32>,
        %get3A_639 = vector.shape_cast %get3A_638 : vector<1x16xf32> to vector<16xf32>
        %add3A_640 = arith.addf %add3A_633, %get3A_639 : vector<16xf32>
        %add3A_641 = arith.constant 256 : i32
        %add3A_642 = arith.addi %add3A_641, %scan3A_226 : i32
        %get3A_643 = arith.index_cast %add3A_642 : i32 to index
        %get3A_644 = arith.constant 96 : index
        %get3A_645 = tpu.vector_load %arg6[%get3A_643, %get3A_644] {strides = array<i32>} : memref<576x128xf32, #tpu.memory_space<vmem>>, vector<1x16xf32>,
        %get3A_646 = vector.shape_cast %get3A_645 : vector<1x16xf32> to vector<16xf32>
        %add3A_647 = arith.addf %add3A_640, %get3A_646 : vector<16xf32>
        %add3A_648 = arith.constant 320 : i32
        %add3A_649 = arith.addi %add3A_648, %scan3A_226 : i32
        %get3A_650 = arith.index_cast %add3A_649 : i32 to index
        %get3A_651 = arith.constant 96 : index
        %get3A_652 = tpu.vector_load %arg6[%get3A_650, %get3A_651] {strides = array<i32>} : memref<576x128xf32, #tpu.memory_space<vmem>>, vector<1x16xf32>,
        %get3A_653 = vector.shape_cast %get3A_652 : vector<1x16xf32> to vector<16xf32>
        %add3A_654 = arith.addf %add3A_647, %get3A_653 : vector<16xf32>
        %add3A_655 = arith.constant 384 : i32
        %add3A_656 = arith.addi %add3A_655, %scan3A_226 : i32
        %get3A_657 = arith.index_cast %add3A_656 : i32 to index
        %get3A_658 = arith.constant 96 : index
        %get3A_659 = tpu.vector_load %arg6[%get3A_657, %get3A_658] {strides = array<i32>} : memref<576x128xf32, #tpu.memory_space<vmem>>, vector<1x16xf32>,
        %get3A_660 = vector.shape_cast %get3A_659 : vector<1x16xf32> to vector<16xf32>
        %add3A_661 = arith.addf %add3A_654, %get3A_660 : vector<16xf32>
        %add3A_662 = arith.constant 448 : i32
        %add3A_663 = arith.addi %add3A_662, %scan3A_226 : i32
        %get3A_664 = arith.index_cast %add3A_663 : i32 to index
        %get3A_665 = arith.constant 96 : index
        %get3A_666 = tpu.vector_load %arg6[%get3A_664, %get3A_665] {strides = array<i32>} : memref<576x128xf32, #tpu.memory_space<vmem>>, vector<1x16xf32>,
        %get3A_667 = vector.shape_cast %get3A_666 : vector<1x16xf32> to vector<16xf32>
        %add3A_668 = arith.addf %add3A_661, %get3A_667 : vector<16xf32>
        %add3A_669 = arith.constant 512 : i32
        %add3A_670 = arith.addi %add3A_669, %scan3A_226 : i32
        %get3A_671 = arith.index_cast %add3A_670 : i32 to index
        %get3A_672 = arith.constant 96 : index
        %get3A_673 = tpu.vector_load %arg6[%get3A_671, %get3A_672] {strides = array<i32>} : memref<576x128xf32, #tpu.memory_space<vmem>>, vector<1x16xf32>,
        %get3A_674 = vector.shape_cast %get3A_673 : vector<1x16xf32> to vector<16xf32>
        %add3A_675 = arith.addf %add3A_668, %get3A_674 : vector<16xf32>
        %swap3A_676 = arith.index_cast %scan3A_226 : i32 to index
        %swap3A_677 = arith.constant 96 : index
        %swap3A_678 = tpu.vector_load %arg7[%swap3A_676, %swap3A_677] {strides = array<i32>} : memref<64x128xf32, #tpu.memory_space<vmem>>, vector<1x16xf32>,
        %swap3A_679 = vector.shape_cast %swap3A_678 : vector<1x16xf32> to vector<16xf32>
        %swap3A_680 = vector.shape_cast %add3A_675 : vector<16xf32> to vector<1x16xf32>
        tpu.vector_store %arg7[%swap3A_676, %swap3A_677], %swap3A_680 {strides = array<i32>} : memref<64x128xf32, #tpu.memory_space<vmem>>, vector<1x16xf32>,
        %get3A_681 = arith.index_cast %scan3A_226 : i32 to index
        %get3A_682 = arith.constant 112 : index
        %get3A_683 = tpu.vector_load %arg6[%get3A_681, %get3A_682] {strides = array<i32>} : memref<576x128xf32, #tpu.memory_space<vmem>>, vector<1x16xf32>,
        %get3A_684 = vector.shape_cast %get3A_683 : vector<1x16xf32> to vector<16xf32>
        %add3A_685 = arith.constant 64 : i32
        %add3A_686 = arith.addi %add3A_685, %scan3A_226 : i32
        %get3A_687 = arith.index_cast %add3A_686 : i32 to index
        %get3A_688 = arith.constant 112 : index
        %get3A_689 = tpu.vector_load %arg6[%get3A_687, %get3A_688] {strides = array<i32>} : memref<576x128xf32, #tpu.memory_space<vmem>>, vector<1x16xf32>,
        %get3A_690 = vector.shape_cast %get3A_689 : vector<1x16xf32> to vector<16xf32>
        %add3A_691 = arith.addf %get3A_684, %get3A_690 : vector<16xf32>
        %add3A_692 = arith.constant 128 : i32
        %add3A_693 = arith.addi %add3A_692, %scan3A_226 : i32
        %get3A_694 = arith.index_cast %add3A_693 : i32 to index
        %get3A_695 = arith.constant 112 : index
        %get3A_696 = tpu.vector_load %arg6[%get3A_694, %get3A_695] {strides = array<i32>} : memref<576x128xf32, #tpu.memory_space<vmem>>, vector<1x16xf32>,
        %get3A_697 = vector.shape_cast %get3A_696 : vector<1x16xf32> to vector<16xf32>
        %add3A_698 = arith.addf %add3A_691, %get3A_697 : vector<16xf32>
        %add3A_699 = arith.constant 192 : i32
        %add3A_700 = arith.addi %add3A_699, %scan3A_226 : i32
        %get3A_701 = arith.index_cast %add3A_700 : i32 to index
        %get3A_702 = arith.constant 112 : index
        %get3A_703 = tpu.vector_load %arg6[%get3A_701, %get3A_702] {strides = array<i32>} : memref<576x128xf32, #tpu.memory_space<vmem>>, vector<1x16xf32>,
        %get3A_704 = vector.shape_cast %get3A_703 : vector<1x16xf32> to vector<16xf32>
        %add3A_705 = arith.addf %add3A_698, %get3A_704 : vector<16xf32>
        %add3A_706 = arith.constant 256 : i32
        %add3A_707 = arith.addi %add3A_706, %scan3A_226 : i32
        %get3A_708 = arith.index_cast %add3A_707 : i32 to index
        %get3A_709 = arith.constant 112 : index
        %get3A_710 = tpu.vector_load %arg6[%get3A_708, %get3A_709] {strides = array<i32>} : memref<576x128xf32, #tpu.memory_space<vmem>>, vector<1x16xf32>,
        %get3A_711 = vector.shape_cast %get3A_710 : vector<1x16xf32> to vector<16xf32>
        %add3A_712 = arith.addf %add3A_705, %get3A_711 : vector<16xf32>
        %add3A_713 = arith.constant 320 : i32
        %add3A_714 = arith.addi %add3A_713, %scan3A_226 : i32
        %get3A_715 = arith.index_cast %add3A_714 : i32 to index
        %get3A_716 = arith.constant 112 : index
        %get3A_717 = tpu.vector_load %arg6[%get3A_715, %get3A_716] {strides = array<i32>} : memref<576x128xf32, #tpu.memory_space<vmem>>, vector<1x16xf32>,
        %get3A_718 = vector.shape_cast %get3A_717 : vector<1x16xf32> to vector<16xf32>
        %add3A_719 = arith.addf %add3A_712, %get3A_718 : vector<16xf32>
        %add3A_720 = arith.constant 384 : i32
        %add3A_721 = arith.addi %add3A_720, %scan3A_226 : i32
        %get3A_722 = arith.index_cast %add3A_721 : i32 to index
        %get3A_723 = arith.constant 112 : index
        %get3A_724 = tpu.vector_load %arg6[%get3A_722, %get3A_723] {strides = array<i32>} : memref<576x128xf32, #tpu.memory_space<vmem>>, vector<1x16xf32>,
        %get3A_725 = vector.shape_cast %get3A_724 : vector<1x16xf32> to vector<16xf32>
        %add3A_726 = arith.addf %add3A_719, %get3A_725 : vector<16xf32>
        %add3A_727 = arith.constant 448 : i32
        %add3A_728 = arith.addi %add3A_727, %scan3A_226 : i32
        %get3A_729 = arith.index_cast %add3A_728 : i32 to index
        %get3A_730 = arith.constant 112 : index
        %get3A_731 = tpu.vector_load %arg6[%get3A_729, %get3A_730] {strides = array<i32>} : memref<576x128xf32, #tpu.memory_space<vmem>>, vector<1x16xf32>,
        %get3A_732 = vector.shape_cast %get3A_731 : vector<1x16xf32> to vector<16xf32>
        %add3A_733 = arith.addf %add3A_726, %get3A_732 : vector<16xf32>
        %add3A_734 = arith.constant 512 : i32
        %add3A_735 = arith.addi %add3A_734, %scan3A_226 : i32
        %get3A_736 = arith.index_cast %add3A_735 : i32 to index
        %get3A_737 = arith.constant 112 : index
        %get3A_738 = tpu.vector_load %arg6[%get3A_736, %get3A_737] {strides = array<i32>} : memref<576x128xf32, #tpu.memory_space<vmem>>, vector<1x16xf32>,
        %get3A_739 = vector.shape_cast %get3A_738 : vector<1x16xf32> to vector<16xf32>
        %add3A_740 = arith.addf %add3A_733, %get3A_739 : vector<16xf32>
        %swap3A_741 = arith.index_cast %scan3A_226 : i32 to index
        %swap3A_742 = arith.constant 112 : index
        %swap3A_743 = tpu.vector_load %arg7[%swap3A_741, %swap3A_742] {strides = array<i32>} : memref<64x128xf32, #tpu.memory_space<vmem>>, vector<1x16xf32>,
        %swap3A_744 = vector.shape_cast %swap3A_743 : vector<1x16xf32> to vector<16xf32>
        %swap3A_745 = vector.shape_cast %add3A_740 : vector<16xf32> to vector<1x16xf32>
        tpu.vector_store %arg7[%swap3A_741, %swap3A_742], %swap3A_745 {strides = array<i32>} : memref<64x128xf32, #tpu.memory_space<vmem>>, vector<1x16xf32>,
        %scan3A_746 = arith.constant 0 : i32
        scf.yield %scan3A_746 : i32
      }
      %scan3A_224 = arith.constant 64 : i32
      "tpu.region"() ({
        %run_scoped3A_226 = tpu.sem_alloc : memref<!tpu.dma_semaphore, #tpu.memory_space<semaphore_mem>>
        %dma_start3A_227 = arith.constant 0 : i32
        %dma_start3A_228 = tpu.memref_slice %arg4[%add3A_13, %dma_start3A_227] : memref<10240x128xf32, #tpu.memory_space<hbm>> -> memref<64x128xf32, #tpu.memory_space<hbm>>
        %dma_start3A_229 = arith.constant 0 : i32
        %dma_start3A_230 = tpu.memref_slice %arg4[%add3A_13, %dma_start3A_229] : memref<10240x128xf32, #tpu.memory_space<hbm>> -> memref<64x128xf32, #tpu.memory_space<hbm>>
        tpu.enqueue_dma source(%arg7 : memref<64x128xf32, #tpu.memory_space<vmem>>) target(%dma_start3A_230 : memref<64x128xf32, #tpu.memory_space<hbm>>) target_semaphore(%run_scoped3A_226 : memref<!tpu.dma_semaphore, #tpu.memory_space<semaphore_mem>>)
        %dma_wait3A_231 = arith.constant 0 : i32
        %dma_wait3A_232 = tpu.memref_slice %arg4[%add3A_13, %dma_wait3A_231] : memref<10240x128xf32, #tpu.memory_space<hbm>> -> memref<64x128xf32, #tpu.memory_space<hbm>>
        %dma_wait3A_233 = arith.constant 0 : i32
        %dma_wait3A_234 = tpu.memref_slice %arg4[%add3A_13, %dma_wait3A_233] : memref<10240x128xf32, #tpu.memory_space<hbm>> -> memref<64x128xf32, #tpu.memory_space<hbm>>
        tpu.wait_dma2 semaphore(%run_scoped3A_226 : memref<!tpu.dma_semaphore, #tpu.memory_space<semaphore_mem>>) src(%arg7 : memref<64x128xf32, #tpu.memory_space<vmem>>) dst(%dma_wait3A_234 : memref<64x128xf32, #tpu.memory_space<hbm>>)
        tpu.yield
      }) : () -> ()
      %scan3A_225 = arith.constant 0 : i32
      scf.yield %scan3A_225 : i32
    }
    %scan3A_8 = arith.constant 5 : i32
    return
  }
}

#map = affine_map<(d0, d1) -> (0, 0)>
#map1 = affine_map<(d0, d1) -> (0)>
#map2 = affine_map<(d0, d1) -> (0, 0, 0)>
module attributes {stable_mosaic.version = 14 : i64} {
  func.func @_msg_aggr(%arg0: i32, %arg1: i32, %arg2: memref<10240x128xf32, #tpu.memory_space<hbm>>, %arg3: memref<4096x128xf32, #tpu.memory_space<hbm>>, %arg4: memref<323584xi32, #tpu.memory_space<hbm>>, %arg5: memref<323584xi32, #tpu.memory_space<hbm>>, %arg6: memref<323584xi32, #tpu.memory_space<hbm>>, %arg7: memref<2x10240x128xf32, #tpu.memory_space<hbm>>, %arg8: memref<128xi32, #tpu.memory_space<vmem>>, %arg9: memref<128xi32, #tpu.memory_space<vmem>>, %arg10: memref<128xi32, #tpu.memory_space<vmem>>, %arg11: memref<128x128xf32, #tpu.memory_space<vmem>>, %arg12: memref<128x128xf32, #tpu.memory_space<vmem>>, %arg13: memref<!tpu.dma_semaphore, #tpu.memory_space<semaphore_mem>>, %arg14: memref<10240x128xf32, #tpu.memory_space<vmem_shared>>) attributes {dimension_semantics = [#tpu.dimension_semantics<core_parallel>, #tpu.dimension_semantics<subcore_parallel>], iteration_bounds = array<i64: 2, 16>, scalar_prefetch = 0 : i64, scratch_operands = 7 : i64, tpu.core_type = #tpu.core_type<sc_vector_subcore>, window_params = [{transform_indices = #map}, {transform_indices = #map}, {transform_indices = #map1}, {transform_indices = #map1}, {transform_indices = #map1}, {transform_indices = #map2}]} {
    %mul3A = arith.constant 2 : i32
    %mul3A_0 = arith.muli %arg1, %mul3A : i32
    %add3A = arith.addi %mul3A_0, %arg0 : i32
    %mul3A_1 = arith.constant 640 : i32
    %mul3A_2 = arith.muli %arg1, %mul3A_1 : i32
    %scan3A = arith.constant 0 : i32
    %scan3A_3 = arith.constant 0 : i32
    %scan3A_4 = arith.constant 128 : i32
    %scan3A_5 = arith.addi %scan3A_3, %scan3A_4 : i32
    %scan3A_6 = arith.constant 1 : i32
    %scan3A_7 = scf.for %scan3A_29 = %scan3A_3 to %scan3A_5 step %scan3A_6 iter_args(%scan3A_30 = %scan3A) -> (i32)  : i32 {
      %broadcast_in_dim3A = arith.constant 0.000000e+00 : f32
      %broadcast_in_dim3A_31 = vector.broadcast %broadcast_in_dim3A : f32 to vector<16xf32>
      %swap3A = arith.index_cast %scan3A_29 : i32 to index
      %swap3A_32 = arith.constant 0 : index
      %swap3A_33 = tpu.vector_load %arg11[%swap3A, %swap3A_32] {strides = array<i32>} : memref<128x128xf32, #tpu.memory_space<vmem>>, vector<1x16xf32>,
      %swap3A_34 = vector.shape_cast %swap3A_33 : vector<1x16xf32> to vector<16xf32>
      %swap3A_35 = vector.shape_cast %broadcast_in_dim3A_31 : vector<16xf32> to vector<1x16xf32>
      tpu.vector_store %arg11[%swap3A, %swap3A_32], %swap3A_35 {strides = array<i32>} : memref<128x128xf32, #tpu.memory_space<vmem>>, vector<1x16xf32>,
      %broadcast_in_dim3A_36 = arith.constant 0.000000e+00 : f32
      %broadcast_in_dim3A_37 = vector.broadcast %broadcast_in_dim3A_36 : f32 to vector<16xf32>
      %swap3A_38 = arith.index_cast %scan3A_29 : i32 to index
      %swap3A_39 = arith.constant 16 : index
      %swap3A_40 = tpu.vector_load %arg11[%swap3A_38, %swap3A_39] {strides = array<i32>} : memref<128x128xf32, #tpu.memory_space<vmem>>, vector<1x16xf32>,
      %swap3A_41 = vector.shape_cast %swap3A_40 : vector<1x16xf32> to vector<16xf32>
      %swap3A_42 = vector.shape_cast %broadcast_in_dim3A_37 : vector<16xf32> to vector<1x16xf32>
      tpu.vector_store %arg11[%swap3A_38, %swap3A_39], %swap3A_42 {strides = array<i32>} : memref<128x128xf32, #tpu.memory_space<vmem>>, vector<1x16xf32>,
      %broadcast_in_dim3A_43 = arith.constant 0.000000e+00 : f32
      %broadcast_in_dim3A_44 = vector.broadcast %broadcast_in_dim3A_43 : f32 to vector<16xf32>
      %swap3A_45 = arith.index_cast %scan3A_29 : i32 to index
      %swap3A_46 = arith.constant 32 : index
      %swap3A_47 = tpu.vector_load %arg11[%swap3A_45, %swap3A_46] {strides = array<i32>} : memref<128x128xf32, #tpu.memory_space<vmem>>, vector<1x16xf32>,
      %swap3A_48 = vector.shape_cast %swap3A_47 : vector<1x16xf32> to vector<16xf32>
      %swap3A_49 = vector.shape_cast %broadcast_in_dim3A_44 : vector<16xf32> to vector<1x16xf32>
      tpu.vector_store %arg11[%swap3A_45, %swap3A_46], %swap3A_49 {strides = array<i32>} : memref<128x128xf32, #tpu.memory_space<vmem>>, vector<1x16xf32>,
      %broadcast_in_dim3A_50 = arith.constant 0.000000e+00 : f32
      %broadcast_in_dim3A_51 = vector.broadcast %broadcast_in_dim3A_50 : f32 to vector<16xf32>
      %swap3A_52 = arith.index_cast %scan3A_29 : i32 to index
      %swap3A_53 = arith.constant 48 : index
      %swap3A_54 = tpu.vector_load %arg11[%swap3A_52, %swap3A_53] {strides = array<i32>} : memref<128x128xf32, #tpu.memory_space<vmem>>, vector<1x16xf32>,
      %swap3A_55 = vector.shape_cast %swap3A_54 : vector<1x16xf32> to vector<16xf32>
      %swap3A_56 = vector.shape_cast %broadcast_in_dim3A_51 : vector<16xf32> to vector<1x16xf32>
      tpu.vector_store %arg11[%swap3A_52, %swap3A_53], %swap3A_56 {strides = array<i32>} : memref<128x128xf32, #tpu.memory_space<vmem>>, vector<1x16xf32>,
      %broadcast_in_dim3A_57 = arith.constant 0.000000e+00 : f32
      %broadcast_in_dim3A_58 = vector.broadcast %broadcast_in_dim3A_57 : f32 to vector<16xf32>
      %swap3A_59 = arith.index_cast %scan3A_29 : i32 to index
      %swap3A_60 = arith.constant 64 : index
      %swap3A_61 = tpu.vector_load %arg11[%swap3A_59, %swap3A_60] {strides = array<i32>} : memref<128x128xf32, #tpu.memory_space<vmem>>, vector<1x16xf32>,
      %swap3A_62 = vector.shape_cast %swap3A_61 : vector<1x16xf32> to vector<16xf32>
      %swap3A_63 = vector.shape_cast %broadcast_in_dim3A_58 : vector<16xf32> to vector<1x16xf32>
      tpu.vector_store %arg11[%swap3A_59, %swap3A_60], %swap3A_63 {strides = array<i32>} : memref<128x128xf32, #tpu.memory_space<vmem>>, vector<1x16xf32>,
      %broadcast_in_dim3A_64 = arith.constant 0.000000e+00 : f32
      %broadcast_in_dim3A_65 = vector.broadcast %broadcast_in_dim3A_64 : f32 to vector<16xf32>
      %swap3A_66 = arith.index_cast %scan3A_29 : i32 to index
      %swap3A_67 = arith.constant 80 : index
      %swap3A_68 = tpu.vector_load %arg11[%swap3A_66, %swap3A_67] {strides = array<i32>} : memref<128x128xf32, #tpu.memory_space<vmem>>, vector<1x16xf32>,
      %swap3A_69 = vector.shape_cast %swap3A_68 : vector<1x16xf32> to vector<16xf32>
      %swap3A_70 = vector.shape_cast %broadcast_in_dim3A_65 : vector<16xf32> to vector<1x16xf32>
      tpu.vector_store %arg11[%swap3A_66, %swap3A_67], %swap3A_70 {strides = array<i32>} : memref<128x128xf32, #tpu.memory_space<vmem>>, vector<1x16xf32>,
      %broadcast_in_dim3A_71 = arith.constant 0.000000e+00 : f32
      %broadcast_in_dim3A_72 = vector.broadcast %broadcast_in_dim3A_71 : f32 to vector<16xf32>
      %swap3A_73 = arith.index_cast %scan3A_29 : i32 to index
      %swap3A_74 = arith.constant 96 : index
      %swap3A_75 = tpu.vector_load %arg11[%swap3A_73, %swap3A_74] {strides = array<i32>} : memref<128x128xf32, #tpu.memory_space<vmem>>, vector<1x16xf32>,
      %swap3A_76 = vector.shape_cast %swap3A_75 : vector<1x16xf32> to vector<16xf32>
      %swap3A_77 = vector.shape_cast %broadcast_in_dim3A_72 : vector<16xf32> to vector<1x16xf32>
      tpu.vector_store %arg11[%swap3A_73, %swap3A_74], %swap3A_77 {strides = array<i32>} : memref<128x128xf32, #tpu.memory_space<vmem>>, vector<1x16xf32>,
      %broadcast_in_dim3A_78 = arith.constant 0.000000e+00 : f32
      %broadcast_in_dim3A_79 = vector.broadcast %broadcast_in_dim3A_78 : f32 to vector<16xf32>
      %swap3A_80 = arith.index_cast %scan3A_29 : i32 to index
      %swap3A_81 = arith.constant 112 : index
      %swap3A_82 = tpu.vector_load %arg11[%swap3A_80, %swap3A_81] {strides = array<i32>} : memref<128x128xf32, #tpu.memory_space<vmem>>, vector<1x16xf32>,
      %swap3A_83 = vector.shape_cast %swap3A_82 : vector<1x16xf32> to vector<16xf32>
      %swap3A_84 = vector.shape_cast %broadcast_in_dim3A_79 : vector<16xf32> to vector<1x16xf32>
      tpu.vector_store %arg11[%swap3A_80, %swap3A_81], %swap3A_84 {strides = array<i32>} : memref<128x128xf32, #tpu.memory_space<vmem>>, vector<1x16xf32>,
      %scan3A_85 = arith.constant 0 : i32
      scf.yield %scan3A_85 : i32
    }
    %scan3A_8 = arith.constant 128 : i32
    %add3A_9 = arith.constant 0 : i32
    %add3A_10 = arith.addi %mul3A_2, %add3A_9 : i32
    "tpu.region"() ({
      %run_scoped3A = tpu.sem_alloc : memref<!tpu.dma_semaphore, #tpu.memory_space<semaphore_mem>>
      %dma_start3A = arith.constant 0 : i32
      %dma_start3A_29 = tpu.memref_slice %arg14[%add3A_10, %dma_start3A] : memref<10240x128xf32, #tpu.memory_space<vmem_shared>> -> memref<128x128xf32, #tpu.memory_space<vmem_shared>>
      %dma_start3A_30 = arith.constant 0 : i32
      %dma_start3A_31 = tpu.memref_slice %arg14[%add3A_10, %dma_start3A_30] : memref<10240x128xf32, #tpu.memory_space<vmem_shared>> -> memref<128x128xf32, #tpu.memory_space<vmem_shared>>
      tpu.enqueue_dma source(%arg11 : memref<128x128xf32, #tpu.memory_space<vmem>>) target(%dma_start3A_31 : memref<128x128xf32, #tpu.memory_space<vmem_shared>>) target_semaphore(%run_scoped3A : memref<!tpu.dma_semaphore, #tpu.memory_space<semaphore_mem>>)
      %dma_wait3A = arith.constant 0 : i32
      %dma_wait3A_32 = tpu.memref_slice %arg14[%add3A_10, %dma_wait3A] : memref<10240x128xf32, #tpu.memory_space<vmem_shared>> -> memref<128x128xf32, #tpu.memory_space<vmem_shared>>
      %dma_wait3A_33 = arith.constant 0 : i32
      %dma_wait3A_34 = tpu.memref_slice %arg14[%add3A_10, %dma_wait3A_33] : memref<10240x128xf32, #tpu.memory_space<vmem_shared>> -> memref<128x128xf32, #tpu.memory_space<vmem_shared>>
      tpu.wait_dma2 semaphore(%run_scoped3A : memref<!tpu.dma_semaphore, #tpu.memory_space<semaphore_mem>>) src(%arg11 : memref<128x128xf32, #tpu.memory_space<vmem>>) dst(%dma_wait3A_34 : memref<128x128xf32, #tpu.memory_space<vmem_shared>>)
      tpu.yield
    }) : () -> ()
    %add3A_11 = arith.constant 128 : i32
    %add3A_12 = arith.addi %mul3A_2, %add3A_11 : i32
    "tpu.region"() ({
      %run_scoped3A = tpu.sem_alloc : memref<!tpu.dma_semaphore, #tpu.memory_space<semaphore_mem>>
      %dma_start3A = arith.constant 0 : i32
      %dma_start3A_29 = tpu.memref_slice %arg14[%add3A_12, %dma_start3A] : memref<10240x128xf32, #tpu.memory_space<vmem_shared>> -> memref<128x128xf32, #tpu.memory_space<vmem_shared>>
      %dma_start3A_30 = arith.constant 0 : i32
      %dma_start3A_31 = tpu.memref_slice %arg14[%add3A_12, %dma_start3A_30] : memref<10240x128xf32, #tpu.memory_space<vmem_shared>> -> memref<128x128xf32, #tpu.memory_space<vmem_shared>>
      tpu.enqueue_dma source(%arg11 : memref<128x128xf32, #tpu.memory_space<vmem>>) target(%dma_start3A_31 : memref<128x128xf32, #tpu.memory_space<vmem_shared>>) target_semaphore(%run_scoped3A : memref<!tpu.dma_semaphore, #tpu.memory_space<semaphore_mem>>)
      %dma_wait3A = arith.constant 0 : i32
      %dma_wait3A_32 = tpu.memref_slice %arg14[%add3A_12, %dma_wait3A] : memref<10240x128xf32, #tpu.memory_space<vmem_shared>> -> memref<128x128xf32, #tpu.memory_space<vmem_shared>>
      %dma_wait3A_33 = arith.constant 0 : i32
      %dma_wait3A_34 = tpu.memref_slice %arg14[%add3A_12, %dma_wait3A_33] : memref<10240x128xf32, #tpu.memory_space<vmem_shared>> -> memref<128x128xf32, #tpu.memory_space<vmem_shared>>
      tpu.wait_dma2 semaphore(%run_scoped3A : memref<!tpu.dma_semaphore, #tpu.memory_space<semaphore_mem>>) src(%arg11 : memref<128x128xf32, #tpu.memory_space<vmem>>) dst(%dma_wait3A_34 : memref<128x128xf32, #tpu.memory_space<vmem_shared>>)
      tpu.yield
    }) : () -> ()
    %add3A_13 = arith.constant 256 : i32
    %add3A_14 = arith.addi %mul3A_2, %add3A_13 : i32
    "tpu.region"() ({
      %run_scoped3A = tpu.sem_alloc : memref<!tpu.dma_semaphore, #tpu.memory_space<semaphore_mem>>
      %dma_start3A = arith.constant 0 : i32
      %dma_start3A_29 = tpu.memref_slice %arg14[%add3A_14, %dma_start3A] : memref<10240x128xf32, #tpu.memory_space<vmem_shared>> -> memref<128x128xf32, #tpu.memory_space<vmem_shared>>
      %dma_start3A_30 = arith.constant 0 : i32
      %dma_start3A_31 = tpu.memref_slice %arg14[%add3A_14, %dma_start3A_30] : memref<10240x128xf32, #tpu.memory_space<vmem_shared>> -> memref<128x128xf32, #tpu.memory_space<vmem_shared>>
      tpu.enqueue_dma source(%arg11 : memref<128x128xf32, #tpu.memory_space<vmem>>) target(%dma_start3A_31 : memref<128x128xf32, #tpu.memory_space<vmem_shared>>) target_semaphore(%run_scoped3A : memref<!tpu.dma_semaphore, #tpu.memory_space<semaphore_mem>>)
      %dma_wait3A = arith.constant 0 : i32
      %dma_wait3A_32 = tpu.memref_slice %arg14[%add3A_14, %dma_wait3A] : memref<10240x128xf32, #tpu.memory_space<vmem_shared>> -> memref<128x128xf32, #tpu.memory_space<vmem_shared>>
      %dma_wait3A_33 = arith.constant 0 : i32
      %dma_wait3A_34 = tpu.memref_slice %arg14[%add3A_14, %dma_wait3A_33] : memref<10240x128xf32, #tpu.memory_space<vmem_shared>> -> memref<128x128xf32, #tpu.memory_space<vmem_shared>>
      tpu.wait_dma2 semaphore(%run_scoped3A : memref<!tpu.dma_semaphore, #tpu.memory_space<semaphore_mem>>) src(%arg11 : memref<128x128xf32, #tpu.memory_space<vmem>>) dst(%dma_wait3A_34 : memref<128x128xf32, #tpu.memory_space<vmem_shared>>)
      tpu.yield
    }) : () -> ()
    %add3A_15 = arith.constant 384 : i32
    %add3A_16 = arith.addi %mul3A_2, %add3A_15 : i32
    "tpu.region"() ({
      %run_scoped3A = tpu.sem_alloc : memref<!tpu.dma_semaphore, #tpu.memory_space<semaphore_mem>>
      %dma_start3A = arith.constant 0 : i32
      %dma_start3A_29 = tpu.memref_slice %arg14[%add3A_16, %dma_start3A] : memref<10240x128xf32, #tpu.memory_space<vmem_shared>> -> memref<128x128xf32, #tpu.memory_space<vmem_shared>>
      %dma_start3A_30 = arith.constant 0 : i32
      %dma_start3A_31 = tpu.memref_slice %arg14[%add3A_16, %dma_start3A_30] : memref<10240x128xf32, #tpu.memory_space<vmem_shared>> -> memref<128x128xf32, #tpu.memory_space<vmem_shared>>
      tpu.enqueue_dma source(%arg11 : memref<128x128xf32, #tpu.memory_space<vmem>>) target(%dma_start3A_31 : memref<128x128xf32, #tpu.memory_space<vmem_shared>>) target_semaphore(%run_scoped3A : memref<!tpu.dma_semaphore, #tpu.memory_space<semaphore_mem>>)
      %dma_wait3A = arith.constant 0 : i32
      %dma_wait3A_32 = tpu.memref_slice %arg14[%add3A_16, %dma_wait3A] : memref<10240x128xf32, #tpu.memory_space<vmem_shared>> -> memref<128x128xf32, #tpu.memory_space<vmem_shared>>
      %dma_wait3A_33 = arith.constant 0 : i32
      %dma_wait3A_34 = tpu.memref_slice %arg14[%add3A_16, %dma_wait3A_33] : memref<10240x128xf32, #tpu.memory_space<vmem_shared>> -> memref<128x128xf32, #tpu.memory_space<vmem_shared>>
      tpu.wait_dma2 semaphore(%run_scoped3A : memref<!tpu.dma_semaphore, #tpu.memory_space<semaphore_mem>>) src(%arg11 : memref<128x128xf32, #tpu.memory_space<vmem>>) dst(%dma_wait3A_34 : memref<128x128xf32, #tpu.memory_space<vmem_shared>>)
      tpu.yield
    }) : () -> ()
    %add3A_17 = arith.constant 512 : i32
    %add3A_18 = arith.addi %mul3A_2, %add3A_17 : i32
    "tpu.region"() ({
      %run_scoped3A = tpu.sem_alloc : memref<!tpu.dma_semaphore, #tpu.memory_space<semaphore_mem>>
      %dma_start3A = arith.constant 0 : i32
      %dma_start3A_29 = tpu.memref_slice %arg14[%add3A_18, %dma_start3A] : memref<10240x128xf32, #tpu.memory_space<vmem_shared>> -> memref<128x128xf32, #tpu.memory_space<vmem_shared>>
      %dma_start3A_30 = arith.constant 0 : i32
      %dma_start3A_31 = tpu.memref_slice %arg14[%add3A_18, %dma_start3A_30] : memref<10240x128xf32, #tpu.memory_space<vmem_shared>> -> memref<128x128xf32, #tpu.memory_space<vmem_shared>>
      tpu.enqueue_dma source(%arg11 : memref<128x128xf32, #tpu.memory_space<vmem>>) target(%dma_start3A_31 : memref<128x128xf32, #tpu.memory_space<vmem_shared>>) target_semaphore(%run_scoped3A : memref<!tpu.dma_semaphore, #tpu.memory_space<semaphore_mem>>)
      %dma_wait3A = arith.constant 0 : i32
      %dma_wait3A_32 = tpu.memref_slice %arg14[%add3A_18, %dma_wait3A] : memref<10240x128xf32, #tpu.memory_space<vmem_shared>> -> memref<128x128xf32, #tpu.memory_space<vmem_shared>>
      %dma_wait3A_33 = arith.constant 0 : i32
      %dma_wait3A_34 = tpu.memref_slice %arg14[%add3A_18, %dma_wait3A_33] : memref<10240x128xf32, #tpu.memory_space<vmem_shared>> -> memref<128x128xf32, #tpu.memory_space<vmem_shared>>
      tpu.wait_dma2 semaphore(%run_scoped3A : memref<!tpu.dma_semaphore, #tpu.memory_space<semaphore_mem>>) src(%arg11 : memref<128x128xf32, #tpu.memory_space<vmem>>) dst(%dma_wait3A_34 : memref<128x128xf32, #tpu.memory_space<vmem_shared>>)
      tpu.yield
    }) : () -> ()
    %barrier3A = arith.constant 0 : index
    tpu.barrier barrier_id(%barrier3A)
    %mul3A_19 = arith.constant 10112 : i32
    %mul3A_20 = arith.muli %add3A, %mul3A_19 : i32
    %scan3A_21 = arith.constant 0 : i32
    %scan3A_22 = arith.constant 0 : i32
    %scan3A_23 = arith.constant 79 : i32
    %scan3A_24 = arith.addi %scan3A_22, %scan3A_23 : i32
    %scan3A_25 = arith.constant 1 : i32
    %scan3A_26 = scf.for %scan3A_29 = %scan3A_22 to %scan3A_24 step %scan3A_25 iter_args(%scan3A_30 = %scan3A_21) -> (i32)  : i32 {
      %mul3A_31 = arith.constant 128 : i32
      %mul3A_32 = arith.muli %scan3A_29, %mul3A_31 : i32
      %add3A_33 = arith.addi %mul3A_20, %mul3A_32 : i32
      "tpu.region"() ({
        %run_scoped3A = tpu.sem_alloc : memref<!tpu.dma_semaphore, #tpu.memory_space<semaphore_mem>>
        %dma_start3A_52 = tpu.memref_slice %arg4[%add3A_33] : memref<323584xi32, #tpu.memory_space<hbm>> -> memref<128xi32, #tpu.memory_space<hbm>>
        %dma_start3A_53 = tpu.memref_slice %arg4[%add3A_33] : memref<323584xi32, #tpu.memory_space<hbm>> -> memref<128xi32, #tpu.memory_space<hbm>>
        tpu.enqueue_dma source(%dma_start3A_53 : memref<128xi32, #tpu.memory_space<hbm>>) target(%arg8 : memref<128xi32, #tpu.memory_space<vmem>>) target_semaphore(%run_scoped3A : memref<!tpu.dma_semaphore, #tpu.memory_space<semaphore_mem>>)
        %dma_wait3A_54 = tpu.memref_slice %arg4[%add3A_33] : memref<323584xi32, #tpu.memory_space<hbm>> -> memref<128xi32, #tpu.memory_space<hbm>>
        %dma_wait3A_55 = tpu.memref_slice %arg4[%add3A_33] : memref<323584xi32, #tpu.memory_space<hbm>> -> memref<128xi32, #tpu.memory_space<hbm>>
        tpu.wait_dma2 semaphore(%run_scoped3A : memref<!tpu.dma_semaphore, #tpu.memory_space<semaphore_mem>>) src(%dma_wait3A_55 : memref<128xi32, #tpu.memory_space<hbm>>) dst(%arg8 : memref<128xi32, #tpu.memory_space<vmem>>)
        tpu.yield
      }) : () -> ()
      "tpu.region"() ({
        %run_scoped3A = tpu.sem_alloc : memref<!tpu.dma_semaphore, #tpu.memory_space<semaphore_mem>>
        %dma_start3A_52 = tpu.memref_slice %arg5[%add3A_33] : memref<323584xi32, #tpu.memory_space<hbm>> -> memref<128xi32, #tpu.memory_space<hbm>>
        %dma_start3A_53 = tpu.memref_slice %arg5[%add3A_33] : memref<323584xi32, #tpu.memory_space<hbm>> -> memref<128xi32, #tpu.memory_space<hbm>>
        tpu.enqueue_dma source(%dma_start3A_53 : memref<128xi32, #tpu.memory_space<hbm>>) target(%arg9 : memref<128xi32, #tpu.memory_space<vmem>>) target_semaphore(%run_scoped3A : memref<!tpu.dma_semaphore, #tpu.memory_space<semaphore_mem>>)
        %dma_wait3A_54 = tpu.memref_slice %arg5[%add3A_33] : memref<323584xi32, #tpu.memory_space<hbm>> -> memref<128xi32, #tpu.memory_space<hbm>>
        %dma_wait3A_55 = tpu.memref_slice %arg5[%add3A_33] : memref<323584xi32, #tpu.memory_space<hbm>> -> memref<128xi32, #tpu.memory_space<hbm>>
        tpu.wait_dma2 semaphore(%run_scoped3A : memref<!tpu.dma_semaphore, #tpu.memory_space<semaphore_mem>>) src(%dma_wait3A_55 : memref<128xi32, #tpu.memory_space<hbm>>) dst(%arg9 : memref<128xi32, #tpu.memory_space<vmem>>)
        tpu.yield
      }) : () -> ()
      "tpu.region"() ({
        %run_scoped3A = tpu.sem_alloc : memref<!tpu.dma_semaphore, #tpu.memory_space<semaphore_mem>>
        %dma_start3A_52 = tpu.memref_slice %arg6[%add3A_33] : memref<323584xi32, #tpu.memory_space<hbm>> -> memref<128xi32, #tpu.memory_space<hbm>>
        %dma_start3A_53 = tpu.memref_slice %arg6[%add3A_33] : memref<323584xi32, #tpu.memory_space<hbm>> -> memref<128xi32, #tpu.memory_space<hbm>>
        tpu.enqueue_dma source(%dma_start3A_53 : memref<128xi32, #tpu.memory_space<hbm>>) target(%arg10 : memref<128xi32, #tpu.memory_space<vmem>>) target_semaphore(%run_scoped3A : memref<!tpu.dma_semaphore, #tpu.memory_space<semaphore_mem>>)
        %dma_wait3A_54 = tpu.memref_slice %arg6[%add3A_33] : memref<323584xi32, #tpu.memory_space<hbm>> -> memref<128xi32, #tpu.memory_space<hbm>>
        %dma_wait3A_55 = tpu.memref_slice %arg6[%add3A_33] : memref<323584xi32, #tpu.memory_space<hbm>> -> memref<128xi32, #tpu.memory_space<hbm>>
        tpu.wait_dma2 semaphore(%run_scoped3A : memref<!tpu.dma_semaphore, #tpu.memory_space<semaphore_mem>>) src(%dma_wait3A_55 : memref<128xi32, #tpu.memory_space<hbm>>) dst(%arg10 : memref<128xi32, #tpu.memory_space<vmem>>)
        tpu.yield
      }) : () -> ()
      %dma_start3A = arith.constant 0 : i32
      %dma_start3A_34 = arith.constant 0 : i32
      %dma_start3A_35 = tpu.memref_slice %arg2[%dma_start3A, %dma_start3A_34] : memref<10240x128xf32, #tpu.memory_space<hbm>> -> memref<10240x128xf32, #tpu.memory_space<hbm>>
      tpu.enqueue_indirect_dma source(%dma_start3A_35 : memref<10240x128xf32, #tpu.memory_space<hbm>>) target(%arg11 : memref<128x128xf32, #tpu.memory_space<vmem>>) offsets(%arg8 : memref<128xi32, #tpu.memory_space<vmem>>) semaphore(%arg13 : memref<!tpu.dma_semaphore, #tpu.memory_space<semaphore_mem>>)
      %dma_start3A_36 = arith.constant 0 : i32
      %dma_start3A_37 = arith.constant 0 : i32
      %dma_start3A_38 = tpu.memref_slice %arg3[%dma_start3A_36, %dma_start3A_37] : memref<4096x128xf32, #tpu.memory_space<hbm>> -> memref<4096x128xf32, #tpu.memory_space<hbm>>
      tpu.enqueue_indirect_dma source(%dma_start3A_38 : memref<4096x128xf32, #tpu.memory_space<hbm>>) target(%arg12 : memref<128x128xf32, #tpu.memory_space<vmem>>) offsets(%arg9 : memref<128xi32, #tpu.memory_space<vmem>>) semaphore(%arg13 : memref<!tpu.dma_semaphore, #tpu.memory_space<semaphore_mem>>)
      %dma_wait3A = arith.constant 0 : i32
      %dma_wait3A_39 = arith.constant 0 : i32
      %dma_wait3A_40 = tpu.memref_slice %arg2[%dma_wait3A, %dma_wait3A_39] : memref<10240x128xf32, #tpu.memory_space<hbm>> -> memref<10240x128xf32, #tpu.memory_space<hbm>>
      tpu.wait_indirect_dma semaphore(%arg13 : memref<!tpu.dma_semaphore, #tpu.memory_space<semaphore_mem>>) src(%dma_wait3A_40 : memref<10240x128xf32, #tpu.memory_space<hbm>>) dst(%arg11 : memref<128x128xf32, #tpu.memory_space<vmem>>)
      %dma_wait3A_41 = arith.constant 0 : i32
      %dma_wait3A_42 = arith.constant 0 : i32
      %dma_wait3A_43 = tpu.memref_slice %arg3[%dma_wait3A_41, %dma_wait3A_42] : memref<4096x128xf32, #tpu.memory_space<hbm>> -> memref<4096x128xf32, #tpu.memory_space<hbm>>
      tpu.wait_indirect_dma semaphore(%arg13 : memref<!tpu.dma_semaphore, #tpu.memory_space<semaphore_mem>>) src(%dma_wait3A_43 : memref<4096x128xf32, #tpu.memory_space<hbm>>) dst(%arg12 : memref<128x128xf32, #tpu.memory_space<vmem>>)
      %scan3A_44 = arith.constant 0 : i32
      %scan3A_45 = arith.constant 0 : i32
      %scan3A_46 = arith.constant 128 : i32
      %scan3A_47 = arith.addi %scan3A_45, %scan3A_46 : i32
      %scan3A_48 = arith.constant 1 : i32
      %scan3A_49 = scf.for %scan3A_52 = %scan3A_45 to %scan3A_47 step %scan3A_48 iter_args(%scan3A_53 = %scan3A_44) -> (i32)  : i32 {
        %get3A = arith.index_cast %scan3A_52 : i32 to index
        %get3A_54 = arith.constant 0 : index
        %get3A_55 = tpu.vector_load %arg11[%get3A, %get3A_54] {strides = array<i32>} : memref<128x128xf32, #tpu.memory_space<vmem>>, vector<1x16xf32>,
        %get3A_56 = vector.shape_cast %get3A_55 : vector<1x16xf32> to vector<16xf32>
        %get3A_57 = arith.index_cast %scan3A_52 : i32 to index
        %get3A_58 = arith.constant 0 : index
        %get3A_59 = tpu.vector_load %arg12[%get3A_57, %get3A_58] {strides = array<i32>} : memref<128x128xf32, #tpu.memory_space<vmem>>, vector<1x16xf32>,
        %get3A_60 = vector.shape_cast %get3A_59 : vector<1x16xf32> to vector<16xf32>
        %add3A_61 = arith.addf %get3A_56, %get3A_60 : vector<16xf32>
        %max3A = arith.constant 0.000000e+00 : f32
        %max3A_62 = vector.broadcast %max3A : f32 to vector<16xf32>
        %max3A_63 = arith.maximumf %add3A_61, %max3A_62 : vector<16xf32>
        %swap3A = arith.index_cast %scan3A_52 : i32 to index
        %swap3A_64 = arith.constant 0 : index
        %swap3A_65 = tpu.vector_load %arg11[%swap3A, %swap3A_64] {strides = array<i32>} : memref<128x128xf32, #tpu.memory_space<vmem>>, vector<1x16xf32>,
        %swap3A_66 = vector.shape_cast %swap3A_65 : vector<1x16xf32> to vector<16xf32>
        %swap3A_67 = vector.shape_cast %max3A_63 : vector<16xf32> to vector<1x16xf32>
        tpu.vector_store %arg11[%swap3A, %swap3A_64], %swap3A_67 {strides = array<i32>} : memref<128x128xf32, #tpu.memory_space<vmem>>, vector<1x16xf32>,
        %get3A_68 = arith.index_cast %scan3A_52 : i32 to index
        %get3A_69 = arith.constant 16 : index
        %get3A_70 = tpu.vector_load %arg11[%get3A_68, %get3A_69] {strides = array<i32>} : memref<128x128xf32, #tpu.memory_space<vmem>>, vector<1x16xf32>,
        %get3A_71 = vector.shape_cast %get3A_70 : vector<1x16xf32> to vector<16xf32>
        %get3A_72 = arith.index_cast %scan3A_52 : i32 to index
        %get3A_73 = arith.constant 16 : index
        %get3A_74 = tpu.vector_load %arg12[%get3A_72, %get3A_73] {strides = array<i32>} : memref<128x128xf32, #tpu.memory_space<vmem>>, vector<1x16xf32>,
        %get3A_75 = vector.shape_cast %get3A_74 : vector<1x16xf32> to vector<16xf32>
        %add3A_76 = arith.addf %get3A_71, %get3A_75 : vector<16xf32>
        %max3A_77 = arith.constant 0.000000e+00 : f32
        %max3A_78 = vector.broadcast %max3A_77 : f32 to vector<16xf32>
        %max3A_79 = arith.maximumf %add3A_76, %max3A_78 : vector<16xf32>
        %swap3A_80 = arith.index_cast %scan3A_52 : i32 to index
        %swap3A_81 = arith.constant 16 : index
        %swap3A_82 = tpu.vector_load %arg11[%swap3A_80, %swap3A_81] {strides = array<i32>} : memref<128x128xf32, #tpu.memory_space<vmem>>, vector<1x16xf32>,
        %swap3A_83 = vector.shape_cast %swap3A_82 : vector<1x16xf32> to vector<16xf32>
        %swap3A_84 = vector.shape_cast %max3A_79 : vector<16xf32> to vector<1x16xf32>
        tpu.vector_store %arg11[%swap3A_80, %swap3A_81], %swap3A_84 {strides = array<i32>} : memref<128x128xf32, #tpu.memory_space<vmem>>, vector<1x16xf32>,
        %get3A_85 = arith.index_cast %scan3A_52 : i32 to index
        %get3A_86 = arith.constant 32 : index
        %get3A_87 = tpu.vector_load %arg11[%get3A_85, %get3A_86] {strides = array<i32>} : memref<128x128xf32, #tpu.memory_space<vmem>>, vector<1x16xf32>,
        %get3A_88 = vector.shape_cast %get3A_87 : vector<1x16xf32> to vector<16xf32>
        %get3A_89 = arith.index_cast %scan3A_52 : i32 to index
        %get3A_90 = arith.constant 32 : index
        %get3A_91 = tpu.vector_load %arg12[%get3A_89, %get3A_90] {strides = array<i32>} : memref<128x128xf32, #tpu.memory_space<vmem>>, vector<1x16xf32>,
        %get3A_92 = vector.shape_cast %get3A_91 : vector<1x16xf32> to vector<16xf32>
        %add3A_93 = arith.addf %get3A_88, %get3A_92 : vector<16xf32>
        %max3A_94 = arith.constant 0.000000e+00 : f32
        %max3A_95 = vector.broadcast %max3A_94 : f32 to vector<16xf32>
        %max3A_96 = arith.maximumf %add3A_93, %max3A_95 : vector<16xf32>
        %swap3A_97 = arith.index_cast %scan3A_52 : i32 to index
        %swap3A_98 = arith.constant 32 : index
        %swap3A_99 = tpu.vector_load %arg11[%swap3A_97, %swap3A_98] {strides = array<i32>} : memref<128x128xf32, #tpu.memory_space<vmem>>, vector<1x16xf32>,
        %swap3A_100 = vector.shape_cast %swap3A_99 : vector<1x16xf32> to vector<16xf32>
        %swap3A_101 = vector.shape_cast %max3A_96 : vector<16xf32> to vector<1x16xf32>
        tpu.vector_store %arg11[%swap3A_97, %swap3A_98], %swap3A_101 {strides = array<i32>} : memref<128x128xf32, #tpu.memory_space<vmem>>, vector<1x16xf32>,
        %get3A_102 = arith.index_cast %scan3A_52 : i32 to index
        %get3A_103 = arith.constant 48 : index
        %get3A_104 = tpu.vector_load %arg11[%get3A_102, %get3A_103] {strides = array<i32>} : memref<128x128xf32, #tpu.memory_space<vmem>>, vector<1x16xf32>,
        %get3A_105 = vector.shape_cast %get3A_104 : vector<1x16xf32> to vector<16xf32>
        %get3A_106 = arith.index_cast %scan3A_52 : i32 to index
        %get3A_107 = arith.constant 48 : index
        %get3A_108 = tpu.vector_load %arg12[%get3A_106, %get3A_107] {strides = array<i32>} : memref<128x128xf32, #tpu.memory_space<vmem>>, vector<1x16xf32>,
        %get3A_109 = vector.shape_cast %get3A_108 : vector<1x16xf32> to vector<16xf32>
        %add3A_110 = arith.addf %get3A_105, %get3A_109 : vector<16xf32>
        %max3A_111 = arith.constant 0.000000e+00 : f32
        %max3A_112 = vector.broadcast %max3A_111 : f32 to vector<16xf32>
        %max3A_113 = arith.maximumf %add3A_110, %max3A_112 : vector<16xf32>
        %swap3A_114 = arith.index_cast %scan3A_52 : i32 to index
        %swap3A_115 = arith.constant 48 : index
        %swap3A_116 = tpu.vector_load %arg11[%swap3A_114, %swap3A_115] {strides = array<i32>} : memref<128x128xf32, #tpu.memory_space<vmem>>, vector<1x16xf32>,
        %swap3A_117 = vector.shape_cast %swap3A_116 : vector<1x16xf32> to vector<16xf32>
        %swap3A_118 = vector.shape_cast %max3A_113 : vector<16xf32> to vector<1x16xf32>
        tpu.vector_store %arg11[%swap3A_114, %swap3A_115], %swap3A_118 {strides = array<i32>} : memref<128x128xf32, #tpu.memory_space<vmem>>, vector<1x16xf32>,
        %get3A_119 = arith.index_cast %scan3A_52 : i32 to index
        %get3A_120 = arith.constant 64 : index
        %get3A_121 = tpu.vector_load %arg11[%get3A_119, %get3A_120] {strides = array<i32>} : memref<128x128xf32, #tpu.memory_space<vmem>>, vector<1x16xf32>,
        %get3A_122 = vector.shape_cast %get3A_121 : vector<1x16xf32> to vector<16xf32>
        %get3A_123 = arith.index_cast %scan3A_52 : i32 to index
        %get3A_124 = arith.constant 64 : index
        %get3A_125 = tpu.vector_load %arg12[%get3A_123, %get3A_124] {strides = array<i32>} : memref<128x128xf32, #tpu.memory_space<vmem>>, vector<1x16xf32>,
        %get3A_126 = vector.shape_cast %get3A_125 : vector<1x16xf32> to vector<16xf32>
        %add3A_127 = arith.addf %get3A_122, %get3A_126 : vector<16xf32>
        %max3A_128 = arith.constant 0.000000e+00 : f32
        %max3A_129 = vector.broadcast %max3A_128 : f32 to vector<16xf32>
        %max3A_130 = arith.maximumf %add3A_127, %max3A_129 : vector<16xf32>
        %swap3A_131 = arith.index_cast %scan3A_52 : i32 to index
        %swap3A_132 = arith.constant 64 : index
        %swap3A_133 = tpu.vector_load %arg11[%swap3A_131, %swap3A_132] {strides = array<i32>} : memref<128x128xf32, #tpu.memory_space<vmem>>, vector<1x16xf32>,
        %swap3A_134 = vector.shape_cast %swap3A_133 : vector<1x16xf32> to vector<16xf32>
        %swap3A_135 = vector.shape_cast %max3A_130 : vector<16xf32> to vector<1x16xf32>
        tpu.vector_store %arg11[%swap3A_131, %swap3A_132], %swap3A_135 {strides = array<i32>} : memref<128x128xf32, #tpu.memory_space<vmem>>, vector<1x16xf32>,
        %get3A_136 = arith.index_cast %scan3A_52 : i32 to index
        %get3A_137 = arith.constant 80 : index
        %get3A_138 = tpu.vector_load %arg11[%get3A_136, %get3A_137] {strides = array<i32>} : memref<128x128xf32, #tpu.memory_space<vmem>>, vector<1x16xf32>,
        %get3A_139 = vector.shape_cast %get3A_138 : vector<1x16xf32> to vector<16xf32>
        %get3A_140 = arith.index_cast %scan3A_52 : i32 to index
        %get3A_141 = arith.constant 80 : index
        %get3A_142 = tpu.vector_load %arg12[%get3A_140, %get3A_141] {strides = array<i32>} : memref<128x128xf32, #tpu.memory_space<vmem>>, vector<1x16xf32>,
        %get3A_143 = vector.shape_cast %get3A_142 : vector<1x16xf32> to vector<16xf32>
        %add3A_144 = arith.addf %get3A_139, %get3A_143 : vector<16xf32>
        %max3A_145 = arith.constant 0.000000e+00 : f32
        %max3A_146 = vector.broadcast %max3A_145 : f32 to vector<16xf32>
        %max3A_147 = arith.maximumf %add3A_144, %max3A_146 : vector<16xf32>
        %swap3A_148 = arith.index_cast %scan3A_52 : i32 to index
        %swap3A_149 = arith.constant 80 : index
        %swap3A_150 = tpu.vector_load %arg11[%swap3A_148, %swap3A_149] {strides = array<i32>} : memref<128x128xf32, #tpu.memory_space<vmem>>, vector<1x16xf32>,
        %swap3A_151 = vector.shape_cast %swap3A_150 : vector<1x16xf32> to vector<16xf32>
        %swap3A_152 = vector.shape_cast %max3A_147 : vector<16xf32> to vector<1x16xf32>
        tpu.vector_store %arg11[%swap3A_148, %swap3A_149], %swap3A_152 {strides = array<i32>} : memref<128x128xf32, #tpu.memory_space<vmem>>, vector<1x16xf32>,
        %get3A_153 = arith.index_cast %scan3A_52 : i32 to index
        %get3A_154 = arith.constant 96 : index
        %get3A_155 = tpu.vector_load %arg11[%get3A_153, %get3A_154] {strides = array<i32>} : memref<128x128xf32, #tpu.memory_space<vmem>>, vector<1x16xf32>,
        %get3A_156 = vector.shape_cast %get3A_155 : vector<1x16xf32> to vector<16xf32>
        %get3A_157 = arith.index_cast %scan3A_52 : i32 to index
        %get3A_158 = arith.constant 96 : index
        %get3A_159 = tpu.vector_load %arg12[%get3A_157, %get3A_158] {strides = array<i32>} : memref<128x128xf32, #tpu.memory_space<vmem>>, vector<1x16xf32>,
        %get3A_160 = vector.shape_cast %get3A_159 : vector<1x16xf32> to vector<16xf32>
        %add3A_161 = arith.addf %get3A_156, %get3A_160 : vector<16xf32>
        %max3A_162 = arith.constant 0.000000e+00 : f32
        %max3A_163 = vector.broadcast %max3A_162 : f32 to vector<16xf32>
        %max3A_164 = arith.maximumf %add3A_161, %max3A_163 : vector<16xf32>
        %swap3A_165 = arith.index_cast %scan3A_52 : i32 to index
        %swap3A_166 = arith.constant 96 : index
        %swap3A_167 = tpu.vector_load %arg11[%swap3A_165, %swap3A_166] {strides = array<i32>} : memref<128x128xf32, #tpu.memory_space<vmem>>, vector<1x16xf32>,
        %swap3A_168 = vector.shape_cast %swap3A_167 : vector<1x16xf32> to vector<16xf32>
        %swap3A_169 = vector.shape_cast %max3A_164 : vector<16xf32> to vector<1x16xf32>
        tpu.vector_store %arg11[%swap3A_165, %swap3A_166], %swap3A_169 {strides = array<i32>} : memref<128x128xf32, #tpu.memory_space<vmem>>, vector<1x16xf32>,
        %get3A_170 = arith.index_cast %scan3A_52 : i32 to index
        %get3A_171 = arith.constant 112 : index
        %get3A_172 = tpu.vector_load %arg11[%get3A_170, %get3A_171] {strides = array<i32>} : memref<128x128xf32, #tpu.memory_space<vmem>>, vector<1x16xf32>,
        %get3A_173 = vector.shape_cast %get3A_172 : vector<1x16xf32> to vector<16xf32>
        %get3A_174 = arith.index_cast %scan3A_52 : i32 to index
        %get3A_175 = arith.constant 112 : index
        %get3A_176 = tpu.vector_load %arg12[%get3A_174, %get3A_175] {strides = array<i32>} : memref<128x128xf32, #tpu.memory_space<vmem>>, vector<1x16xf32>,
        %get3A_177 = vector.shape_cast %get3A_176 : vector<1x16xf32> to vector<16xf32>
        %add3A_178 = arith.addf %get3A_173, %get3A_177 : vector<16xf32>
        %max3A_179 = arith.constant 0.000000e+00 : f32
        %max3A_180 = vector.broadcast %max3A_179 : f32 to vector<16xf32>
        %max3A_181 = arith.maximumf %add3A_178, %max3A_180 : vector<16xf32>
        %swap3A_182 = arith.index_cast %scan3A_52 : i32 to index
        %swap3A_183 = arith.constant 112 : index
        %swap3A_184 = tpu.vector_load %arg11[%swap3A_182, %swap3A_183] {strides = array<i32>} : memref<128x128xf32, #tpu.memory_space<vmem>>, vector<1x16xf32>,
        %swap3A_185 = vector.shape_cast %swap3A_184 : vector<1x16xf32> to vector<16xf32>
        %swap3A_186 = vector.shape_cast %max3A_181 : vector<16xf32> to vector<1x16xf32>
        tpu.vector_store %arg11[%swap3A_182, %swap3A_183], %swap3A_186 {strides = array<i32>} : memref<128x128xf32, #tpu.memory_space<vmem>>, vector<1x16xf32>,
        %scan3A_187 = arith.constant 0 : i32
        scf.yield %scan3A_187 : i32
      }
      %scan3A_50 = arith.constant 128 : i32
      "tpu.region"() ({
        %run_scoped3A = tpu.sem_alloc : memref<!tpu.dma_semaphore, #tpu.memory_space<semaphore_mem>>
        %dma_start3A_52 = arith.constant 0 : i32
        %dma_start3A_53 = arith.constant 0 : i32
        %dma_start3A_54 = tpu.memref_slice %arg14[%dma_start3A_52, %dma_start3A_53] : memref<10240x128xf32, #tpu.memory_space<vmem_shared>> -> memref<10240x128xf32, #tpu.memory_space<vmem_shared>>
        tpu.enqueue_indirect_dma source(%arg11 : memref<128x128xf32, #tpu.memory_space<vmem>>) target(%dma_start3A_54 : memref<10240x128xf32, #tpu.memory_space<vmem_shared>>) offsets(%arg10 : memref<128xi32, #tpu.memory_space<vmem>>) semaphore(%run_scoped3A : memref<!tpu.dma_semaphore, #tpu.memory_space<semaphore_mem>>) {add = true}
        %dma_wait3A_55 = arith.constant 0 : i32
        %dma_wait3A_56 = arith.constant 0 : i32
        %dma_wait3A_57 = tpu.memref_slice %arg14[%dma_wait3A_55, %dma_wait3A_56] : memref<10240x128xf32, #tpu.memory_space<vmem_shared>> -> memref<10240x128xf32, #tpu.memory_space<vmem_shared>>
        tpu.wait_indirect_dma semaphore(%run_scoped3A : memref<!tpu.dma_semaphore, #tpu.memory_space<semaphore_mem>>) src(%arg11 : memref<128x128xf32, #tpu.memory_space<vmem>>) dst(%dma_wait3A_57 : memref<10240x128xf32, #tpu.memory_space<vmem_shared>>)
        tpu.yield
      }) : () -> ()
      %scan3A_51 = arith.constant 0 : i32
      scf.yield %scan3A_51 : i32
    }
    %scan3A_27 = arith.constant 79 : i32
    %barrier3A_28 = arith.constant 0 : index
    tpu.barrier barrier_id(%barrier3A_28)
    "tpu.region"() ({
      %run_scoped3A = tpu.sem_alloc : memref<!tpu.dma_semaphore, #tpu.memory_space<semaphore_mem>>
      %dma_start3A = arith.constant 0 : i32
      %dma_start3A_29 = tpu.memref_slice %arg7[%arg0, %mul3A_2, %dma_start3A] : memref<2x10240x128xf32, #tpu.memory_space<hbm>> -> memref<1x640x128xf32, #tpu.memory_space<hbm>>
      %dma_start3A_30 = tpu.memref_squeeze %dma_start3A_29 : memref<1x640x128xf32, #tpu.memory_space<hbm>> -> memref<640x128xf32, #tpu.memory_space<hbm>>
      %dma_start3A_31 = arith.constant 0 : i32
      %dma_start3A_32 = tpu.memref_slice %arg14[%mul3A_2, %dma_start3A_31] : memref<10240x128xf32, #tpu.memory_space<vmem_shared>> -> memref<640x128xf32, #tpu.memory_space<vmem_shared>>
      tpu.enqueue_dma source(%dma_start3A_32 : memref<640x128xf32, #tpu.memory_space<vmem_shared>>) target(%dma_start3A_30 : memref<640x128xf32, #tpu.memory_space<hbm>>) target_semaphore(%run_scoped3A : memref<!tpu.dma_semaphore, #tpu.memory_space<semaphore_mem>>)
      %dma_wait3A = arith.constant 0 : i32
      %dma_wait3A_33 = tpu.memref_slice %arg7[%arg0, %mul3A_2, %dma_wait3A] : memref<2x10240x128xf32, #tpu.memory_space<hbm>> -> memref<1x640x128xf32, #tpu.memory_space<hbm>>
      %dma_wait3A_34 = tpu.memref_squeeze %dma_wait3A_33 : memref<1x640x128xf32, #tpu.memory_space<hbm>> -> memref<640x128xf32, #tpu.memory_space<hbm>>
      %dma_wait3A_35 = arith.constant 0 : i32
      %dma_wait3A_36 = tpu.memref_slice %arg14[%mul3A_2, %dma_wait3A_35] : memref<10240x128xf32, #tpu.memory_space<vmem_shared>> -> memref<640x128xf32, #tpu.memory_space<vmem_shared>>
      tpu.wait_dma2 semaphore(%run_scoped3A : memref<!tpu.dma_semaphore, #tpu.memory_space<semaphore_mem>>) src(%dma_wait3A_36 : memref<640x128xf32, #tpu.memory_space<vmem_shared>>) dst(%dma_wait3A_34 : memref<640x128xf32, #tpu.memory_space<hbm>>)
      tpu.yield
    }) : () -> ()
    return
  }
}

module attributes {stable_mosaic.version = 14 : i64} {
  func.func @_mlp_body(%arg0: memref<10240x128xf32, #tpu.memory_space<vmem>>, %arg1: memref<2x10240x128xf32, #tpu.memory_space<vmem>>, %arg2: memref<1x10000xi32, #tpu.memory_space<vmem>>, %arg3: memref<128x128xf32, #tpu.memory_space<vmem>>, %arg4: memref<1x128xf32, #tpu.memory_space<vmem>>, %arg5: memref<1x128xf32, #tpu.memory_space<vmem>>, %arg6: memref<1x128xf32, #tpu.memory_space<vmem>>, %arg7: memref<128x128xf32, #tpu.memory_space<vmem>>, %arg8: memref<1x128xf32, #tpu.memory_space<vmem>>, %arg9: memref<1x128xf32, #tpu.memory_space<vmem>>, %arg10: memref<1x128xf32, #tpu.memory_space<vmem>>, %arg11: memref<1x1xf32, #tpu.memory_space<smem>>, %arg12: memref<10240x128xf32, #tpu.memory_space<vmem>>, %arg13: memref<64x128xf32, #tpu.memory_space<vmem>>) attributes {dimension_semantics = [], scalar_prefetch = 0 : i64, scratch_operands = 0 : i64, tpu.core_type = #tpu.core_type<tc>} {
    %get3A = arith.constant 0 : index
    %get3A_0 = arith.constant 0 : index
    %get3A_1 = vector.load %arg0[%get3A, %get3A_0] : memref<10240x128xf32, #tpu.memory_space<vmem>>, vector<10000x128xf32>
    %get3A_2 = arith.constant 0 : index
    %get3A_3 = arith.constant 0 : index
    %get3A_4 = memref.load %arg11[%get3A_2, %get3A_3] : memref<1x1xf32, #tpu.memory_space<smem>>
    %mul3A = vector.broadcast %get3A_4 : f32 to vector<10000x128xf32>
    %mul3A_5 = arith.mulf %mul3A, %get3A_1 : vector<10000x128xf32>
    %get3A_6 = arith.constant 0 : index
    %get3A_7 = arith.constant 0 : index
    %get3A_8 = arith.constant 0 : index
    %get3A_9 = vector.load %arg1[%get3A_6, %get3A_7, %get3A_8] : memref<2x10240x128xf32, #tpu.memory_space<vmem>>, vector<1x10000x128xf32>
    %get3A_10 = vector.shape_cast %get3A_9 : vector<1x10000x128xf32> to vector<10000x128xf32>
    %add3A = arith.addf %mul3A_5, %get3A_10 : vector<10000x128xf32>
    %get3A_11 = arith.constant 1 : index
    %get3A_12 = arith.constant 0 : index
    %get3A_13 = arith.constant 0 : index
    %get3A_14 = vector.load %arg1[%get3A_11, %get3A_12, %get3A_13] : memref<2x10240x128xf32, #tpu.memory_space<vmem>>, vector<1x10000x128xf32>
    %get3A_15 = vector.shape_cast %get3A_14 : vector<1x10000x128xf32> to vector<10000x128xf32>
    %add3A_16 = arith.addf %add3A, %get3A_15 : vector<10000x128xf32>
    %get3A_17 = arith.constant 0 : index
    %get3A_18 = arith.constant 0 : index
    %get3A_19 = vector.load %arg3[%get3A_17, %get3A_18] : memref<128x128xf32, #tpu.memory_space<vmem>>, vector<128x128xf32>
    %dot_general3A = arith.constant dense<0.000000e+00> : vector<10000x128xf32>
    %dot_general3A_20 = tpu.matmul %add3A_16, %get3A_19, %dot_general3A {dimension_numbers = #tpu.dot_dimension_numbers<[1], [0], [0], [1], [0, 0, 1, 1], [], []>, transpose_lhs_hint = false} : vector<10000x128xf32>, vector<128x128xf32>, vector<10000x128xf32> -> vector<10000x128xf32>
    %get3A_21 = arith.constant 0 : index
    %get3A_22 = arith.constant 0 : index
    %get3A_23 = vector.load %arg4[%get3A_21, %get3A_22] : memref<1x128xf32, #tpu.memory_space<vmem>>, vector<1x128xf32>
    %get3A_24 = vector.shape_cast %get3A_23 : vector<1x128xf32> to vector<128xf32>
    %broadcast_in_dim3A = vector.shape_cast %get3A_24 : vector<128xf32> to vector<1x128xf32>
    %add3A_25 = vector.broadcast %broadcast_in_dim3A : vector<1x128xf32> to vector<10000x128xf32>
    %add3A_26 = arith.addf %dot_general3A_20, %add3A_25 : vector<10000x128xf32>
    %reduce_sum3A = arith.constant dense<0.000000e+00> : vector<128xf32>
    %reduce_sum3A_27 = vector.multi_reduction <add>, %add3A_26, %reduce_sum3A [0] : vector<10000x128xf32> to vector<128xf32>
    %broadcast_in_dim3A_28 = vector.shape_cast %reduce_sum3A_27 : vector<128xf32> to vector<1x128xf32>
    %div3A = arith.constant 1.000000e+04 : f32
    %div3A_29 = vector.broadcast %div3A : f32 to vector<1x128xf32>
    %div3A_30 = arith.divf %broadcast_in_dim3A_28, %div3A_29 : vector<1x128xf32>
    %sub3A = vector.broadcast %div3A_30 : vector<1x128xf32> to vector<10000x128xf32>
    %sub3A_31 = arith.subf %add3A_26, %sub3A : vector<10000x128xf32>
    %integer_pow3A = arith.mulf %sub3A_31, %sub3A_31 : vector<10000x128xf32>
    %reduce_sum3A_32 = arith.constant dense<0.000000e+00> : vector<128xf32>
    %reduce_sum3A_33 = vector.multi_reduction <add>, %integer_pow3A, %reduce_sum3A_32 [0] : vector<10000x128xf32> to vector<128xf32>
    %broadcast_in_dim3A_34 = vector.shape_cast %reduce_sum3A_33 : vector<128xf32> to vector<1x128xf32>
    %div3A_35 = arith.constant 1.000000e+04 : f32
    %div3A_36 = vector.broadcast %div3A_35 : f32 to vector<1x128xf32>
    %div3A_37 = arith.divf %broadcast_in_dim3A_34, %div3A_36 : vector<1x128xf32>
    %sub3A_38 = vector.broadcast %div3A_30 : vector<1x128xf32> to vector<10000x128xf32>
    %sub3A_39 = arith.subf %add3A_26, %sub3A_38 : vector<10000x128xf32>
    %add3A_40 = arith.constant 9.99999974E-6 : f32
    %add3A_41 = vector.broadcast %add3A_40 : f32 to vector<1x128xf32>
    %add3A_42 = arith.addf %div3A_37, %add3A_41 : vector<1x128xf32>
    %sqrt3A = math.sqrt %add3A_42 : vector<1x128xf32>
    %div3A_43 = vector.broadcast %sqrt3A : vector<1x128xf32> to vector<10000x128xf32>
    %div3A_44 = arith.divf %sub3A_39, %div3A_43 : vector<10000x128xf32>
    %get3A_45 = arith.constant 0 : index
    %get3A_46 = arith.constant 0 : index
    %get3A_47 = vector.load %arg5[%get3A_45, %get3A_46] : memref<1x128xf32, #tpu.memory_space<vmem>>, vector<1x128xf32>
    %get3A_48 = vector.shape_cast %get3A_47 : vector<1x128xf32> to vector<128xf32>
    %broadcast_in_dim3A_49 = vector.shape_cast %get3A_48 : vector<128xf32> to vector<1x128xf32>
    %mul3A_50 = vector.broadcast %broadcast_in_dim3A_49 : vector<1x128xf32> to vector<10000x128xf32>
    %mul3A_51 = arith.mulf %div3A_44, %mul3A_50 : vector<10000x128xf32>
    %get3A_52 = arith.constant 0 : index
    %get3A_53 = arith.constant 0 : index
    %get3A_54 = vector.load %arg6[%get3A_52, %get3A_53] : memref<1x128xf32, #tpu.memory_space<vmem>>, vector<1x128xf32>
    %get3A_55 = vector.shape_cast %get3A_54 : vector<1x128xf32> to vector<128xf32>
    %broadcast_in_dim3A_56 = vector.shape_cast %get3A_55 : vector<128xf32> to vector<1x128xf32>
    %add3A_57 = vector.broadcast %broadcast_in_dim3A_56 : vector<1x128xf32> to vector<10000x128xf32>
    %add3A_58 = arith.addf %mul3A_51, %add3A_57 : vector<10000x128xf32>
    %max3A = arith.constant 0.000000e+00 : f32
    %max3A_59 = vector.broadcast %max3A : f32 to vector<10000x128xf32>
    %max3A_60 = arith.maximumf %add3A_58, %max3A_59 : vector<10000x128xf32>
    %get3A_61 = arith.constant 0 : index
    %get3A_62 = arith.constant 0 : index
    %get3A_63 = vector.load %arg7[%get3A_61, %get3A_62] : memref<128x128xf32, #tpu.memory_space<vmem>>, vector<128x128xf32>
    %dot_general3A_64 = arith.constant dense<0.000000e+00> : vector<10000x128xf32>
    %dot_general3A_65 = tpu.matmul %max3A_60, %get3A_63, %dot_general3A_64 {dimension_numbers = #tpu.dot_dimension_numbers<[1], [0], [0], [1], [0, 0, 1, 1], [], []>, transpose_lhs_hint = false} : vector<10000x128xf32>, vector<128x128xf32>, vector<10000x128xf32> -> vector<10000x128xf32>
    %get3A_66 = arith.constant 0 : index
    %get3A_67 = arith.constant 0 : index
    %get3A_68 = vector.load %arg8[%get3A_66, %get3A_67] : memref<1x128xf32, #tpu.memory_space<vmem>>, vector<1x128xf32>
    %get3A_69 = vector.shape_cast %get3A_68 : vector<1x128xf32> to vector<128xf32>
    %broadcast_in_dim3A_70 = vector.shape_cast %get3A_69 : vector<128xf32> to vector<1x128xf32>
    %add3A_71 = vector.broadcast %broadcast_in_dim3A_70 : vector<1x128xf32> to vector<10000x128xf32>
    %add3A_72 = arith.addf %dot_general3A_65, %add3A_71 : vector<10000x128xf32>
    %reduce_sum3A_73 = arith.constant dense<0.000000e+00> : vector<128xf32>
    %reduce_sum3A_74 = vector.multi_reduction <add>, %add3A_72, %reduce_sum3A_73 [0] : vector<10000x128xf32> to vector<128xf32>
    %broadcast_in_dim3A_75 = vector.shape_cast %reduce_sum3A_74 : vector<128xf32> to vector<1x128xf32>
    %div3A_76 = arith.constant 1.000000e+04 : f32
    %div3A_77 = vector.broadcast %div3A_76 : f32 to vector<1x128xf32>
    %div3A_78 = arith.divf %broadcast_in_dim3A_75, %div3A_77 : vector<1x128xf32>
    %sub3A_79 = vector.broadcast %div3A_78 : vector<1x128xf32> to vector<10000x128xf32>
    %sub3A_80 = arith.subf %add3A_72, %sub3A_79 : vector<10000x128xf32>
    %integer_pow3A_81 = arith.mulf %sub3A_80, %sub3A_80 : vector<10000x128xf32>
    %reduce_sum3A_82 = arith.constant dense<0.000000e+00> : vector<128xf32>
    %reduce_sum3A_83 = vector.multi_reduction <add>, %integer_pow3A_81, %reduce_sum3A_82 [0] : vector<10000x128xf32> to vector<128xf32>
    %broadcast_in_dim3A_84 = vector.shape_cast %reduce_sum3A_83 : vector<128xf32> to vector<1x128xf32>
    %div3A_85 = arith.constant 1.000000e+04 : f32
    %div3A_86 = vector.broadcast %div3A_85 : f32 to vector<1x128xf32>
    %div3A_87 = arith.divf %broadcast_in_dim3A_84, %div3A_86 : vector<1x128xf32>
    %sub3A_88 = vector.broadcast %div3A_78 : vector<1x128xf32> to vector<10000x128xf32>
    %sub3A_89 = arith.subf %add3A_72, %sub3A_88 : vector<10000x128xf32>
    %add3A_90 = arith.constant 9.99999974E-6 : f32
    %add3A_91 = vector.broadcast %add3A_90 : f32 to vector<1x128xf32>
    %add3A_92 = arith.addf %div3A_87, %add3A_91 : vector<1x128xf32>
    %sqrt3A_93 = math.sqrt %add3A_92 : vector<1x128xf32>
    %div3A_94 = vector.broadcast %sqrt3A_93 : vector<1x128xf32> to vector<10000x128xf32>
    %div3A_95 = arith.divf %sub3A_89, %div3A_94 : vector<10000x128xf32>
    %get3A_96 = arith.constant 0 : index
    %get3A_97 = arith.constant 0 : index
    %get3A_98 = vector.load %arg9[%get3A_96, %get3A_97] : memref<1x128xf32, #tpu.memory_space<vmem>>, vector<1x128xf32>
    %get3A_99 = vector.shape_cast %get3A_98 : vector<1x128xf32> to vector<128xf32>
    %broadcast_in_dim3A_100 = vector.shape_cast %get3A_99 : vector<128xf32> to vector<1x128xf32>
    %mul3A_101 = vector.broadcast %broadcast_in_dim3A_100 : vector<1x128xf32> to vector<10000x128xf32>
    %mul3A_102 = arith.mulf %div3A_95, %mul3A_101 : vector<10000x128xf32>
    %get3A_103 = arith.constant 0 : index
    %get3A_104 = arith.constant 0 : index
    %get3A_105 = vector.load %arg10[%get3A_103, %get3A_104] : memref<1x128xf32, #tpu.memory_space<vmem>>, vector<1x128xf32>
    %get3A_106 = vector.shape_cast %get3A_105 : vector<1x128xf32> to vector<128xf32>
    %broadcast_in_dim3A_107 = vector.shape_cast %get3A_106 : vector<128xf32> to vector<1x128xf32>
    %add3A_108 = vector.broadcast %broadcast_in_dim3A_107 : vector<1x128xf32> to vector<10000x128xf32>
    %add3A_109 = arith.addf %mul3A_102, %add3A_108 : vector<10000x128xf32>
    %max3A_110 = arith.constant 0.000000e+00 : f32
    %max3A_111 = vector.broadcast %max3A_110 : f32 to vector<10000x128xf32>
    %max3A_112 = arith.maximumf %add3A_109, %max3A_111 : vector<10000x128xf32>
    %swap3A = arith.constant 0 : index
    %swap3A_113 = arith.constant 0 : index
    %swap3A_114 = vector.load %arg12[%swap3A, %swap3A_113] : memref<10240x128xf32, #tpu.memory_space<vmem>>, vector<10000x128xf32>
    tpu.vector_store %arg12[%swap3A, %swap3A_113], %max3A_112 {strides = array<i32>} : memref<10240x128xf32, #tpu.memory_space<vmem>>, vector<10000x128xf32>,
    %broadcast_in_dim3A_115 = arith.constant 0.000000e+00 : f32
    %broadcast_in_dim3A_116 = vector.broadcast %broadcast_in_dim3A_115 : f32 to vector<240x128xf32>
    %swap3A_117 = arith.constant 10000 : index
    %swap3A_118 = arith.constant 0 : index
    %swap3A_119 = vector.load %arg12[%swap3A_117, %swap3A_118] : memref<10240x128xf32, #tpu.memory_space<vmem>>, vector<240x128xf32>
    tpu.vector_store %arg12[%swap3A_117, %swap3A_118], %broadcast_in_dim3A_116 {strides = array<i32>} : memref<10240x128xf32, #tpu.memory_space<vmem>>, vector<240x128xf32>,
    %get3A_120 = arith.constant 0 : index
    %get3A_121 = arith.constant 0 : index
    %get3A_122 = vector.load %arg2[%get3A_120, %get3A_121] : memref<1x10000xi32, #tpu.memory_space<vmem>>, vector<1x10000xi32>
    %iota3A = tpu.iota {dimensions = array<i32: 0>} : vector<64x10000xi32>
    %eq3A = vector.broadcast %get3A_122 : vector<1x10000xi32> to vector<64x10000xi32>
    %eq3A_123 = arith.cmpi eq, %eq3A, %iota3A : vector<64x10000xi32>
    %convert_element_type3A = arith.extui %eq3A_123 : vector<64x10000xi1> to vector<64x10000xi32>
    %convert_element_type3A_124 = arith.sitofp %convert_element_type3A : vector<64x10000xi32> to vector<64x10000xf32>
    %dot_general3A_125 = arith.constant dense<0.000000e+00> : vector<64x128xf32>
    %dot_general3A_126 = tpu.matmul %convert_element_type3A_124, %max3A_112, %dot_general3A_125 {dimension_numbers = #tpu.dot_dimension_numbers<[1], [0], [0], [1], [0, 0, 1, 1], [], []>, precision = #tpu.contract_precision<fp32>, transpose_lhs_hint = false} : vector<64x10000xf32>, vector<10000x128xf32>, vector<64x128xf32> -> vector<64x128xf32>
    %swap3A_127 = arith.constant 0 : index
    %swap3A_128 = arith.constant 0 : index
    %swap3A_129 = vector.load %arg13[%swap3A_127, %swap3A_128] : memref<64x128xf32, #tpu.memory_space<vmem>>, vector<64x128xf32>
    tpu.vector_store %arg13[%swap3A_127, %swap3A_128], %dot_general3A_126 {strides = array<i32>} : memref<64x128xf32, #tpu.memory_space<vmem>>, vector<64x128xf32>,
    return
  }
}

module attributes {stable_mosaic.version = 14 : i64} {
  func.func @_mlp_body(%arg0: memref<10240x128xf32, #tpu.memory_space<vmem>>, %arg1: memref<2x10240x128xf32, #tpu.memory_space<vmem>>, %arg2: memref<1x10000xi32, #tpu.memory_space<vmem>>, %arg3: memref<128x128xf32, #tpu.memory_space<vmem>>, %arg4: memref<1x128xf32, #tpu.memory_space<vmem>>, %arg5: memref<1x128xf32, #tpu.memory_space<vmem>>, %arg6: memref<1x128xf32, #tpu.memory_space<vmem>>, %arg7: memref<128x128xf32, #tpu.memory_space<vmem>>, %arg8: memref<1x128xf32, #tpu.memory_space<vmem>>, %arg9: memref<1x128xf32, #tpu.memory_space<vmem>>, %arg10: memref<1x128xf32, #tpu.memory_space<vmem>>, %arg11: memref<1x1xf32, #tpu.memory_space<smem>>, %arg12: memref<10240x128xf32, #tpu.memory_space<vmem>>, %arg13: memref<64x128xf32, #tpu.memory_space<vmem>>) attributes {dimension_semantics = [], scalar_prefetch = 0 : i64, scratch_operands = 0 : i64, tpu.core_type = #tpu.core_type<tc>} {
    %get3A = arith.constant 0 : index
    %get3A_0 = arith.constant 0 : index
    %get3A_1 = vector.load %arg0[%get3A, %get3A_0] : memref<10240x128xf32, #tpu.memory_space<vmem>>, vector<10000x128xf32>
    %get3A_2 = arith.constant 0 : index
    %get3A_3 = arith.constant 0 : index
    %get3A_4 = memref.load %arg11[%get3A_2, %get3A_3] : memref<1x1xf32, #tpu.memory_space<smem>>
    %mul3A = vector.broadcast %get3A_4 : f32 to vector<10000x128xf32>
    %mul3A_5 = arith.mulf %mul3A, %get3A_1 : vector<10000x128xf32>
    %get3A_6 = arith.constant 0 : index
    %get3A_7 = arith.constant 0 : index
    %get3A_8 = arith.constant 0 : index
    %get3A_9 = vector.load %arg1[%get3A_6, %get3A_7, %get3A_8] : memref<2x10240x128xf32, #tpu.memory_space<vmem>>, vector<1x10000x128xf32>
    %get3A_10 = vector.shape_cast %get3A_9 : vector<1x10000x128xf32> to vector<10000x128xf32>
    %add3A = arith.addf %mul3A_5, %get3A_10 : vector<10000x128xf32>
    %get3A_11 = arith.constant 1 : index
    %get3A_12 = arith.constant 0 : index
    %get3A_13 = arith.constant 0 : index
    %get3A_14 = vector.load %arg1[%get3A_11, %get3A_12, %get3A_13] : memref<2x10240x128xf32, #tpu.memory_space<vmem>>, vector<1x10000x128xf32>
    %get3A_15 = vector.shape_cast %get3A_14 : vector<1x10000x128xf32> to vector<10000x128xf32>
    %add3A_16 = arith.addf %add3A, %get3A_15 : vector<10000x128xf32>
    %get3A_17 = arith.constant 0 : index
    %get3A_18 = arith.constant 0 : index
    %get3A_19 = vector.load %arg3[%get3A_17, %get3A_18] : memref<128x128xf32, #tpu.memory_space<vmem>>, vector<128x128xf32>
    %dot_general3A = arith.constant dense<0.000000e+00> : vector<10000x128xf32>
    %dot_general3A_20 = tpu.matmul %add3A_16, %get3A_19, %dot_general3A {dimension_numbers = #tpu.dot_dimension_numbers<[1], [0], [0], [1], [0, 0, 1, 1], [], []>, transpose_lhs_hint = false} : vector<10000x128xf32>, vector<128x128xf32>, vector<10000x128xf32> -> vector<10000x128xf32>
    %get3A_21 = arith.constant 0 : index
    %get3A_22 = arith.constant 0 : index
    %get3A_23 = vector.load %arg4[%get3A_21, %get3A_22] : memref<1x128xf32, #tpu.memory_space<vmem>>, vector<1x128xf32>
    %get3A_24 = vector.shape_cast %get3A_23 : vector<1x128xf32> to vector<128xf32>
    %broadcast_in_dim3A = vector.shape_cast %get3A_24 : vector<128xf32> to vector<1x128xf32>
    %add3A_25 = vector.broadcast %broadcast_in_dim3A : vector<1x128xf32> to vector<10000x128xf32>
    %add3A_26 = arith.addf %dot_general3A_20, %add3A_25 : vector<10000x128xf32>
    %reduce_sum3A = arith.constant dense<0.000000e+00> : vector<128xf32>
    %reduce_sum3A_27 = vector.multi_reduction <add>, %add3A_26, %reduce_sum3A [0] : vector<10000x128xf32> to vector<128xf32>
    %broadcast_in_dim3A_28 = vector.shape_cast %reduce_sum3A_27 : vector<128xf32> to vector<1x128xf32>
    %div3A = arith.constant 1.000000e+04 : f32
    %div3A_29 = vector.broadcast %div3A : f32 to vector<1x128xf32>
    %div3A_30 = arith.divf %broadcast_in_dim3A_28, %div3A_29 : vector<1x128xf32>
    %sub3A = vector.broadcast %div3A_30 : vector<1x128xf32> to vector<10000x128xf32>
    %sub3A_31 = arith.subf %add3A_26, %sub3A : vector<10000x128xf32>
    %integer_pow3A = arith.mulf %sub3A_31, %sub3A_31 : vector<10000x128xf32>
    %reduce_sum3A_32 = arith.constant dense<0.000000e+00> : vector<128xf32>
    %reduce_sum3A_33 = vector.multi_reduction <add>, %integer_pow3A, %reduce_sum3A_32 [0] : vector<10000x128xf32> to vector<128xf32>
    %broadcast_in_dim3A_34 = vector.shape_cast %reduce_sum3A_33 : vector<128xf32> to vector<1x128xf32>
    %div3A_35 = arith.constant 1.000000e+04 : f32
    %div3A_36 = vector.broadcast %div3A_35 : f32 to vector<1x128xf32>
    %div3A_37 = arith.divf %broadcast_in_dim3A_34, %div3A_36 : vector<1x128xf32>
    %sub3A_38 = vector.broadcast %div3A_30 : vector<1x128xf32> to vector<10000x128xf32>
    %sub3A_39 = arith.subf %add3A_26, %sub3A_38 : vector<10000x128xf32>
    %add3A_40 = arith.constant 9.99999974E-6 : f32
    %add3A_41 = vector.broadcast %add3A_40 : f32 to vector<1x128xf32>
    %add3A_42 = arith.addf %div3A_37, %add3A_41 : vector<1x128xf32>
    %sqrt3A = math.sqrt %add3A_42 : vector<1x128xf32>
    %div3A_43 = vector.broadcast %sqrt3A : vector<1x128xf32> to vector<10000x128xf32>
    %div3A_44 = arith.divf %sub3A_39, %div3A_43 : vector<10000x128xf32>
    %get3A_45 = arith.constant 0 : index
    %get3A_46 = arith.constant 0 : index
    %get3A_47 = vector.load %arg5[%get3A_45, %get3A_46] : memref<1x128xf32, #tpu.memory_space<vmem>>, vector<1x128xf32>
    %get3A_48 = vector.shape_cast %get3A_47 : vector<1x128xf32> to vector<128xf32>
    %broadcast_in_dim3A_49 = vector.shape_cast %get3A_48 : vector<128xf32> to vector<1x128xf32>
    %mul3A_50 = vector.broadcast %broadcast_in_dim3A_49 : vector<1x128xf32> to vector<10000x128xf32>
    %mul3A_51 = arith.mulf %div3A_44, %mul3A_50 : vector<10000x128xf32>
    %get3A_52 = arith.constant 0 : index
    %get3A_53 = arith.constant 0 : index
    %get3A_54 = vector.load %arg6[%get3A_52, %get3A_53] : memref<1x128xf32, #tpu.memory_space<vmem>>, vector<1x128xf32>
    %get3A_55 = vector.shape_cast %get3A_54 : vector<1x128xf32> to vector<128xf32>
    %broadcast_in_dim3A_56 = vector.shape_cast %get3A_55 : vector<128xf32> to vector<1x128xf32>
    %add3A_57 = vector.broadcast %broadcast_in_dim3A_56 : vector<1x128xf32> to vector<10000x128xf32>
    %add3A_58 = arith.addf %mul3A_51, %add3A_57 : vector<10000x128xf32>
    %max3A = arith.constant 0.000000e+00 : f32
    %max3A_59 = vector.broadcast %max3A : f32 to vector<10000x128xf32>
    %max3A_60 = arith.maximumf %add3A_58, %max3A_59 : vector<10000x128xf32>
    %get3A_61 = arith.constant 0 : index
    %get3A_62 = arith.constant 0 : index
    %get3A_63 = vector.load %arg7[%get3A_61, %get3A_62] : memref<128x128xf32, #tpu.memory_space<vmem>>, vector<128x128xf32>
    %dot_general3A_64 = arith.constant dense<0.000000e+00> : vector<10000x128xf32>
    %dot_general3A_65 = tpu.matmul %max3A_60, %get3A_63, %dot_general3A_64 {dimension_numbers = #tpu.dot_dimension_numbers<[1], [0], [0], [1], [0, 0, 1, 1], [], []>, transpose_lhs_hint = false} : vector<10000x128xf32>, vector<128x128xf32>, vector<10000x128xf32> -> vector<10000x128xf32>
    %get3A_66 = arith.constant 0 : index
    %get3A_67 = arith.constant 0 : index
    %get3A_68 = vector.load %arg8[%get3A_66, %get3A_67] : memref<1x128xf32, #tpu.memory_space<vmem>>, vector<1x128xf32>
    %get3A_69 = vector.shape_cast %get3A_68 : vector<1x128xf32> to vector<128xf32>
    %broadcast_in_dim3A_70 = vector.shape_cast %get3A_69 : vector<128xf32> to vector<1x128xf32>
    %add3A_71 = vector.broadcast %broadcast_in_dim3A_70 : vector<1x128xf32> to vector<10000x128xf32>
    %add3A_72 = arith.addf %dot_general3A_65, %add3A_71 : vector<10000x128xf32>
    %reduce_sum3A_73 = arith.constant dense<0.000000e+00> : vector<128xf32>
    %reduce_sum3A_74 = vector.multi_reduction <add>, %add3A_72, %reduce_sum3A_73 [0] : vector<10000x128xf32> to vector<128xf32>
    %broadcast_in_dim3A_75 = vector.shape_cast %reduce_sum3A_74 : vector<128xf32> to vector<1x128xf32>
    %div3A_76 = arith.constant 1.000000e+04 : f32
    %div3A_77 = vector.broadcast %div3A_76 : f32 to vector<1x128xf32>
    %div3A_78 = arith.divf %broadcast_in_dim3A_75, %div3A_77 : vector<1x128xf32>
    %sub3A_79 = vector.broadcast %div3A_78 : vector<1x128xf32> to vector<10000x128xf32>
    %sub3A_80 = arith.subf %add3A_72, %sub3A_79 : vector<10000x128xf32>
    %integer_pow3A_81 = arith.mulf %sub3A_80, %sub3A_80 : vector<10000x128xf32>
    %reduce_sum3A_82 = arith.constant dense<0.000000e+00> : vector<128xf32>
    %reduce_sum3A_83 = vector.multi_reduction <add>, %integer_pow3A_81, %reduce_sum3A_82 [0] : vector<10000x128xf32> to vector<128xf32>
    %broadcast_in_dim3A_84 = vector.shape_cast %reduce_sum3A_83 : vector<128xf32> to vector<1x128xf32>
    %div3A_85 = arith.constant 1.000000e+04 : f32
    %div3A_86 = vector.broadcast %div3A_85 : f32 to vector<1x128xf32>
    %div3A_87 = arith.divf %broadcast_in_dim3A_84, %div3A_86 : vector<1x128xf32>
    %sub3A_88 = vector.broadcast %div3A_78 : vector<1x128xf32> to vector<10000x128xf32>
    %sub3A_89 = arith.subf %add3A_72, %sub3A_88 : vector<10000x128xf32>
    %add3A_90 = arith.constant 9.99999974E-6 : f32
    %add3A_91 = vector.broadcast %add3A_90 : f32 to vector<1x128xf32>
    %add3A_92 = arith.addf %div3A_87, %add3A_91 : vector<1x128xf32>
    %sqrt3A_93 = math.sqrt %add3A_92 : vector<1x128xf32>
    %div3A_94 = vector.broadcast %sqrt3A_93 : vector<1x128xf32> to vector<10000x128xf32>
    %div3A_95 = arith.divf %sub3A_89, %div3A_94 : vector<10000x128xf32>
    %get3A_96 = arith.constant 0 : index
    %get3A_97 = arith.constant 0 : index
    %get3A_98 = vector.load %arg9[%get3A_96, %get3A_97] : memref<1x128xf32, #tpu.memory_space<vmem>>, vector<1x128xf32>
    %get3A_99 = vector.shape_cast %get3A_98 : vector<1x128xf32> to vector<128xf32>
    %broadcast_in_dim3A_100 = vector.shape_cast %get3A_99 : vector<128xf32> to vector<1x128xf32>
    %mul3A_101 = vector.broadcast %broadcast_in_dim3A_100 : vector<1x128xf32> to vector<10000x128xf32>
    %mul3A_102 = arith.mulf %div3A_95, %mul3A_101 : vector<10000x128xf32>
    %get3A_103 = arith.constant 0 : index
    %get3A_104 = arith.constant 0 : index
    %get3A_105 = vector.load %arg10[%get3A_103, %get3A_104] : memref<1x128xf32, #tpu.memory_space<vmem>>, vector<1x128xf32>
    %get3A_106 = vector.shape_cast %get3A_105 : vector<1x128xf32> to vector<128xf32>
    %broadcast_in_dim3A_107 = vector.shape_cast %get3A_106 : vector<128xf32> to vector<1x128xf32>
    %add3A_108 = vector.broadcast %broadcast_in_dim3A_107 : vector<1x128xf32> to vector<10000x128xf32>
    %add3A_109 = arith.addf %mul3A_102, %add3A_108 : vector<10000x128xf32>
    %swap3A = arith.constant 0 : index
    %swap3A_110 = arith.constant 0 : index
    %swap3A_111 = vector.load %arg12[%swap3A, %swap3A_110] : memref<10240x128xf32, #tpu.memory_space<vmem>>, vector<10000x128xf32>
    tpu.vector_store %arg12[%swap3A, %swap3A_110], %add3A_109 {strides = array<i32>} : memref<10240x128xf32, #tpu.memory_space<vmem>>, vector<10000x128xf32>,
    %broadcast_in_dim3A_112 = arith.constant 0.000000e+00 : f32
    %broadcast_in_dim3A_113 = vector.broadcast %broadcast_in_dim3A_112 : f32 to vector<240x128xf32>
    %swap3A_114 = arith.constant 10000 : index
    %swap3A_115 = arith.constant 0 : index
    %swap3A_116 = vector.load %arg12[%swap3A_114, %swap3A_115] : memref<10240x128xf32, #tpu.memory_space<vmem>>, vector<240x128xf32>
    tpu.vector_store %arg12[%swap3A_114, %swap3A_115], %broadcast_in_dim3A_113 {strides = array<i32>} : memref<10240x128xf32, #tpu.memory_space<vmem>>, vector<240x128xf32>,
    %get3A_117 = arith.constant 0 : index
    %get3A_118 = arith.constant 0 : index
    %get3A_119 = vector.load %arg2[%get3A_117, %get3A_118] : memref<1x10000xi32, #tpu.memory_space<vmem>>, vector<1x10000xi32>
    %iota3A = tpu.iota {dimensions = array<i32: 0>} : vector<64x10000xi32>
    %eq3A = vector.broadcast %get3A_119 : vector<1x10000xi32> to vector<64x10000xi32>
    %eq3A_120 = arith.cmpi eq, %eq3A, %iota3A : vector<64x10000xi32>
    %convert_element_type3A = arith.extui %eq3A_120 : vector<64x10000xi1> to vector<64x10000xi32>
    %convert_element_type3A_121 = arith.sitofp %convert_element_type3A : vector<64x10000xi32> to vector<64x10000xf32>
    %dot_general3A_122 = arith.constant dense<0.000000e+00> : vector<64x128xf32>
    %dot_general3A_123 = tpu.matmul %convert_element_type3A_121, %add3A_109, %dot_general3A_122 {dimension_numbers = #tpu.dot_dimension_numbers<[1], [0], [0], [1], [0, 0, 1, 1], [], []>, precision = #tpu.contract_precision<fp32>, transpose_lhs_hint = false} : vector<64x10000xf32>, vector<10000x128xf32>, vector<64x128xf32> -> vector<64x128xf32>
    %swap3A_124 = arith.constant 0 : index
    %swap3A_125 = arith.constant 0 : index
    %swap3A_126 = vector.load %arg13[%swap3A_124, %swap3A_125] : memref<64x128xf32, #tpu.memory_space<vmem>>, vector<64x128xf32>
    tpu.vector_store %arg13[%swap3A_124, %swap3A_125], %dot_general3A_123 {strides = array<i32>} : memref<64x128xf32, #tpu.memory_space<vmem>>, vector<64x128xf32>,
    return
  }
}

</mosaic_0001>

<sc_bundles>
// kernel: kernel.12.cloned.1.call-start
scs
__scs_entry_jumppad:
0x0: {  	(pc) =	sbr.rel $0x88, $3  }
0x1: {  	(tag) =	ssettag $0x0;
	lr =	simm.s32 $0x1  }
0x2: {  	[smem:$0x3F92] =	sst lr;
	_ =	strace $0xD0000000  }
0x3: {  	_ = 	snop  }
0x4: {  	_ = 	snop  }
0x5: {  	_ = 	snop  }
0x6: {  	_ = 	snop  }
0x7: {  	_ = 	snop  }
__scs_overlays_trampoline_lowered:
0x8: {  	[smem:$0x3FA1] =	sst s0  }
0x9: {  	[smem:$0x3FA2] =	sst s1  }
0xa: {  	[smem:$0x3FA3] =	sst s2  }
0xb: {  	[smem:$0x3FA4] =	sst s3  }
0xc: {  	[smem:$0x3FA5] =	sst s4  }
0xd: {  	[smem:$0x3FA6] =	sst s5  }
0xe: {  	[smem:$0x3FA7] =	sst s6  }
0xf: {  	[smem:$0x3FA8] =	sst s7  }
0x10: {  	[smem:$0x3FA9] =	sst s8  }
0x11: {  	[smem:$0x3FAA] =	sst s9;
	s0 =	simm.s32 @!p0 $0x0  }
0x12: {  	s1 =	sld [smem:$0x3F90];
	s0 =	simm.s32 @p0 $0x1  }
0x13: {  	[smem:$0x3FAB] =	sst s0;
	s0 =	simm.s32 @!p1 $0x0  }
0x14: {  	s2 =	sld [smem:$0x3F8F];
	s0 =	simm.s32 @p1 $0x1  }
0x15: {  	[smem:$0x3FAC] =	sst s0;
	s0 =	simm.s32 @!p2 $0x0  }
0x16: {  	s3 =	sld [smem:$0x3FDB];
	s0 =	simm.s32 @p2 $0x1  }
0x17: {  	s4 =	simm.s32 $0x1BF5;
	[smem:$0x3FAE] =	sst s0  }
0x18: {  	s0 =	sld [smem:$0x3F91];
	_ =	swait.ge [sflag:s4], $0x0  }
0x19: {  	s7 =	sld [smem:$0x3F92]  }
0x1a: {  	s8 =	sadd.s32 $0xFFFFE003, lr  }
0x1b: {  	s9 =	sadd.s32 $0xFFFFFEF7, lr;
	s5 =	simm.s32 $0xFFFFFFFF;
	p2 =	slt.u32 s8, $0xFFFFF086  }
0x1c: {  	p1 =	slt.u32 s9, $0xF7A;
	s5 =	simm.s32 @!p2 $0x0  }
0x1d: {  	s5 =	simm.s32 @p1 $0x1;
	p0 =	seq.s32 s7, s2  }
0x1e: {  	s7 =	smul.u32 @!p0 $0xF7A, s2;
	p2 =	seq.s32 @!p0 s5, $0x0  }
0x1f: {  	s9 =	smul.u32 $0xF7A, s1;
	s8 =	simm.s32 @!p0 $0x1BF5;
	p2 =	por !p2, p0  }
0x20: {  	[sflag:s8] =	ssyncset.s32 @!p0 $0xFFFFF086;
	s6 =	sadd.s32 @!p0 s3, s7;
	s7 =	simm.s32 @!p0 $0x108  }
0x21: {  	s3 =	sadd.s32 s3, s9;
	s6 =	sadd.s32 @!p0 $0x88, s6;
	s7 =	simm.s32 @p2 $0x1082  }
0x22: {  	[simem:s7], [sflag:s8] =	dma.local @!p0 [hbm:s6], $0xF7A  }
0x23: {  	s9 =	sor.u32 $0xD0000000, s2;
	s6 =	simm.s32 $0x108;
	_ =	swait.ge @!p0 [sflag:s8], $0x0  }
0x24: {  	s3 =	sadd.s32 $0x88, s3;
	s6 =	simm.s32 @!p1 $0x1082;
	[sflag:s4] =	ssyncset.s32 $0xFFFFF086  }
0x25: {  	[simem:s6], [sflag:s4] =	dma.local [hbm:s3], $0xF7A  }
0x26: {  	[smem:$0x3F92] =	sst s1;
	(tag) =	ssettag s2;
	_ =	strace s9  }
0x27: {  	s1 =	sld [smem:$0x3FA2]  }
0x28: {  	s2 =	sld [smem:$0x3FA3]  }
0x29: {  	s4 =	sld [smem:$0x3FA5]  }
0x2a: {  	p0 =	seq.s32 s5, $0x0;
	s5 =	sld [smem:$0x3FA6]  }
0x2b: {  	s6 =	sld [smem:$0x3FA7]  }
0x2c: {  	s7 =	sld [smem:$0x3FA8]  }
0x2d: {  	s3 =	simm.s32 $0x108;
	s8 =	sld [smem:$0x3FA9]  }
0x2e: {  	s3 =	simm.s32 @!p0 $0x1082;
	s9 =	sld [smem:$0x3FAA]  }
0x2f: {  	lr =	sadd.s32 s0, s3;
	s0 =	sld [smem:$0x3FA1]  }
0x30: {  	s3 =	sld [smem:$0x3FA4]  }
0x31: {  	[smem:$0x3FAD] =	sst s10  }
0x32: {  	s10 =	sld [smem:$0x3FAB];
	_ =	sdelay $0x3  }
0x33: {  	p0 =	seq.s32 s10, $0x1;
	s10 =	sld [smem:$0x3FAD];
	_ =	sdelay $0x3  }
0x34: {  	[smem:$0x3FAD] =	sst s10  }
0x35: {  	s10 =	sld [smem:$0x3FAC];
	_ =	sdelay $0x3  }
0x36: {  	p1 =	seq.s32 s10, $0x1;
	s10 =	sld [smem:$0x3FAD];
	_ =	sdelay $0x3  }
0x37: {  	[smem:$0x3FAD] =	sst s10  }
0x38: {  	s10 =	sld [smem:$0x3FAE]  }
0x39: {  	_ = 	snop;
	(pc) =	sbr.ind lr, $3  }
0x3a: {  	_ = 	snop  }
0x3b: {  	_ = 	snop  }
0x3c: {  	p2 =	seq.s32 s10, $0x1;
	s10 =	sld [smem:$0x3FAD]  }
0x3d: {  	_ =	shalt  }
0x3e: {  	_ =	shalt  }
0x3f: {  	_ =	shalt  }
0x40: {  	_ =	shalt  }
0x41: {  	_ =	shalt  }
0x42: {  	_ =	shalt  }
0x43: {  	_ =	shalt  }
0x44: {  	_ =	shalt  }
0x45: {  	_ =	shalt  }
0x46: {  	_ =	shalt  }
0x47: {  	_ =	shalt  }
0x48: {  	_ =	shalt  }
0x49: {  	_ =	shalt  }
0x4a: {  	_ =	shalt  }
0x4b: {  	_ =	shalt  }
0x4c: {  	_ =	shalt  }
0x4d: {  	_ =	shalt  }
0x4e: {  	_ =	shalt  }
0x4f: {  	_ =	shalt  }
0x50: {  	_ =	shalt  }
0x51: {  	_ =	shalt  }
0x52: {  	_ =	shalt  }
0x53: {  	_ =	shalt  }
0x54: {  	_ =	shalt  }
0x55: {  	_ =	shalt  }
0x56: {  	_ =	shalt  }
0x57: {  	_ =	shalt  }
0x58: {  	_ =	shalt  }
0x59: {  	_ =	shalt  }
0x5a: {  	_ =	shalt  }
0x5b: {  	_ =	shalt  }
0x5c: {  	_ =	shalt  }
0x5d: {  	_ =	shalt  }
0x5e: {  	_ =	shalt  }
0x5f: {  	_ =	shalt  }
0x60: {  	_ =	shalt  }
0x61: {  	_ =	shalt  }
0x62: {  	_ =	shalt  }
0x63: {  	_ =	shalt  }
0x64: {  	_ =	shalt  }
0x65: {  	_ =	shalt  }
0x66: {  	_ =	shalt  }
0x67: {  	_ =	shalt  }
0x68: {  	_ =	shalt  }
0x69: {  	_ =	shalt  }
0x6a: {  	_ =	shalt  }
0x6b: {  	_ =	shalt  }
0x6c: {  	_ =	shalt  }
0x6d: {  	_ =	shalt  }
0x6e: {  	_ =	shalt  }
0x6f: {  	_ =	shalt  }
0x70: {  	_ =	shalt  }
0x71: {  	_ =	shalt  }
0x72: {  	_ =	shalt  }
0x73: {  	_ =	shalt  }
0x74: {  	_ =	shalt  }
0x75: {  	_ =	shalt  }
0x76: {  	_ =	shalt  }
0x77: {  	_ =	shalt  }
0x78: {  	_ =	shalt  }
0x79: {  	_ =	shalt  }
0x7a: {  	_ =	shalt  }
0x7b: {  	_ =	shalt  }
0x7c: {  	_ =	shalt  }
0x7d: {  	_ =	shalt  }
0x7e: {  	_ =	shalt  }
0x7f: {  	_ =	shalt  }
0x80: {  	_ =	shalt  }
0x81: {  	_ =	shalt  }
0x82: {  	_ =	shalt  }
0x83: {  	_ =	shalt  }
0x84: {  	_ =	shalt  }
0x85: {  	_ =	shalt  }
0x86: {  	_ =	shalt  }
0x87: {  	_ =	shalt  }
.Lfunc_end0:
.L_simem_size_0:
called_computation.1_lowered:
.L_overlay_start_0:
0x88: {  	s2 =	sld [smem:$0x3FD9]  }
0x89: {  	s3 =	sld [smem:$0x3FFE];
	_ =	sdelay $0x1  }
0x8a: {  	s1 =	srdreg.scid  }
0x8b: {  	s0 =	sand.u32 $0x1, s1  }
0x8c: {  	s14 =	sshll.u32 s0, $0xA;
	s2 =	sadd.s32 s3, s2  }
0x8d: {  	s2 =	sadd.s32 s2, s14  }
0x8e: {  	[smem:$0x3FB9] =	sst s2  }
0x8f: {  	_ = 	snop  }
0x90: {  	s2 =	sld [smem:$0x3FD0];
	_ =	sdelay $0x2  }
0x91: {  	s15 =	simm.s32 $0xA;
	s4 =	simm.s32 $0x10  }
0x92: {  	[smem:s4], [sflag:s15] =	dma.local [hbm:s2], $0x1  }
0x93: {  	_ =	swait.eq [sflag:s15], $0x1  }
0x94: {  	[sflag:s15] =	ssyncset.done $0x0  }
0x95: {  	[sflag:s15] =	ssyncadd.s32 $0xFFFFFFFF  }
0x96: {  	s16 =	sld [smem:$0x10];
	(tm) =	ssettm $0x1  }
0x97: {  	s17 =	sld [smem:$0x3FFB];
	_ =	sdelay $0x3  }
0x98: {  	_ =	strace s17  }
0x99: {  	s3 =	sld [smem:$0x3FFC];
	_ =	sdelay $0x3  }
0x9a: {  	_ =	strace s3  }
0x9b: {  	s3 =	sld [smem:$0x3FFD];
	_ =	sdelay $0x3  }
0x9c: {  	_ =	strace s3  }
0x9d: {  	_ =	strace $0x8FFFFFFF  }
0x9e: {  	s18 =	sld [smem:$0x3FDB];
	_ =	sdelay $0x1  }
0x9f: {  	s19 =	simm.s32 $_scs_section_size  }
0xa0: {  	s5 =	simm.s32 $_size__tile_overlayer_lowered;
	s6 =	simm.s32 $_tile_overlayer_lowered  }
0xa1: {  	s22 =	simm.s32 $0x1BFF;
	s21 =	sshll.u32 s6, $0x1;
	s3 =	sadd.s32 s19, s18  }
0xa2: {  	s7 =	simm.s32 $0x0;
	s20 =	sshll.u32 s5, $0x1;
	s5 =	sadd.s32 s21, s3  }
0xa3: {  	[timem:s7], [sflag:s22] =	dma.local [hbm:s5], s20  }
0xa4: {  	_ =	swait.ge [sflag:s22], s20  }
0xa5: {  	s4 =	ssub.s32 $0x0, s20;
	[sflag:s22] =	ssyncset.done $0x0  }
0xa6: {  	[sflag:s22] =	ssyncadd.s32 s4;
	_ =	sdelay $0x1  }
0xa7: {  	s23 =	simm.s32 $0x1B8B  }
0xa8: {  	_ =	swait.ge [sflag:s23], $0x1  }
0xa9: {  	[sflag:s23] =	ssyncset.done $0x0  }
0xaa: {  	s25 =	simm.s32 $0x1B8E;
	s24 =	sld [smem:$0x3FFE];
	[sflag:s23] =	ssyncadd.s32 $0xFFFFFFFF  }
0xab: {  	s26 =	simm.s32 $execute0_lowered;
	[smem:$0x3FD2] =	sst s25  }
0xac: {  	s5 =	sshll.u32 s26, $0x1;
	_ =	strace $0x80000049;
	[dreg:$0x1] =	wrdreg $0xFFFFFFFF  }
0xad: {  	s28 =	simm.s32 $_size_execute0_lowered;
	s3 =	sadd.s32 s3, s5;
	[dreg:$0x0] =	wrdreg $0x0  }
0xae: {  	s5 =	sshll.u32 s28, $0x1;
	[dreg:$0x2] =	wrdreg s3  }
0xaf: {  	[dreg:$0x3] =	wrdreg s5  }
0xb0: {  	[dreg:$0x4] =	wrdreg $0xC0  }
0xb1: {  	_ =	task [dreg:s7], $0x5FFFF  }
0xb2: {  	[dreg:$0x1] =	wrdreg $0xFFFFFFFF  }
0xb3: {  	[dreg:$0x0] =	wrdreg $0x60  }
0xb4: {  	[dreg:$0x2] =	wrdreg s24  }
0xb5: {  	[dreg:$0x3] =	wrdreg s16  }
0xb6: {  	[dreg:$0x4] =	wrdreg $0x81800  }
0xb7: {  	[dreg:$0x5] =	wrdreg $0x9  }
0xb8: {  	_ =	task.clear_ibuf [dreg:s7], $0x6FFFF;
	_ =	strace $0x90000049  }
0xb9: {  	s29 =	simm.s32 $0x9;
	_ =	strace $0x8000004B  }
0xba: {  	_ =	swait.ge [sflag:s29], $0x1  }
0xbb: {  	[sflag:s29] =	ssyncadd.s32 $0xFFFFFFFF  }
0xbc: {  	_ =	strace $0x9000004B  }
0xbd: {  	_ =	sfence  }
0xbe: {  	s30 =	sld [smem:$0x0];
	_ =	sdelay $0x2  }
0xbf: {  	s31 =	sshll.u32 s1, $0xD;
	s1 =	sshrl.u32 s1, $0x2  }
0xc0: {  	s3 =	sand.u32 $0x4000, s31;
	s1 =	sadd.s32 s1, s30  }
0xc1: {  	s0 =	sor.u32 s3, s0;
	s1 =	sshll.u32 s1, $0x11  }
0xc2: {  	s0 =	sor.u32 s1, s0  }
0xc3: {  	s0 =	sadd.s32 $0x8F2B, s0  }
0xc4: {  	[sflag:s0] =	ssyncadd.remote.s32 $0x1  }
0xc5: {  	_ =	sfence.sel $0xFFFF  }
0xc6: {  	[dreg:$0x0] =	wrdreg $0xFFFFFFFF;
	(pc) =	sbr.abs _section_cstart, $3  }
0xc7: {  	[dreg:$0x1] =	wrdreg $0xFFFFFFFF  }
0xc8: {  	_ =	task.clear_ibuf [dreg:s7], $0x2FFFF;
	_ =	strace $0x9FFFFFFF  }
0xc9: {  	(tm) =	ssettm $0x7FFFFFFF  }
tec
execute0_lowered:
.L_overlay_start_1:
0x0: {  	(tag) =	ssettag $0x1  }
0x1: {  	s9 =	rddreg [dreg:$0x0]  }
0x2: {  	s1 =	rddreg [dreg:$0x1]  }
0x3: {  	s2 =	rddreg [dreg:$0x2];
	s3 =	srdreg.scid  }
0x4: {  	s0 =	rddreg [dreg:$0x3];
	s4 =	simm.s32 $0x0;
	s17 =	simm.s32 $0x180  }
0x5: {  	s18 =	simm.s32 $0x2;
	s19 =	simm.s32 $0x80;
	s20 =	simm.s32 $0x100  }
0x6: {  	s21 =	simm.s32 $0x4180;
	s10 =	sand.u32 $0x1, s3;
	s3 =	stileid.u32  }
0x7: {  	s22 =	simm.s32 $0x1;
	[smem:$0x7FF] =	sst s4;
	s7 =	smul.u32 $0x140000, s10  }
0x8: {  	s5 =	sadd.s32 $0x8000, s9;
	s6 =	sadd.s32 $0x39E00, s9;
	s8 =	smul.u32 $0x14000, s3  }
0x9: {  	_ =	strace $0x8000004A;
	s29 =	ssub.s32 $0x2, s10;
	s13 =	sshll.u32 s3, $0x1  }
0xa: {  	s12 =	smul.u32 $0x50000, s3;
	s31 =	sshrl.u32 s29, $0x1;
	s14 =	sor.u32 s10, s13  }
0xb: {  	s11 =	sadd.s32 s8, s7;
	s7 =	sadd.s32 $0x30000, s9;
	s8 =	sadd.s32 $0x43C00, s9  }
0xc: {  	s30 =	sshrl.u32 s12, $0x2;
	s16 =	ssub.s32 s29, s31;
	s11 =	sshrl.u32 s11, $0x3  }
0xd: {  	s14 =	smul.u32 $0x4F, s14;
	s15 =	sadd.s32 s11, s9;
	s9 =	sadd.s32 s30, s2  }
0xe: {  	s16 =	smax.u32 s16, $0x1;
	s10 =	sadd.s32 $0x4000, s9;
	s11 =	sadd.s32 $0x8000, s9  }
0xf: {  	v0 =	vimm.f32 $0.0e+00;
	s12 =	sadd.s32 $0xC000, s9;
	s13 =	sadd.s32 $0x10000, s9;
	s15 =	sadd.s32 $0x4DA00, s15  }
.LBB2_1:
0x10: {  	s23 =	simm.s32 $0x0;
	s24 =	simm.s32 $0x200  }
.LBB2_2:
0x11: {  	p0 =	sne.s32 s24, $0xFE00;
	[tilespmem:s23+$0x1F0] =	vst v0  }
0x12: {  	[tilespmem:s23+$0x180] =	vst v0  }
0x13: {  	[tilespmem:s23+$0x190] =	vst v0  }
.Ltmp0:
0x14: {  	[tilespmem:s23+$0x1A0] =	vst v0;
	(pc) =	sbr.rel @p0 .LBB2_2-.Ltmp0, $4  }
0x15: {  	[tilespmem:s23+$0x1B0] =	vst v0  }
0x16: {  	[tilespmem:s23+$0x1C0] =	vst v0  }
0x17: {  	[tilespmem:s23+$0x1D0] =	vst v0  }
0x18: {  	[tilespmem:s23+$0x1E0] =	vst v0;
	s23 =	sshra.s32 s24, $0x2;
	s24 =	sadd.s32 $0x200, s24  }
0x19: {  	[tilespmem:s23+$0x1F0] =	vst v0  }
0x1a: {  	[tilespmem:s23+$0x180] =	vst v0  }
0x1b: {  	[tilespmem:s23+$0x190] =	vst v0  }
0x1c: {  	[tilespmem:s23+$0x1A0] =	vst v0  }
0x1d: {  	[tilespmem:s23+$0x1B0] =	vst v0  }
0x1e: {  	[tilespmem:s23+$0x1C0] =	vst v0  }
0x1f: {  	[tilespmem:s23+$0x1D0] =	vst v0  }
0x20: {  	[tilespmem:s23+$0x1E0] =	vst v0  }
0x21: {  	[spmem:s9] =	stream.linear.scatter [tilespmem:s17], [sflag:$0x2], $0x4000, $0x38;
	[tilespmem:$0x1C180] =	vst v63  }
0x22: {  	_ =	swait.ge [sflag:s18], $0x4000  }
0x23: {  	[sflag:s18] =	ssyncset.done $0x0  }
0x24: {  	[sflag:s18] =	ssyncadd.s32 $0xFFFFC000  }
0x25: {  	[spmem:s10] =	stream.linear.scatter [tilespmem:s17], [sflag:$0x2], $0x4000, $0x38;
	[tilespmem:$0x1C180] =	vst v63  }
0x26: {  	_ =	swait.ge [sflag:s18], $0x4000  }
0x27: {  	[sflag:s18] =	ssyncset.done $0x0  }
0x28: {  	[sflag:s18] =	ssyncadd.s32 $0xFFFFC000  }
0x29: {  	[spmem:s11] =	stream.linear.scatter [tilespmem:s17], [sflag:$0x2], $0x4000, $0x38;
	[tilespmem:$0x1C180] =	vst v63  }
0x2a: {  	_ =	swait.ge [sflag:s18], $0x4000  }
0x2b: {  	[sflag:s18] =	ssyncset.done $0x0  }
0x2c: {  	[sflag:s18] =	ssyncadd.s32 $0xFFFFC000  }
0x2d: {  	[spmem:s12] =	stream.linear.scatter [tilespmem:s17], [sflag:$0x2], $0x4000, $0x38;
	[tilespmem:$0x1C180] =	vst v63  }
0x2e: {  	_ =	swait.ge [sflag:s18], $0x4000  }
0x2f: {  	[sflag:s18] =	ssyncset.done $0x0  }
0x30: {  	[sflag:s18] =	ssyncadd.s32 $0xFFFFC000  }
0x31: {  	[spmem:s13] =	stream.linear.scatter [tilespmem:s17], [sflag:$0x2], $0x4000, $0x38;
	[tilespmem:$0x1C180] =	vst v63  }
0x32: {  	_ =	swait.ge [sflag:s18], $0x4000  }
0x33: {  	[sflag:s18] =	ssyncset.done $0x0  }
0x34: {  	[sflag:s18] =	ssyncadd.s32 $0xFFFFC000  }
0x35: {  	s23 =	simm.s32 $0x0;
	s24 =	simm.s32 $0x0;
	[bflag:$0x0] =	sbarrier.arrive $0xFFFF  }
.LBB2_4:
0x36: {  	s25 =	sadd.s32 s14, s24  }
0x37: {  	s25 =	sshll.u32 s25, $0x4  }
0x38: {  	s26 =	sadd.s32 s6, s25  }
0x39: {  	[tilespmem:s23], [sflag:$0x2] =	stream.linear.gather [hbm4b:s26+s23], $0x80, $0x38;
	[tilespmem:$0x1C180] =	vst v63  }
0x3a: {  	_ =	swait.ge [sflag:s18], $0x80  }
0x3b: {  	[sflag:s18] =	ssyncset.done $0x0  }
0x3c: {  	s31 =	sadd.s32 s7, s25;
	[sflag:s18] =	ssyncadd.s32 $0xFFFFFF80  }
0x3d: {  	[tilespmem:s19], [sflag:$0x2] =	stream.linear.gather [hbm4b:s31+s23], $0x80, $0x38;
	[tilespmem:$0x1C180] =	vst v63  }
0x3e: {  	_ =	swait.ge [sflag:s18], $0x80  }
0x3f: {  	[sflag:s18] =	ssyncset.done $0x0  }
0x40: {  	s25 =	sadd.s32 s8, s25;
	[sflag:s18] =	ssyncadd.s32 $0xFFFFFF80  }
0x41: {  	[tilespmem:s20], [sflag:$0x2] =	stream.linear.gather [hbm4b:s25+s23], $0x80, $0x38;
	[tilespmem:$0x1C180] =	vst v63  }
0x42: {  	_ =	swait.ge [sflag:s18], $0x80  }
0x43: {  	[sflag:s18] =	ssyncset.done $0x0  }
0x44: {  	[sflag:s18] =	ssyncadd.s32 $0xFFFFFF80  }
0x45: {  	[tilespmem:s17], [sflag:$0x1] =	stream.indirect.gather [hbm4b:s5+s19], $0x80, s23, s19, $0xb8;
	[tilespmem:$0x1C180] =	vst v63  }
0x46: {  	_ = 	snop  }
0x47: {  	[tilespmem:s21], [sflag:$0x1] =	stream.indirect.gather [hbm4b:s1+s19], $0x80, s19, s19, $0xb8;
	[tilespmem:$0x1C180] =	vst v63  }
0x48: {  	_ =	swait.ge [sflag:s22], $0x4000  }
0x49: {  	[sflag:s22] =	ssyncset.done $0x0  }
0x4a: {  	[sflag:s22] =	ssyncadd.s32 $0xFFFFC000  }
0x4b: {  	_ =	swait.ge [sflag:s22], $0x4000  }
0x4c: {  	[sflag:s22] =	ssyncset.done $0x0  }
0x4d: {  	s25 =	simm.s32 $0x0;
	[sflag:s22] =	ssyncadd.s32 $0xFFFFC000  }
0x4e: {  	v7 =	vld [tilespmem:s25+$0x4180]  }
0x4f: {  	v12 =	vld [tilespmem:s25+$0x4190]  }
0x50: {  	v6 =	vld [tilespmem:s25+$0x41A0]  }
0x51: {  	v5 =	vld [tilespmem:s25+$0x41B0]  }
0x52: {  	v4 =	vld [tilespmem:s25+$0x41C0]  }
0x53: {  	v3 =	vld [tilespmem:s25+$0x41D0]  }
0x54: {  	v2 =	vld [tilespmem:s25+$0x41E0]  }
0x55: {  	v1 =	vld [tilespmem:s25+$0x41F0]  }
0x56: {  	v13 =	vld [tilespmem:s25+$0x180]  }
0x57: {  	v14 =	vld [tilespmem:s25+$0x190]  }
0x58: {  	v11 =	vld [tilespmem:s25+$0x1A0]  }
0x59: {  	v10 =	vld [tilespmem:s25+$0x1B0]  }
0x5a: {  	v9 =	vld [tilespmem:s25+$0x1C0]  }
0x5b: {  	v8 =	vld [tilespmem:s25+$0x1D0];
	v13 =	vadd.f32 v7, v13  }
0x5c: {  	s26 =	simm.s32 $0x200;
	v12 =	vadd.f32 v12, v14;
	v7 =	vld [tilespmem:s25+$0x1E0]  }
.LBB2_5:
0x5d: {  	s28 =	sshra.s32 s26, $0x2;
	p0 =	sne.s32 s26, $0xFE00;
	v13 =	vmax.f32 v13, $0.0e+00;
	v6 =	vadd.f32 v6, v11;
	v11 =	vld [tilespmem:s25+$0x1F0]  }
0x5e: {  	v14 =	vld [tilespmem:s28+$0x4180];
	[tilespmem:s25+$0x180] =	vst v13;
	v12 =	vmax.f32 v12, $0.0e+00;
	v5 =	vadd.f32 v5, v10  }
0x5f: {  	v15 =	vld [tilespmem:s28+$0x4190];
	[tilespmem:s25+$0x190] =	vst v12;
	v10 =	vmax.f32 v6, $0.0e+00;
	v4 =	vadd.f32 v4, v9  }
0x60: {  	v6 =	vld [tilespmem:s28+$0x41A0];
	[tilespmem:s25+$0x1A0] =	vst v10;
	v9 =	vmax.f32 v5, $0.0e+00;
	v3 =	vadd.f32 v3, v8  }
0x61: {  	v5 =	vld [tilespmem:s28+$0x41B0];
	[tilespmem:s25+$0x1B0] =	vst v9;
	v8 =	vmax.f32 v4, $0.0e+00;
	v2 =	vadd.f32 v2, v7  }
0x62: {  	v4 =	vld [tilespmem:s28+$0x41C0];
	[tilespmem:s25+$0x1C0] =	vst v8;
	v7 =	vmax.f32 v3, $0.0e+00;
	v1 =	vadd.f32 v1, v11  }
0x63: {  	v3 =	vld [tilespmem:s28+$0x41D0];
	[tilespmem:s25+$0x1D0] =	vst v7;
	v7 =	vmax.f32 v2, $0.0e+00  }
0x64: {  	v2 =	vld [tilespmem:s28+$0x41E0];
	[tilespmem:s25+$0x1E0] =	vst v7;
	v7 =	vmax.f32 v1, $0.0e+00  }
0x65: {  	v1 =	vld [tilespmem:s28+$0x41F0];
	[tilespmem:s25+$0x1F0] =	vst v7;
	s25 =	smov.u32 s28  }
0x66: {  	v7 =	vld [tilespmem:s25+$0x180]  }
0x67: {  	v12 =	vld [tilespmem:s25+$0x190]  }
.Ltmp1:
0x68: {  	v11 =	vld [tilespmem:s25+$0x1A0];
	(pc) =	sbr.rel @p0 .LBB2_5-.Ltmp1, $4  }
0x69: {  	v10 =	vld [tilespmem:s25+$0x1B0]  }
0x6a: {  	v9 =	vld [tilespmem:s25+$0x1C0]  }
0x6b: {  	v13 =	vadd.f32 v14, v7;
	v8 =	vld [tilespmem:s25+$0x1D0]  }
0x6c: {  	s26 =	sadd.s32 $0x200, s26;
	v12 =	vadd.f32 v15, v12;
	v7 =	vld [tilespmem:s25+$0x1E0]  }
0x6d: {  	v13 =	vmax.f32 v13, $0.0e+00;
	v6 =	vadd.f32 v6, v11;
	v63 =	vld [tilespmem:s25+$0x1F0]  }
0x6e: {  	[tilespmem:s25+$0x180] =	vst v13;
	v12 =	vmax.f32 v12, $0.0e+00;
	v5 =	vadd.f32 v5, v10  }
0x6f: {  	[tilespmem:s25+$0x190] =	vst v12;
	v6 =	vmax.f32 v6, $0.0e+00;
	v4 =	vadd.f32 v4, v9  }
0x70: {  	[tilespmem:s25+$0x1A0] =	vst v6;
	v5 =	vmax.f32 v5, $0.0e+00;
	v3 =	vadd.f32 v3, v8  }
0x71: {  	[tilespmem:s25+$0x1B0] =	vst v5;
	v4 =	vmax.f32 v4, $0.0e+00;
	v2 =	vadd.f32 v2, v7  }
0x72: {  	[tilespmem:s25+$0x1C0] =	vst v4;
	v3 =	vmax.f32 v3, $0.0e+00;
	v1 =	vadd.f32 v1, v63  }
0x73: {  	s24 =	sadd.s32 $0x1, s24;
	[tilespmem:s25+$0x1D0] =	vst v3;
	v2 =	vmax.f32 v2, $0.0e+00  }
0x74: {  	p0 =	sne.s32 s24, $0x4F;
	[tilespmem:s25+$0x1E0] =	vst v2;
	v1 =	vmax.f32 v1, $0.0e+00  }
.Ltmp2:
0x75: {  	[tilespmem:s25+$0x1F0] =	vst v1;
	(pc) =	sbr.rel @p0 .LBB2_4-.Ltmp2, $4  }
0x76: {  	[spmem:s2] =	stream.indirect.scatter.add.f32 [tilespmem:s17], [sflag:$0x2], $0x80, s20, s19, $0xb8;
	[tilespmem:$0x1C180] =	vst v63  }
0x77: {  	_ =	swait.ge [sflag:s18], $0x4000  }
0x78: {  	[sflag:s18] =	ssyncset.done $0x0  }
0x79: {  	[sflag:s18] =	ssyncadd.s32 $0xFFFFC000  }
0x7a: {  	s4 =	sadd.s32 $0x1, s4  }
0x7b: {  	s23 =	sshll.u32 s3, $0x6;
	[bflag:$0x0] =	sbarrier.arrive $0xFFFF;
	p0 =	sne.s32 s4, s16  }
.Ltmp3:
0x7c: {  	s24 =	sshrl.u32 s9, $0x3;
	s23 =	sor.u32 $0x1C02, s23;
	(pc) =	sbr.rel @p0 .LBB2_1-.Ltmp3, $4  }
0x7d: {  	[hbm:s15], [sflag:s23] =	dma.local [spmem:s24], $0x2800  }
0x7e: {  	_ =	swait.ge [sflag:s18], $0x2800  }
0x7f: {  	[sflag:s18] =	ssyncset.done $0x0  }
0x80: {  	[sflag:s18] =	ssyncadd.s32 $0xFFFFD800  }
0x81: {  	_ =	sfence.sel $0x180000  }
0x82: {  	[bflag:$0x0] =	sbarrier.arrive $0xFFFF  }
0x83: {  	p0 =	sne.s32 s3, $0x0;
	_ =	strace $0x9000004A  }
0x84: {  	s0 =	sadd.s32 @!p0 $0x100000, s0;
	[bflag:$0x2] =	sbarrier.arrive $0xFFFF  }
0x85: {  	[sflag:s0] =	ssyncadd.tile.s32 @!p0 $0x1;
	_ =	shalt  }
.Lfunc_end2:
_tile_overlayer_lowered:
.L_overlay_start_2:
0x86: {  	(tag) =	ssettag $0x2  }
0x87: {  	s0 =	rddreg [dreg:$0x0];
	s2 =	stileid.u32  }
0x88: {  	s1 =	rddreg [dreg:$0x1];
	p0 =	sne.s32 s2, $0x0  }
0x89: {  	s3 =	rddreg [dreg:$0x2];
	[bflag:$0x3] =	sbarrier.arrive $0xFFFF;
	s2 =	simm.s32 @!p0 $0x1C02  }
0x8a: {  	[timem:s3], [sflag:s2] =	dma.local @!p0 [hbm:s0], s1  }
0x8b: {  	s0 =	simm.s32 @!p0 $0x2  }
0x8c: {  	_ =	swait.ge @!p0 [sflag:s0], s1  }
0x8d: {  	s1 =	ssub.s32 @!p0 $0x0, s1;
	[sflag:s0] =	ssyncset.done @!p0 $0x0  }
0x8e: {  	[sflag:s0] =	ssyncadd.s32 @!p0 s1  }
0x8f: {  	[bflag:$0x3] =	sbarrier.arrive $0xFFFF  }
0x90: {  	_ =	shalt  }

// kernel: kernel.15.cloned.1.call-start
scs
__scs_entry_jumppad:
0x0: {  	(pc) =	sbr.rel $0x88, $3  }
0x1: {  	(tag) =	ssettag $0x0;
	lr =	simm.s32 $0x1  }
0x2: {  	[smem:$0x3F92] =	sst lr;
	_ =	strace $0xD0000000  }
0x3: {  	_ = 	snop  }
0x4: {  	_ = 	snop  }
0x5: {  	_ = 	snop  }
0x6: {  	_ = 	snop  }
0x7: {  	_ = 	snop  }
__scs_overlays_trampoline_lowered:
0x8: {  	[smem:$0x3FA1] =	sst s0  }
0x9: {  	[smem:$0x3FA2] =	sst s1  }
0xa: {  	[smem:$0x3FA3] =	sst s2  }
0xb: {  	[smem:$0x3FA4] =	sst s3  }
0xc: {  	[smem:$0x3FA5] =	sst s4  }
0xd: {  	[smem:$0x3FA6] =	sst s5  }
0xe: {  	[smem:$0x3FA7] =	sst s6  }
0xf: {  	[smem:$0x3FA8] =	sst s7  }
0x10: {  	[smem:$0x3FA9] =	sst s8  }
0x11: {  	[smem:$0x3FAA] =	sst s9;
	s0 =	simm.s32 @!p0 $0x0  }
0x12: {  	s1 =	sld [smem:$0x3F90];
	s0 =	simm.s32 @p0 $0x1  }
0x13: {  	[smem:$0x3FAB] =	sst s0;
	s0 =	simm.s32 @!p1 $0x0  }
0x14: {  	s2 =	sld [smem:$0x3F8F];
	s0 =	simm.s32 @p1 $0x1  }
0x15: {  	[smem:$0x3FAC] =	sst s0;
	s0 =	simm.s32 @!p2 $0x0  }
0x16: {  	s3 =	sld [smem:$0x3FDB];
	s0 =	simm.s32 @p2 $0x1  }
0x17: {  	s4 =	simm.s32 $0x1BF5;
	[smem:$0x3FAE] =	sst s0  }
0x18: {  	s0 =	sld [smem:$0x3F91];
	_ =	swait.ge [sflag:s4], $0x0  }
0x19: {  	s7 =	sld [smem:$0x3F92]  }
0x1a: {  	s8 =	sadd.s32 $0xFFFFE003, lr  }
0x1b: {  	s9 =	sadd.s32 $0xFFFFFEF7, lr;
	s5 =	simm.s32 $0xFFFFFFFF;
	p2 =	slt.u32 s8, $0xFFFFF086  }
0x1c: {  	p1 =	slt.u32 s9, $0xF7A;
	s5 =	simm.s32 @!p2 $0x0  }
0x1d: {  	s5 =	simm.s32 @p1 $0x1;
	p0 =	seq.s32 s7, s2  }
0x1e: {  	s7 =	smul.u32 @!p0 $0xF7A, s2;
	p2 =	seq.s32 @!p0 s5, $0x0  }
0x1f: {  	s9 =	smul.u32 $0xF7A, s1;
	s8 =	simm.s32 @!p0 $0x1BF5;
	p2 =	por !p2, p0  }
0x20: {  	[sflag:s8] =	ssyncset.s32 @!p0 $0xFFFFF086;
	s6 =	sadd.s32 @!p0 s3, s7;
	s7 =	simm.s32 @!p0 $0x108  }
0x21: {  	s3 =	sadd.s32 s3, s9;
	s6 =	sadd.s32 @!p0 $0x88, s6;
	s7 =	simm.s32 @p2 $0x1082  }
0x22: {  	[simem:s7], [sflag:s8] =	dma.local @!p0 [hbm:s6], $0xF7A  }
0x23: {  	s9 =	sor.u32 $0xD0000000, s2;
	s6 =	simm.s32 $0x108;
	_ =	swait.ge @!p0 [sflag:s8], $0x0  }
0x24: {  	s3 =	sadd.s32 $0x88, s3;
	s6 =	simm.s32 @!p1 $0x1082;
	[sflag:s4] =	ssyncset.s32 $0xFFFFF086  }
0x25: {  	[simem:s6], [sflag:s4] =	dma.local [hbm:s3], $0xF7A  }
0x26: {  	[smem:$0x3F92] =	sst s1;
	(tag) =	ssettag s2;
	_ =	strace s9  }
0x27: {  	s1 =	sld [smem:$0x3FA2]  }
0x28: {  	s2 =	sld [smem:$0x3FA3]  }
0x29: {  	s4 =	sld [smem:$0x3FA5]  }
0x2a: {  	p0 =	seq.s32 s5, $0x0;
	s5 =	sld [smem:$0x3FA6]  }
0x2b: {  	s6 =	sld [smem:$0x3FA7]  }
0x2c: {  	s7 =	sld [smem:$0x3FA8]  }
0x2d: {  	s3 =	simm.s32 $0x108;
	s8 =	sld [smem:$0x3FA9]  }
0x2e: {  	s3 =	simm.s32 @!p0 $0x1082;
	s9 =	sld [smem:$0x3FAA]  }
0x2f: {  	lr =	sadd.s32 s0, s3;
	s0 =	sld [smem:$0x3FA1]  }
0x30: {  	s3 =	sld [smem:$0x3FA4]  }
0x31: {  	[smem:$0x3FAD] =	sst s10  }
0x32: {  	s10 =	sld [smem:$0x3FAB];
	_ =	sdelay $0x3  }
0x33: {  	p0 =	seq.s32 s10, $0x1;
	s10 =	sld [smem:$0x3FAD];
	_ =	sdelay $0x3  }
0x34: {  	[smem:$0x3FAD] =	sst s10  }
0x35: {  	s10 =	sld [smem:$0x3FAC];
	_ =	sdelay $0x3  }
0x36: {  	p1 =	seq.s32 s10, $0x1;
	s10 =	sld [smem:$0x3FAD];
	_ =	sdelay $0x3  }
0x37: {  	[smem:$0x3FAD] =	sst s10  }
0x38: {  	s10 =	sld [smem:$0x3FAE]  }
0x39: {  	_ = 	snop;
	(pc) =	sbr.ind lr, $3  }
0x3a: {  	_ = 	snop  }
0x3b: {  	_ = 	snop  }
0x3c: {  	p2 =	seq.s32 s10, $0x1;
	s10 =	sld [smem:$0x3FAD]  }
0x3d: {  	_ =	shalt  }
0x3e: {  	_ =	shalt  }
0x3f: {  	_ =	shalt  }
0x40: {  	_ =	shalt  }
0x41: {  	_ =	shalt  }
0x42: {  	_ =	shalt  }
0x43: {  	_ =	shalt  }
0x44: {  	_ =	shalt  }
0x45: {  	_ =	shalt  }
0x46: {  	_ =	shalt  }
0x47: {  	_ =	shalt  }
0x48: {  	_ =	shalt  }
0x49: {  	_ =	shalt  }
0x4a: {  	_ =	shalt  }
0x4b: {  	_ =	shalt  }
0x4c: {  	_ =	shalt  }
0x4d: {  	_ =	shalt  }
0x4e: {  	_ =	shalt  }
0x4f: {  	_ =	shalt  }
0x50: {  	_ =	shalt  }
0x51: {  	_ =	shalt  }
0x52: {  	_ =	shalt  }
0x53: {  	_ =	shalt  }
0x54: {  	_ =	shalt  }
0x55: {  	_ =	shalt  }
0x56: {  	_ =	shalt  }
0x57: {  	_ =	shalt  }
0x58: {  	_ =	shalt  }
0x59: {  	_ =	shalt  }
0x5a: {  	_ =	shalt  }
0x5b: {  	_ =	shalt  }
0x5c: {  	_ =	shalt  }
0x5d: {  	_ =	shalt  }
0x5e: {  	_ =	shalt  }
0x5f: {  	_ =	shalt  }
0x60: {  	_ =	shalt  }
0x61: {  	_ =	shalt  }
0x62: {  	_ =	shalt  }
0x63: {  	_ =	shalt  }
0x64: {  	_ =	shalt  }
0x65: {  	_ =	shalt  }
0x66: {  	_ =	shalt  }
0x67: {  	_ =	shalt  }
0x68: {  	_ =	shalt  }
0x69: {  	_ =	shalt  }
0x6a: {  	_ =	shalt  }
0x6b: {  	_ =	shalt  }
0x6c: {  	_ =	shalt  }
0x6d: {  	_ =	shalt  }
0x6e: {  	_ =	shalt  }
0x6f: {  	_ =	shalt  }
0x70: {  	_ =	shalt  }
0x71: {  	_ =	shalt  }
0x72: {  	_ =	shalt  }
0x73: {  	_ =	shalt  }
0x74: {  	_ =	shalt  }
0x75: {  	_ =	shalt  }
0x76: {  	_ =	shalt  }
0x77: {  	_ =	shalt  }
0x78: {  	_ =	shalt  }
0x79: {  	_ =	shalt  }
0x7a: {  	_ =	shalt  }
0x7b: {  	_ =	shalt  }
0x7c: {  	_ =	shalt  }
0x7d: {  	_ =	shalt  }
0x7e: {  	_ =	shalt  }
0x7f: {  	_ =	shalt  }
0x80: {  	_ =	shalt  }
0x81: {  	_ =	shalt  }
0x82: {  	_ =	shalt  }
0x83: {  	_ =	shalt  }
0x84: {  	_ =	shalt  }
0x85: {  	_ =	shalt  }
0x86: {  	_ =	shalt  }
0x87: {  	_ =	shalt  }
.Lfunc_end0:
.L_simem_size_0:
called_computation.2_lowered:
.L_overlay_start_0:
0x88: {  	s2 =	sld [smem:$0x3FD9]  }
0x89: {  	s3 =	sld [smem:$0x3FFE];
	_ =	sdelay $0x1  }
0x8a: {  	s1 =	srdreg.scid  }
0x8b: {  	s0 =	sand.u32 $0x1, s1  }
0x8c: {  	s16 =	sshll.u32 s0, $0xA;
	s2 =	sadd.s32 s3, s2  }
0x8d: {  	s2 =	sadd.s32 s2, s16  }
0x8e: {  	[smem:$0x3FB9] =	sst s2  }
0x8f: {  	_ = 	snop  }
0x90: {  	(tm) =	ssettm $0x1  }
0x91: {  	s17 =	sld [smem:$0x3FFB];
	_ =	sdelay $0x3  }
0x92: {  	_ =	strace s17  }
0x93: {  	s2 =	sld [smem:$0x3FFC];
	_ =	sdelay $0x3  }
0x94: {  	_ =	strace s2  }
0x95: {  	s2 =	sld [smem:$0x3FFD];
	_ =	sdelay $0x3  }
0x96: {  	_ =	strace s2  }
0x97: {  	_ =	strace $0x8FFFFFFF  }
0x98: {  	s18 =	sld [smem:$0x3FDB];
	_ =	sdelay $0x1  }
0x99: {  	s19 =	simm.s32 $_scs_section_size  }
0x9a: {  	s4 =	simm.s32 $_size__tile_overlayer_lowered;
	s5 =	simm.s32 $_tile_overlayer_lowered  }
0x9b: {  	s22 =	simm.s32 $0x1BFF;
	s21 =	sshll.u32 s5, $0x1;
	s2 =	sadd.s32 s19, s18  }
0x9c: {  	s6 =	simm.s32 $0x0;
	s20 =	sshll.u32 s4, $0x1;
	s4 =	sadd.s32 s21, s2  }
0x9d: {  	[timem:s6], [sflag:s22] =	dma.local [hbm:s4], s20  }
0x9e: {  	_ =	swait.ge [sflag:s22], s20  }
0x9f: {  	s3 =	ssub.s32 $0x0, s20;
	[sflag:s22] =	ssyncset.done $0x0  }
0xa0: {  	[sflag:s22] =	ssyncadd.s32 s3;
	_ =	sdelay $0x1  }
0xa1: {  	s23 =	simm.s32 $0x1B8B  }
0xa2: {  	_ =	swait.ge [sflag:s23], $0x1  }
0xa3: {  	[sflag:s23] =	ssyncset.done $0x0  }
0xa4: {  	s25 =	simm.s32 $0x1B8E;
	s24 =	sld [smem:$0x3FFE];
	[sflag:s23] =	ssyncadd.s32 $0xFFFFFFFF  }
0xa5: {  	s26 =	simm.s32 $execute0_lowered;
	[smem:$0x3FD2] =	sst s25  }
0xa6: {  	s4 =	sshll.u32 s26, $0x1;
	_ =	strace $0x8000004C;
	[dreg:$0x1] =	wrdreg $0xFFFFFFFF  }
0xa7: {  	s28 =	simm.s32 $_size_execute0_lowered;
	s2 =	sadd.s32 s2, s4;
	[dreg:$0x0] =	wrdreg $0x0  }
0xa8: {  	s4 =	sshll.u32 s28, $0x1;
	[dreg:$0x2] =	wrdreg s2  }
0xa9: {  	[dreg:$0x3] =	wrdreg s4  }
0xaa: {  	[dreg:$0x4] =	wrdreg $0xC0  }
0xab: {  	_ =	task [dreg:s6], $0x5FFFF  }
0xac: {  	[dreg:$0x1] =	wrdreg $0xFFFFFFFF  }
0xad: {  	[dreg:$0x0] =	wrdreg $0x60  }
0xae: {  	[dreg:$0x2] =	wrdreg s24  }
0xaf: {  	[dreg:$0x3] =	wrdreg $0x81800  }
0xb0: {  	[dreg:$0x4] =	wrdreg $0x9  }
0xb1: {  	_ =	task.clear_ibuf [dreg:s6], $0x5FFFF;
	_ =	strace $0x9000004C  }
0xb2: {  	s29 =	simm.s32 $0x9;
	_ =	strace $0x8000004E  }
0xb3: {  	_ =	swait.ge [sflag:s29], $0x1  }
0xb4: {  	[sflag:s29] =	ssyncadd.s32 $0xFFFFFFFF  }
0xb5: {  	_ =	strace $0x9000004E  }
0xb6: {  	_ =	sfence  }
0xb7: {  	s30 =	sld [smem:$0x0];
	_ =	sdelay $0x2  }
0xb8: {  	s31 =	sshll.u32 s1, $0xD;
	s1 =	sshrl.u32 s1, $0x2  }
0xb9: {  	s3 =	sand.u32 $0x4000, s31;
	s1 =	sadd.s32 s1, s30  }
0xba: {  	s0 =	sor.u32 s3, s0;
	s1 =	sshll.u32 s1, $0x11  }
0xbb: {  	s0 =	sor.u32 s1, s0  }
0xbc: {  	s0 =	sadd.s32 $0x8F2B, s0  }
0xbd: {  	[sflag:s0] =	ssyncadd.remote.s32 $0x1  }
0xbe: {  	_ =	sfence.sel $0xFFFF  }
0xbf: {  	[dreg:$0x0] =	wrdreg $0xFFFFFFFF;
	(pc) =	sbr.abs _section_cstart, $3  }
0xc0: {  	[dreg:$0x1] =	wrdreg $0xFFFFFFFF  }
0xc1: {  	_ =	task.clear_ibuf [dreg:s6], $0x2FFFF;
	_ =	strace $0x9FFFFFFF  }
0xc2: {  	(tm) =	ssettm $0x7FFFFFFF  }
0xc3: {  	_ =	shalt  }
tec
execute0_lowered:
.L_overlay_start_1:
0x0: {  	(tag) =	ssettag $0x1  }
0x1: {  	s9 =	rddreg [dreg:$0x0]  }
0x2: {  	s1 =	rddreg [dreg:$0x1]  }
0x3: {  	s2 =	srdreg.scid;
	s0 =	rddreg [dreg:$0x2]  }
0x4: {  	s3 =	simm.s32 $0x0;
	s17 =	simm.s32 $0x180;
	s18 =	simm.s32 $0x2  }
0x5: {  	s19 =	simm.s32 $0x80;
	s20 =	simm.s32 $0x100;
	s21 =	simm.s32 $0x4180  }
0x6: {  	s22 =	simm.s32 $0x1;
	s10 =	sand.u32 $0x1, s2;
	s2 =	stileid.u32  }
0x7: {  	[smem:$0x7FF] =	sst s3;
	s4 =	sadd.s32 $0x5600, s9;
	s7 =	smul.u32 $0x140000, s10  }
0x8: {  	s5 =	sadd.s32 $0x9DA00, s9;
	s6 =	sadd.s32 $0x39E00, s9;
	s8 =	smul.u32 $0x14000, s2  }
0x9: {  	_ =	strace $0x8000004D;
	s29 =	ssub.s32 $0x2, s10;
	s13 =	sshll.u32 s2, $0x1  }
0xa: {  	s12 =	smul.u32 $0x50000, s2;
	s31 =	sshrl.u32 s29, $0x1;
	s14 =	sor.u32 s10, s13  }
0xb: {  	s11 =	sadd.s32 s8, s7;
	s7 =	sadd.s32 $0x30000, s9;
	s8 =	sadd.s32 $0x43C00, s9  }
0xc: {  	s30 =	sshrl.u32 s12, $0x2;
	s16 =	ssub.s32 s29, s31;
	s11 =	sshrl.u32 s11, $0x3  }
0xd: {  	s14 =	smul.u32 $0x4F, s14;
	s15 =	sadd.s32 s11, s9;
	s9 =	sadd.s32 s30, s1  }
0xe: {  	s16 =	smax.u32 s16, $0x1;
	s10 =	sadd.s32 $0x4000, s9;
	s11 =	sadd.s32 $0x8000, s9  }
0xf: {  	v0 =	vimm.f32 $0.0e+00;
	s12 =	sadd.s32 $0xC000, s9;
	s13 =	sadd.s32 $0x10000, s9;
	s15 =	sadd.s32 $0x4DA00, s15  }
.LBB2_1:
0x10: {  	s23 =	simm.s32 $0x0;
	s24 =	simm.s32 $0x200  }
.LBB2_2:
0x11: {  	p0 =	sne.s32 s24, $0xFE00;
	[tilespmem:s23+$0x1F0] =	vst v0  }
0x12: {  	[tilespmem:s23+$0x180] =	vst v0  }
0x13: {  	[tilespmem:s23+$0x190] =	vst v0  }
.Ltmp0:
0x14: {  	[tilespmem:s23+$0x1A0] =	vst v0;
	(pc) =	sbr.rel @p0 .LBB2_2-.Ltmp0, $4  }
0x15: {  	[tilespmem:s23+$0x1B0] =	vst v0  }
0x16: {  	[tilespmem:s23+$0x1C0] =	vst v0  }
0x17: {  	[tilespmem:s23+$0x1D0] =	vst v0  }
0x18: {  	[tilespmem:s23+$0x1E0] =	vst v0;
	s23 =	sshra.s32 s24, $0x2;
	s24 =	sadd.s32 $0x200, s24  }
0x19: {  	[tilespmem:s23+$0x1F0] =	vst v0  }
0x1a: {  	[tilespmem:s23+$0x180] =	vst v0  }
0x1b: {  	[tilespmem:s23+$0x190] =	vst v0  }
0x1c: {  	[tilespmem:s23+$0x1A0] =	vst v0  }
0x1d: {  	[tilespmem:s23+$0x1B0] =	vst v0  }
0x1e: {  	[tilespmem:s23+$0x1C0] =	vst v0  }
0x1f: {  	[tilespmem:s23+$0x1D0] =	vst v0  }
0x20: {  	[tilespmem:s23+$0x1E0] =	vst v0  }
0x21: {  	[spmem:s9] =	stream.linear.scatter [tilespmem:s17], [sflag:$0x2], $0x4000, $0x38;
	[tilespmem:$0x1C180] =	vst v63  }
0x22: {  	_ =	swait.ge [sflag:s18], $0x4000  }
0x23: {  	[sflag:s18] =	ssyncset.done $0x0  }
0x24: {  	[sflag:s18] =	ssyncadd.s32 $0xFFFFC000  }
0x25: {  	[spmem:s10] =	stream.linear.scatter [tilespmem:s17], [sflag:$0x2], $0x4000, $0x38;
	[tilespmem:$0x1C180] =	vst v63  }
0x26: {  	_ =	swait.ge [sflag:s18], $0x4000  }
0x27: {  	[sflag:s18] =	ssyncset.done $0x0  }
0x28: {  	[sflag:s18] =	ssyncadd.s32 $0xFFFFC000  }
0x29: {  	[spmem:s11] =	stream.linear.scatter [tilespmem:s17], [sflag:$0x2], $0x4000, $0x38;
	[tilespmem:$0x1C180] =	vst v63  }
0x2a: {  	_ =	swait.ge [sflag:s18], $0x4000  }
0x2b: {  	[sflag:s18] =	ssyncset.done $0x0  }
0x2c: {  	[sflag:s18] =	ssyncadd.s32 $0xFFFFC000  }
0x2d: {  	[spmem:s12] =	stream.linear.scatter [tilespmem:s17], [sflag:$0x2], $0x4000, $0x38;
	[tilespmem:$0x1C180] =	vst v63  }
0x2e: {  	_ =	swait.ge [sflag:s18], $0x4000  }
0x2f: {  	[sflag:s18] =	ssyncset.done $0x0  }
0x30: {  	[sflag:s18] =	ssyncadd.s32 $0xFFFFC000  }
0x31: {  	[spmem:s13] =	stream.linear.scatter [tilespmem:s17], [sflag:$0x2], $0x4000, $0x38;
	[tilespmem:$0x1C180] =	vst v63  }
0x32: {  	_ =	swait.ge [sflag:s18], $0x4000  }
0x33: {  	[sflag:s18] =	ssyncset.done $0x0  }
0x34: {  	[sflag:s18] =	ssyncadd.s32 $0xFFFFC000  }
0x35: {  	s23 =	simm.s32 $0x0;
	s24 =	simm.s32 $0x0;
	[bflag:$0x0] =	sbarrier.arrive $0xFFFF  }
.LBB2_4:
0x36: {  	s25 =	sadd.s32 s14, s24  }
0x37: {  	s25 =	sshll.u32 s25, $0x4  }
0x38: {  	s26 =	sadd.s32 s6, s25  }
0x39: {  	[tilespmem:s23], [sflag:$0x2] =	stream.linear.gather [hbm4b:s26+s23], $0x80, $0x38;
	[tilespmem:$0x1C180] =	vst v63  }
0x3a: {  	_ =	swait.ge [sflag:s18], $0x80  }
0x3b: {  	[sflag:s18] =	ssyncset.done $0x0  }
0x3c: {  	s31 =	sadd.s32 s7, s25;
	[sflag:s18] =	ssyncadd.s32 $0xFFFFFF80  }
0x3d: {  	[tilespmem:s19], [sflag:$0x2] =	stream.linear.gather [hbm4b:s31+s23], $0x80, $0x38;
	[tilespmem:$0x1C180] =	vst v63  }
0x3e: {  	_ =	swait.ge [sflag:s18], $0x80  }
0x3f: {  	[sflag:s18] =	ssyncset.done $0x0  }
0x40: {  	s25 =	sadd.s32 s8, s25;
	[sflag:s18] =	ssyncadd.s32 $0xFFFFFF80  }
0x41: {  	[tilespmem:s20], [sflag:$0x2] =	stream.linear.gather [hbm4b:s25+s23], $0x80, $0x38;
	[tilespmem:$0x1C180] =	vst v63  }
0x42: {  	_ =	swait.ge [sflag:s18], $0x80  }
0x43: {  	[sflag:s18] =	ssyncset.done $0x0  }
0x44: {  	[sflag:s18] =	ssyncadd.s32 $0xFFFFFF80  }
0x45: {  	[tilespmem:s17], [sflag:$0x1] =	stream.indirect.gather [hbm4b:s4+s19], $0x80, s23, s19, $0xb8;
	[tilespmem:$0x1C180] =	vst v63  }
0x46: {  	_ = 	snop  }
0x47: {  	[tilespmem:s21], [sflag:$0x1] =	stream.indirect.gather [hbm4b:s5+s19], $0x80, s19, s19, $0xb8;
	[tilespmem:$0x1C180] =	vst v63  }
0x48: {  	_ =	swait.ge [sflag:s22], $0x4000  }
0x49: {  	[sflag:s22] =	ssyncset.done $0x0  }
0x4a: {  	[sflag:s22] =	ssyncadd.s32 $0xFFFFC000  }
0x4b: {  	_ =	swait.ge [sflag:s22], $0x4000  }
0x4c: {  	[sflag:s22] =	ssyncset.done $0x0  }
0x4d: {  	s25 =	simm.s32 $0x0;
	[sflag:s22] =	ssyncadd.s32 $0xFFFFC000  }
0x4e: {  	v7 =	vld [tilespmem:s25+$0x4180]  }
0x4f: {  	v12 =	vld [tilespmem:s25+$0x4190]  }
0x50: {  	v6 =	vld [tilespmem:s25+$0x41A0]  }
0x51: {  	v5 =	vld [tilespmem:s25+$0x41B0]  }
0x52: {  	v4 =	vld [tilespmem:s25+$0x41C0]  }
0x53: {  	v3 =	vld [tilespmem:s25+$0x41D0]  }
0x54: {  	v2 =	vld [tilespmem:s25+$0x41E0]  }
0x55: {  	v1 =	vld [tilespmem:s25+$0x41F0]  }
0x56: {  	v13 =	vld [tilespmem:s25+$0x180]  }
0x57: {  	v14 =	vld [tilespmem:s25+$0x190]  }
0x58: {  	v11 =	vld [tilespmem:s25+$0x1A0]  }
0x59: {  	v10 =	vld [tilespmem:s25+$0x1B0]  }
0x5a: {  	v9 =	vld [tilespmem:s25+$0x1C0]  }
0x5b: {  	v8 =	vld [tilespmem:s25+$0x1D0];
	v13 =	vadd.f32 v7, v13  }
0x5c: {  	s26 =	simm.s32 $0x200;
	v12 =	vadd.f32 v12, v14;
	v7 =	vld [tilespmem:s25+$0x1E0]  }
.LBB2_5:
0x5d: {  	s28 =	sshra.s32 s26, $0x2;
	p0 =	sne.s32 s26, $0xFE00;
	v13 =	vmax.f32 v13, $0.0e+00;
	v6 =	vadd.f32 v6, v11;
	v11 =	vld [tilespmem:s25+$0x1F0]  }
0x5e: {  	v14 =	vld [tilespmem:s28+$0x4180];
	[tilespmem:s25+$0x180] =	vst v13;
	v12 =	vmax.f32 v12, $0.0e+00;
	v5 =	vadd.f32 v5, v10  }
0x5f: {  	v15 =	vld [tilespmem:s28+$0x4190];
	[tilespmem:s25+$0x190] =	vst v12;
	v10 =	vmax.f32 v6, $0.0e+00;
	v4 =	vadd.f32 v4, v9  }
0x60: {  	v6 =	vld [tilespmem:s28+$0x41A0];
	[tilespmem:s25+$0x1A0] =	vst v10;
	v9 =	vmax.f32 v5, $0.0e+00;
	v3 =	vadd.f32 v3, v8  }
0x61: {  	v5 =	vld [tilespmem:s28+$0x41B0];
	[tilespmem:s25+$0x1B0] =	vst v9;
	v8 =	vmax.f32 v4, $0.0e+00;
	v2 =	vadd.f32 v2, v7  }
0x62: {  	v4 =	vld [tilespmem:s28+$0x41C0];
	[tilespmem:s25+$0x1C0] =	vst v8;
	v7 =	vmax.f32 v3, $0.0e+00;
	v1 =	vadd.f32 v1, v11  }
0x63: {  	v3 =	vld [tilespmem:s28+$0x41D0];
	[tilespmem:s25+$0x1D0] =	vst v7;
	v7 =	vmax.f32 v2, $0.0e+00  }
0x64: {  	v2 =	vld [tilespmem:s28+$0x41E0];
	[tilespmem:s25+$0x1E0] =	vst v7;
	v7 =	vmax.f32 v1, $0.0e+00  }
0x65: {  	v1 =	vld [tilespmem:s28+$0x41F0];
	[tilespmem:s25+$0x1F0] =	vst v7;
	s25 =	smov.u32 s28  }
0x66: {  	v7 =	vld [tilespmem:s25+$0x180]  }
0x67: {  	v12 =	vld [tilespmem:s25+$0x190]  }
.Ltmp1:
0x68: {  	v11 =	vld [tilespmem:s25+$0x1A0];
	(pc) =	sbr.rel @p0 .LBB2_5-.Ltmp1, $4  }
0x69: {  	v10 =	vld [tilespmem:s25+$0x1B0]  }
0x6a: {  	v9 =	vld [tilespmem:s25+$0x1C0]  }
0x6b: {  	v13 =	vadd.f32 v14, v7;
	v8 =	vld [tilespmem:s25+$0x1D0]  }
0x6c: {  	s26 =	sadd.s32 $0x200, s26;
	v12 =	vadd.f32 v15, v12;
	v7 =	vld [tilespmem:s25+$0x1E0]  }
0x6d: {  	v13 =	vmax.f32 v13, $0.0e+00;
	v6 =	vadd.f32 v6, v11;
	v63 =	vld [tilespmem:s25+$0x1F0]  }
0x6e: {  	[tilespmem:s25+$0x180] =	vst v13;
	v12 =	vmax.f32 v12, $0.0e+00;
	v5 =	vadd.f32 v5, v10  }
0x6f: {  	[tilespmem:s25+$0x190] =	vst v12;
	v6 =	vmax.f32 v6, $0.0e+00;
	v4 =	vadd.f32 v4, v9  }
0x70: {  	[tilespmem:s25+$0x1A0] =	vst v6;
	v5 =	vmax.f32 v5, $0.0e+00;
	v3 =	vadd.f32 v3, v8  }
0x71: {  	[tilespmem:s25+$0x1B0] =	vst v5;
	v4 =	vmax.f32 v4, $0.0e+00;
	v2 =	vadd.f32 v2, v7  }
0x72: {  	[tilespmem:s25+$0x1C0] =	vst v4;
	v3 =	vmax.f32 v3, $0.0e+00;
	v1 =	vadd.f32 v1, v63  }
0x73: {  	s24 =	sadd.s32 $0x1, s24;
	[tilespmem:s25+$0x1D0] =	vst v3;
	v2 =	vmax.f32 v2, $0.0e+00  }
0x74: {  	p0 =	sne.s32 s24, $0x4F;
	[tilespmem:s25+$0x1E0] =	vst v2;
	v1 =	vmax.f32 v1, $0.0e+00  }
.Ltmp2:
0x75: {  	[tilespmem:s25+$0x1F0] =	vst v1;
	(pc) =	sbr.rel @p0 .LBB2_4-.Ltmp2, $4  }
0x76: {  	[spmem:s1] =	stream.indirect.scatter.add.f32 [tilespmem:s17], [sflag:$0x2], $0x80, s20, s19, $0xb8;
	[tilespmem:$0x1C180] =	vst v63  }
0x77: {  	_ =	swait.ge [sflag:s18], $0x4000  }
0x78: {  	[sflag:s18] =	ssyncset.done $0x0  }
0x79: {  	[sflag:s18] =	ssyncadd.s32 $0xFFFFC000  }
0x7a: {  	s3 =	sadd.s32 $0x1, s3  }
0x7b: {  	s23 =	sshll.u32 s2, $0x6;
	[bflag:$0x0] =	sbarrier.arrive $0xFFFF;
	p0 =	sne.s32 s3, s16  }
.Ltmp3:
0x7c: {  	s24 =	sshrl.u32 s9, $0x3;
	s23 =	sor.u32 $0x1C02, s23;
	(pc) =	sbr.rel @p0 .LBB2_1-.Ltmp3, $4  }
0x7d: {  	[hbm:s15], [sflag:s23] =	dma.local [spmem:s24], $0x2800  }
0x7e: {  	_ =	swait.ge [sflag:s18], $0x2800  }
0x7f: {  	[sflag:s18] =	ssyncset.done $0x0  }
0x80: {  	[sflag:s18] =	ssyncadd.s32 $0xFFFFD800  }
0x81: {  	_ =	sfence.sel $0x180000  }
0x82: {  	[bflag:$0x0] =	sbarrier.arrive $0xFFFF  }
0x83: {  	p0 =	sne.s32 s2, $0x0;
	_ =	strace $0x9000004D  }
0x84: {  	s0 =	sadd.s32 @!p0 $0x100000, s0;
	[bflag:$0x2] =	sbarrier.arrive $0xFFFF  }
0x85: {  	[sflag:s0] =	ssyncadd.tile.s32 @!p0 $0x1;
	_ =	shalt  }
.Lfunc_end2:
_tile_overlayer_lowered:
.L_overlay_start_2:
0x86: {  	(tag) =	ssettag $0x2  }
0x87: {  	s0 =	rddreg [dreg:$0x0];
	s2 =	stileid.u32  }
0x88: {  	s1 =	rddreg [dreg:$0x1];
	p0 =	sne.s32 s2, $0x0  }
0x89: {  	s3 =	rddreg [dreg:$0x2];
	[bflag:$0x3] =	sbarrier.arrive $0xFFFF;
	s2 =	simm.s32 @!p0 $0x1C02  }
0x8a: {  	[timem:s3], [sflag:s2] =	dma.local @!p0 [hbm:s0], s1  }
0x8b: {  	s0 =	simm.s32 @!p0 $0x2  }
0x8c: {  	_ =	swait.ge @!p0 [sflag:s0], s1  }
0x8d: {  	s1 =	ssub.s32 @!p0 $0x0, s1;
	[sflag:s0] =	ssyncset.done @!p0 $0x0  }
0x8e: {  	[sflag:s0] =	ssyncadd.s32 @!p0 s1  }
0x8f: {  	[bflag:$0x3] =	sbarrier.arrive $0xFFFF  }
0x90: {  	_ =	shalt  }

// kernel: kernel.18.cloned.1.call-start
scs
__scs_entry_jumppad:
0x0: {  	(pc) =	sbr.rel $0x88, $3  }
0x1: {  	(tag) =	ssettag $0x0;
	lr =	simm.s32 $0x1  }
0x2: {  	[smem:$0x3F92] =	sst lr;
	_ =	strace $0xD0000000  }
0x3: {  	_ = 	snop  }
0x4: {  	_ = 	snop  }
0x5: {  	_ = 	snop  }
0x6: {  	_ = 	snop  }
0x7: {  	_ = 	snop  }
__scs_overlays_trampoline_lowered:
0x8: {  	[smem:$0x3FA1] =	sst s0  }
0x9: {  	[smem:$0x3FA2] =	sst s1  }
0xa: {  	[smem:$0x3FA3] =	sst s2  }
0xb: {  	[smem:$0x3FA4] =	sst s3  }
0xc: {  	[smem:$0x3FA5] =	sst s4  }
0xd: {  	[smem:$0x3FA6] =	sst s5  }
0xe: {  	[smem:$0x3FA7] =	sst s6  }
0xf: {  	[smem:$0x3FA8] =	sst s7  }
0x10: {  	[smem:$0x3FA9] =	sst s8  }
0x11: {  	[smem:$0x3FAA] =	sst s9;
	s0 =	simm.s32 @!p0 $0x0  }
0x12: {  	s1 =	sld [smem:$0x3F90];
	s0 =	simm.s32 @p0 $0x1  }
0x13: {  	[smem:$0x3FAB] =	sst s0;
	s0 =	simm.s32 @!p1 $0x0  }
0x14: {  	s2 =	sld [smem:$0x3F8F];
	s0 =	simm.s32 @p1 $0x1  }
0x15: {  	[smem:$0x3FAC] =	sst s0;
	s0 =	simm.s32 @!p2 $0x0  }
0x16: {  	s3 =	sld [smem:$0x3FDB];
	s0 =	simm.s32 @p2 $0x1  }
0x17: {  	s4 =	simm.s32 $0x1BF5;
	[smem:$0x3FAE] =	sst s0  }
0x18: {  	s0 =	sld [smem:$0x3F91];
	_ =	swait.ge [sflag:s4], $0x0  }
0x19: {  	s7 =	sld [smem:$0x3F92]  }
0x1a: {  	s8 =	sadd.s32 $0xFFFFE003, lr  }
0x1b: {  	s9 =	sadd.s32 $0xFFFFFEF7, lr;
	s5 =	simm.s32 $0xFFFFFFFF;
	p2 =	slt.u32 s8, $0xFFFFF086  }
0x1c: {  	p1 =	slt.u32 s9, $0xF7A;
	s5 =	simm.s32 @!p2 $0x0  }
0x1d: {  	s5 =	simm.s32 @p1 $0x1;
	p0 =	seq.s32 s7, s2  }
0x1e: {  	s7 =	smul.u32 @!p0 $0xF7A, s2;
	p2 =	seq.s32 @!p0 s5, $0x0  }
0x1f: {  	s9 =	smul.u32 $0xF7A, s1;
	s8 =	simm.s32 @!p0 $0x1BF5;
	p2 =	por !p2, p0  }
0x20: {  	[sflag:s8] =	ssyncset.s32 @!p0 $0xFFFFF086;
	s6 =	sadd.s32 @!p0 s3, s7;
	s7 =	simm.s32 @!p0 $0x108  }
0x21: {  	s3 =	sadd.s32 s3, s9;
	s6 =	sadd.s32 @!p0 $0x88, s6;
	s7 =	simm.s32 @p2 $0x1082  }
0x22: {  	[simem:s7], [sflag:s8] =	dma.local @!p0 [hbm:s6], $0xF7A  }
0x23: {  	s9 =	sor.u32 $0xD0000000, s2;
	s6 =	simm.s32 $0x108;
	_ =	swait.ge @!p0 [sflag:s8], $0x0  }
0x24: {  	s3 =	sadd.s32 $0x88, s3;
	s6 =	simm.s32 @!p1 $0x1082;
	[sflag:s4] =	ssyncset.s32 $0xFFFFF086  }
0x25: {  	[simem:s6], [sflag:s4] =	dma.local [hbm:s3], $0xF7A  }
0x26: {  	[smem:$0x3F92] =	sst s1;
	(tag) =	ssettag s2;
	_ =	strace s9  }
0x27: {  	s1 =	sld [smem:$0x3FA2]  }
0x28: {  	s2 =	sld [smem:$0x3FA3]  }
0x29: {  	s4 =	sld [smem:$0x3FA5]  }
0x2a: {  	p0 =	seq.s32 s5, $0x0;
	s5 =	sld [smem:$0x3FA6]  }
0x2b: {  	s6 =	sld [smem:$0x3FA7]  }
0x2c: {  	s7 =	sld [smem:$0x3FA8]  }
0x2d: {  	s3 =	simm.s32 $0x108;
	s8 =	sld [smem:$0x3FA9]  }
0x2e: {  	s3 =	simm.s32 @!p0 $0x1082;
	s9 =	sld [smem:$0x3FAA]  }
0x2f: {  	lr =	sadd.s32 s0, s3;
	s0 =	sld [smem:$0x3FA1]  }
0x30: {  	s3 =	sld [smem:$0x3FA4]  }
0x31: {  	[smem:$0x3FAD] =	sst s10  }
0x32: {  	s10 =	sld [smem:$0x3FAB];
	_ =	sdelay $0x3  }
0x33: {  	p0 =	seq.s32 s10, $0x1;
	s10 =	sld [smem:$0x3FAD];
	_ =	sdelay $0x3  }
0x34: {  	[smem:$0x3FAD] =	sst s10  }
0x35: {  	s10 =	sld [smem:$0x3FAC];
	_ =	sdelay $0x3  }
0x36: {  	p1 =	seq.s32 s10, $0x1;
	s10 =	sld [smem:$0x3FAD];
	_ =	sdelay $0x3  }
0x37: {  	[smem:$0x3FAD] =	sst s10  }
0x38: {  	s10 =	sld [smem:$0x3FAE]  }
0x39: {  	_ = 	snop;
	(pc) =	sbr.ind lr, $3  }
0x3a: {  	_ = 	snop  }
0x3b: {  	_ = 	snop  }
0x3c: {  	p2 =	seq.s32 s10, $0x1;
	s10 =	sld [smem:$0x3FAD]  }
0x3d: {  	_ =	shalt  }
0x3e: {  	_ =	shalt  }
0x3f: {  	_ =	shalt  }
0x40: {  	_ =	shalt  }
0x41: {  	_ =	shalt  }
0x42: {  	_ =	shalt  }
0x43: {  	_ =	shalt  }
0x44: {  	_ =	shalt  }
0x45: {  	_ =	shalt  }
0x46: {  	_ =	shalt  }
0x47: {  	_ =	shalt  }
0x48: {  	_ =	shalt  }
0x49: {  	_ =	shalt  }
0x4a: {  	_ =	shalt  }
0x4b: {  	_ =	shalt  }
0x4c: {  	_ =	shalt  }
0x4d: {  	_ =	shalt  }
0x4e: {  	_ =	shalt  }
0x4f: {  	_ =	shalt  }
0x50: {  	_ =	shalt  }
0x51: {  	_ =	shalt  }
0x52: {  	_ =	shalt  }
0x53: {  	_ =	shalt  }
0x54: {  	_ =	shalt  }
0x55: {  	_ =	shalt  }
0x56: {  	_ =	shalt  }
0x57: {  	_ =	shalt  }
0x58: {  	_ =	shalt  }
0x59: {  	_ =	shalt  }
0x5a: {  	_ =	shalt  }
0x5b: {  	_ =	shalt  }
0x5c: {  	_ =	shalt  }
0x5d: {  	_ =	shalt  }
0x5e: {  	_ =	shalt  }
0x5f: {  	_ =	shalt  }
0x60: {  	_ =	shalt  }
0x61: {  	_ =	shalt  }
0x62: {  	_ =	shalt  }
0x63: {  	_ =	shalt  }
0x64: {  	_ =	shalt  }
0x65: {  	_ =	shalt  }
0x66: {  	_ =	shalt  }
0x67: {  	_ =	shalt  }
0x68: {  	_ =	shalt  }
0x69: {  	_ =	shalt  }
0x6a: {  	_ =	shalt  }
0x6b: {  	_ =	shalt  }
0x6c: {  	_ =	shalt  }
0x6d: {  	_ =	shalt  }
0x6e: {  	_ =	shalt  }
0x6f: {  	_ =	shalt  }
0x70: {  	_ =	shalt  }
0x71: {  	_ =	shalt  }
0x72: {  	_ =	shalt  }
0x73: {  	_ =	shalt  }
0x74: {  	_ =	shalt  }
0x75: {  	_ =	shalt  }
0x76: {  	_ =	shalt  }
0x77: {  	_ =	shalt  }
0x78: {  	_ =	shalt  }
0x79: {  	_ =	shalt  }
0x7a: {  	_ =	shalt  }
0x7b: {  	_ =	shalt  }
0x7c: {  	_ =	shalt  }
0x7d: {  	_ =	shalt  }
0x7e: {  	_ =	shalt  }
0x7f: {  	_ =	shalt  }
0x80: {  	_ =	shalt  }
0x81: {  	_ =	shalt  }
0x82: {  	_ =	shalt  }
0x83: {  	_ =	shalt  }
0x84: {  	_ =	shalt  }
0x85: {  	_ =	shalt  }
0x86: {  	_ =	shalt  }
0x87: {  	_ =	shalt  }
.Lfunc_end0:
.L_simem_size_0:
called_computation.3_lowered:
.L_overlay_start_0:
0x88: {  	s2 =	sld [smem:$0x3FD9]  }
0x89: {  	s3 =	sld [smem:$0x3FFE];
	_ =	sdelay $0x1  }
0x8a: {  	s1 =	srdreg.scid  }
0x8b: {  	s0 =	sand.u32 $0x1, s1  }
0x8c: {  	s16 =	sshll.u32 s0, $0xA;
	s2 =	sadd.s32 s3, s2  }
0x8d: {  	s2 =	sadd.s32 s2, s16  }
0x8e: {  	[smem:$0x3FB9] =	sst s2  }
0x8f: {  	_ = 	snop  }
0x90: {  	(tm) =	ssettm $0x1  }
0x91: {  	s17 =	sld [smem:$0x3FFB];
	_ =	sdelay $0x3  }
0x92: {  	_ =	strace s17  }
0x93: {  	s2 =	sld [smem:$0x3FFC];
	_ =	sdelay $0x3  }
0x94: {  	_ =	strace s2  }
0x95: {  	s2 =	sld [smem:$0x3FFD];
	_ =	sdelay $0x3  }
0x96: {  	_ =	strace s2  }
0x97: {  	_ =	strace $0x8FFFFFFF  }
0x98: {  	s18 =	sld [smem:$0x3FDB];
	_ =	sdelay $0x1  }
0x99: {  	s19 =	simm.s32 $_scs_section_size  }
0x9a: {  	s4 =	simm.s32 $_size__tile_overlayer_lowered;
	s5 =	simm.s32 $_tile_overlayer_lowered  }
0x9b: {  	s22 =	simm.s32 $0x1BFF;
	s21 =	sshll.u32 s5, $0x1;
	s2 =	sadd.s32 s19, s18  }
0x9c: {  	s6 =	simm.s32 $0x0;
	s20 =	sshll.u32 s4, $0x1;
	s4 =	sadd.s32 s21, s2  }
0x9d: {  	[timem:s6], [sflag:s22] =	dma.local [hbm:s4], s20  }
0x9e: {  	_ =	swait.ge [sflag:s22], s20  }
0x9f: {  	s3 =	ssub.s32 $0x0, s20;
	[sflag:s22] =	ssyncset.done $0x0  }
0xa0: {  	[sflag:s22] =	ssyncadd.s32 s3;
	_ =	sdelay $0x1  }
0xa1: {  	s23 =	simm.s32 $0x1B8B  }
0xa2: {  	_ =	swait.ge [sflag:s23], $0x1  }
0xa3: {  	[sflag:s23] =	ssyncset.done $0x0  }
0xa4: {  	s25 =	simm.s32 $0x1B8E;
	s24 =	sld [smem:$0x3FFE];
	[sflag:s23] =	ssyncadd.s32 $0xFFFFFFFF  }
0xa5: {  	s26 =	simm.s32 $execute0_lowered;
	[smem:$0x3FD2] =	sst s25  }
0xa6: {  	s4 =	sshll.u32 s26, $0x1;
	_ =	strace $0x8000004F;
	[dreg:$0x1] =	wrdreg $0xFFFFFFFF  }
0xa7: {  	s28 =	simm.s32 $_size_execute0_lowered;
	s2 =	sadd.s32 s2, s4;
	[dreg:$0x0] =	wrdreg $0x0  }
0xa8: {  	s4 =	sshll.u32 s28, $0x1;
	[dreg:$0x2] =	wrdreg s2  }
0xa9: {  	[dreg:$0x3] =	wrdreg s4  }
0xaa: {  	[dreg:$0x4] =	wrdreg $0xC0  }
0xab: {  	_ =	task [dreg:s6], $0x5FFFF  }
0xac: {  	[dreg:$0x1] =	wrdreg $0xFFFFFFFF  }
0xad: {  	[dreg:$0x0] =	wrdreg $0x60  }
0xae: {  	[dreg:$0x2] =	wrdreg s24  }
0xaf: {  	[dreg:$0x3] =	wrdreg $0x81800  }
0xb0: {  	[dreg:$0x4] =	wrdreg $0x9  }
0xb1: {  	_ =	task.clear_ibuf [dreg:s6], $0x5FFFF;
	_ =	strace $0x9000004F  }
0xb2: {  	s29 =	simm.s32 $0x9;
	_ =	strace $0x80000051  }
0xb3: {  	_ =	swait.ge [sflag:s29], $0x1  }
0xb4: {  	[sflag:s29] =	ssyncadd.s32 $0xFFFFFFFF  }
0xb5: {  	_ =	strace $0x90000051  }
0xb6: {  	_ =	sfence  }
0xb7: {  	s30 =	sld [smem:$0x0];
	_ =	sdelay $0x2  }
0xb8: {  	s31 =	sshll.u32 s1, $0xD;
	s1 =	sshrl.u32 s1, $0x2  }
0xb9: {  	s3 =	sand.u32 $0x4000, s31;
	s1 =	sadd.s32 s1, s30  }
0xba: {  	s0 =	sor.u32 s3, s0;
	s1 =	sshll.u32 s1, $0x11  }
0xbb: {  	s0 =	sor.u32 s1, s0  }
0xbc: {  	s0 =	sadd.s32 $0x8F2B, s0  }
0xbd: {  	[sflag:s0] =	ssyncadd.remote.s32 $0x1  }
0xbe: {  	_ =	sfence.sel $0xFFFF  }
0xbf: {  	[dreg:$0x0] =	wrdreg $0xFFFFFFFF;
	(pc) =	sbr.abs _section_cstart, $3  }
0xc0: {  	[dreg:$0x1] =	wrdreg $0xFFFFFFFF  }
0xc1: {  	_ =	task.clear_ibuf [dreg:s6], $0x2FFFF;
	_ =	strace $0x9FFFFFFF  }
0xc2: {  	(tm) =	ssettm $0x7FFFFFFF  }
0xc3: {  	_ =	shalt  }
tec
execute0_lowered:
.L_overlay_start_1:
0x0: {  	(tag) =	ssettag $0x1  }
0x1: {  	s9 =	rddreg [dreg:$0x0]  }
0x2: {  	s1 =	rddreg [dreg:$0x1]  }
0x3: {  	s2 =	srdreg.scid;
	s0 =	rddreg [dreg:$0x2]  }
0x4: {  	s3 =	simm.s32 $0x0;
	s17 =	simm.s32 $0x180;
	s18 =	simm.s32 $0x2  }
0x5: {  	s19 =	simm.s32 $0x80;
	s20 =	simm.s32 $0x100;
	s21 =	simm.s32 $0x4180  }
0x6: {  	s22 =	simm.s32 $0x1;
	s10 =	sand.u32 $0x1, s2;
	s2 =	stileid.u32  }
0x7: {  	[smem:$0x7FF] =	sst s3;
	s4 =	sadd.s32 $0x5200, s9;
	s7 =	smul.u32 $0x140000, s10  }
0x8: {  	s5 =	sadd.s32 $0xADA00, s9;
	s6 =	sadd.s32 $0x39E00, s9;
	s8 =	smul.u32 $0x14000, s2  }
0x9: {  	_ =	strace $0x80000050;
	s29 =	ssub.s32 $0x2, s10;
	s13 =	sshll.u32 s2, $0x1  }
0xa: {  	s12 =	smul.u32 $0x50000, s2;
	s31 =	sshrl.u32 s29, $0x1;
	s14 =	sor.u32 s10, s13  }
0xb: {  	s11 =	sadd.s32 s8, s7;
	s7 =	sadd.s32 $0x30000, s9;
	s8 =	sadd.s32 $0x43C00, s9  }
0xc: {  	s30 =	sshrl.u32 s12, $0x2;
	s16 =	ssub.s32 s29, s31;
	s11 =	sshrl.u32 s11, $0x3  }
0xd: {  	s14 =	smul.u32 $0x4F, s14;
	s15 =	sadd.s32 s11, s9;
	s9 =	sadd.s32 s30, s1  }
0xe: {  	s16 =	smax.u32 s16, $0x1;
	s10 =	sadd.s32 $0x4000, s9;
	s11 =	sadd.s32 $0x8000, s9  }
0xf: {  	v0 =	vimm.f32 $0.0e+00;
	s12 =	sadd.s32 $0xC000, s9;
	s13 =	sadd.s32 $0x10000, s9;
	s15 =	sadd.s32 $0x4DA00, s15  }
.LBB2_1:
0x10: {  	s23 =	simm.s32 $0x0;
	s24 =	simm.s32 $0x200  }
.LBB2_2:
0x11: {  	p0 =	sne.s32 s24, $0xFE00;
	[tilespmem:s23+$0x1F0] =	vst v0  }
0x12: {  	[tilespmem:s23+$0x180] =	vst v0  }
0x13: {  	[tilespmem:s23+$0x190] =	vst v0  }
.Ltmp0:
0x14: {  	[tilespmem:s23+$0x1A0] =	vst v0;
	(pc) =	sbr.rel @p0 .LBB2_2-.Ltmp0, $4  }
0x15: {  	[tilespmem:s23+$0x1B0] =	vst v0  }
0x16: {  	[tilespmem:s23+$0x1C0] =	vst v0  }
0x17: {  	[tilespmem:s23+$0x1D0] =	vst v0  }
0x18: {  	[tilespmem:s23+$0x1E0] =	vst v0;
	s23 =	sshra.s32 s24, $0x2;
	s24 =	sadd.s32 $0x200, s24  }
0x19: {  	[tilespmem:s23+$0x1F0] =	vst v0  }
0x1a: {  	[tilespmem:s23+$0x180] =	vst v0  }
0x1b: {  	[tilespmem:s23+$0x190] =	vst v0  }
0x1c: {  	[tilespmem:s23+$0x1A0] =	vst v0  }
0x1d: {  	[tilespmem:s23+$0x1B0] =	vst v0  }
0x1e: {  	[tilespmem:s23+$0x1C0] =	vst v0  }
0x1f: {  	[tilespmem:s23+$0x1D0] =	vst v0  }
0x20: {  	[tilespmem:s23+$0x1E0] =	vst v0  }
0x21: {  	[spmem:s9] =	stream.linear.scatter [tilespmem:s17], [sflag:$0x2], $0x4000, $0x38;
	[tilespmem:$0x1C180] =	vst v63  }
0x22: {  	_ =	swait.ge [sflag:s18], $0x4000  }
0x23: {  	[sflag:s18] =	ssyncset.done $0x0  }
0x24: {  	[sflag:s18] =	ssyncadd.s32 $0xFFFFC000  }
0x25: {  	[spmem:s10] =	stream.linear.scatter [tilespmem:s17], [sflag:$0x2], $0x4000, $0x38;
	[tilespmem:$0x1C180] =	vst v63  }
0x26: {  	_ =	swait.ge [sflag:s18], $0x4000  }
0x27: {  	[sflag:s18] =	ssyncset.done $0x0  }
0x28: {  	[sflag:s18] =	ssyncadd.s32 $0xFFFFC000  }
0x29: {  	[spmem:s11] =	stream.linear.scatter [tilespmem:s17], [sflag:$0x2], $0x4000, $0x38;
	[tilespmem:$0x1C180] =	vst v63  }
0x2a: {  	_ =	swait.ge [sflag:s18], $0x4000  }
0x2b: {  	[sflag:s18] =	ssyncset.done $0x0  }
0x2c: {  	[sflag:s18] =	ssyncadd.s32 $0xFFFFC000  }
0x2d: {  	[spmem:s12] =	stream.linear.scatter [tilespmem:s17], [sflag:$0x2], $0x4000, $0x38;
	[tilespmem:$0x1C180] =	vst v63  }
0x2e: {  	_ =	swait.ge [sflag:s18], $0x4000  }
0x2f: {  	[sflag:s18] =	ssyncset.done $0x0  }
0x30: {  	[sflag:s18] =	ssyncadd.s32 $0xFFFFC000  }
0x31: {  	[spmem:s13] =	stream.linear.scatter [tilespmem:s17], [sflag:$0x2], $0x4000, $0x38;
	[tilespmem:$0x1C180] =	vst v63  }
0x32: {  	_ =	swait.ge [sflag:s18], $0x4000  }
0x33: {  	[sflag:s18] =	ssyncset.done $0x0  }
0x34: {  	[sflag:s18] =	ssyncadd.s32 $0xFFFFC000  }
0x35: {  	s23 =	simm.s32 $0x0;
	s24 =	simm.s32 $0x0;
	[bflag:$0x0] =	sbarrier.arrive $0xFFFF  }
.LBB2_4:
0x36: {  	s25 =	sadd.s32 s14, s24  }
0x37: {  	s25 =	sshll.u32 s25, $0x4  }
0x38: {  	s26 =	sadd.s32 s6, s25  }
0x39: {  	[tilespmem:s23], [sflag:$0x2] =	stream.linear.gather [hbm4b:s26+s23], $0x80, $0x38;
	[tilespmem:$0x1C180] =	vst v63  }
0x3a: {  	_ =	swait.ge [sflag:s18], $0x80  }
0x3b: {  	[sflag:s18] =	ssyncset.done $0x0  }
0x3c: {  	s31 =	sadd.s32 s7, s25;
	[sflag:s18] =	ssyncadd.s32 $0xFFFFFF80  }
0x3d: {  	[tilespmem:s19], [sflag:$0x2] =	stream.linear.gather [hbm4b:s31+s23], $0x80, $0x38;
	[tilespmem:$0x1C180] =	vst v63  }
0x3e: {  	_ =	swait.ge [sflag:s18], $0x80  }
0x3f: {  	[sflag:s18] =	ssyncset.done $0x0  }
0x40: {  	s25 =	sadd.s32 s8, s25;
	[sflag:s18] =	ssyncadd.s32 $0xFFFFFF80  }
0x41: {  	[tilespmem:s20], [sflag:$0x2] =	stream.linear.gather [hbm4b:s25+s23], $0x80, $0x38;
	[tilespmem:$0x1C180] =	vst v63  }
0x42: {  	_ =	swait.ge [sflag:s18], $0x80  }
0x43: {  	[sflag:s18] =	ssyncset.done $0x0  }
0x44: {  	[sflag:s18] =	ssyncadd.s32 $0xFFFFFF80  }
0x45: {  	[tilespmem:s17], [sflag:$0x1] =	stream.indirect.gather [hbm4b:s4+s19], $0x80, s23, s19, $0xb8;
	[tilespmem:$0x1C180] =	vst v63  }
0x46: {  	_ = 	snop  }
0x47: {  	[tilespmem:s21], [sflag:$0x1] =	stream.indirect.gather [hbm4b:s5+s19], $0x80, s19, s19, $0xb8;
	[tilespmem:$0x1C180] =	vst v63  }
0x48: {  	_ =	swait.ge [sflag:s22], $0x4000  }
0x49: {  	[sflag:s22] =	ssyncset.done $0x0  }
0x4a: {  	[sflag:s22] =	ssyncadd.s32 $0xFFFFC000  }
0x4b: {  	_ =	swait.ge [sflag:s22], $0x4000  }
0x4c: {  	[sflag:s22] =	ssyncset.done $0x0  }
0x4d: {  	s25 =	simm.s32 $0x0;
	[sflag:s22] =	ssyncadd.s32 $0xFFFFC000  }
0x4e: {  	v7 =	vld [tilespmem:s25+$0x4180]  }
0x4f: {  	v12 =	vld [tilespmem:s25+$0x4190]  }
0x50: {  	v6 =	vld [tilespmem:s25+$0x41A0]  }
0x51: {  	v5 =	vld [tilespmem:s25+$0x41B0]  }
0x52: {  	v4 =	vld [tilespmem:s25+$0x41C0]  }
0x53: {  	v3 =	vld [tilespmem:s25+$0x41D0]  }
0x54: {  	v2 =	vld [tilespmem:s25+$0x41E0]  }
0x55: {  	v1 =	vld [tilespmem:s25+$0x41F0]  }
0x56: {  	v13 =	vld [tilespmem:s25+$0x180]  }
0x57: {  	v14 =	vld [tilespmem:s25+$0x190]  }
0x58: {  	v11 =	vld [tilespmem:s25+$0x1A0]  }
0x59: {  	v10 =	vld [tilespmem:s25+$0x1B0]  }
0x5a: {  	v9 =	vld [tilespmem:s25+$0x1C0]  }
0x5b: {  	v8 =	vld [tilespmem:s25+$0x1D0];
	v13 =	vadd.f32 v7, v13  }
0x5c: {  	s26 =	simm.s32 $0x200;
	v12 =	vadd.f32 v12, v14;
	v7 =	vld [tilespmem:s25+$0x1E0]  }
.LBB2_5:
0x5d: {  	s28 =	sshra.s32 s26, $0x2;
	p0 =	sne.s32 s26, $0xFE00;
	v13 =	vmax.f32 v13, $0.0e+00;
	v6 =	vadd.f32 v6, v11;
	v11 =	vld [tilespmem:s25+$0x1F0]  }
0x5e: {  	v14 =	vld [tilespmem:s28+$0x4180];
	[tilespmem:s25+$0x180] =	vst v13;
	v12 =	vmax.f32 v12, $0.0e+00;
	v5 =	vadd.f32 v5, v10  }
0x5f: {  	v15 =	vld [tilespmem:s28+$0x4190];
	[tilespmem:s25+$0x190] =	vst v12;
	v10 =	vmax.f32 v6, $0.0e+00;
	v4 =	vadd.f32 v4, v9  }
0x60: {  	v6 =	vld [tilespmem:s28+$0x41A0];
	[tilespmem:s25+$0x1A0] =	vst v10;
	v9 =	vmax.f32 v5, $0.0e+00;
	v3 =	vadd.f32 v3, v8  }
0x61: {  	v5 =	vld [tilespmem:s28+$0x41B0];
	[tilespmem:s25+$0x1B0] =	vst v9;
	v8 =	vmax.f32 v4, $0.0e+00;
	v2 =	vadd.f32 v2, v7  }
0x62: {  	v4 =	vld [tilespmem:s28+$0x41C0];
	[tilespmem:s25+$0x1C0] =	vst v8;
	v7 =	vmax.f32 v3, $0.0e+00;
	v1 =	vadd.f32 v1, v11  }
0x63: {  	v3 =	vld [tilespmem:s28+$0x41D0];
	[tilespmem:s25+$0x1D0] =	vst v7;
	v7 =	vmax.f32 v2, $0.0e+00  }
0x64: {  	v2 =	vld [tilespmem:s28+$0x41E0];
	[tilespmem:s25+$0x1E0] =	vst v7;
	v7 =	vmax.f32 v1, $0.0e+00  }
0x65: {  	v1 =	vld [tilespmem:s28+$0x41F0];
	[tilespmem:s25+$0x1F0] =	vst v7;
	s25 =	smov.u32 s28  }
0x66: {  	v7 =	vld [tilespmem:s25+$0x180]  }
0x67: {  	v12 =	vld [tilespmem:s25+$0x190]  }
.Ltmp1:
0x68: {  	v11 =	vld [tilespmem:s25+$0x1A0];
	(pc) =	sbr.rel @p0 .LBB2_5-.Ltmp1, $4  }
0x69: {  	v10 =	vld [tilespmem:s25+$0x1B0]  }
0x6a: {  	v9 =	vld [tilespmem:s25+$0x1C0]  }
0x6b: {  	v13 =	vadd.f32 v14, v7;
	v8 =	vld [tilespmem:s25+$0x1D0]  }
0x6c: {  	s26 =	sadd.s32 $0x200, s26;
	v12 =	vadd.f32 v15, v12;
	v7 =	vld [tilespmem:s25+$0x1E0]  }
0x6d: {  	v13 =	vmax.f32 v13, $0.0e+00;
	v6 =	vadd.f32 v6, v11;
	v63 =	vld [tilespmem:s25+$0x1F0]  }
0x6e: {  	[tilespmem:s25+$0x180] =	vst v13;
	v12 =	vmax.f32 v12, $0.0e+00;
	v5 =	vadd.f32 v5, v10  }
0x6f: {  	[tilespmem:s25+$0x190] =	vst v12;
	v6 =	vmax.f32 v6, $0.0e+00;
	v4 =	vadd.f32 v4, v9  }
0x70: {  	[tilespmem:s25+$0x1A0] =	vst v6;
	v5 =	vmax.f32 v5, $0.0e+00;
	v3 =	vadd.f32 v3, v8  }
0x71: {  	[tilespmem:s25+$0x1B0] =	vst v5;
	v4 =	vmax.f32 v4, $0.0e+00;
	v2 =	vadd.f32 v2, v7  }
0x72: {  	[tilespmem:s25+$0x1C0] =	vst v4;
	v3 =	vmax.f32 v3, $0.0e+00;
	v1 =	vadd.f32 v1, v63  }
0x73: {  	s24 =	sadd.s32 $0x1, s24;
	[tilespmem:s25+$0x1D0] =	vst v3;
	v2 =	vmax.f32 v2, $0.0e+00  }
0x74: {  	p0 =	sne.s32 s24, $0x4F;
	[tilespmem:s25+$0x1E0] =	vst v2;
	v1 =	vmax.f32 v1, $0.0e+00  }
.Ltmp2:
0x75: {  	[tilespmem:s25+$0x1F0] =	vst v1;
	(pc) =	sbr.rel @p0 .LBB2_4-.Ltmp2, $4  }
0x76: {  	[spmem:s1] =	stream.indirect.scatter.add.f32 [tilespmem:s17], [sflag:$0x2], $0x80, s20, s19, $0xb8;
	[tilespmem:$0x1C180] =	vst v63  }
0x77: {  	_ =	swait.ge [sflag:s18], $0x4000  }
0x78: {  	[sflag:s18] =	ssyncset.done $0x0  }
0x79: {  	[sflag:s18] =	ssyncadd.s32 $0xFFFFC000  }
0x7a: {  	s3 =	sadd.s32 $0x1, s3  }
0x7b: {  	s23 =	sshll.u32 s2, $0x6;
	[bflag:$0x0] =	sbarrier.arrive $0xFFFF;
	p0 =	sne.s32 s3, s16  }
.Ltmp3:
0x7c: {  	s24 =	sshrl.u32 s9, $0x3;
	s23 =	sor.u32 $0x1C02, s23;
	(pc) =	sbr.rel @p0 .LBB2_1-.Ltmp3, $4  }
0x7d: {  	[hbm:s15], [sflag:s23] =	dma.local [spmem:s24], $0x2800  }
0x7e: {  	_ =	swait.ge [sflag:s18], $0x2800  }
0x7f: {  	[sflag:s18] =	ssyncset.done $0x0  }
0x80: {  	[sflag:s18] =	ssyncadd.s32 $0xFFFFD800  }
0x81: {  	_ =	sfence.sel $0x180000  }
0x82: {  	[bflag:$0x0] =	sbarrier.arrive $0xFFFF  }
0x83: {  	p0 =	sne.s32 s2, $0x0;
	_ =	strace $0x90000050  }
0x84: {  	s0 =	sadd.s32 @!p0 $0x100000, s0;
	[bflag:$0x2] =	sbarrier.arrive $0xFFFF  }
0x85: {  	[sflag:s0] =	ssyncadd.tile.s32 @!p0 $0x1;
	_ =	shalt  }
.Lfunc_end2:
_tile_overlayer_lowered:
.L_overlay_start_2:
0x86: {  	(tag) =	ssettag $0x2  }
0x87: {  	s0 =	rddreg [dreg:$0x0];
	s2 =	stileid.u32  }
0x88: {  	s1 =	rddreg [dreg:$0x1];
	p0 =	sne.s32 s2, $0x0  }
0x89: {  	s3 =	rddreg [dreg:$0x2];
	[bflag:$0x3] =	sbarrier.arrive $0xFFFF;
	s2 =	simm.s32 @!p0 $0x1C02  }
0x8a: {  	[timem:s3], [sflag:s2] =	dma.local @!p0 [hbm:s0], s1  }
0x8b: {  	s0 =	simm.s32 @!p0 $0x2  }
0x8c: {  	_ =	swait.ge @!p0 [sflag:s0], s1  }
0x8d: {  	s1 =	ssub.s32 @!p0 $0x0, s1;
	[sflag:s0] =	ssyncset.done @!p0 $0x0  }
0x8e: {  	[sflag:s0] =	ssyncadd.s32 @!p0 s1  }
0x8f: {  	[bflag:$0x3] =	sbarrier.arrive $0xFFFF  }
0x90: {  	_ =	shalt  }

// kernel: kernel.9.cloned.1.call-start
scs
__scs_entry_jumppad:
0x0: {  	(pc) =	sbr.rel $0x88, $3  }
0x1: {  	(tag) =	ssettag $0x0;
	lr =	simm.s32 $0x1  }
0x2: {  	[smem:$0x3F92] =	sst lr;
	_ =	strace $0xD0000000  }
0x3: {  	_ = 	snop  }
0x4: {  	_ = 	snop  }
0x5: {  	_ = 	snop  }
0x6: {  	_ = 	snop  }
0x7: {  	_ = 	snop  }
__scs_overlays_trampoline_lowered:
0x8: {  	[smem:$0x3FA1] =	sst s0  }
0x9: {  	[smem:$0x3FA2] =	sst s1  }
0xa: {  	[smem:$0x3FA3] =	sst s2  }
0xb: {  	[smem:$0x3FA4] =	sst s3  }
0xc: {  	[smem:$0x3FA5] =	sst s4  }
0xd: {  	[smem:$0x3FA6] =	sst s5  }
0xe: {  	[smem:$0x3FA7] =	sst s6  }
0xf: {  	[smem:$0x3FA8] =	sst s7  }
0x10: {  	[smem:$0x3FA9] =	sst s8  }
0x11: {  	[smem:$0x3FAA] =	sst s9;
	s0 =	simm.s32 @!p0 $0x0  }
0x12: {  	s1 =	sld [smem:$0x3F90];
	s0 =	simm.s32 @p0 $0x1  }
0x13: {  	[smem:$0x3FAB] =	sst s0;
	s0 =	simm.s32 @!p1 $0x0  }
0x14: {  	s2 =	sld [smem:$0x3F8F];
	s0 =	simm.s32 @p1 $0x1  }
0x15: {  	[smem:$0x3FAC] =	sst s0;
	s0 =	simm.s32 @!p2 $0x0  }
0x16: {  	s3 =	sld [smem:$0x3FDB];
	s0 =	simm.s32 @p2 $0x1  }
0x17: {  	s4 =	simm.s32 $0x1BF5;
	[smem:$0x3FAE] =	sst s0  }
0x18: {  	s0 =	sld [smem:$0x3F91];
	_ =	swait.ge [sflag:s4], $0x0  }
0x19: {  	s7 =	sld [smem:$0x3F92]  }
0x1a: {  	s8 =	sadd.s32 $0xFFFFE003, lr  }
0x1b: {  	s9 =	sadd.s32 $0xFFFFFEF7, lr;
	s5 =	simm.s32 $0xFFFFFFFF;
	p2 =	slt.u32 s8, $0xFFFFF086  }
0x1c: {  	p1 =	slt.u32 s9, $0xF7A;
	s5 =	simm.s32 @!p2 $0x0  }
0x1d: {  	s5 =	simm.s32 @p1 $0x1;
	p0 =	seq.s32 s7, s2  }
0x1e: {  	s7 =	smul.u32 @!p0 $0xF7A, s2;
	p2 =	seq.s32 @!p0 s5, $0x0  }
0x1f: {  	s9 =	smul.u32 $0xF7A, s1;
	s8 =	simm.s32 @!p0 $0x1BF5;
	p2 =	por !p2, p0  }
0x20: {  	[sflag:s8] =	ssyncset.s32 @!p0 $0xFFFFF086;
	s6 =	sadd.s32 @!p0 s3, s7;
	s7 =	simm.s32 @!p0 $0x108  }
0x21: {  	s3 =	sadd.s32 s3, s9;
	s6 =	sadd.s32 @!p0 $0x88, s6;
	s7 =	simm.s32 @p2 $0x1082  }
0x22: {  	[simem:s7], [sflag:s8] =	dma.local @!p0 [hbm:s6], $0xF7A  }
0x23: {  	s9 =	sor.u32 $0xD0000000, s2;
	s6 =	simm.s32 $0x108;
	_ =	swait.ge @!p0 [sflag:s8], $0x0  }
0x24: {  	s3 =	sadd.s32 $0x88, s3;
	s6 =	simm.s32 @!p1 $0x1082;
	[sflag:s4] =	ssyncset.s32 $0xFFFFF086  }
0x25: {  	[simem:s6], [sflag:s4] =	dma.local [hbm:s3], $0xF7A  }
0x26: {  	[smem:$0x3F92] =	sst s1;
	(tag) =	ssettag s2;
	_ =	strace s9  }
0x27: {  	s1 =	sld [smem:$0x3FA2]  }
0x28: {  	s2 =	sld [smem:$0x3FA3]  }
0x29: {  	s4 =	sld [smem:$0x3FA5]  }
0x2a: {  	p0 =	seq.s32 s5, $0x0;
	s5 =	sld [smem:$0x3FA6]  }
0x2b: {  	s6 =	sld [smem:$0x3FA7]  }
0x2c: {  	s7 =	sld [smem:$0x3FA8]  }
0x2d: {  	s3 =	simm.s32 $0x108;
	s8 =	sld [smem:$0x3FA9]  }
0x2e: {  	s3 =	simm.s32 @!p0 $0x1082;
	s9 =	sld [smem:$0x3FAA]  }
0x2f: {  	lr =	sadd.s32 s0, s3;
	s0 =	sld [smem:$0x3FA1]  }
0x30: {  	s3 =	sld [smem:$0x3FA4]  }
0x31: {  	[smem:$0x3FAD] =	sst s10  }
0x32: {  	s10 =	sld [smem:$0x3FAB];
	_ =	sdelay $0x3  }
0x33: {  	p0 =	seq.s32 s10, $0x1;
	s10 =	sld [smem:$0x3FAD];
	_ =	sdelay $0x3  }
0x34: {  	[smem:$0x3FAD] =	sst s10  }
0x35: {  	s10 =	sld [smem:$0x3FAC];
	_ =	sdelay $0x3  }
0x36: {  	p1 =	seq.s32 s10, $0x1;
	s10 =	sld [smem:$0x3FAD];
	_ =	sdelay $0x3  }
0x37: {  	[smem:$0x3FAD] =	sst s10  }
0x38: {  	s10 =	sld [smem:$0x3FAE]  }
0x39: {  	_ = 	snop;
	(pc) =	sbr.ind lr, $3  }
0x3a: {  	_ = 	snop  }
0x3b: {  	_ = 	snop  }
0x3c: {  	p2 =	seq.s32 s10, $0x1;
	s10 =	sld [smem:$0x3FAD]  }
0x3d: {  	_ =	shalt  }
0x3e: {  	_ =	shalt  }
0x3f: {  	_ =	shalt  }
0x40: {  	_ =	shalt  }
0x41: {  	_ =	shalt  }
0x42: {  	_ =	shalt  }
0x43: {  	_ =	shalt  }
0x44: {  	_ =	shalt  }
0x45: {  	_ =	shalt  }
0x46: {  	_ =	shalt  }
0x47: {  	_ =	shalt  }
0x48: {  	_ =	shalt  }
0x49: {  	_ =	shalt  }
0x4a: {  	_ =	shalt  }
0x4b: {  	_ =	shalt  }
0x4c: {  	_ =	shalt  }
0x4d: {  	_ =	shalt  }
0x4e: {  	_ =	shalt  }
0x4f: {  	_ =	shalt  }
0x50: {  	_ =	shalt  }
0x51: {  	_ =	shalt  }
0x52: {  	_ =	shalt  }
0x53: {  	_ =	shalt  }
0x54: {  	_ =	shalt  }
0x55: {  	_ =	shalt  }
0x56: {  	_ =	shalt  }
0x57: {  	_ =	shalt  }
0x58: {  	_ =	shalt  }
0x59: {  	_ =	shalt  }
0x5a: {  	_ =	shalt  }
0x5b: {  	_ =	shalt  }
0x5c: {  	_ =	shalt  }
0x5d: {  	_ =	shalt  }
0x5e: {  	_ =	shalt  }
0x5f: {  	_ =	shalt  }
0x60: {  	_ =	shalt  }
0x61: {  	_ =	shalt  }
0x62: {  	_ =	shalt  }
0x63: {  	_ =	shalt  }
0x64: {  	_ =	shalt  }
0x65: {  	_ =	shalt  }
0x66: {  	_ =	shalt  }
0x67: {  	_ =	shalt  }
0x68: {  	_ =	shalt  }
0x69: {  	_ =	shalt  }
0x6a: {  	_ =	shalt  }
0x6b: {  	_ =	shalt  }
0x6c: {  	_ =	shalt  }
0x6d: {  	_ =	shalt  }
0x6e: {  	_ =	shalt  }
0x6f: {  	_ =	shalt  }
0x70: {  	_ =	shalt  }
0x71: {  	_ =	shalt  }
0x72: {  	_ =	shalt  }
0x73: {  	_ =	shalt  }
0x74: {  	_ =	shalt  }
0x75: {  	_ =	shalt  }
0x76: {  	_ =	shalt  }
0x77: {  	_ =	shalt  }
0x78: {  	_ =	shalt  }
0x79: {  	_ =	shalt  }
0x7a: {  	_ =	shalt  }
0x7b: {  	_ =	shalt  }
0x7c: {  	_ =	shalt  }
0x7d: {  	_ =	shalt  }
0x7e: {  	_ =	shalt  }
0x7f: {  	_ =	shalt  }
0x80: {  	_ =	shalt  }
0x81: {  	_ =	shalt  }
0x82: {  	_ =	shalt  }
0x83: {  	_ =	shalt  }
0x84: {  	_ =	shalt  }
0x85: {  	_ =	shalt  }
0x86: {  	_ =	shalt  }
0x87: {  	_ =	shalt  }
.Lfunc_end0:
.L_simem_size_0:
called_computation_lowered:
.L_overlay_start_0:
0x88: {  	s2 =	sld [smem:$0x3FD9]  }
0x89: {  	s3 =	sld [smem:$0x3FFE];
	_ =	sdelay $0x1  }
0x8a: {  	s1 =	srdreg.scid  }
0x8b: {  	s0 =	sand.u32 $0x1, s1  }
0x8c: {  	s17 =	sshll.u32 s0, $0xA;
	s2 =	sadd.s32 s3, s2  }
0x8d: {  	s2 =	sadd.s32 s2, s17  }
0x8e: {  	[smem:$0x3FB9] =	sst s2  }
0x8f: {  	_ = 	snop  }
0x90: {  	s2 =	sld [smem:$0x3FC5];
	(tm) =	ssettm $0x1  }
0x91: {  	s18 =	sld [smem:$0x3FFB];
	_ =	sdelay $0x3  }
0x92: {  	_ =	strace s18  }
0x93: {  	s3 =	sld [smem:$0x3FFC];
	_ =	sdelay $0x3  }
0x94: {  	_ =	strace s3  }
0x95: {  	s3 =	sld [smem:$0x3FFD];
	_ =	sdelay $0x3  }
0x96: {  	_ =	strace s3  }
0x97: {  	_ =	strace $0x8FFFFFFF  }
0x98: {  	s19 =	sld [smem:$0x3FDB];
	_ =	sdelay $0x1  }
0x99: {  	s4 =	simm.s32 $_scs_section_size  }
0x9a: {  	s5 =	simm.s32 $_size__tile_overlayer_lowered;
	s6 =	simm.s32 $_tile_overlayer_lowered  }
0x9b: {  	s22 =	simm.s32 $0x1BFF;
	s21 =	sshll.u32 s6, $0x1;
	s3 =	sadd.s32 s4, s19  }
0x9c: {  	s7 =	simm.s32 $0x0;
	s20 =	sshll.u32 s5, $0x1;
	s5 =	sadd.s32 s21, s3  }
0x9d: {  	[timem:s7], [sflag:s22] =	dma.local [hbm:s5], s20  }
0x9e: {  	_ =	swait.ge [sflag:s22], s20  }
0x9f: {  	s4 =	ssub.s32 $0x0, s20;
	[sflag:s22] =	ssyncset.done $0x0  }
0xa0: {  	[sflag:s22] =	ssyncadd.s32 s4;
	_ =	sdelay $0x1  }
0xa1: {  	s23 =	simm.s32 $0x1B8B  }
0xa2: {  	_ =	swait.ge [sflag:s23], $0x1  }
0xa3: {  	[sflag:s23] =	ssyncset.done $0x0  }
0xa4: {  	s25 =	simm.s32 $0x1B8E;
	s24 =	sld [smem:$0x3FFE];
	[sflag:s23] =	ssyncadd.s32 $0xFFFFFFFF  }
0xa5: {  	s26 =	simm.s32 $execute0_lowered;
	[smem:$0x3FD2] =	sst s25  }
0xa6: {  	s5 =	sshll.u32 s26, $0x1;
	_ =	strace $0x80000046;
	[dreg:$0x1] =	wrdreg $0xFFFFFFFF  }
0xa7: {  	s28 =	simm.s32 $_size_execute0_lowered;
	s3 =	sadd.s32 s3, s5;
	[dreg:$0x0] =	wrdreg $0x0  }
0xa8: {  	s5 =	sshll.u32 s28, $0x1;
	[dreg:$0x2] =	wrdreg s3  }
0xa9: {  	[dreg:$0x3] =	wrdreg s5  }
0xaa: {  	[dreg:$0x4] =	wrdreg $0xC0  }
0xab: {  	_ =	task [dreg:s7], $0x5FFFF  }
0xac: {  	[dreg:$0x1] =	wrdreg $0xFFFFFFFF  }
0xad: {  	[dreg:$0x0] =	wrdreg $0x60  }
0xae: {  	[dreg:$0x2] =	wrdreg s24  }
0xaf: {  	[dreg:$0x3] =	wrdreg s2  }
0xb0: {  	[dreg:$0x4] =	wrdreg $0x9  }
0xb1: {  	_ =	task.clear_ibuf [dreg:s7], $0x5FFFF;
	_ =	strace $0x90000046  }
0xb2: {  	s29 =	simm.s32 $0x9;
	_ =	strace $0x80000048  }
0xb3: {  	_ =	swait.ge [sflag:s29], $0x1  }
0xb4: {  	[sflag:s29] =	ssyncadd.s32 $0xFFFFFFFF  }
0xb5: {  	_ =	strace $0x90000048  }
0xb6: {  	_ =	sfence  }
0xb7: {  	s30 =	sld [smem:$0x0];
	_ =	sdelay $0x2  }
0xb8: {  	s31 =	sshll.u32 s1, $0xD;
	s1 =	sshrl.u32 s1, $0x2  }
0xb9: {  	s3 =	sand.u32 $0x4000, s31;
	s1 =	sadd.s32 s1, s30  }
0xba: {  	s0 =	sor.u32 s3, s0;
	s1 =	sshll.u32 s1, $0x11  }
0xbb: {  	s0 =	sor.u32 s1, s0  }
0xbc: {  	s0 =	sadd.s32 $0x8F2B, s0  }
0xbd: {  	[sflag:s0] =	ssyncadd.remote.s32 $0x1  }
0xbe: {  	_ =	sfence.sel $0xFFFF  }
0xbf: {  	[dreg:$0x0] =	wrdreg $0xFFFFFFFF;
	(pc) =	sbr.abs _section_cstart, $3  }
0xc0: {  	[dreg:$0x1] =	wrdreg $0xFFFFFFFF  }
0xc1: {  	_ =	task.clear_ibuf [dreg:s7], $0x2FFFF;
	_ =	strace $0x9FFFFFFF  }
0xc2: {  	(tm) =	ssettm $0x7FFFFFFF  }
0xc3: {  	_ =	shalt  }
tec
execute0_lowered:
.L_overlay_start_1:
0x0: {  	(tag) =	ssettag $0x1  }
0x1: {  	s0 =	rddreg [dreg:$0x0]  }
0x2: {  	s1 =	rddreg [dreg:$0x1];
	s2 =	simm.s32 $0x0;
	s3 =	srdreg.scid  }
0x3: {  	s5 =	stileid.u32;
	s9 =	simm.s32 $0x80;
	s10 =	simm.s32 $0x100  }
0x4: {  	s11 =	simm.s32 $0x180;
	s12 =	simm.s32 $0x200;
	s13 =	simm.s32 $0x280  }
0x5: {  	s14 =	simm.s32 $0x300;
	s15 =	simm.s32 $0x380;
	s16 =	simm.s32 $0x400  }
0x6: {  	s17 =	simm.s32 $0x40;
	s18 =	simm.s32 $0x800;
	s19 =	simm.s32 $0x2800  }
0x7: {  	s20 =	simm.s32 $0x4800;
	s21 =	simm.s32 $0x6800;
	s22 =	simm.s32 $0x8800  }
0x8: {  	s23 =	simm.s32 $0xA800;
	s24 =	simm.s32 $0xC800;
	s25 =	simm.s32 $0xE800  }
0x9: {  	s26 =	simm.s32 $0x10800;
	s28 =	simm.s32 $0x1;
	s3 =	sand.u32 $0x1, s3  }
0xa: {  	s29 =	simm.s32 $0x12800;
	[smem:$0x7FF] =	sst s2;
	s6 =	ssub.s32 $0x2, s3  }
0xb: {  	s4 =	sadd.s32 $0x5200, s0;
	s8 =	sshll.u32 s5, $0x1;
	s7 =	sshrl.u32 s6, $0x1  }
0xc: {  	s5 =	sadd.s32 $0x8000, s0;
	_ =	strace $0x80000047;
	s31 =	ssub.s32 s6, s7  }
0xd: {  	s3 =	sor.u32 s3, s8;
	s8 =	simm.s32 $0x2;
	s0 =	smax.u32 s31, $0x1  }
0xe: {  	s6 =	smul.u32 $0x140, s3;
	s3 =	simm.s32 $0x0;
	[dreg:$0x3] =	wrdreg s0  }
.LBB2_1:
0xf: {  	[dreg:$0x4] =	wrdreg s3;
	s31 =	simm.s32 $0x0  }
.LBB2_2:
0x10: {  	s0 =	sshll.u32 s31, $0x6  }
0x11: {  	s0 =	sadd.s32 s6, s0  }
0x12: {  	s3 =	sshrl.u32 s0, $0x3  }
0x13: {  	s7 =	simm.s32 $0x0;
	s3 =	sadd.s32 s4, s3  }
0x14: {  	[tilespmem:s7], [sflag:$0x2] =	stream.linear.gather [hbm4b:s3+s7], $0x40, $0x38;
	[tilespmem:$0x14800] =	vst v63  }
0x15: {  	_ =	swait.ge [sflag:s8], $0x40  }
0x16: {  	[sflag:s8] =	ssyncset.done $0x0  }
0x17: {  	s30 =	sadd.s32 $0x500, s3;
	[sflag:s8] =	ssyncadd.s32 $0xFFFFFFC0  }
0x18: {  	[tilespmem:s9], [sflag:$0x2] =	stream.linear.gather [hbm4b:s30+s7], $0x40, $0x38;
	[tilespmem:$0x14800] =	vst v63  }
0x19: {  	_ =	swait.ge [sflag:s8], $0x40  }
0x1a: {  	[sflag:s8] =	ssyncset.done $0x0  }
0x1b: {  	s30 =	sadd.s32 $0xA00, s3;
	[sflag:s8] =	ssyncadd.s32 $0xFFFFFFC0  }
0x1c: {  	[tilespmem:s10], [sflag:$0x2] =	stream.linear.gather [hbm4b:s30+s7], $0x40, $0x38;
	[tilespmem:$0x14800] =	vst v63  }
0x1d: {  	_ =	swait.ge [sflag:s8], $0x40  }
0x1e: {  	[sflag:s8] =	ssyncset.done $0x0  }
0x1f: {  	s30 =	sadd.s32 $0xF00, s3;
	[sflag:s8] =	ssyncadd.s32 $0xFFFFFFC0  }
0x20: {  	[tilespmem:s11], [sflag:$0x2] =	stream.linear.gather [hbm4b:s30+s7], $0x40, $0x38;
	[tilespmem:$0x14800] =	vst v63  }
0x21: {  	_ =	swait.ge [sflag:s8], $0x40  }
0x22: {  	[sflag:s8] =	ssyncset.done $0x0  }
0x23: {  	s30 =	sadd.s32 $0x1400, s3;
	[sflag:s8] =	ssyncadd.s32 $0xFFFFFFC0  }
0x24: {  	[tilespmem:s12], [sflag:$0x2] =	stream.linear.gather [hbm4b:s30+s7], $0x40, $0x38;
	[tilespmem:$0x14800] =	vst v63  }
0x25: {  	_ =	swait.ge [sflag:s8], $0x40  }
0x26: {  	[sflag:s8] =	ssyncset.done $0x0  }
0x27: {  	s30 =	sadd.s32 $0x1900, s3;
	[sflag:s8] =	ssyncadd.s32 $0xFFFFFFC0  }
0x28: {  	[tilespmem:s13], [sflag:$0x2] =	stream.linear.gather [hbm4b:s30+s7], $0x40, $0x38;
	[tilespmem:$0x14800] =	vst v63  }
0x29: {  	_ =	swait.ge [sflag:s8], $0x40  }
0x2a: {  	[sflag:s8] =	ssyncset.done $0x0  }
0x2b: {  	s30 =	sadd.s32 $0x1E00, s3;
	[sflag:s8] =	ssyncadd.s32 $0xFFFFFFC0  }
0x2c: {  	[tilespmem:s14], [sflag:$0x2] =	stream.linear.gather [hbm4b:s30+s7], $0x40, $0x38;
	[tilespmem:$0x14800] =	vst v63  }
0x2d: {  	_ =	swait.ge [sflag:s8], $0x40  }
0x2e: {  	[sflag:s8] =	ssyncset.done $0x0  }
0x2f: {  	s30 =	sadd.s32 $0x2300, s3;
	[sflag:s8] =	ssyncadd.s32 $0xFFFFFFC0  }
0x30: {  	[tilespmem:s15], [sflag:$0x2] =	stream.linear.gather [hbm4b:s30+s7], $0x40, $0x38;
	[tilespmem:$0x14800] =	vst v63  }
0x31: {  	_ =	swait.ge [sflag:s8], $0x40  }
0x32: {  	[sflag:s8] =	ssyncset.done $0x0  }
0x33: {  	s3 =	sadd.s32 $0x2800, s3;
	[sflag:s8] =	ssyncadd.s32 $0xFFFFFFC0  }
0x34: {  	[tilespmem:s16], [sflag:$0x2] =	stream.linear.gather [hbm4b:s3+s7], $0x40, $0x38;
	[tilespmem:$0x14800] =	vst v63  }
0x35: {  	_ =	swait.ge [sflag:s8], $0x40  }
0x36: {  	[sflag:s8] =	ssyncset.done $0x0  }
0x37: {  	[sflag:s8] =	ssyncadd.s32 $0xFFFFFFC0  }
0x38: {  	[tilespmem:s18], [sflag:$0x1] =	stream.indirect.gather [hbm4b:s1+s17], $0x80, s7, s17, $0xb8;
	[tilespmem:$0x14800] =	vst v63  }
0x39: {  	_ = 	snop  }
0x3a: {  	[tilespmem:s19], [sflag:$0x1] =	stream.indirect.gather [hbm4b:s1+s17], $0x80, s9, s17, $0xb8;
	[tilespmem:$0x14800] =	vst v63  }
0x3b: {  	_ = 	snop  }
0x3c: {  	[tilespmem:s20], [sflag:$0x1] =	stream.indirect.gather [hbm4b:s1+s17], $0x80, s10, s17, $0xb8;
	[tilespmem:$0x14800] =	vst v63  }
0x3d: {  	_ = 	snop  }
0x3e: {  	[tilespmem:s21], [sflag:$0x1] =	stream.indirect.gather [hbm4b:s1+s17], $0x80, s11, s17, $0xb8;
	[tilespmem:$0x14800] =	vst v63  }
0x3f: {  	_ = 	snop  }
0x40: {  	[tilespmem:s22], [sflag:$0x1] =	stream.indirect.gather [hbm4b:s1+s17], $0x80, s12, s17, $0xb8;
	[tilespmem:$0x14800] =	vst v63  }
0x41: {  	_ = 	snop  }
0x42: {  	[tilespmem:s23], [sflag:$0x1] =	stream.indirect.gather [hbm4b:s1+s17], $0x80, s13, s17, $0xb8;
	[tilespmem:$0x14800] =	vst v63  }
0x43: {  	_ = 	snop  }
0x44: {  	[tilespmem:s24], [sflag:$0x1] =	stream.indirect.gather [hbm4b:s1+s17], $0x80, s14, s17, $0xb8;
	[tilespmem:$0x14800] =	vst v63  }
0x45: {  	_ = 	snop  }
0x46: {  	[tilespmem:s25], [sflag:$0x1] =	stream.indirect.gather [hbm4b:s1+s17], $0x80, s15, s17, $0xb8;
	[tilespmem:$0x14800] =	vst v63  }
0x47: {  	_ = 	snop  }
0x48: {  	[tilespmem:s26], [sflag:$0x1] =	stream.indirect.gather [hbm4b:s1+s17], $0x80, s16, s17, $0xb8;
	[tilespmem:$0x14800] =	vst v63  }
0x49: {  	_ =	swait.ge [sflag:s28], $0x2000  }
0x4a: {  	[sflag:s28] =	ssyncset.done $0x0  }
0x4b: {  	[sflag:s28] =	ssyncadd.s32 $0xFFFFE000  }
0x4c: {  	_ =	swait.ge [sflag:s28], $0x2000  }
0x4d: {  	[sflag:s28] =	ssyncset.done $0x0  }
0x4e: {  	[sflag:s28] =	ssyncadd.s32 $0xFFFFE000  }
0x4f: {  	_ =	swait.ge [sflag:s28], $0x2000  }
0x50: {  	[sflag:s28] =	ssyncset.done $0x0  }
0x51: {  	[sflag:s28] =	ssyncadd.s32 $0xFFFFE000  }
0x52: {  	_ =	swait.ge [sflag:s28], $0x2000  }
0x53: {  	[sflag:s28] =	ssyncset.done $0x0  }
0x54: {  	[sflag:s28] =	ssyncadd.s32 $0xFFFFE000  }
0x55: {  	_ =	swait.ge [sflag:s28], $0x2000  }
0x56: {  	[sflag:s28] =	ssyncset.done $0x0  }
0x57: {  	[sflag:s28] =	ssyncadd.s32 $0xFFFFE000  }
0x58: {  	_ =	swait.ge [sflag:s28], $0x2000  }
0x59: {  	[sflag:s28] =	ssyncset.done $0x0  }
0x5a: {  	[sflag:s28] =	ssyncadd.s32 $0xFFFFE000  }
0x5b: {  	_ =	swait.ge [sflag:s28], $0x2000  }
0x5c: {  	[sflag:s28] =	ssyncset.done $0x0  }
0x5d: {  	[sflag:s28] =	ssyncadd.s32 $0xFFFFE000  }
0x5e: {  	_ =	swait.ge [sflag:s28], $0x2000  }
0x5f: {  	[sflag:s28] =	ssyncset.done $0x0  }
0x60: {  	[sflag:s28] =	ssyncadd.s32 $0xFFFFE000  }
0x61: {  	_ =	swait.ge [sflag:s28], $0x2000  }
0x62: {  	[sflag:s28] =	ssyncset.done $0x0  }
0x63: {  	s3 =	simm.s32 $0x0;
	[sflag:s28] =	ssyncadd.s32 $0xFFFFE000  }
0x64: {  	v0 =	vld [tilespmem:s3+$0x870]  }
0x65: {  	v1 =	vld [tilespmem:s3+$0x2870]  }
0x66: {  	v2 =	vld [tilespmem:s3+$0x800]  }
0x67: {  	v3 =	vld [tilespmem:s3+$0x4870]  }
0x68: {  	v4 =	vld [tilespmem:s3+$0x2800]  }
0x69: {  	v5 =	vld [tilespmem:s3+$0x6870]  }
0x6a: {  	v6 =	vld [tilespmem:s3+$0x810]  }
0x6b: {  	v7 =	vld [tilespmem:s3+$0x2810]  }
0x6c: {  	v8 =	vld [tilespmem:s3+$0x820]  }
0x6d: {  	v9 =	vld [tilespmem:s3+$0x2820]  }
0x6e: {  	v10 =	vld [tilespmem:s3+$0x830]  }
0x6f: {  	v11 =	vld [tilespmem:s3+$0x2830]  }
0x70: {  	v12 =	vld [tilespmem:s3+$0x2840]  }
0x71: {  	v13 =	vld [tilespmem:s3+$0x2850]  }
0x72: {  	v14 =	vld [tilespmem:s3+$0x2860]  }
0x73: {  	v15 =	vld [tilespmem:s3+$0x4810]  }
0x74: {  	v16 =	vld [tilespmem:s3+$0x4820]  }
0x75: {  	v17 =	vld [tilespmem:s3+$0x4830]  }
0x76: {  	v18 =	vld [tilespmem:s3+$0x4840]  }
0x77: {  	v19 =	vld [tilespmem:s3+$0x4850]  }
0x78: {  	v20 =	vld [tilespmem:s3+$0x4860]  }
0x79: {  	v21 =	vld [tilespmem:s3+$0x6800]  }
0x7a: {  	v22 =	vld [tilespmem:s3+$0x6810]  }
0x7b: {  	v23 =	vld [tilespmem:s3+$0x6820]  }
0x7c: {  	v24 =	vld [tilespmem:s3+$0x6830]  }
0x7d: {  	v25 =	vld [tilespmem:s3+$0x6840]  }
0x7e: {  	v26 =	vld [tilespmem:s3+$0x6850]  }
0x7f: {  	v27 =	vld [tilespmem:s3+$0x6860]  }
0x80: {  	v28 =	vld [tilespmem:s3+$0x8800]  }
0x81: {  	v29 =	vld [tilespmem:s3+$0x8810]  }
0x82: {  	v30 =	vld [tilespmem:s3+$0x8820]  }
0x83: {  	v31 =	vld [tilespmem:s3+$0x8830]  }
0x84: {  	v32 =	vld [tilespmem:s3+$0x8840]  }
0x85: {  	v33 =	vld [tilespmem:s3+$0x8850]  }
0x86: {  	v34 =	vld [tilespmem:s3+$0x8860]  }
0x87: {  	v35 =	vld [tilespmem:s3+$0xA800]  }
0x88: {  	v36 =	vld [tilespmem:s3+$0xA810]  }
0x89: {  	v37 =	vld [tilespmem:s3+$0xA820];
	v0 =	vadd.f32 v1, v0  }
0x8a: {  	v1 =	vld [tilespmem:s3+$0x8870]  }
0x8b: {  	v38 =	vld [tilespmem:s3+$0xA830];
	v0 =	vadd.f32 v3, v0  }
0x8c: {  	v3 =	vld [tilespmem:s3+$0xA870]  }
0x8d: {  	v48 =	vld [tilespmem:s3+$0xC820];
	v0 =	vadd.f32 v5, v0  }
0x8e: {  	v5 =	vld [tilespmem:s3+$0xC870]  }
0x8f: {  	v49 =	vld [tilespmem:s3+$0xC830];
	v0 =	vadd.f32 v1, v0  }
0x90: {  	v2 =	vadd.f32 v4, v2;
	v1 =	vld [tilespmem:s3+$0xE870]  }
0x91: {  	v50 =	vld [tilespmem:s3+$0xC840];
	v4 =	vadd.f32 v7, v6;
	v0 =	vadd.f32 v3, v0  }
0x92: {  	v7 =	vadd.f32 v9, v8;
	v8 =	vadd.f32 v11, v10;
	v3 =	vld [tilespmem:s3+$0x10870]  }
0x93: {  	v51 =	vld [tilespmem:s3+$0xC850];
	v4 =	vadd.f32 v15, v4;
	v0 =	vadd.f32 v5, v0  }
0x94: {  	v52 =	vld [tilespmem:s3+$0xC860];
	v7 =	vadd.f32 v16, v7;
	v8 =	vadd.f32 v17, v8  }
0x95: {  	v4 =	vadd.f32 v22, v4;
	v5 =	vld [tilespmem:s3+$0x840];
	v0 =	vadd.f32 v1, v0  }
0x96: {  	v7 =	vadd.f32 v23, v7;
	v8 =	vadd.f32 v24, v8;
	v1 =	vld [tilespmem:s3+$0x850]  }
0x97: {  	v53 =	vld [tilespmem:s3+$0xE800];
	v4 =	vadd.f32 v29, v4;
	v0 =	vadd.f32 v3, v0  }
0x98: {  	v8 =	vadd.f32 v31, v8;
	v3 =	vld [tilespmem:s3+$0x860]  }
0x99: {  	v7 =	vadd.f32 v30, v7;
	v4 =	vadd.f32 v36, v4;
	[tilespmem:s3+$0x12870] =	vst v0;
	v0 =	vld [tilespmem:s3+$0x4800]  }
0x9a: {  	v54 =	vld [tilespmem:s3+$0xE810];
	v8 =	vadd.f32 v38, v8;
	v5 =	vadd.f32 v12, v5  }
0x9b: {  	v55 =	vld [tilespmem:s3+$0xE820];
	v7 =	vadd.f32 v37, v7;
	v1 =	vadd.f32 v13, v1  }
0x9c: {  	v56 =	vld [tilespmem:s3+$0xE830];
	v8 =	vadd.f32 v49, v8;
	v5 =	vadd.f32 v18, v5  }
0x9d: {  	v6 =	vld [tilespmem:s3+$0xA840];
	v3 =	vadd.f32 v14, v3;
	v1 =	vadd.f32 v19, v1  }
0x9e: {  	v9 =	vld [tilespmem:s3+$0xA850];
	v5 =	vadd.f32 v25, v5;
	v0 =	vadd.f32 v0, v2  }
0x9f: {  	v10 =	vld [tilespmem:s3+$0xA860];
	v3 =	vadd.f32 v20, v3;
	v1 =	vadd.f32 v26, v1  }
0xa0: {  	v11 =	vld [tilespmem:s3+$0xC810];
	v5 =	vadd.f32 v32, v5;
	v0 =	vadd.f32 v21, v0  }
0xa1: {  	v2 =	vld [tilespmem:s3+$0xC800];
	v3 =	vadd.f32 v27, v3;
	v1 =	vadd.f32 v33, v1  }
0xa2: {  	v57 =	vld [tilespmem:s3+$0xE840];
	v5 =	vadd.f32 v6, v5;
	v0 =	vadd.f32 v28, v0  }
0xa3: {  	v58 =	vld [tilespmem:s3+$0xE850];
	v6 =	vadd.f32 v48, v7;
	v3 =	vadd.f32 v34, v3  }
0xa4: {  	v1 =	vadd.f32 v9, v1;
	v9 =	vld [tilespmem:s3+$0xE860];
	v0 =	vadd.f32 v35, v0  }
0xa5: {  	v59 =	vadd.f32 v50, v5;
	v3 =	vadd.f32 v10, v3;
	v10 =	vld [tilespmem:s3+$0x10800]  }
0xa6: {  	v0 =	vadd.f32 v2, v0;
	v2 =	vadd.f32 v11, v4;
	v11 =	vld [tilespmem:s3+$0x10810]  }
0xa7: {  	v60 =	vld [tilespmem:s3+$0x10820];
	v63 =	vadd.f32 v55, v6;
	v6 =	vadd.f32 v56, v8  }
0xa8: {  	v7 =	vld [tilespmem:s3+$0x10830];
	v1 =	vadd.f32 v51, v1;
	v0 =	vadd.f32 v53, v0  }
0xa9: {  	v61 =	vadd.f32 v52, v3;
	v4 =	vld [tilespmem:s3+$0x10840];
	v62 =	vadd.f32 v54, v2  }
0xaa: {  	v5 =	vld [tilespmem:s3+$0x10850];
	v3 =	vadd.f32 v58, v1;
	v10 =	vadd.f32 v10, v0  }
0xab: {  	s30 =	simm.s32 $0x80;
	v8 =	vld [tilespmem:s3+$0x10860];
	v0 =	vadd.f32 v9, v61;
	v9 =	vadd.f32 v11, v62  }
0xac: {  	s7 =	simm.s32 $0x400;
	v1 =	vld [tilespmem:s30+$0x870];
	v2 =	vadd.f32 v57, v59;
	[tilespmem:s3+$0x12800] =	vst v10;
	v10 =	vadd.f32 v60, v63  }
.LBB2_3:
0xad: {  	p0 =	sne.s32 s7, $0x7E00;
	v11 =	vld [tilespmem:s30+$0x2870];
	[tilespmem:s3+$0x12810] =	vst v9;
	v6 =	vadd.f32 v7, v6  }
0xae: {  	v7 =	vld [tilespmem:s30+$0x800];
	[tilespmem:s3+$0x12820] =	vst v10;
	v2 =	vadd.f32 v4, v2  }
0xaf: {  	v4 =	vld [tilespmem:s30+$0x4870];
	[tilespmem:s3+$0x12830] =	vst v6;
	v3 =	vadd.f32 v5, v3  }
0xb0: {  	v5 =	vld [tilespmem:s30+$0x2800];
	[tilespmem:s3+$0x12840] =	vst v2;
	v0 =	vadd.f32 v8, v0  }
0xb1: {  	v2 =	vld [tilespmem:s30+$0x6870];
	[tilespmem:s3+$0x12850] =	vst v3  }
0xb2: {  	v3 =	vld [tilespmem:s30+$0x810];
	v1 =	vadd.f32 v11, v1;
	[tilespmem:s3+$0x12860] =	vst v0;
	s3 =	smov.u32 s30  }
0xb3: {  	v0 =	vld [tilespmem:s3+$0x8870]  }
0xb4: {  	v6 =	vld [tilespmem:s3+$0x2810];
	v1 =	vadd.f32 v4, v1  }
0xb5: {  	v4 =	vadd.f32 v5, v7;
	v5 =	vld [tilespmem:s3+$0xA870]  }
0xb6: {  	v7 =	vld [tilespmem:s3+$0x820];
	v1 =	vadd.f32 v2, v1  }
0xb7: {  	v2 =	vld [tilespmem:s3+$0xC870]  }
0xb8: {  	v8 =	vld [tilespmem:s3+$0x2820];
	v0 =	vadd.f32 v0, v1  }
0xb9: {  	v1 =	vadd.f32 v6, v3;
	v3 =	vld [tilespmem:s3+$0xE870]  }
0xba: {  	v6 =	vld [tilespmem:s3+$0x830];
	v0 =	vadd.f32 v5, v0  }
0xbb: {  	v5 =	vld [tilespmem:s3+$0x10870]  }
0xbc: {  	v9 =	vld [tilespmem:s3+$0x2830];
	v0 =	vadd.f32 v2, v0  }
0xbd: {  	v2 =	vadd.f32 v8, v7;
	v7 =	vld [tilespmem:s3+$0x840]  }
0xbe: {  	v8 =	vld [tilespmem:s3+$0x2840];
	v0 =	vadd.f32 v3, v0  }
0xbf: {  	v3 =	vld [tilespmem:s3+$0x850]  }
0xc0: {  	v10 =	vld [tilespmem:s3+$0x2850];
	v0 =	vadd.f32 v5, v0  }
0xc1: {  	v5 =	vadd.f32 v9, v6;
	v6 =	vld [tilespmem:s3+$0x860]  }
0xc2: {  	v9 =	vld [tilespmem:s3+$0x2860];
	[tilespmem:s3+$0x12870] =	vst v0  }
0xc3: {  	v0 =	vld [tilespmem:s3+$0x4800];
	v7 =	vadd.f32 v8, v7  }
0xc4: {  	v8 =	vld [tilespmem:s3+$0x4810]  }
0xc5: {  	v11 =	vld [tilespmem:s3+$0x4820];
	v3 =	vadd.f32 v10, v3  }
0xc6: {  	v10 =	vld [tilespmem:s3+$0x4830]  }
0xc7: {  	v12 =	vld [tilespmem:s3+$0x4840];
	v6 =	vadd.f32 v9, v6  }
0xc8: {  	v0 =	vadd.f32 v0, v4;
	v4 =	vld [tilespmem:s3+$0x4850]  }
0xc9: {  	v1 =	vadd.f32 v8, v1;
	v8 =	vld [tilespmem:s3+$0x4860]  }
0xca: {  	v9 =	vld [tilespmem:s3+$0x6800];
	v2 =	vadd.f32 v11, v2  }
0xcb: {  	v11 =	vld [tilespmem:s3+$0x6810];
	v5 =	vadd.f32 v10, v5  }
0xcc: {  	v10 =	vld [tilespmem:s3+$0x6820];
	v7 =	vadd.f32 v12, v7  }
0xcd: {  	v12 =	vld [tilespmem:s3+$0x6830];
	v3 =	vadd.f32 v4, v3  }
0xce: {  	v4 =	vld [tilespmem:s3+$0x6840];
	v6 =	vadd.f32 v8, v6  }
0xcf: {  	v0 =	vadd.f32 v9, v0;
	v8 =	vld [tilespmem:s3+$0x6850]  }
0xd0: {  	v1 =	vadd.f32 v11, v1;
	v9 =	vld [tilespmem:s3+$0x6860]  }
0xd1: {  	v11 =	vld [tilespmem:s3+$0x8800];
	v2 =	vadd.f32 v10, v2  }
0xd2: {  	v10 =	vld [tilespmem:s3+$0x8810];
	v5 =	vadd.f32 v12, v5  }
0xd3: {  	v12 =	vld [tilespmem:s3+$0x8820];
	v4 =	vadd.f32 v4, v7  }
0xd4: {  	v7 =	vld [tilespmem:s3+$0x8830];
	v3 =	vadd.f32 v8, v3  }
0xd5: {  	v8 =	vld [tilespmem:s3+$0x8840];
	v6 =	vadd.f32 v9, v6  }
0xd6: {  	v0 =	vadd.f32 v11, v0;
	v9 =	vld [tilespmem:s3+$0x8850]  }
0xd7: {  	v1 =	vadd.f32 v10, v1;
	v10 =	vld [tilespmem:s3+$0x8860]  }
0xd8: {  	v11 =	vld [tilespmem:s3+$0xA800];
	v2 =	vadd.f32 v12, v2  }
0xd9: {  	v12 =	vld [tilespmem:s3+$0xA810];
	v5 =	vadd.f32 v7, v5  }
0xda: {  	v7 =	vld [tilespmem:s3+$0xA820];
	v4 =	vadd.f32 v8, v4  }
0xdb: {  	v8 =	vld [tilespmem:s3+$0xA830];
	v3 =	vadd.f32 v9, v3  }
0xdc: {  	v9 =	vld [tilespmem:s3+$0xA840];
	v6 =	vadd.f32 v10, v6  }
0xdd: {  	v0 =	vadd.f32 v11, v0;
	v10 =	vld [tilespmem:s3+$0xA850]  }
0xde: {  	v1 =	vadd.f32 v12, v1;
	v11 =	vld [tilespmem:s3+$0xA860]  }
0xdf: {  	v12 =	vld [tilespmem:s3+$0xC800];
	v2 =	vadd.f32 v7, v2  }
0xe0: {  	v7 =	vld [tilespmem:s3+$0xC810];
	v5 =	vadd.f32 v8, v5  }
0xe1: {  	v8 =	vld [tilespmem:s3+$0xC820];
	v4 =	vadd.f32 v9, v4  }
0xe2: {  	v9 =	vld [tilespmem:s3+$0xC830];
	v3 =	vadd.f32 v10, v3  }
0xe3: {  	v10 =	vld [tilespmem:s3+$0xC840];
	v6 =	vadd.f32 v11, v6  }
0xe4: {  	v0 =	vadd.f32 v12, v0;
	v11 =	vld [tilespmem:s3+$0xC850]  }
0xe5: {  	v1 =	vadd.f32 v7, v1;
	v7 =	vld [tilespmem:s3+$0xC860]  }
0xe6: {  	v12 =	vld [tilespmem:s3+$0xE800];
	v2 =	vadd.f32 v8, v2  }
0xe7: {  	v8 =	vld [tilespmem:s3+$0xE810];
	v5 =	vadd.f32 v9, v5  }
0xe8: {  	v9 =	vld [tilespmem:s3+$0xE820];
	v4 =	vadd.f32 v10, v4  }
0xe9: {  	v10 =	vld [tilespmem:s3+$0xE830];
	v3 =	vadd.f32 v11, v3  }
0xea: {  	v11 =	vld [tilespmem:s3+$0xE840];
	v13 =	vadd.f32 v7, v6  }
0xeb: {  	v12 =	vadd.f32 v12, v0;
	v0 =	vld [tilespmem:s3+$0xE850]  }
0xec: {  	v1 =	vadd.f32 v8, v1;
	v8 =	vld [tilespmem:s3+$0xE860]  }
0xed: {  	v14 =	vld [tilespmem:s3+$0x10800];
	v15 =	vadd.f32 v9, v2  }
0xee: {  	v9 =	vld [tilespmem:s3+$0x10810];
	v6 =	vadd.f32 v10, v5  }
0xef: {  	v10 =	vld [tilespmem:s3+$0x10820];
	v2 =	vadd.f32 v11, v4  }
.Ltmp0:
0xf0: {  	v7 =	vld [tilespmem:s3+$0x10830];
	v3 =	vadd.f32 v0, v3;
	(pc) =	sbr.rel @p0 .LBB2_3-.Ltmp0, $4  }
0xf1: {  	v4 =	vld [tilespmem:s3+$0x10840];
	v0 =	vadd.f32 v8, v13  }
0xf2: {  	v11 =	vadd.f32 v14, v12;
	v5 =	vld [tilespmem:s3+$0x10850]  }
0xf3: {  	s30 =	sshra.s32 s7, $0x2;
	v9 =	vadd.f32 v9, v1;
	v8 =	vld [tilespmem:s3+$0x10860]  }
0xf4: {  	s7 =	sadd.s32 $0x200, s7;
	v1 =	vld [tilespmem:s30+$0x870];
	[tilespmem:s3+$0x12800] =	vst v11;
	v10 =	vadd.f32 v10, v15  }
0xf5: {  	v11 =	vld [tilespmem:s30+$0x2870];
	[tilespmem:s3+$0x12810] =	vst v9;
	v6 =	vadd.f32 v7, v6  }
0xf6: {  	v9 =	vld [tilespmem:s30+$0x800];
	[tilespmem:s3+$0x12820] =	vst v10;
	v2 =	vadd.f32 v4, v2  }
0xf7: {  	v45 =	vld [tilespmem:s30+$0x4870];
	[tilespmem:s3+$0x12830] =	vst v6;
	v3 =	vadd.f32 v5, v3  }
0xf8: {  	v46 =	vld [tilespmem:s30+$0x2800];
	[tilespmem:s3+$0x12840] =	vst v2;
	v0 =	vadd.f32 v8, v0  }
0xf9: {  	v2 =	vld [tilespmem:s30+$0x6870];
	[tilespmem:s3+$0x12850] =	vst v3  }
0xfa: {  	v3 =	vld [tilespmem:s30+$0x810];
	[tilespmem:s3+$0x12860] =	vst v0  }
0xfb: {  	v48 =	vld [tilespmem:s30+$0x8870]  }
0xfc: {  	v49 =	vld [tilespmem:s30+$0x2810]  }
0xfd: {  	v6 =	vld [tilespmem:s30+$0xA870]  }
0xfe: {  	v50 =	vld [tilespmem:s30+$0x820]  }
0xff: {  	v51 =	vld [tilespmem:s30+$0xC870]  }
0x100: {  	v52 =	vld [tilespmem:s30+$0x2820]  }
0x101: {  	v53 =	vld [tilespmem:s30+$0xE870]  }
0x102: {  	v10 =	vld [tilespmem:s30+$0x830]  }
0x103: {  	v54 =	vld [tilespmem:s30+$0x10870]  }
0x104: {  	v55 =	vld [tilespmem:s30+$0x2830]  }
0x105: {  	v56 =	vld [tilespmem:s30+$0x840]  }
0x106: {  	v12 =	vld [tilespmem:s30+$0x2840]  }
0x107: {  	v57 =	vld [tilespmem:s30+$0x850]  }
0x108: {  	v13 =	vld [tilespmem:s30+$0x2850]  }
0x109: {  	v58 =	vld [tilespmem:s30+$0x860]  }
0x10a: {  	v14 =	vld [tilespmem:s30+$0x2860]  }
0x10b: {  	v59 =	vld [tilespmem:s30+$0x4800]  }
0x10c: {  	v15 =	vld [tilespmem:s30+$0x4810]  }
0x10d: {  	v16 =	vld [tilespmem:s30+$0x4820]  }
0x10e: {  	v17 =	vld [tilespmem:s30+$0x4830]  }
0x10f: {  	v18 =	vld [tilespmem:s30+$0x4840]  }
0x110: {  	v19 =	vld [tilespmem:s30+$0x4850]  }
0x111: {  	v20 =	vld [tilespmem:s30+$0x4860]  }
0x112: {  	v21 =	vld [tilespmem:s30+$0x6800]  }
0x113: {  	v22 =	vld [tilespmem:s30+$0x6810]  }
0x114: {  	v23 =	vld [tilespmem:s30+$0x6820]  }
0x115: {  	v24 =	vld [tilespmem:s30+$0x6830]  }
0x116: {  	v25 =	vld [tilespmem:s30+$0x6840]  }
0x117: {  	v26 =	vld [tilespmem:s30+$0x6850]  }
0x118: {  	v27 =	vld [tilespmem:s30+$0x6860]  }
0x119: {  	v28 =	vld [tilespmem:s30+$0x8800]  }
0x11a: {  	v29 =	vld [tilespmem:s30+$0x8810]  }
0x11b: {  	v30 =	vld [tilespmem:s30+$0x8820]  }
0x11c: {  	v47 =	vadd.f32 v11, v1;
	v31 =	vld [tilespmem:s30+$0x8830]  }
0x11d: {  	v32 =	vld [tilespmem:s30+$0x8840]  }
0x11e: {  	v33 =	vld [tilespmem:s30+$0x8850];
	v0 =	vadd.f32 v45, v47  }
0x11f: {  	v34 =	vld [tilespmem:s30+$0x8860]  }
0x120: {  	v35 =	vld [tilespmem:s30+$0xA800];
	v0 =	vadd.f32 v2, v0  }
0x121: {  	v36 =	vld [tilespmem:s30+$0xA810];
	v4 =	vadd.f32 v46, v9  }
0x122: {  	v37 =	vld [tilespmem:s30+$0xA820];
	v0 =	vadd.f32 v48, v0;
	v3 =	vadd.f32 v49, v3  }
0x123: {  	v38 =	vld [tilespmem:s30+$0xA830];
	v7 =	vadd.f32 v52, v50;
	v61 =	vadd.f32 v55, v10  }
0x124: {  	v60 =	vld [tilespmem:s30+$0xA840];
	v2 =	vadd.f32 v12, v56;
	v1 =	vadd.f32 v13, v57  }
0x125: {  	v62 =	vld [tilespmem:s30+$0xA850];
	v0 =	vadd.f32 v6, v0;
	v6 =	vadd.f32 v14, v58  }
0x126: {  	v63 =	vld [tilespmem:s30+$0xA860];
	v3 =	vadd.f32 v15, v3;
	v7 =	vadd.f32 v16, v7  }
0x127: {  	v39 =	vld [tilespmem:s30+$0xC800];
	v8 =	vadd.f32 v17, v61;
	v2 =	vadd.f32 v18, v2  }
0x128: {  	v40 =	vld [tilespmem:s30+$0xC810];
	v1 =	vadd.f32 v19, v1;
	v0 =	vadd.f32 v51, v0  }
0x129: {  	v41 =	vld [tilespmem:s30+$0xC820];
	v6 =	vadd.f32 v20, v6;
	v3 =	vadd.f32 v22, v3  }
0x12a: {  	v42 =	vld [tilespmem:s30+$0xC830];
	v7 =	vadd.f32 v23, v7;
	v8 =	vadd.f32 v24, v8  }
0x12b: {  	v43 =	vld [tilespmem:s30+$0xC840];
	v2 =	vadd.f32 v25, v2;
	v1 =	vadd.f32 v26, v1  }
0x12c: {  	v44 =	vld [tilespmem:s30+$0xC850];
	v0 =	vadd.f32 v53, v0;
	v6 =	vadd.f32 v27, v6  }
0x12d: {  	v45 =	vld [tilespmem:s30+$0xC860];
	v3 =	vadd.f32 v29, v3;
	v7 =	vadd.f32 v30, v7  }
0x12e: {  	v47 =	vld [tilespmem:s30+$0xE810];
	v8 =	vadd.f32 v31, v8;
	v2 =	vadd.f32 v32, v2  }
0x12f: {  	v46 =	vld [tilespmem:s30+$0xE800];
	v1 =	vadd.f32 v33, v1;
	v0 =	vadd.f32 v54, v0  }
0x130: {  	v48 =	vld [tilespmem:s30+$0xE820];
	v6 =	vadd.f32 v34, v6;
	v3 =	vadd.f32 v36, v3  }
0x131: {  	v49 =	vld [tilespmem:s30+$0xE830];
	v7 =	vadd.f32 v37, v7;
	v8 =	vadd.f32 v38, v8  }
0x132: {  	v50 =	vld [tilespmem:s30+$0xE840];
	v2 =	vadd.f32 v60, v2;
	v1 =	vadd.f32 v62, v1  }
0x133: {  	v52 =	vld [tilespmem:s30+$0xE860];
	[tilespmem:s30+$0x12870] =	vst v0;
	v0 =	vadd.f32 v59, v4;
	v6 =	vadd.f32 v63, v6  }
0x134: {  	v55 =	vld [tilespmem:s30+$0x10820];
	v3 =	vadd.f32 v40, v3;
	v7 =	vadd.f32 v41, v7  }
0x135: {  	v54 =	vld [tilespmem:s30+$0x10810];
	v8 =	vadd.f32 v42, v8;
	v2 =	vadd.f32 v43, v2  }
0x136: {  	v51 =	vld [tilespmem:s30+$0xE850];
	v1 =	vadd.f32 v44, v1;
	v0 =	vadd.f32 v21, v0  }
0x137: {  	v56 =	vld [tilespmem:s30+$0x10830];
	v6 =	vadd.f32 v45, v6;
	v3 =	vadd.f32 v47, v3  }
0x138: {  	v57 =	vld [tilespmem:s30+$0x10840];
	v7 =	vadd.f32 v48, v7;
	v0 =	vadd.f32 v28, v0  }
0x139: {  	v58 =	vld [tilespmem:s30+$0x10850];
	v8 =	vadd.f32 v49, v8;
	v2 =	vadd.f32 v50, v2  }
0x13a: {  	v59 =	vld [tilespmem:s30+$0x10860];
	v3 =	vadd.f32 v54, v3;
	v0 =	vadd.f32 v35, v0  }
0x13b: {  	v53 =	vld [tilespmem:s30+$0x10800];
	v1 =	vadd.f32 v51, v1;
	v60 =	vadd.f32 v55, v7  }
0x13c: {  	v61 =	vadd.f32 v56, v8;
	[tilespmem:s30+$0x12810] =	vst v3;
	v0 =	vadd.f32 v39, v0  }
0x13d: {  	v5 =	vadd.f32 v52, v6;
	v62 =	vadd.f32 v57, v2;
	[tilespmem:s30+$0x12820] =	vst v60  }
0x13e: {  	v1 =	vadd.f32 v58, v1;
	[tilespmem:s30+$0x12830] =	vst v61;
	v0 =	vadd.f32 v46, v0  }
0x13f: {  	[tilespmem:s30+$0x12840] =	vst v62;
	v63 =	vadd.f32 v59, v5  }
0x140: {  	s31 =	sadd.s32 $0x1, s31;
	[tilespmem:s30+$0x12850] =	vst v1;
	v0 =	vadd.f32 v53, v0  }
0x141: {  	s0 =	sshll.u32 s0, $0x4;
	p0 =	sne.s32 s31, $0x5;
	[tilespmem:s30+$0x12860] =	vst v63  }
.Ltmp1:
0x142: {  	s0 =	sadd.s32 s5, s0;
	[tilespmem:s30+$0x12800] =	vst v0;
	(pc) =	sbr.rel @p0 .LBB2_2-.Ltmp1, $4  }
0x143: {  	[hbm4b:s0+s2] =	stream.linear.scatter [tilespmem:s29], [sflag:$0x2], $0x2000, $0x38;
	[tilespmem:$0x14800] =	vst v63  }
0x144: {  	_ =	swait.ge [sflag:s8], $0x2000  }
0x145: {  	[sflag:s8] =	ssyncset.done $0x0  }
0x146: {  	[sflag:s8] =	ssyncadd.s32 $0xFFFFE000  }
0x147: {  	s3 =	rddreg [dreg:$0x4]  }
0x148: {  	s0 =	rddreg [dreg:$0x3];
	s3 =	sadd.s32 $0x1, s3  }
0x149: {  	p0 =	sne.s32 s3, s0  }
.Ltmp2:
0x14a: {  	_ = 	snop;
	(pc) =	sbr.rel @p0 .LBB2_1-.Ltmp2, $1  }
0x14b: {  	_ =	sdelay $0x3  }
0x14c: {  	_ =	sfence.sel $0x180000  }
0x14d: {  	[bflag:$0x0] =	sbarrier.arrive $0xFFFF  }
0x14e: {  	_ =	strace $0x90000047  }
0x14f: {  	s0 =	stileid.u32;
	[bflag:$0x2] =	sbarrier.arrive $0xFFFF  }
0x150: {  	p0 =	sne.s32 s0, $0x0;
	s0 =	rddreg [dreg:$0x2]  }
0x151: {  	s0 =	sadd.s32 @!p0 $0x100000, s0  }
0x152: {  	[sflag:s0] =	ssyncadd.tile.s32 @!p0 $0x1;
	_ =	shalt  }
.Lfunc_end2:
_tile_overlayer_lowered:
.L_overlay_start_2:
0x153: {  	(tag) =	ssettag $0x2  }
0x154: {  	s0 =	rddreg [dreg:$0x0];
	s2 =	stileid.u32  }
0x155: {  	s1 =	rddreg [dreg:$0x1];
	p0 =	sne.s32 s2, $0x0  }
0x156: {  	s3 =	rddreg [dreg:$0x2];
	[bflag:$0x3] =	sbarrier.arrive $0xFFFF;
	s2 =	simm.s32 @!p0 $0x1C02  }
0x157: {  	[timem:s3], [sflag:s2] =	dma.local @!p0 [hbm:s0], s1  }
0x158: {  	s0 =	simm.s32 @!p0 $0x2  }
0x159: {  	_ =	swait.ge @!p0 [sflag:s0], s1  }
0x15a: {  	s1 =	ssub.s32 @!p0 $0x0, s1;
	[sflag:s0] =	ssyncset.done @!p0 $0x0  }
0x15b: {  	[sflag:s0] =	ssyncadd.s32 @!p0 s1  }
0x15c: {  	[bflag:$0x3] =	sbarrier.arrive $0xFFFF  }
0x15d: {  	_ =	shalt  }

</sc_bundles>
